<compile_context>
chip_gen: v7x
topology: tpu7x:2x2x1
jax: 0.10.2.dev20260603
libtpu: 0.0.44.dev20260713+nightly
codegen_flags: <defaults>
</compile_context>

<pallas_src>
import functools

import jax
import jax.numpy as jnp
from jax import lax
from jax.experimental import pallas as pl
from jax.experimental.pallas import tpu as pltpu
from jax.experimental.pallas import tpu_sc as plsc

N = 10000
E = 320000
D = 128
NC = 2
NS = 16
C = 80
NB_A = 3
NB_B = 4
CPP_A = 25
CPP_B = 25
RPT = 640
N_PAD = RPT * NS
EA = E // (NC * NS)
EB = E // NS

_mesh = plsc.VectorSubcoreMesh(
    core_axis_name="c", subcore_axis_name="s", num_cores=NC, num_subcores=NS
)


@functools.partial(
    pl.kernel,
    out_type=(
        jax.ShapeDtypeStruct((NC, N_PAD, D), jnp.float32),
        jax.ShapeDtypeStruct((NC * NS, N_PAD), jnp.float32),
    ),
    mesh=_mesh,
    compiler_params=pltpu.CompilerParams(needs_layout_passes=False),
    scratch_types=(
        pltpu.VMEM_SHARED((N_PAD, D), jnp.float32),
        pltpu.VMEM((CPP_A, C), jnp.int32),
        pltpu.VMEM((NB_A, C, D), jnp.float32),
        pltpu.VMEM((N_PAD,), jnp.float32),
        pltpu.SemaphoreType.DMA,
        pltpu.SemaphoreType.DMA,
    ),
)
def _sc_edge_agg(ea_hbm, dst3_hbm, z128_hbm, zdeg_hbm,
                 psum_hbm, pdeg_hbm,
                 acc, idx_v, rows_v, deg_t, sem_ld, sem_sc):
    c = lax.axis_index("c")
    s = lax.axis_index("s")
    pltpu.sync_copy(z128_hbm, rows_v.at[0])
    for j in range(RPT // C):
        pltpu.sync_copy(rows_v.at[0], acc.at[pl.ds(s * RPT + j * C, C)])
    pltpu.sync_copy(zdeg_hbm, deg_t)
    plsc.subcore_barrier()

    blk0 = (c * NS + s) * ((EA // C) // CPP_A)
    ones_vec = jnp.ones((16,), jnp.float32)

    def do_deg(j):
        for v in range(C // 16):
            plsc.addupdate_scatter(
                deg_t, [idx_v[j, pl.ds(16 * v, 16)]], ones_vec)

    def phase(ph, _):
        pltpu.sync_copy(dst3_hbm.at[blk0 + ph], idx_v)

        def group(g, _):
            lds = []
            for b in range(NB_A):
                ck = (blk0 + ph) * CPP_A + g * NB_A + b
                lds.append(pltpu.async_copy(
                    ea_hbm.at[pl.ds(ck * C, C)], rows_v.at[b], sem_ld))
            scs = []
            for b in range(NB_A):
                j = g * NB_A + b
                lds[b].wait()
                scs.append(pltpu.async_copy(
                    rows_v.at[b], acc.at[idx_v.at[j]], sem_sc, add=True))
                do_deg(j)
            for d in scs:
                d.wait()
            return _

        lax.fori_loop(0, CPP_A // NB_A, group, None)
        for t in range((CPP_A // NB_A) * NB_A, CPP_A):
            ck = (blk0 + ph) * CPP_A + t
            pltpu.sync_copy(ea_hbm.at[pl.ds(ck * C, C)], rows_v.at[0])
            pltpu.sync_copy(rows_v.at[0], acc.at[idx_v.at[t]], add=True)
            do_deg(t)
        return _

    lax.fori_loop(0, (EA // C) // CPP_A, phase, None)
    plsc.subcore_barrier()

    ds_ = []
    for j in range(RPT // C):
        r = s * RPT + j * C
        b = j % NB_A
        pltpu.sync_copy(acc.at[pl.ds(r, C)], rows_v.at[b])
        ds_.append(pltpu.async_copy(
            rows_v.at[b], psum_hbm.at[c, pl.ds(r, C)], sem_sc))
        if b == NB_A - 1:
            for d in ds_:
                d.wait()
            ds_ = []
    for d in ds_:
        d.wait()
    pltpu.sync_copy(deg_t, pdeg_hbm.at[c * NS + s])


@functools.partial(
    pl.kernel,
    out_type=jax.ShapeDtypeStruct((NC, N_PAD, D), jnp.float32),
    mesh=_mesh,
    scratch_types=(
        pltpu.VMEM_SHARED((N_PAD, D), jnp.float32),
        pltpu.VMEM((CPP_B, C), jnp.int32),
        pltpu.VMEM((CPP_B, C), jnp.int32),
        pltpu.VMEM((NB_B, C, D), jnp.float32),
        pltpu.SemaphoreType.DMA,
        pltpu.SemaphoreType.DMA,
    ),
)
def _sc_neigh(x_hbm, agg_hbm, src3_hbm, dst3_hbm, z128_hbm,
              neigh_hbm,
              acc, idxs_v, idxd_v, rows_v, sem_g, sem_sc):
    c = lax.axis_index("c")
    s = lax.axis_index("s")
    pltpu.sync_copy(z128_hbm, rows_v.at[0])
    for j in range(RPT // C):
        pltpu.sync_copy(rows_v.at[0], acc.at[pl.ds(s * RPT + j * C, C)])
    plsc.subcore_barrier()

    blk0 = s * ((EB // C) // CPP_B)

    def make_phase(table_hbm):
        def phase(ph, _):
            pltpu.sync_copy(src3_hbm.at[blk0 + ph], idxs_v)
            pltpu.sync_copy(dst3_hbm.at[blk0 + ph], idxd_v)

            def group(g, _):
                gds = []
                for b in range(NB_B):
                    j = g * NB_B + b
                    gds.append(pltpu.async_copy(
                        table_hbm.at[idxs_v.at[j]], rows_v.at[b], sem_g))
                scs = []
                for b in range(NB_B):
                    j = g * NB_B + b
                    gds[b].wait()
                    scs.append(pltpu.async_copy(
                        rows_v.at[b], acc.at[idxd_v.at[j]], sem_sc, add=True))
                for d in scs:
                    d.wait()
                return _

            lax.fori_loop(0, CPP_B // NB_B, group, None)
            for t in range((CPP_B // NB_B) * NB_B, CPP_B):
                pltpu.sync_copy(table_hbm.at[idxs_v.at[t]], rows_v.at[0])
                pltpu.sync_copy(rows_v.at[0], acc.at[idxd_v.at[t]], add=True)
            return _
        return phase

    @pl.when(c == 0)
    def _():
        lax.fori_loop(0, (EB // C) // CPP_B, make_phase(x_hbm), None)

    @pl.when(c == 1)
    def _():
        lax.fori_loop(0, (EB // C) // CPP_B, make_phase(agg_hbm), None)

    plsc.subcore_barrier()
    ds_ = []
    for j in range(RPT // C):
        r = s * RPT + j * C
        b = j % NB_B
        pltpu.sync_copy(acc.at[pl.ds(r, C)], rows_v.at[b])
        ds_.append(pltpu.async_copy(
            rows_v.at[b], neigh_hbm.at[c, pl.ds(r, C)], sem_sc))
        if b == NB_B - 1:
            for d in ds_:
                d.wait()
            ds_ = []
    for d in ds_:
        d.wait()


_RB = 1000


def _tc_combine_body(psum_ref, pdeg_ref, we_ref, be_ref, out_ref):
    ssum = psum_ref[0] + psum_ref[1]
    deg = jnp.sum(pdeg_ref[...], axis=0)[:, None]
    out_ref[...] = (
        jnp.dot(ssum, we_ref[...], preferred_element_type=jnp.float32)
        + deg * be_ref[...]
    )


def _tc_mlp_body(x_ref, agg_ref, n0_ref, n1_ref, w1a_ref, w1b_ref, b1_ref,
                 w2_ref, b2_ref, out_ref):
    pre0 = x_ref[...] + n0_ref[...]
    pre1 = agg_ref[...] + n1_ref[...]
    h = jax.nn.relu(
        jnp.dot(pre0, w1a_ref[...], preferred_element_type=jnp.float32)
        + jnp.dot(pre1, w1b_ref[...], preferred_element_type=jnp.float32)
        + b1_ref[...]
    )
    out_ref[...] = (
        jnp.dot(h, w2_ref[...], preferred_element_type=jnp.float32)
        + b2_ref[...]
    )


def kernel(x, edge_index, edge_attr, We, be, W1, b1, W2, b2):
    srcB = edge_index[0].reshape(E // (CPP_B * C), CPP_B, C)
    dstA = edge_index[1].reshape(E // (CPP_A * C), CPP_A, C)
    dstB = edge_index[1].reshape(E // (CPP_B * C), CPP_B, C)
    z128 = jnp.zeros((C, D), jnp.float32)
    zdeg = jnp.zeros((N_PAD,), jnp.float32)

    psum, pdeg = _sc_edge_agg(edge_attr, dstA, z128, zdeg)

    _CB = 1024
    agg = pl.pallas_call(
        _tc_combine_body,
        grid=(N_PAD // _CB,),
        in_specs=[
            pl.BlockSpec((NC, _CB, D), lambda i: (0, i, 0)),
            pl.BlockSpec((NC * NS, _CB), lambda i: (0, i)),
            pl.BlockSpec((D, D), lambda i: (0, 0)),
            pl.BlockSpec((1, D), lambda i: (0, 0)),
        ],
        out_specs=pl.BlockSpec((_CB, D), lambda i: (i, 0)),
        out_shape=jax.ShapeDtypeStruct((N_PAD, D), jnp.float32),
    )(psum, pdeg, We, be.reshape(1, D))

    neigh = _sc_neigh(x, agg, srcB, dstB, z128)

    out = pl.pallas_call(
        _tc_mlp_body,
        grid=(N // _RB,),
        in_specs=[
            pl.BlockSpec((_RB, D), lambda i: (i, 0)),
            pl.BlockSpec((_RB, D), lambda i: (i, 0)),
            pl.BlockSpec((_RB, D), lambda i: (i, 0)),
            pl.BlockSpec((_RB, D), lambda i: (i, 0)),
            pl.BlockSpec((D, D), lambda i: (0, 0)),
            pl.BlockSpec((D, D), lambda i: (0, 0)),
            pl.BlockSpec((1, D), lambda i: (0, 0)),
            pl.BlockSpec((D, D), lambda i: (0, 0)),
            pl.BlockSpec((1, D), lambda i: (0, 0)),
        ],
        out_specs=pl.BlockSpec((_RB, D), lambda i: (i, 0)),
        out_shape=jax.ShapeDtypeStruct((N, D), jnp.float32),
    )(x, agg, neigh[0], neigh[1], W1[:D], W1[D:], b1.reshape(1, D),
      W2, b2.reshape(1, D))

    return out

# --- scband reference (transcript-rebuilt; emitter-appended) ---
"""Pipeline reference for scband-ginlayer-27453430956621 (READ-ONLY COPY).

The authoritative reference and input builder live on the scoring server;
editing this copy changes nothing except your own understanding.
"""

import jax, jax.numpy as jnp
import numpy as np

N = 10000
E = 320000
IN = 128
OUT = 128
ED = 128


def setup_inputs(seed: int = 0) -> dict:
    key = jax.random.key(seed)
    ks = jax.random.split(key, 8)
    x = jax.random.normal(ks[0], (N, IN), dtype=jnp.float32)
    edge_index = jax.random.randint(ks[1], (2, E), 0, N, dtype=jnp.int32)
    edge_attr = jax.random.normal(ks[2], (E, ED), dtype=jnp.float32)
    We = jax.random.normal(ks[3], (ED, IN), dtype=jnp.float32) * (1.0 / np.sqrt(ED))
    be = jnp.zeros((IN,), dtype=jnp.float32)
    W1 = jax.random.normal(ks[4], (2 * IN, OUT), dtype=jnp.float32) * (1.0 / np.sqrt(2 * IN))
    b1 = jnp.zeros((OUT,), dtype=jnp.float32)
    W2 = jax.random.normal(ks[5], (OUT, OUT), dtype=jnp.float32) * (1.0 / np.sqrt(OUT))
    b2 = jnp.zeros((OUT,), dtype=jnp.float32)
    return {"x": x, "edge_index": edge_index, "edge_attr": edge_attr,
            "We": We, "be": be, "W1": W1, "b1": b1, "W2": W2, "b2": b2}


def reference(x, edge_index, edge_attr, We, be, W1, b1, W2, b2):
    src = edge_index[0]
    dst = edge_index[1]
    # edge_encoder: Linear(edge_dim -> in_dim)
    edge_emb = edge_attr @ We + be  # [E, IN]
    # per-node scatter-add of encoded edge features onto target nodes
    num_nodes = x.shape[0]
    edge_aggregated = jnp.zeros((num_nodes, edge_emb.shape[1]), dtype=x.dtype).at[dst].add(edge_emb)
    # concat node features with aggregated edge features
    x_combined = jnp.concatenate([x, edge_aggregated], axis=-1)  # [N, 2*IN]
    # GINConv with eps=0: mlp((1+eps)*x + sum_{j->i} x_j)
    neigh = jnp.zeros_like(x_combined).at[dst].add(x_combined[src])
    pre = x_combined + neigh
    h = jax.nn.relu(pre @ W1 + b1)
    out = h @ W2 + b2
    return out

if __name__ == "__main__":
    import jax
    _d = setup_inputs()
    print(jax.jit(kernel)(*tuple(_d.values())))

</pallas_src>

<mosaic_0001>
#map = affine_map<(d0, d1) -> (0, 0)>
#map1 = affine_map<(d0, d1) -> (0, 0, 0)>
#map2 = affine_map<(d0, d1) -> (0)>
module attributes {stable_mosaic.version = 14 : i64} {
  func.func @_sc_edge_agg(%arg0: i32, %arg1: i32, %arg2: memref<320000x128xf32, #tpu.memory_space<hbm>>, %arg3: memref<160x25x80xi32, #tpu.memory_space<hbm>>, %arg4: memref<80x128xf32, #tpu.memory_space<hbm>>, %arg5: memref<10240xf32, #tpu.memory_space<hbm>>, %arg6: memref<2x10240x128xf32, #tpu.memory_space<hbm>>, %arg7: memref<32x10240xf32, #tpu.memory_space<hbm>>, %arg8: memref<10240x128xf32, #tpu.memory_space<vmem_shared>>, %arg9: memref<25x80xi32, #tpu.memory_space<vmem>>, %arg10: memref<3x80x128xf32, #tpu.memory_space<vmem>>, %arg11: memref<10240xf32, #tpu.memory_space<vmem>>, %arg12: memref<!tpu.dma_semaphore, #tpu.memory_space<semaphore_mem>>, %arg13: memref<!tpu.dma_semaphore, #tpu.memory_space<semaphore_mem>>) attributes {dimension_semantics = [#tpu.dimension_semantics<core_parallel>, #tpu.dimension_semantics<subcore_parallel>], iteration_bounds = array<i64: 2, 16>, scalar_prefetch = 0 : i64, scratch_operands = 6 : i64, tpu.core_type = #tpu.core_type<sc_vector_subcore>, window_params = [{transform_indices = #map}, {transform_indices = #map1}, {transform_indices = #map}, {transform_indices = #map2}, {transform_indices = #map1}, {transform_indices = #map}]} {
    %run_scoped3A = arith.constant 0 : i32
    "tpu.region"() ({
      %run_scoped3A_330 = tpu.sem_alloc : memref<!tpu.dma_semaphore, #tpu.memory_space<semaphore_mem>>
      %dma_start3A_331 = arith.constant 0 : i32
      %dma_start3A_332 = arith.constant 0 : i32
      %dma_start3A_333 = tpu.memref_slice %arg10[%run_scoped3A, %dma_start3A_331, %dma_start3A_332] : memref<3x80x128xf32, #tpu.memory_space<vmem>> -> memref<1x80x128xf32, #tpu.memory_space<vmem>>
      %dma_start3A_334 = tpu.memref_squeeze %dma_start3A_333 : memref<1x80x128xf32, #tpu.memory_space<vmem>> -> memref<80x128xf32, #tpu.memory_space<vmem>>
      %dma_start3A_335 = arith.constant 0 : i32
      %dma_start3A_336 = arith.constant 0 : i32
      %dma_start3A_337 = tpu.memref_slice %arg10[%run_scoped3A, %dma_start3A_335, %dma_start3A_336] : memref<3x80x128xf32, #tpu.memory_space<vmem>> -> memref<1x80x128xf32, #tpu.memory_space<vmem>>
      %dma_start3A_338 = tpu.memref_squeeze %dma_start3A_337 : memref<1x80x128xf32, #tpu.memory_space<vmem>> -> memref<80x128xf32, #tpu.memory_space<vmem>>
      tpu.enqueue_dma source(%arg4 : memref<80x128xf32, #tpu.memory_space<hbm>>) target(%dma_start3A_338 : memref<80x128xf32, #tpu.memory_space<vmem>>) target_semaphore(%run_scoped3A_330 : memref<!tpu.dma_semaphore, #tpu.memory_space<semaphore_mem>>)
      %dma_wait3A_339 = arith.constant 0 : i32
      %dma_wait3A_340 = arith.constant 0 : i32
      %dma_wait3A_341 = tpu.memref_slice %arg10[%run_scoped3A, %dma_wait3A_339, %dma_wait3A_340] : memref<3x80x128xf32, #tpu.memory_space<vmem>> -> memref<1x80x128xf32, #tpu.memory_space<vmem>>
      %dma_wait3A_342 = tpu.memref_squeeze %dma_wait3A_341 : memref<1x80x128xf32, #tpu.memory_space<vmem>> -> memref<80x128xf32, #tpu.memory_space<vmem>>
      %dma_wait3A_343 = arith.constant 0 : i32
      %dma_wait3A_344 = arith.constant 0 : i32
      %dma_wait3A_345 = tpu.memref_slice %arg10[%run_scoped3A, %dma_wait3A_343, %dma_wait3A_344] : memref<3x80x128xf32, #tpu.memory_space<vmem>> -> memref<1x80x128xf32, #tpu.memory_space<vmem>>
      %dma_wait3A_346 = tpu.memref_squeeze %dma_wait3A_345 : memref<1x80x128xf32, #tpu.memory_space<vmem>> -> memref<80x128xf32, #tpu.memory_space<vmem>>
      tpu.wait_dma2 semaphore(%run_scoped3A_330 : memref<!tpu.dma_semaphore, #tpu.memory_space<semaphore_mem>>) src(%arg4 : memref<80x128xf32, #tpu.memory_space<hbm>>) dst(%dma_wait3A_346 : memref<80x128xf32, #tpu.memory_space<vmem>>)
      tpu.yield
    }) : () -> ()
    %mul3A = arith.constant 640 : i32
    %mul3A_0 = arith.muli %arg1, %mul3A : i32
    %add3A = arith.constant 0 : i32
    %add3A_1 = arith.addi %mul3A_0, %add3A : i32
    %run_scoped3A_2 = arith.constant 0 : i32
    "tpu.region"() ({
      %run_scoped3A_330 = tpu.sem_alloc : memref<!tpu.dma_semaphore, #tpu.memory_space<semaphore_mem>>
      %dma_start3A_331 = arith.constant 0 : i32
      %dma_start3A_332 = arith.constant 0 : i32
      %dma_start3A_333 = tpu.memref_slice %arg10[%run_scoped3A_2, %dma_start3A_331, %dma_start3A_332] : memref<3x80x128xf32, #tpu.memory_space<vmem>> -> memref<1x80x128xf32, #tpu.memory_space<vmem>>
      %dma_start3A_334 = tpu.memref_squeeze %dma_start3A_333 : memref<1x80x128xf32, #tpu.memory_space<vmem>> -> memref<80x128xf32, #tpu.memory_space<vmem>>
      %dma_start3A_335 = arith.constant 0 : i32
      %dma_start3A_336 = tpu.memref_slice %arg8[%add3A_1, %dma_start3A_335] : memref<10240x128xf32, #tpu.memory_space<vmem_shared>> -> memref<80x128xf32, #tpu.memory_space<vmem_shared>>
      %dma_start3A_337 = arith.constant 0 : i32
      %dma_start3A_338 = tpu.memref_slice %arg8[%add3A_1, %dma_start3A_337] : memref<10240x128xf32, #tpu.memory_space<vmem_shared>> -> memref<80x128xf32, #tpu.memory_space<vmem_shared>>
      %dma_start3A_339 = arith.constant 0 : i32
      %dma_start3A_340 = arith.constant 0 : i32
      %dma_start3A_341 = tpu.memref_slice %arg10[%run_scoped3A_2, %dma_start3A_339, %dma_start3A_340] : memref<3x80x128xf32, #tpu.memory_space<vmem>> -> memref<1x80x128xf32, #tpu.memory_space<vmem>>
      %dma_start3A_342 = tpu.memref_squeeze %dma_start3A_341 : memref<1x80x128xf32, #tpu.memory_space<vmem>> -> memref<80x128xf32, #tpu.memory_space<vmem>>
      tpu.enqueue_dma source(%dma_start3A_342 : memref<80x128xf32, #tpu.memory_space<vmem>>) target(%dma_start3A_338 : memref<80x128xf32, #tpu.memory_space<vmem_shared>>) target_semaphore(%run_scoped3A_330 : memref<!tpu.dma_semaphore, #tpu.memory_space<semaphore_mem>>)
      %dma_wait3A_343 = arith.constant 0 : i32
      %dma_wait3A_344 = arith.constant 0 : i32
      %dma_wait3A_345 = tpu.memref_slice %arg10[%run_scoped3A_2, %dma_wait3A_343, %dma_wait3A_344] : memref<3x80x128xf32, #tpu.memory_space<vmem>> -> memref<1x80x128xf32, #tpu.memory_space<vmem>>
      %dma_wait3A_346 = tpu.memref_squeeze %dma_wait3A_345 : memref<1x80x128xf32, #tpu.memory_space<vmem>> -> memref<80x128xf32, #tpu.memory_space<vmem>>
      %dma_wait3A_347 = arith.constant 0 : i32
      %dma_wait3A_348 = tpu.memref_slice %arg8[%add3A_1, %dma_wait3A_347] : memref<10240x128xf32, #tpu.memory_space<vmem_shared>> -> memref<80x128xf32, #tpu.memory_space<vmem_shared>>
      %dma_wait3A_349 = arith.constant 0 : i32
      %dma_wait3A_350 = tpu.memref_slice %arg8[%add3A_1, %dma_wait3A_349] : memref<10240x128xf32, #tpu.memory_space<vmem_shared>> -> memref<80x128xf32, #tpu.memory_space<vmem_shared>>
      %dma_wait3A_351 = arith.constant 0 : i32
      %dma_wait3A_352 = arith.constant 0 : i32
      %dma_wait3A_353 = tpu.memref_slice %arg10[%run_scoped3A_2, %dma_wait3A_351, %dma_wait3A_352] : memref<3x80x128xf32, #tpu.memory_space<vmem>> -> memref<1x80x128xf32, #tpu.memory_space<vmem>>
      %dma_wait3A_354 = tpu.memref_squeeze %dma_wait3A_353 : memref<1x80x128xf32, #tpu.memory_space<vmem>> -> memref<80x128xf32, #tpu.memory_space<vmem>>
      tpu.wait_dma2 semaphore(%run_scoped3A_330 : memref<!tpu.dma_semaphore, #tpu.memory_space<semaphore_mem>>) src(%dma_wait3A_354 : memref<80x128xf32, #tpu.memory_space<vmem>>) dst(%dma_wait3A_350 : memref<80x128xf32, #tpu.memory_space<vmem_shared>>)
      tpu.yield
    }) : () -> ()
    %mul3A_3 = arith.constant 640 : i32
    %mul3A_4 = arith.muli %arg1, %mul3A_3 : i32
    %add3A_5 = arith.constant 80 : i32
    %add3A_6 = arith.addi %mul3A_4, %add3A_5 : i32
    %run_scoped3A_7 = arith.constant 0 : i32
    "tpu.region"() ({
      %run_scoped3A_330 = tpu.sem_alloc : memref<!tpu.dma_semaphore, #tpu.memory_space<semaphore_mem>>
      %dma_start3A_331 = arith.constant 0 : i32
      %dma_start3A_332 = arith.constant 0 : i32
      %dma_start3A_333 = tpu.memref_slice %arg10[%run_scoped3A_7, %dma_start3A_331, %dma_start3A_332] : memref<3x80x128xf32, #tpu.memory_space<vmem>> -> memref<1x80x128xf32, #tpu.memory_space<vmem>>
      %dma_start3A_334 = tpu.memref_squeeze %dma_start3A_333 : memref<1x80x128xf32, #tpu.memory_space<vmem>> -> memref<80x128xf32, #tpu.memory_space<vmem>>
      %dma_start3A_335 = arith.constant 0 : i32
      %dma_start3A_336 = tpu.memref_slice %arg8[%add3A_6, %dma_start3A_335] : memref<10240x128xf32, #tpu.memory_space<vmem_shared>> -> memref<80x128xf32, #tpu.memory_space<vmem_shared>>
      %dma_start3A_337 = arith.constant 0 : i32
      %dma_start3A_338 = tpu.memref_slice %arg8[%add3A_6, %dma_start3A_337] : memref<10240x128xf32, #tpu.memory_space<vmem_shared>> -> memref<80x128xf32, #tpu.memory_space<vmem_shared>>
      %dma_start3A_339 = arith.constant 0 : i32
      %dma_start3A_340 = arith.constant 0 : i32
      %dma_start3A_341 = tpu.memref_slice %arg10[%run_scoped3A_7, %dma_start3A_339, %dma_start3A_340] : memref<3x80x128xf32, #tpu.memory_space<vmem>> -> memref<1x80x128xf32, #tpu.memory_space<vmem>>
      %dma_start3A_342 = tpu.memref_squeeze %dma_start3A_341 : memref<1x80x128xf32, #tpu.memory_space<vmem>> -> memref<80x128xf32, #tpu.memory_space<vmem>>
      tpu.enqueue_dma source(%dma_start3A_342 : memref<80x128xf32, #tpu.memory_space<vmem>>) target(%dma_start3A_338 : memref<80x128xf32, #tpu.memory_space<vmem_shared>>) target_semaphore(%run_scoped3A_330 : memref<!tpu.dma_semaphore, #tpu.memory_space<semaphore_mem>>)
      %dma_wait3A_343 = arith.constant 0 : i32
      %dma_wait3A_344 = arith.constant 0 : i32
      %dma_wait3A_345 = tpu.memref_slice %arg10[%run_scoped3A_7, %dma_wait3A_343, %dma_wait3A_344] : memref<3x80x128xf32, #tpu.memory_space<vmem>> -> memref<1x80x128xf32, #tpu.memory_space<vmem>>
      %dma_wait3A_346 = tpu.memref_squeeze %dma_wait3A_345 : memref<1x80x128xf32, #tpu.memory_space<vmem>> -> memref<80x128xf32, #tpu.memory_space<vmem>>
      %dma_wait3A_347 = arith.constant 0 : i32
      %dma_wait3A_348 = tpu.memref_slice %arg8[%add3A_6, %dma_wait3A_347] : memref<10240x128xf32, #tpu.memory_space<vmem_shared>> -> memref<80x128xf32, #tpu.memory_space<vmem_shared>>
      %dma_wait3A_349 = arith.constant 0 : i32
      %dma_wait3A_350 = tpu.memref_slice %arg8[%add3A_6, %dma_wait3A_349] : memref<10240x128xf32, #tpu.memory_space<vmem_shared>> -> memref<80x128xf32, #tpu.memory_space<vmem_shared>>
      %dma_wait3A_351 = arith.constant 0 : i32
      %dma_wait3A_352 = arith.constant 0 : i32
      %dma_wait3A_353 = tpu.memref_slice %arg10[%run_scoped3A_7, %dma_wait3A_351, %dma_wait3A_352] : memref<3x80x128xf32, #tpu.memory_space<vmem>> -> memref<1x80x128xf32, #tpu.memory_space<vmem>>
      %dma_wait3A_354 = tpu.memref_squeeze %dma_wait3A_353 : memref<1x80x128xf32, #tpu.memory_space<vmem>> -> memref<80x128xf32, #tpu.memory_space<vmem>>
      tpu.wait_dma2 semaphore(%run_scoped3A_330 : memref<!tpu.dma_semaphore, #tpu.memory_space<semaphore_mem>>) src(%dma_wait3A_354 : memref<80x128xf32, #tpu.memory_space<vmem>>) dst(%dma_wait3A_350 : memref<80x128xf32, #tpu.memory_space<vmem_shared>>)
      tpu.yield
    }) : () -> ()
    %mul3A_8 = arith.constant 640 : i32
    %mul3A_9 = arith.muli %arg1, %mul3A_8 : i32
    %add3A_10 = arith.constant 160 : i32
    %add3A_11 = arith.addi %mul3A_9, %add3A_10 : i32
    %run_scoped3A_12 = arith.constant 0 : i32
    "tpu.region"() ({
      %run_scoped3A_330 = tpu.sem_alloc : memref<!tpu.dma_semaphore, #tpu.memory_space<semaphore_mem>>
      %dma_start3A_331 = arith.constant 0 : i32
      %dma_start3A_332 = arith.constant 0 : i32
      %dma_start3A_333 = tpu.memref_slice %arg10[%run_scoped3A_12, %dma_start3A_331, %dma_start3A_332] : memref<3x80x128xf32, #tpu.memory_space<vmem>> -> memref<1x80x128xf32, #tpu.memory_space<vmem>>
      %dma_start3A_334 = tpu.memref_squeeze %dma_start3A_333 : memref<1x80x128xf32, #tpu.memory_space<vmem>> -> memref<80x128xf32, #tpu.memory_space<vmem>>
      %dma_start3A_335 = arith.constant 0 : i32
      %dma_start3A_336 = tpu.memref_slice %arg8[%add3A_11, %dma_start3A_335] : memref<10240x128xf32, #tpu.memory_space<vmem_shared>> -> memref<80x128xf32, #tpu.memory_space<vmem_shared>>
      %dma_start3A_337 = arith.constant 0 : i32
      %dma_start3A_338 = tpu.memref_slice %arg8[%add3A_11, %dma_start3A_337] : memref<10240x128xf32, #tpu.memory_space<vmem_shared>> -> memref<80x128xf32, #tpu.memory_space<vmem_shared>>
      %dma_start3A_339 = arith.constant 0 : i32
      %dma_start3A_340 = arith.constant 0 : i32
      %dma_start3A_341 = tpu.memref_slice %arg10[%run_scoped3A_12, %dma_start3A_339, %dma_start3A_340] : memref<3x80x128xf32, #tpu.memory_space<vmem>> -> memref<1x80x128xf32, #tpu.memory_space<vmem>>
      %dma_start3A_342 = tpu.memref_squeeze %dma_start3A_341 : memref<1x80x128xf32, #tpu.memory_space<vmem>> -> memref<80x128xf32, #tpu.memory_space<vmem>>
      tpu.enqueue_dma source(%dma_start3A_342 : memref<80x128xf32, #tpu.memory_space<vmem>>) target(%dma_start3A_338 : memref<80x128xf32, #tpu.memory_space<vmem_shared>>) target_semaphore(%run_scoped3A_330 : memref<!tpu.dma_semaphore, #tpu.memory_space<semaphore_mem>>)
      %dma_wait3A_343 = arith.constant 0 : i32
      %dma_wait3A_344 = arith.constant 0 : i32
      %dma_wait3A_345 = tpu.memref_slice %arg10[%run_scoped3A_12, %dma_wait3A_343, %dma_wait3A_344] : memref<3x80x128xf32, #tpu.memory_space<vmem>> -> memref<1x80x128xf32, #tpu.memory_space<vmem>>
      %dma_wait3A_346 = tpu.memref_squeeze %dma_wait3A_345 : memref<1x80x128xf32, #tpu.memory_space<vmem>> -> memref<80x128xf32, #tpu.memory_space<vmem>>
      %dma_wait3A_347 = arith.constant 0 : i32
      %dma_wait3A_348 = tpu.memref_slice %arg8[%add3A_11, %dma_wait3A_347] : memref<10240x128xf32, #tpu.memory_space<vmem_shared>> -> memref<80x128xf32, #tpu.memory_space<vmem_shared>>
      %dma_wait3A_349 = arith.constant 0 : i32
      %dma_wait3A_350 = tpu.memref_slice %arg8[%add3A_11, %dma_wait3A_349] : memref<10240x128xf32, #tpu.memory_space<vmem_shared>> -> memref<80x128xf32, #tpu.memory_space<vmem_shared>>
      %dma_wait3A_351 = arith.constant 0 : i32
      %dma_wait3A_352 = arith.constant 0 : i32
      %dma_wait3A_353 = tpu.memref_slice %arg10[%run_scoped3A_12, %dma_wait3A_351, %dma_wait3A_352] : memref<3x80x128xf32, #tpu.memory_space<vmem>> -> memref<1x80x128xf32, #tpu.memory_space<vmem>>
      %dma_wait3A_354 = tpu.memref_squeeze %dma_wait3A_353 : memref<1x80x128xf32, #tpu.memory_space<vmem>> -> memref<80x128xf32, #tpu.memory_space<vmem>>
      tpu.wait_dma2 semaphore(%run_scoped3A_330 : memref<!tpu.dma_semaphore, #tpu.memory_space<semaphore_mem>>) src(%dma_wait3A_354 : memref<80x128xf32, #tpu.memory_space<vmem>>) dst(%dma_wait3A_350 : memref<80x128xf32, #tpu.memory_space<vmem_shared>>)
      tpu.yield
    }) : () -> ()
    %mul3A_13 = arith.constant 640 : i32
    %mul3A_14 = arith.muli %arg1, %mul3A_13 : i32
    %add3A_15 = arith.constant 240 : i32
    %add3A_16 = arith.addi %mul3A_14, %add3A_15 : i32
    %run_scoped3A_17 = arith.constant 0 : i32
    "tpu.region"() ({
      %run_scoped3A_330 = tpu.sem_alloc : memref<!tpu.dma_semaphore, #tpu.memory_space<semaphore_mem>>
      %dma_start3A_331 = arith.constant 0 : i32
      %dma_start3A_332 = arith.constant 0 : i32
      %dma_start3A_333 = tpu.memref_slice %arg10[%run_scoped3A_17, %dma_start3A_331, %dma_start3A_332] : memref<3x80x128xf32, #tpu.memory_space<vmem>> -> memref<1x80x128xf32, #tpu.memory_space<vmem>>
      %dma_start3A_334 = tpu.memref_squeeze %dma_start3A_333 : memref<1x80x128xf32, #tpu.memory_space<vmem>> -> memref<80x128xf32, #tpu.memory_space<vmem>>
      %dma_start3A_335 = arith.constant 0 : i32
      %dma_start3A_336 = tpu.memref_slice %arg8[%add3A_16, %dma_start3A_335] : memref<10240x128xf32, #tpu.memory_space<vmem_shared>> -> memref<80x128xf32, #tpu.memory_space<vmem_shared>>
      %dma_start3A_337 = arith.constant 0 : i32
      %dma_start3A_338 = tpu.memref_slice %arg8[%add3A_16, %dma_start3A_337] : memref<10240x128xf32, #tpu.memory_space<vmem_shared>> -> memref<80x128xf32, #tpu.memory_space<vmem_shared>>
      %dma_start3A_339 = arith.constant 0 : i32
      %dma_start3A_340 = arith.constant 0 : i32
      %dma_start3A_341 = tpu.memref_slice %arg10[%run_scoped3A_17, %dma_start3A_339, %dma_start3A_340] : memref<3x80x128xf32, #tpu.memory_space<vmem>> -> memref<1x80x128xf32, #tpu.memory_space<vmem>>
      %dma_start3A_342 = tpu.memref_squeeze %dma_start3A_341 : memref<1x80x128xf32, #tpu.memory_space<vmem>> -> memref<80x128xf32, #tpu.memory_space<vmem>>
      tpu.enqueue_dma source(%dma_start3A_342 : memref<80x128xf32, #tpu.memory_space<vmem>>) target(%dma_start3A_338 : memref<80x128xf32, #tpu.memory_space<vmem_shared>>) target_semaphore(%run_scoped3A_330 : memref<!tpu.dma_semaphore, #tpu.memory_space<semaphore_mem>>)
      %dma_wait3A_343 = arith.constant 0 : i32
      %dma_wait3A_344 = arith.constant 0 : i32
      %dma_wait3A_345 = tpu.memref_slice %arg10[%run_scoped3A_17, %dma_wait3A_343, %dma_wait3A_344] : memref<3x80x128xf32, #tpu.memory_space<vmem>> -> memref<1x80x128xf32, #tpu.memory_space<vmem>>
      %dma_wait3A_346 = tpu.memref_squeeze %dma_wait3A_345 : memref<1x80x128xf32, #tpu.memory_space<vmem>> -> memref<80x128xf32, #tpu.memory_space<vmem>>
      %dma_wait3A_347 = arith.constant 0 : i32
      %dma_wait3A_348 = tpu.memref_slice %arg8[%add3A_16, %dma_wait3A_347] : memref<10240x128xf32, #tpu.memory_space<vmem_shared>> -> memref<80x128xf32, #tpu.memory_space<vmem_shared>>
      %dma_wait3A_349 = arith.constant 0 : i32
      %dma_wait3A_350 = tpu.memref_slice %arg8[%add3A_16, %dma_wait3A_349] : memref<10240x128xf32, #tpu.memory_space<vmem_shared>> -> memref<80x128xf32, #tpu.memory_space<vmem_shared>>
      %dma_wait3A_351 = arith.constant 0 : i32
      %dma_wait3A_352 = arith.constant 0 : i32
      %dma_wait3A_353 = tpu.memref_slice %arg10[%run_scoped3A_17, %dma_wait3A_351, %dma_wait3A_352] : memref<3x80x128xf32, #tpu.memory_space<vmem>> -> memref<1x80x128xf32, #tpu.memory_space<vmem>>
      %dma_wait3A_354 = tpu.memref_squeeze %dma_wait3A_353 : memref<1x80x128xf32, #tpu.memory_space<vmem>> -> memref<80x128xf32, #tpu.memory_space<vmem>>
      tpu.wait_dma2 semaphore(%run_scoped3A_330 : memref<!tpu.dma_semaphore, #tpu.memory_space<semaphore_mem>>) src(%dma_wait3A_354 : memref<80x128xf32, #tpu.memory_space<vmem>>) dst(%dma_wait3A_350 : memref<80x128xf32, #tpu.memory_space<vmem_shared>>)
      tpu.yield
    }) : () -> ()
    %mul3A_18 = arith.constant 640 : i32
    %mul3A_19 = arith.muli %arg1, %mul3A_18 : i32
    %add3A_20 = arith.constant 320 : i32
    %add3A_21 = arith.addi %mul3A_19, %add3A_20 : i32
    %run_scoped3A_22 = arith.constant 0 : i32
    "tpu.region"() ({
      %run_scoped3A_330 = tpu.sem_alloc : memref<!tpu.dma_semaphore, #tpu.memory_space<semaphore_mem>>
      %dma_start3A_331 = arith.constant 0 : i32
      %dma_start3A_332 = arith.constant 0 : i32
      %dma_start3A_333 = tpu.memref_slice %arg10[%run_scoped3A_22, %dma_start3A_331, %dma_start3A_332] : memref<3x80x128xf32, #tpu.memory_space<vmem>> -> memref<1x80x128xf32, #tpu.memory_space<vmem>>
      %dma_start3A_334 = tpu.memref_squeeze %dma_start3A_333 : memref<1x80x128xf32, #tpu.memory_space<vmem>> -> memref<80x128xf32, #tpu.memory_space<vmem>>
      %dma_start3A_335 = arith.constant 0 : i32
      %dma_start3A_336 = tpu.memref_slice %arg8[%add3A_21, %dma_start3A_335] : memref<10240x128xf32, #tpu.memory_space<vmem_shared>> -> memref<80x128xf32, #tpu.memory_space<vmem_shared>>
      %dma_start3A_337 = arith.constant 0 : i32
      %dma_start3A_338 = tpu.memref_slice %arg8[%add3A_21, %dma_start3A_337] : memref<10240x128xf32, #tpu.memory_space<vmem_shared>> -> memref<80x128xf32, #tpu.memory_space<vmem_shared>>
      %dma_start3A_339 = arith.constant 0 : i32
      %dma_start3A_340 = arith.constant 0 : i32
      %dma_start3A_341 = tpu.memref_slice %arg10[%run_scoped3A_22, %dma_start3A_339, %dma_start3A_340] : memref<3x80x128xf32, #tpu.memory_space<vmem>> -> memref<1x80x128xf32, #tpu.memory_space<vmem>>
      %dma_start3A_342 = tpu.memref_squeeze %dma_start3A_341 : memref<1x80x128xf32, #tpu.memory_space<vmem>> -> memref<80x128xf32, #tpu.memory_space<vmem>>
      tpu.enqueue_dma source(%dma_start3A_342 : memref<80x128xf32, #tpu.memory_space<vmem>>) target(%dma_start3A_338 : memref<80x128xf32, #tpu.memory_space<vmem_shared>>) target_semaphore(%run_scoped3A_330 : memref<!tpu.dma_semaphore, #tpu.memory_space<semaphore_mem>>)
      %dma_wait3A_343 = arith.constant 0 : i32
      %dma_wait3A_344 = arith.constant 0 : i32
      %dma_wait3A_345 = tpu.memref_slice %arg10[%run_scoped3A_22, %dma_wait3A_343, %dma_wait3A_344] : memref<3x80x128xf32, #tpu.memory_space<vmem>> -> memref<1x80x128xf32, #tpu.memory_space<vmem>>
      %dma_wait3A_346 = tpu.memref_squeeze %dma_wait3A_345 : memref<1x80x128xf32, #tpu.memory_space<vmem>> -> memref<80x128xf32, #tpu.memory_space<vmem>>
      %dma_wait3A_347 = arith.constant 0 : i32
      %dma_wait3A_348 = tpu.memref_slice %arg8[%add3A_21, %dma_wait3A_347] : memref<10240x128xf32, #tpu.memory_space<vmem_shared>> -> memref<80x128xf32, #tpu.memory_space<vmem_shared>>
      %dma_wait3A_349 = arith.constant 0 : i32
      %dma_wait3A_350 = tpu.memref_slice %arg8[%add3A_21, %dma_wait3A_349] : memref<10240x128xf32, #tpu.memory_space<vmem_shared>> -> memref<80x128xf32, #tpu.memory_space<vmem_shared>>
      %dma_wait3A_351 = arith.constant 0 : i32
      %dma_wait3A_352 = arith.constant 0 : i32
      %dma_wait3A_353 = tpu.memref_slice %arg10[%run_scoped3A_22, %dma_wait3A_351, %dma_wait3A_352] : memref<3x80x128xf32, #tpu.memory_space<vmem>> -> memref<1x80x128xf32, #tpu.memory_space<vmem>>
      %dma_wait3A_354 = tpu.memref_squeeze %dma_wait3A_353 : memref<1x80x128xf32, #tpu.memory_space<vmem>> -> memref<80x128xf32, #tpu.memory_space<vmem>>
      tpu.wait_dma2 semaphore(%run_scoped3A_330 : memref<!tpu.dma_semaphore, #tpu.memory_space<semaphore_mem>>) src(%dma_wait3A_354 : memref<80x128xf32, #tpu.memory_space<vmem>>) dst(%dma_wait3A_350 : memref<80x128xf32, #tpu.memory_space<vmem_shared>>)
      tpu.yield
    }) : () -> ()
    %mul3A_23 = arith.constant 640 : i32
    %mul3A_24 = arith.muli %arg1, %mul3A_23 : i32
    %add3A_25 = arith.constant 400 : i32
    %add3A_26 = arith.addi %mul3A_24, %add3A_25 : i32
    %run_scoped3A_27 = arith.constant 0 : i32
    "tpu.region"() ({
      %run_scoped3A_330 = tpu.sem_alloc : memref<!tpu.dma_semaphore, #tpu.memory_space<semaphore_mem>>
      %dma_start3A_331 = arith.constant 0 : i32
      %dma_start3A_332 = arith.constant 0 : i32
      %dma_start3A_333 = tpu.memref_slice %arg10[%run_scoped3A_27, %dma_start3A_331, %dma_start3A_332] : memref<3x80x128xf32, #tpu.memory_space<vmem>> -> memref<1x80x128xf32, #tpu.memory_space<vmem>>
      %dma_start3A_334 = tpu.memref_squeeze %dma_start3A_333 : memref<1x80x128xf32, #tpu.memory_space<vmem>> -> memref<80x128xf32, #tpu.memory_space<vmem>>
      %dma_start3A_335 = arith.constant 0 : i32
      %dma_start3A_336 = tpu.memref_slice %arg8[%add3A_26, %dma_start3A_335] : memref<10240x128xf32, #tpu.memory_space<vmem_shared>> -> memref<80x128xf32, #tpu.memory_space<vmem_shared>>
      %dma_start3A_337 = arith.constant 0 : i32
      %dma_start3A_338 = tpu.memref_slice %arg8[%add3A_26, %dma_start3A_337] : memref<10240x128xf32, #tpu.memory_space<vmem_shared>> -> memref<80x128xf32, #tpu.memory_space<vmem_shared>>
      %dma_start3A_339 = arith.constant 0 : i32
      %dma_start3A_340 = arith.constant 0 : i32
      %dma_start3A_341 = tpu.memref_slice %arg10[%run_scoped3A_27, %dma_start3A_339, %dma_start3A_340] : memref<3x80x128xf32, #tpu.memory_space<vmem>> -> memref<1x80x128xf32, #tpu.memory_space<vmem>>
      %dma_start3A_342 = tpu.memref_squeeze %dma_start3A_341 : memref<1x80x128xf32, #tpu.memory_space<vmem>> -> memref<80x128xf32, #tpu.memory_space<vmem>>
      tpu.enqueue_dma source(%dma_start3A_342 : memref<80x128xf32, #tpu.memory_space<vmem>>) target(%dma_start3A_338 : memref<80x128xf32, #tpu.memory_space<vmem_shared>>) target_semaphore(%run_scoped3A_330 : memref<!tpu.dma_semaphore, #tpu.memory_space<semaphore_mem>>)
      %dma_wait3A_343 = arith.constant 0 : i32
      %dma_wait3A_344 = arith.constant 0 : i32
      %dma_wait3A_345 = tpu.memref_slice %arg10[%run_scoped3A_27, %dma_wait3A_343, %dma_wait3A_344] : memref<3x80x128xf32, #tpu.memory_space<vmem>> -> memref<1x80x128xf32, #tpu.memory_space<vmem>>
      %dma_wait3A_346 = tpu.memref_squeeze %dma_wait3A_345 : memref<1x80x128xf32, #tpu.memory_space<vmem>> -> memref<80x128xf32, #tpu.memory_space<vmem>>
      %dma_wait3A_347 = arith.constant 0 : i32
      %dma_wait3A_348 = tpu.memref_slice %arg8[%add3A_26, %dma_wait3A_347] : memref<10240x128xf32, #tpu.memory_space<vmem_shared>> -> memref<80x128xf32, #tpu.memory_space<vmem_shared>>
      %dma_wait3A_349 = arith.constant 0 : i32
      %dma_wait3A_350 = tpu.memref_slice %arg8[%add3A_26, %dma_wait3A_349] : memref<10240x128xf32, #tpu.memory_space<vmem_shared>> -> memref<80x128xf32, #tpu.memory_space<vmem_shared>>
      %dma_wait3A_351 = arith.constant 0 : i32
      %dma_wait3A_352 = arith.constant 0 : i32
      %dma_wait3A_353 = tpu.memref_slice %arg10[%run_scoped3A_27, %dma_wait3A_351, %dma_wait3A_352] : memref<3x80x128xf32, #tpu.memory_space<vmem>> -> memref<1x80x128xf32, #tpu.memory_space<vmem>>
      %dma_wait3A_354 = tpu.memref_squeeze %dma_wait3A_353 : memref<1x80x128xf32, #tpu.memory_space<vmem>> -> memref<80x128xf32, #tpu.memory_space<vmem>>
      tpu.wait_dma2 semaphore(%run_scoped3A_330 : memref<!tpu.dma_semaphore, #tpu.memory_space<semaphore_mem>>) src(%dma_wait3A_354 : memref<80x128xf32, #tpu.memory_space<vmem>>) dst(%dma_wait3A_350 : memref<80x128xf32, #tpu.memory_space<vmem_shared>>)
      tpu.yield
    }) : () -> ()
    %mul3A_28 = arith.constant 640 : i32
    %mul3A_29 = arith.muli %arg1, %mul3A_28 : i32
    %add3A_30 = arith.constant 480 : i32
    %add3A_31 = arith.addi %mul3A_29, %add3A_30 : i32
    %run_scoped3A_32 = arith.constant 0 : i32
    "tpu.region"() ({
      %run_scoped3A_330 = tpu.sem_alloc : memref<!tpu.dma_semaphore, #tpu.memory_space<semaphore_mem>>
      %dma_start3A_331 = arith.constant 0 : i32
      %dma_start3A_332 = arith.constant 0 : i32
      %dma_start3A_333 = tpu.memref_slice %arg10[%run_scoped3A_32, %dma_start3A_331, %dma_start3A_332] : memref<3x80x128xf32, #tpu.memory_space<vmem>> -> memref<1x80x128xf32, #tpu.memory_space<vmem>>
      %dma_start3A_334 = tpu.memref_squeeze %dma_start3A_333 : memref<1x80x128xf32, #tpu.memory_space<vmem>> -> memref<80x128xf32, #tpu.memory_space<vmem>>
      %dma_start3A_335 = arith.constant 0 : i32
      %dma_start3A_336 = tpu.memref_slice %arg8[%add3A_31, %dma_start3A_335] : memref<10240x128xf32, #tpu.memory_space<vmem_shared>> -> memref<80x128xf32, #tpu.memory_space<vmem_shared>>
      %dma_start3A_337 = arith.constant 0 : i32
      %dma_start3A_338 = tpu.memref_slice %arg8[%add3A_31, %dma_start3A_337] : memref<10240x128xf32, #tpu.memory_space<vmem_shared>> -> memref<80x128xf32, #tpu.memory_space<vmem_shared>>
      %dma_start3A_339 = arith.constant 0 : i32
      %dma_start3A_340 = arith.constant 0 : i32
      %dma_start3A_341 = tpu.memref_slice %arg10[%run_scoped3A_32, %dma_start3A_339, %dma_start3A_340] : memref<3x80x128xf32, #tpu.memory_space<vmem>> -> memref<1x80x128xf32, #tpu.memory_space<vmem>>
      %dma_start3A_342 = tpu.memref_squeeze %dma_start3A_341 : memref<1x80x128xf32, #tpu.memory_space<vmem>> -> memref<80x128xf32, #tpu.memory_space<vmem>>
      tpu.enqueue_dma source(%dma_start3A_342 : memref<80x128xf32, #tpu.memory_space<vmem>>) target(%dma_start3A_338 : memref<80x128xf32, #tpu.memory_space<vmem_shared>>) target_semaphore(%run_scoped3A_330 : memref<!tpu.dma_semaphore, #tpu.memory_space<semaphore_mem>>)
      %dma_wait3A_343 = arith.constant 0 : i32
      %dma_wait3A_344 = arith.constant 0 : i32
      %dma_wait3A_345 = tpu.memref_slice %arg10[%run_scoped3A_32, %dma_wait3A_343, %dma_wait3A_344] : memref<3x80x128xf32, #tpu.memory_space<vmem>> -> memref<1x80x128xf32, #tpu.memory_space<vmem>>
      %dma_wait3A_346 = tpu.memref_squeeze %dma_wait3A_345 : memref<1x80x128xf32, #tpu.memory_space<vmem>> -> memref<80x128xf32, #tpu.memory_space<vmem>>
      %dma_wait3A_347 = arith.constant 0 : i32
      %dma_wait3A_348 = tpu.memref_slice %arg8[%add3A_31, %dma_wait3A_347] : memref<10240x128xf32, #tpu.memory_space<vmem_shared>> -> memref<80x128xf32, #tpu.memory_space<vmem_shared>>
      %dma_wait3A_349 = arith.constant 0 : i32
      %dma_wait3A_350 = tpu.memref_slice %arg8[%add3A_31, %dma_wait3A_349] : memref<10240x128xf32, #tpu.memory_space<vmem_shared>> -> memref<80x128xf32, #tpu.memory_space<vmem_shared>>
      %dma_wait3A_351 = arith.constant 0 : i32
      %dma_wait3A_352 = arith.constant 0 : i32
      %dma_wait3A_353 = tpu.memref_slice %arg10[%run_scoped3A_32, %dma_wait3A_351, %dma_wait3A_352] : memref<3x80x128xf32, #tpu.memory_space<vmem>> -> memref<1x80x128xf32, #tpu.memory_space<vmem>>
      %dma_wait3A_354 = tpu.memref_squeeze %dma_wait3A_353 : memref<1x80x128xf32, #tpu.memory_space<vmem>> -> memref<80x128xf32, #tpu.memory_space<vmem>>
      tpu.wait_dma2 semaphore(%run_scoped3A_330 : memref<!tpu.dma_semaphore, #tpu.memory_space<semaphore_mem>>) src(%dma_wait3A_354 : memref<80x128xf32, #tpu.memory_space<vmem>>) dst(%dma_wait3A_350 : memref<80x128xf32, #tpu.memory_space<vmem_shared>>)
      tpu.yield
    }) : () -> ()
    %mul3A_33 = arith.constant 640 : i32
    %mul3A_34 = arith.muli %arg1, %mul3A_33 : i32
    %add3A_35 = arith.constant 560 : i32
    %add3A_36 = arith.addi %mul3A_34, %add3A_35 : i32
    %run_scoped3A_37 = arith.constant 0 : i32
    "tpu.region"() ({
      %run_scoped3A_330 = tpu.sem_alloc : memref<!tpu.dma_semaphore, #tpu.memory_space<semaphore_mem>>
      %dma_start3A_331 = arith.constant 0 : i32
      %dma_start3A_332 = arith.constant 0 : i32
      %dma_start3A_333 = tpu.memref_slice %arg10[%run_scoped3A_37, %dma_start3A_331, %dma_start3A_332] : memref<3x80x128xf32, #tpu.memory_space<vmem>> -> memref<1x80x128xf32, #tpu.memory_space<vmem>>
      %dma_start3A_334 = tpu.memref_squeeze %dma_start3A_333 : memref<1x80x128xf32, #tpu.memory_space<vmem>> -> memref<80x128xf32, #tpu.memory_space<vmem>>
      %dma_start3A_335 = arith.constant 0 : i32
      %dma_start3A_336 = tpu.memref_slice %arg8[%add3A_36, %dma_start3A_335] : memref<10240x128xf32, #tpu.memory_space<vmem_shared>> -> memref<80x128xf32, #tpu.memory_space<vmem_shared>>
      %dma_start3A_337 = arith.constant 0 : i32
      %dma_start3A_338 = tpu.memref_slice %arg8[%add3A_36, %dma_start3A_337] : memref<10240x128xf32, #tpu.memory_space<vmem_shared>> -> memref<80x128xf32, #tpu.memory_space<vmem_shared>>
      %dma_start3A_339 = arith.constant 0 : i32
      %dma_start3A_340 = arith.constant 0 : i32
      %dma_start3A_341 = tpu.memref_slice %arg10[%run_scoped3A_37, %dma_start3A_339, %dma_start3A_340] : memref<3x80x128xf32, #tpu.memory_space<vmem>> -> memref<1x80x128xf32, #tpu.memory_space<vmem>>
      %dma_start3A_342 = tpu.memref_squeeze %dma_start3A_341 : memref<1x80x128xf32, #tpu.memory_space<vmem>> -> memref<80x128xf32, #tpu.memory_space<vmem>>
      tpu.enqueue_dma source(%dma_start3A_342 : memref<80x128xf32, #tpu.memory_space<vmem>>) target(%dma_start3A_338 : memref<80x128xf32, #tpu.memory_space<vmem_shared>>) target_semaphore(%run_scoped3A_330 : memref<!tpu.dma_semaphore, #tpu.memory_space<semaphore_mem>>)
      %dma_wait3A_343 = arith.constant 0 : i32
      %dma_wait3A_344 = arith.constant 0 : i32
      %dma_wait3A_345 = tpu.memref_slice %arg10[%run_scoped3A_37, %dma_wait3A_343, %dma_wait3A_344] : memref<3x80x128xf32, #tpu.memory_space<vmem>> -> memref<1x80x128xf32, #tpu.memory_space<vmem>>
      %dma_wait3A_346 = tpu.memref_squeeze %dma_wait3A_345 : memref<1x80x128xf32, #tpu.memory_space<vmem>> -> memref<80x128xf32, #tpu.memory_space<vmem>>
      %dma_wait3A_347 = arith.constant 0 : i32
      %dma_wait3A_348 = tpu.memref_slice %arg8[%add3A_36, %dma_wait3A_347] : memref<10240x128xf32, #tpu.memory_space<vmem_shared>> -> memref<80x128xf32, #tpu.memory_space<vmem_shared>>
      %dma_wait3A_349 = arith.constant 0 : i32
      %dma_wait3A_350 = tpu.memref_slice %arg8[%add3A_36, %dma_wait3A_349] : memref<10240x128xf32, #tpu.memory_space<vmem_shared>> -> memref<80x128xf32, #tpu.memory_space<vmem_shared>>
      %dma_wait3A_351 = arith.constant 0 : i32
      %dma_wait3A_352 = arith.constant 0 : i32
      %dma_wait3A_353 = tpu.memref_slice %arg10[%run_scoped3A_37, %dma_wait3A_351, %dma_wait3A_352] : memref<3x80x128xf32, #tpu.memory_space<vmem>> -> memref<1x80x128xf32, #tpu.memory_space<vmem>>
      %dma_wait3A_354 = tpu.memref_squeeze %dma_wait3A_353 : memref<1x80x128xf32, #tpu.memory_space<vmem>> -> memref<80x128xf32, #tpu.memory_space<vmem>>
      tpu.wait_dma2 semaphore(%run_scoped3A_330 : memref<!tpu.dma_semaphore, #tpu.memory_space<semaphore_mem>>) src(%dma_wait3A_354 : memref<80x128xf32, #tpu.memory_space<vmem>>) dst(%dma_wait3A_350 : memref<80x128xf32, #tpu.memory_space<vmem_shared>>)
      tpu.yield
    }) : () -> ()
    "tpu.region"() ({
      %run_scoped3A_330 = tpu.sem_alloc : memref<!tpu.dma_semaphore, #tpu.memory_space<semaphore_mem>>
      tpu.enqueue_dma source(%arg5 : memref<10240xf32, #tpu.memory_space<hbm>>) target(%arg11 : memref<10240xf32, #tpu.memory_space<vmem>>) target_semaphore(%run_scoped3A_330 : memref<!tpu.dma_semaphore, #tpu.memory_space<semaphore_mem>>)
      tpu.wait_dma2 semaphore(%run_scoped3A_330 : memref<!tpu.dma_semaphore, #tpu.memory_space<semaphore_mem>>) src(%arg5 : memref<10240xf32, #tpu.memory_space<hbm>>) dst(%arg11 : memref<10240xf32, #tpu.memory_space<vmem>>)
      tpu.yield
    }) : () -> ()
    %barrier3A = arith.constant 0 : index
    tpu.barrier barrier_id(%barrier3A)
    %mul3A_38 = arith.constant 16 : i32
    %mul3A_39 = arith.muli %arg0, %mul3A_38 : i32
    %add3A_40 = arith.addi %mul3A_39, %arg1 : i32
    %mul3A_41 = arith.constant 5 : i32
    %mul3A_42 = arith.muli %add3A_40, %mul3A_41 : i32
    %broadcast_in_dim3A = arith.constant 1.000000e+00 : f32
    %broadcast_in_dim3A_43 = vector.broadcast %broadcast_in_dim3A : f32 to vector<16xf32>
    %scan3A = arith.constant 0 : i32
    %scan3A_44 = arith.constant 5 : i32
    %scan3A_45 = arith.addi %scan3A, %scan3A_44 : i32
    %scan3A_46 = arith.constant 1 : i32
    scf.for %scan3A_330 = %scan3A to %scan3A_45 step %scan3A_46  : i32 {
      %add3A_331 = arith.addi %mul3A_42, %scan3A_330 : i32
      "tpu.region"() ({
        %run_scoped3A_366 = tpu.sem_alloc : memref<!tpu.dma_semaphore, #tpu.memory_space<semaphore_mem>>
        %dma_start3A_367 = arith.constant 0 : i32
        %dma_start3A_368 = arith.constant 0 : i32
        %dma_start3A_369 = tpu.memref_slice %arg3[%add3A_331, %dma_start3A_367, %dma_start3A_368] : memref<160x25x80xi32, #tpu.memory_space<hbm>> -> memref<1x25x80xi32, #tpu.memory_space<hbm>>
        %dma_start3A_370 = tpu.memref_squeeze %dma_start3A_369 : memref<1x25x80xi32, #tpu.memory_space<hbm>> -> memref<25x80xi32, #tpu.memory_space<hbm>>
        %dma_start3A_371 = arith.constant 0 : i32
        %dma_start3A_372 = arith.constant 0 : i32
        %dma_start3A_373 = tpu.memref_slice %arg3[%add3A_331, %dma_start3A_371, %dma_start3A_372] : memref<160x25x80xi32, #tpu.memory_space<hbm>> -> memref<1x25x80xi32, #tpu.memory_space<hbm>>
        %dma_start3A_374 = tpu.memref_squeeze %dma_start3A_373 : memref<1x25x80xi32, #tpu.memory_space<hbm>> -> memref<25x80xi32, #tpu.memory_space<hbm>>
        tpu.enqueue_dma source(%dma_start3A_374 : memref<25x80xi32, #tpu.memory_space<hbm>>) target(%arg9 : memref<25x80xi32, #tpu.memory_space<vmem>>) target_semaphore(%run_scoped3A_366 : memref<!tpu.dma_semaphore, #tpu.memory_space<semaphore_mem>>)
        %dma_wait3A_375 = arith.constant 0 : i32
        %dma_wait3A_376 = arith.constant 0 : i32
        %dma_wait3A_377 = tpu.memref_slice %arg3[%add3A_331, %dma_wait3A_375, %dma_wait3A_376] : memref<160x25x80xi32, #tpu.memory_space<hbm>> -> memref<1x25x80xi32, #tpu.memory_space<hbm>>
        %dma_wait3A_378 = tpu.memref_squeeze %dma_wait3A_377 : memref<1x25x80xi32, #tpu.memory_space<hbm>> -> memref<25x80xi32, #tpu.memory_space<hbm>>
        %dma_wait3A_379 = arith.constant 0 : i32
        %dma_wait3A_380 = arith.constant 0 : i32
        %dma_wait3A_381 = tpu.memref_slice %arg3[%add3A_331, %dma_wait3A_379, %dma_wait3A_380] : memref<160x25x80xi32, #tpu.memory_space<hbm>> -> memref<1x25x80xi32, #tpu.memory_space<hbm>>
        %dma_wait3A_382 = tpu.memref_squeeze %dma_wait3A_381 : memref<1x25x80xi32, #tpu.memory_space<hbm>> -> memref<25x80xi32, #tpu.memory_space<hbm>>
        tpu.wait_dma2 semaphore(%run_scoped3A_366 : memref<!tpu.dma_semaphore, #tpu.memory_space<semaphore_mem>>) src(%dma_wait3A_382 : memref<25x80xi32, #tpu.memory_space<hbm>>) dst(%arg9 : memref<25x80xi32, #tpu.memory_space<vmem>>)
        tpu.yield
      }) : () -> ()
      %scan3A_332 = arith.constant 0 : i32
      %scan3A_333 = arith.constant 8 : i32
      %scan3A_334 = arith.addi %scan3A_332, %scan3A_333 : i32
      %scan3A_335 = arith.constant 1 : i32
      scf.for %scan3A_366 = %scan3A_332 to %scan3A_334 step %scan3A_335  : i32 {
        %add3A_367 = arith.addi %mul3A_42, %scan3A_330 : i32
        %mul3A_368 = arith.constant 25 : i32
        %mul3A_369 = arith.muli %add3A_367, %mul3A_368 : i32
        %mul3A_370 = arith.constant 3 : i32
        %mul3A_371 = arith.muli %scan3A_366, %mul3A_370 : i32
        %add3A_372 = arith.addi %mul3A_369, %mul3A_371 : i32
        %add3A_373 = arith.constant 0 : i32
        %add3A_374 = arith.addi %add3A_372, %add3A_373 : i32
        %mul3A_375 = arith.constant 80 : i32
        %mul3A_376 = arith.muli %add3A_374, %mul3A_375 : i32
        %dma_start3A_377 = arith.constant 0 : i32
        %dma_start3A_378 = arith.constant 0 : i32
        %dma_start3A_379 = arith.constant 0 : i32
        %dma_start3A_380 = tpu.memref_slice %arg10[%dma_start3A_377, %dma_start3A_378, %dma_start3A_379] : memref<3x80x128xf32, #tpu.memory_space<vmem>> -> memref<1x80x128xf32, #tpu.memory_space<vmem>>
        %dma_start3A_381 = tpu.memref_squeeze %dma_start3A_380 : memref<1x80x128xf32, #tpu.memory_space<vmem>> -> memref<80x128xf32, #tpu.memory_space<vmem>>
        %dma_start3A_382 = arith.constant 0 : i32
        %dma_start3A_383 = tpu.memref_slice %arg2[%mul3A_376, %dma_start3A_382] : memref<320000x128xf32, #tpu.memory_space<hbm>> -> memref<80x128xf32, #tpu.memory_space<hbm>>
        %dma_start3A_384 = arith.constant 0 : i32
        %dma_start3A_385 = arith.constant 0 : i32
        %dma_start3A_386 = tpu.memref_slice %arg10[%dma_start3A_377, %dma_start3A_384, %dma_start3A_385] : memref<3x80x128xf32, #tpu.memory_space<vmem>> -> memref<1x80x128xf32, #tpu.memory_space<vmem>>
        %dma_start3A_387 = tpu.memref_squeeze %dma_start3A_386 : memref<1x80x128xf32, #tpu.memory_space<vmem>> -> memref<80x128xf32, #tpu.memory_space<vmem>>
        %dma_start3A_388 = arith.constant 0 : i32
        %dma_start3A_389 = tpu.memref_slice %arg2[%mul3A_376, %dma_start3A_388] : memref<320000x128xf32, #tpu.memory_space<hbm>> -> memref<80x128xf32, #tpu.memory_space<hbm>>
        tpu.enqueue_dma source(%dma_start3A_389 : memref<80x128xf32, #tpu.memory_space<hbm>>) target(%dma_start3A_387 : memref<80x128xf32, #tpu.memory_space<vmem>>) target_semaphore(%arg12 : memref<!tpu.dma_semaphore, #tpu.memory_space<semaphore_mem>>)
        %add3A_390 = arith.addi %mul3A_42, %scan3A_330 : i32
        %mul3A_391 = arith.constant 25 : i32
        %mul3A_392 = arith.muli %add3A_390, %mul3A_391 : i32
        %mul3A_393 = arith.constant 3 : i32
        %mul3A_394 = arith.muli %scan3A_366, %mul3A_393 : i32
        %add3A_395 = arith.addi %mul3A_392, %mul3A_394 : i32
        %add3A_396 = arith.constant 1 : i32
        %add3A_397 = arith.addi %add3A_395, %add3A_396 : i32
        %mul3A_398 = arith.constant 80 : i32
        %mul3A_399 = arith.muli %add3A_397, %mul3A_398 : i32
        %dma_start3A_400 = arith.constant 1 : i32
        %dma_start3A_401 = arith.constant 0 : i32
        %dma_start3A_402 = arith.constant 0 : i32
        %dma_start3A_403 = tpu.memref_slice %arg10[%dma_start3A_400, %dma_start3A_401, %dma_start3A_402] : memref<3x80x128xf32, #tpu.memory_space<vmem>> -> memref<1x80x128xf32, #tpu.memory_space<vmem>>
        %dma_start3A_404 = tpu.memref_squeeze %dma_start3A_403 : memref<1x80x128xf32, #tpu.memory_space<vmem>> -> memref<80x128xf32, #tpu.memory_space<vmem>>
        %dma_start3A_405 = arith.constant 0 : i32
        %dma_start3A_406 = tpu.memref_slice %arg2[%mul3A_399, %dma_start3A_405] : memref<320000x128xf32, #tpu.memory_space<hbm>> -> memref<80x128xf32, #tpu.memory_space<hbm>>
        %dma_start3A_407 = arith.constant 0 : i32
        %dma_start3A_408 = arith.constant 0 : i32
        %dma_start3A_409 = tpu.memref_slice %arg10[%dma_start3A_400, %dma_start3A_407, %dma_start3A_408] : memref<3x80x128xf32, #tpu.memory_space<vmem>> -> memref<1x80x128xf32, #tpu.memory_space<vmem>>
        %dma_start3A_410 = tpu.memref_squeeze %dma_start3A_409 : memref<1x80x128xf32, #tpu.memory_space<vmem>> -> memref<80x128xf32, #tpu.memory_space<vmem>>
        %dma_start3A_411 = arith.constant 0 : i32
        %dma_start3A_412 = tpu.memref_slice %arg2[%mul3A_399, %dma_start3A_411] : memref<320000x128xf32, #tpu.memory_space<hbm>> -> memref<80x128xf32, #tpu.memory_space<hbm>>
        tpu.enqueue_dma source(%dma_start3A_412 : memref<80x128xf32, #tpu.memory_space<hbm>>) target(%dma_start3A_410 : memref<80x128xf32, #tpu.memory_space<vmem>>) target_semaphore(%arg12 : memref<!tpu.dma_semaphore, #tpu.memory_space<semaphore_mem>>)
        %add3A_413 = arith.addi %mul3A_42, %scan3A_330 : i32
        %mul3A_414 = arith.constant 25 : i32
        %mul3A_415 = arith.muli %add3A_413, %mul3A_414 : i32
        %mul3A_416 = arith.constant 3 : i32
        %mul3A_417 = arith.muli %scan3A_366, %mul3A_416 : i32
        %add3A_418 = arith.addi %mul3A_415, %mul3A_417 : i32
        %add3A_419 = arith.constant 2 : i32
        %add3A_420 = arith.addi %add3A_418, %add3A_419 : i32
        %mul3A_421 = arith.constant 80 : i32
        %mul3A_422 = arith.muli %add3A_420, %mul3A_421 : i32
        %dma_start3A_423 = arith.constant 2 : i32
        %dma_start3A_424 = arith.constant 0 : i32
        %dma_start3A_425 = arith.constant 0 : i32
        %dma_start3A_426 = tpu.memref_slice %arg10[%dma_start3A_423, %dma_start3A_424, %dma_start3A_425] : memref<3x80x128xf32, #tpu.memory_space<vmem>> -> memref<1x80x128xf32, #tpu.memory_space<vmem>>
        %dma_start3A_427 = tpu.memref_squeeze %dma_start3A_426 : memref<1x80x128xf32, #tpu.memory_space<vmem>> -> memref<80x128xf32, #tpu.memory_space<vmem>>
        %dma_start3A_428 = arith.constant 0 : i32
        %dma_start3A_429 = tpu.memref_slice %arg2[%mul3A_422, %dma_start3A_428] : memref<320000x128xf32, #tpu.memory_space<hbm>> -> memref<80x128xf32, #tpu.memory_space<hbm>>
        %dma_start3A_430 = arith.constant 0 : i32
        %dma_start3A_431 = arith.constant 0 : i32
        %dma_start3A_432 = tpu.memref_slice %arg10[%dma_start3A_423, %dma_start3A_430, %dma_start3A_431] : memref<3x80x128xf32, #tpu.memory_space<vmem>> -> memref<1x80x128xf32, #tpu.memory_space<vmem>>
        %dma_start3A_433 = tpu.memref_squeeze %dma_start3A_432 : memref<1x80x128xf32, #tpu.memory_space<vmem>> -> memref<80x128xf32, #tpu.memory_space<vmem>>
        %dma_start3A_434 = arith.constant 0 : i32
        %dma_start3A_435 = tpu.memref_slice %arg2[%mul3A_422, %dma_start3A_434] : memref<320000x128xf32, #tpu.memory_space<hbm>> -> memref<80x128xf32, #tpu.memory_space<hbm>>
        tpu.enqueue_dma source(%dma_start3A_435 : memref<80x128xf32, #tpu.memory_space<hbm>>) target(%dma_start3A_433 : memref<80x128xf32, #tpu.memory_space<vmem>>) target_semaphore(%arg12 : memref<!tpu.dma_semaphore, #tpu.memory_space<semaphore_mem>>)
        %mul3A_436 = arith.constant 3 : i32
        %mul3A_437 = arith.muli %scan3A_366, %mul3A_436 : i32
        %add3A_438 = arith.constant 0 : i32
        %add3A_439 = arith.addi %mul3A_437, %add3A_438 : i32
        %dma_wait3A_440 = arith.constant 0 : i32
        %dma_wait3A_441 = arith.constant 0 : i32
        %dma_wait3A_442 = arith.constant 0 : i32
        %dma_wait3A_443 = tpu.memref_slice %arg10[%dma_wait3A_440, %dma_wait3A_441, %dma_wait3A_442] : memref<3x80x128xf32, #tpu.memory_space<vmem>> -> memref<1x80x128xf32, #tpu.memory_space<vmem>>
        %dma_wait3A_444 = tpu.memref_squeeze %dma_wait3A_443 : memref<1x80x128xf32, #tpu.memory_space<vmem>> -> memref<80x128xf32, #tpu.memory_space<vmem>>
        %dma_wait3A_445 = arith.constant 0 : i32
        %dma_wait3A_446 = tpu.memref_slice %arg2[%mul3A_376, %dma_wait3A_445] : memref<320000x128xf32, #tpu.memory_space<hbm>> -> memref<80x128xf32, #tpu.memory_space<hbm>>
        %dma_wait3A_447 = arith.constant 0 : i32
        %dma_wait3A_448 = arith.constant 0 : i32
        %dma_wait3A_449 = tpu.memref_slice %arg10[%dma_wait3A_440, %dma_wait3A_447, %dma_wait3A_448] : memref<3x80x128xf32, #tpu.memory_space<vmem>> -> memref<1x80x128xf32, #tpu.memory_space<vmem>>
        %dma_wait3A_450 = tpu.memref_squeeze %dma_wait3A_449 : memref<1x80x128xf32, #tpu.memory_space<vmem>> -> memref<80x128xf32, #tpu.memory_space<vmem>>
        %dma_wait3A_451 = arith.constant 0 : i32
        %dma_wait3A_452 = tpu.memref_slice %arg2[%mul3A_376, %dma_wait3A_451] : memref<320000x128xf32, #tpu.memory_space<hbm>> -> memref<80x128xf32, #tpu.memory_space<hbm>>
        tpu.wait_dma2 semaphore(%arg12 : memref<!tpu.dma_semaphore, #tpu.memory_space<semaphore_mem>>) src(%dma_wait3A_452 : memref<80x128xf32, #tpu.memory_space<hbm>>) dst(%dma_wait3A_450 : memref<80x128xf32, #tpu.memory_space<vmem>>)
        %dma_start3A_453 = arith.constant 0 : i32
        %dma_start3A_454 = arith.constant 0 : i32
        %dma_start3A_455 = arith.constant 0 : i32
        %dma_start3A_456 = tpu.memref_slice %arg10[%dma_start3A_453, %dma_start3A_454, %dma_start3A_455] : memref<3x80x128xf32, #tpu.memory_space<vmem>> -> memref<1x80x128xf32, #tpu.memory_space<vmem>>
        %dma_start3A_457 = tpu.memref_squeeze %dma_start3A_456 : memref<1x80x128xf32, #tpu.memory_space<vmem>> -> memref<80x128xf32, #tpu.memory_space<vmem>>
        %dma_start3A_458 = arith.constant 0 : i32
        %dma_start3A_459 = tpu.memref_slice %arg9[%add3A_439, %dma_start3A_458] : memref<25x80xi32, #tpu.memory_space<vmem>> -> memref<1x80xi32, #tpu.memory_space<vmem>>
        %dma_start3A_460 = tpu.memref_squeeze %dma_start3A_459 : memref<1x80xi32, #tpu.memory_space<vmem>> -> memref<80xi32, #tpu.memory_space<vmem>>
        %dma_start3A_461 = arith.constant 0 : i32
        %dma_start3A_462 = arith.constant 0 : i32
        %dma_start3A_463 = tpu.memref_slice %arg8[%dma_start3A_461, %dma_start3A_462] : memref<10240x128xf32, #tpu.memory_space<vmem_shared>> -> memref<10240x128xf32, #tpu.memory_space<vmem_shared>>
        tpu.enqueue_indirect_dma source(%dma_start3A_457 : memref<80x128xf32, #tpu.memory_space<vmem>>) target(%dma_start3A_463 : memref<10240x128xf32, #tpu.memory_space<vmem_shared>>) offsets(%dma_start3A_460 : memref<80xi32, #tpu.memory_space<vmem>>) semaphore(%arg13 : memref<!tpu.dma_semaphore, #tpu.memory_space<semaphore_mem>>) {add = true}
        %get3A_464 = arith.index_cast %add3A_439 : i32 to index
        %get3A_465 = arith.constant 0 : index
        %get3A_466 = tpu.vector_load %arg9[%get3A_464, %get3A_465] {strides = array<i32>} : memref<25x80xi32, #tpu.memory_space<vmem>>, vector<16xi32>,
        tpu.vector_store_idx %arg11[%get3A_466], %broadcast_in_dim3A_43 {add = true} : memref<10240xf32, #tpu.memory_space<vmem>>[vector<16xi32>], vector<16xf32>,
        %get3A_467 = arith.index_cast %add3A_439 : i32 to index
        %get3A_468 = arith.constant 16 : index
        %get3A_469 = tpu.vector_load %arg9[%get3A_467, %get3A_468] {strides = array<i32>} : memref<25x80xi32, #tpu.memory_space<vmem>>, vector<16xi32>,
        tpu.vector_store_idx %arg11[%get3A_469], %broadcast_in_dim3A_43 {add = true} : memref<10240xf32, #tpu.memory_space<vmem>>[vector<16xi32>], vector<16xf32>,
        %get3A_470 = arith.index_cast %add3A_439 : i32 to index
        %get3A_471 = arith.constant 32 : index
        %get3A_472 = tpu.vector_load %arg9[%get3A_470, %get3A_471] {strides = array<i32>} : memref<25x80xi32, #tpu.memory_space<vmem>>, vector<16xi32>,
        tpu.vector_store_idx %arg11[%get3A_472], %broadcast_in_dim3A_43 {add = true} : memref<10240xf32, #tpu.memory_space<vmem>>[vector<16xi32>], vector<16xf32>,
        %get3A_473 = arith.index_cast %add3A_439 : i32 to index
        %get3A_474 = arith.constant 48 : index
        %get3A_475 = tpu.vector_load %arg9[%get3A_473, %get3A_474] {strides = array<i32>} : memref<25x80xi32, #tpu.memory_space<vmem>>, vector<16xi32>,
        tpu.vector_store_idx %arg11[%get3A_475], %broadcast_in_dim3A_43 {add = true} : memref<10240xf32, #tpu.memory_space<vmem>>[vector<16xi32>], vector<16xf32>,
        %get3A_476 = arith.index_cast %add3A_439 : i32 to index
        %get3A_477 = arith.constant 64 : index
        %get3A_478 = tpu.vector_load %arg9[%get3A_476, %get3A_477] {strides = array<i32>} : memref<25x80xi32, #tpu.memory_space<vmem>>, vector<16xi32>,
        tpu.vector_store_idx %arg11[%get3A_478], %broadcast_in_dim3A_43 {add = true} : memref<10240xf32, #tpu.memory_space<vmem>>[vector<16xi32>], vector<16xf32>,
        %mul3A_479 = arith.constant 3 : i32
        %mul3A_480 = arith.muli %scan3A_366, %mul3A_479 : i32
        %add3A_481 = arith.constant 1 : i32
        %add3A_482 = arith.addi %mul3A_480, %add3A_481 : i32
        %dma_wait3A_483 = arith.constant 1 : i32
        %dma_wait3A_484 = arith.constant 0 : i32
        %dma_wait3A_485 = arith.constant 0 : i32
        %dma_wait3A_486 = tpu.memref_slice %arg10[%dma_wait3A_483, %dma_wait3A_484, %dma_wait3A_485] : memref<3x80x128xf32, #tpu.memory_space<vmem>> -> memref<1x80x128xf32, #tpu.memory_space<vmem>>
        %dma_wait3A_487 = tpu.memref_squeeze %dma_wait3A_486 : memref<1x80x128xf32, #tpu.memory_space<vmem>> -> memref<80x128xf32, #tpu.memory_space<vmem>>
        %dma_wait3A_488 = arith.constant 0 : i32
        %dma_wait3A_489 = tpu.memref_slice %arg2[%mul3A_399, %dma_wait3A_488] : memref<320000x128xf32, #tpu.memory_space<hbm>> -> memref<80x128xf32, #tpu.memory_space<hbm>>
        %dma_wait3A_490 = arith.constant 0 : i32
        %dma_wait3A_491 = arith.constant 0 : i32
        %dma_wait3A_492 = tpu.memref_slice %arg10[%dma_wait3A_483, %dma_wait3A_490, %dma_wait3A_491] : memref<3x80x128xf32, #tpu.memory_space<vmem>> -> memref<1x80x128xf32, #tpu.memory_space<vmem>>
        %dma_wait3A_493 = tpu.memref_squeeze %dma_wait3A_492 : memref<1x80x128xf32, #tpu.memory_space<vmem>> -> memref<80x128xf32, #tpu.memory_space<vmem>>
        %dma_wait3A_494 = arith.constant 0 : i32
        %dma_wait3A_495 = tpu.memref_slice %arg2[%mul3A_399, %dma_wait3A_494] : memref<320000x128xf32, #tpu.memory_space<hbm>> -> memref<80x128xf32, #tpu.memory_space<hbm>>
        tpu.wait_dma2 semaphore(%arg12 : memref<!tpu.dma_semaphore, #tpu.memory_space<semaphore_mem>>) src(%dma_wait3A_495 : memref<80x128xf32, #tpu.memory_space<hbm>>) dst(%dma_wait3A_493 : memref<80x128xf32, #tpu.memory_space<vmem>>)
        %dma_start3A_496 = arith.constant 1 : i32
        %dma_start3A_497 = arith.constant 0 : i32
        %dma_start3A_498 = arith.constant 0 : i32
        %dma_start3A_499 = tpu.memref_slice %arg10[%dma_start3A_496, %dma_start3A_497, %dma_start3A_498] : memref<3x80x128xf32, #tpu.memory_space<vmem>> -> memref<1x80x128xf32, #tpu.memory_space<vmem>>
        %dma_start3A_500 = tpu.memref_squeeze %dma_start3A_499 : memref<1x80x128xf32, #tpu.memory_space<vmem>> -> memref<80x128xf32, #tpu.memory_space<vmem>>
        %dma_start3A_501 = arith.constant 0 : i32
        %dma_start3A_502 = tpu.memref_slice %arg9[%add3A_482, %dma_start3A_501] : memref<25x80xi32, #tpu.memory_space<vmem>> -> memref<1x80xi32, #tpu.memory_space<vmem>>
        %dma_start3A_503 = tpu.memref_squeeze %dma_start3A_502 : memref<1x80xi32, #tpu.memory_space<vmem>> -> memref<80xi32, #tpu.memory_space<vmem>>
        %dma_start3A_504 = arith.constant 0 : i32
        %dma_start3A_505 = arith.constant 0 : i32
        %dma_start3A_506 = tpu.memref_slice %arg8[%dma_start3A_504, %dma_start3A_505] : memref<10240x128xf32, #tpu.memory_space<vmem_shared>> -> memref<10240x128xf32, #tpu.memory_space<vmem_shared>>
        tpu.enqueue_indirect_dma source(%dma_start3A_500 : memref<80x128xf32, #tpu.memory_space<vmem>>) target(%dma_start3A_506 : memref<10240x128xf32, #tpu.memory_space<vmem_shared>>) offsets(%dma_start3A_503 : memref<80xi32, #tpu.memory_space<vmem>>) semaphore(%arg13 : memref<!tpu.dma_semaphore, #tpu.memory_space<semaphore_mem>>) {add = true}
        %get3A_507 = arith.index_cast %add3A_482 : i32 to index
        %get3A_508 = arith.constant 0 : index
        %get3A_509 = tpu.vector_load %arg9[%get3A_507, %get3A_508] {strides = array<i32>} : memref<25x80xi32, #tpu.memory_space<vmem>>, vector<16xi32>,
        tpu.vector_store_idx %arg11[%get3A_509], %broadcast_in_dim3A_43 {add = true} : memref<10240xf32, #tpu.memory_space<vmem>>[vector<16xi32>], vector<16xf32>,
        %get3A_510 = arith.index_cast %add3A_482 : i32 to index
        %get3A_511 = arith.constant 16 : index
        %get3A_512 = tpu.vector_load %arg9[%get3A_510, %get3A_511] {strides = array<i32>} : memref<25x80xi32, #tpu.memory_space<vmem>>, vector<16xi32>,
        tpu.vector_store_idx %arg11[%get3A_512], %broadcast_in_dim3A_43 {add = true} : memref<10240xf32, #tpu.memory_space<vmem>>[vector<16xi32>], vector<16xf32>,
        %get3A_513 = arith.index_cast %add3A_482 : i32 to index
        %get3A_514 = arith.constant 32 : index
        %get3A_515 = tpu.vector_load %arg9[%get3A_513, %get3A_514] {strides = array<i32>} : memref<25x80xi32, #tpu.memory_space<vmem>>, vector<16xi32>,
        tpu.vector_store_idx %arg11[%get3A_515], %broadcast_in_dim3A_43 {add = true} : memref<10240xf32, #tpu.memory_space<vmem>>[vector<16xi32>], vector<16xf32>,
        %get3A_516 = arith.index_cast %add3A_482 : i32 to index
        %get3A_517 = arith.constant 48 : index
        %get3A_518 = tpu.vector_load %arg9[%get3A_516, %get3A_517] {strides = array<i32>} : memref<25x80xi32, #tpu.memory_space<vmem>>, vector<16xi32>,
        tpu.vector_store_idx %arg11[%get3A_518], %broadcast_in_dim3A_43 {add = true} : memref<10240xf32, #tpu.memory_space<vmem>>[vector<16xi32>], vector<16xf32>,
        %get3A_519 = arith.index_cast %add3A_482 : i32 to index
        %get3A_520 = arith.constant 64 : index
        %get3A_521 = tpu.vector_load %arg9[%get3A_519, %get3A_520] {strides = array<i32>} : memref<25x80xi32, #tpu.memory_space<vmem>>, vector<16xi32>,
        tpu.vector_store_idx %arg11[%get3A_521], %broadcast_in_dim3A_43 {add = true} : memref<10240xf32, #tpu.memory_space<vmem>>[vector<16xi32>], vector<16xf32>,
        %mul3A_522 = arith.constant 3 : i32
        %mul3A_523 = arith.muli %scan3A_366, %mul3A_522 : i32
        %add3A_524 = arith.constant 2 : i32
        %add3A_525 = arith.addi %mul3A_523, %add3A_524 : i32
        %dma_wait3A_526 = arith.constant 2 : i32
        %dma_wait3A_527 = arith.constant 0 : i32
        %dma_wait3A_528 = arith.constant 0 : i32
        %dma_wait3A_529 = tpu.memref_slice %arg10[%dma_wait3A_526, %dma_wait3A_527, %dma_wait3A_528] : memref<3x80x128xf32, #tpu.memory_space<vmem>> -> memref<1x80x128xf32, #tpu.memory_space<vmem>>
        %dma_wait3A_530 = tpu.memref_squeeze %dma_wait3A_529 : memref<1x80x128xf32, #tpu.memory_space<vmem>> -> memref<80x128xf32, #tpu.memory_space<vmem>>
        %dma_wait3A_531 = arith.constant 0 : i32
        %dma_wait3A_532 = tpu.memref_slice %arg2[%mul3A_422, %dma_wait3A_531] : memref<320000x128xf32, #tpu.memory_space<hbm>> -> memref<80x128xf32, #tpu.memory_space<hbm>>
        %dma_wait3A_533 = arith.constant 0 : i32
        %dma_wait3A_534 = arith.constant 0 : i32
        %dma_wait3A_535 = tpu.memref_slice %arg10[%dma_wait3A_526, %dma_wait3A_533, %dma_wait3A_534] : memref<3x80x128xf32, #tpu.memory_space<vmem>> -> memref<1x80x128xf32, #tpu.memory_space<vmem>>
        %dma_wait3A_536 = tpu.memref_squeeze %dma_wait3A_535 : memref<1x80x128xf32, #tpu.memory_space<vmem>> -> memref<80x128xf32, #tpu.memory_space<vmem>>
        %dma_wait3A_537 = arith.constant 0 : i32
        %dma_wait3A_538 = tpu.memref_slice %arg2[%mul3A_422, %dma_wait3A_537] : memref<320000x128xf32, #tpu.memory_space<hbm>> -> memref<80x128xf32, #tpu.memory_space<hbm>>
        tpu.wait_dma2 semaphore(%arg12 : memref<!tpu.dma_semaphore, #tpu.memory_space<semaphore_mem>>) src(%dma_wait3A_538 : memref<80x128xf32, #tpu.memory_space<hbm>>) dst(%dma_wait3A_536 : memref<80x128xf32, #tpu.memory_space<vmem>>)
        %dma_start3A_539 = arith.constant 2 : i32
        %dma_start3A_540 = arith.constant 0 : i32
        %dma_start3A_541 = arith.constant 0 : i32
        %dma_start3A_542 = tpu.memref_slice %arg10[%dma_start3A_539, %dma_start3A_540, %dma_start3A_541] : memref<3x80x128xf32, #tpu.memory_space<vmem>> -> memref<1x80x128xf32, #tpu.memory_space<vmem>>
        %dma_start3A_543 = tpu.memref_squeeze %dma_start3A_542 : memref<1x80x128xf32, #tpu.memory_space<vmem>> -> memref<80x128xf32, #tpu.memory_space<vmem>>
        %dma_start3A_544 = arith.constant 0 : i32
        %dma_start3A_545 = tpu.memref_slice %arg9[%add3A_525, %dma_start3A_544] : memref<25x80xi32, #tpu.memory_space<vmem>> -> memref<1x80xi32, #tpu.memory_space<vmem>>
        %dma_start3A_546 = tpu.memref_squeeze %dma_start3A_545 : memref<1x80xi32, #tpu.memory_space<vmem>> -> memref<80xi32, #tpu.memory_space<vmem>>
        %dma_start3A_547 = arith.constant 0 : i32
        %dma_start3A_548 = arith.constant 0 : i32
        %dma_start3A_549 = tpu.memref_slice %arg8[%dma_start3A_547, %dma_start3A_548] : memref<10240x128xf32, #tpu.memory_space<vmem_shared>> -> memref<10240x128xf32, #tpu.memory_space<vmem_shared>>
        tpu.enqueue_indirect_dma source(%dma_start3A_543 : memref<80x128xf32, #tpu.memory_space<vmem>>) target(%dma_start3A_549 : memref<10240x128xf32, #tpu.memory_space<vmem_shared>>) offsets(%dma_start3A_546 : memref<80xi32, #tpu.memory_space<vmem>>) semaphore(%arg13 : memref<!tpu.dma_semaphore, #tpu.memory_space<semaphore_mem>>) {add = true}
        %get3A_550 = arith.index_cast %add3A_525 : i32 to index
        %get3A_551 = arith.constant 0 : index
        %get3A_552 = tpu.vector_load %arg9[%get3A_550, %get3A_551] {strides = array<i32>} : memref<25x80xi32, #tpu.memory_space<vmem>>, vector<16xi32>,
        tpu.vector_store_idx %arg11[%get3A_552], %broadcast_in_dim3A_43 {add = true} : memref<10240xf32, #tpu.memory_space<vmem>>[vector<16xi32>], vector<16xf32>,
        %get3A_553 = arith.index_cast %add3A_525 : i32 to index
        %get3A_554 = arith.constant 16 : index
        %get3A_555 = tpu.vector_load %arg9[%get3A_553, %get3A_554] {strides = array<i32>} : memref<25x80xi32, #tpu.memory_space<vmem>>, vector<16xi32>,
        tpu.vector_store_idx %arg11[%get3A_555], %broadcast_in_dim3A_43 {add = true} : memref<10240xf32, #tpu.memory_space<vmem>>[vector<16xi32>], vector<16xf32>,
        %get3A_556 = arith.index_cast %add3A_525 : i32 to index
        %get3A_557 = arith.constant 32 : index
        %get3A_558 = tpu.vector_load %arg9[%get3A_556, %get3A_557] {strides = array<i32>} : memref<25x80xi32, #tpu.memory_space<vmem>>, vector<16xi32>,
        tpu.vector_store_idx %arg11[%get3A_558], %broadcast_in_dim3A_43 {add = true} : memref<10240xf32, #tpu.memory_space<vmem>>[vector<16xi32>], vector<16xf32>,
        %get3A_559 = arith.index_cast %add3A_525 : i32 to index
        %get3A_560 = arith.constant 48 : index
        %get3A_561 = tpu.vector_load %arg9[%get3A_559, %get3A_560] {strides = array<i32>} : memref<25x80xi32, #tpu.memory_space<vmem>>, vector<16xi32>,
        tpu.vector_store_idx %arg11[%get3A_561], %broadcast_in_dim3A_43 {add = true} : memref<10240xf32, #tpu.memory_space<vmem>>[vector<16xi32>], vector<16xf32>,
        %get3A_562 = arith.index_cast %add3A_525 : i32 to index
        %get3A_563 = arith.constant 64 : index
        %get3A_564 = tpu.vector_load %arg9[%get3A_562, %get3A_563] {strides = array<i32>} : memref<25x80xi32, #tpu.memory_space<vmem>>, vector<16xi32>,
        tpu.vector_store_idx %arg11[%get3A_564], %broadcast_in_dim3A_43 {add = true} : memref<10240xf32, #tpu.memory_space<vmem>>[vector<16xi32>], vector<16xf32>,
        %dma_wait3A_565 = arith.constant 0 : i32
        %dma_wait3A_566 = arith.constant 0 : i32
        %dma_wait3A_567 = arith.constant 0 : i32
        %dma_wait3A_568 = tpu.memref_slice %arg10[%dma_wait3A_565, %dma_wait3A_566, %dma_wait3A_567] : memref<3x80x128xf32, #tpu.memory_space<vmem>> -> memref<1x80x128xf32, #tpu.memory_space<vmem>>
        %dma_wait3A_569 = tpu.memref_squeeze %dma_wait3A_568 : memref<1x80x128xf32, #tpu.memory_space<vmem>> -> memref<80x128xf32, #tpu.memory_space<vmem>>
        %dma_wait3A_570 = arith.constant 0 : i32
        %dma_wait3A_571 = tpu.memref_slice %arg9[%add3A_439, %dma_wait3A_570] : memref<25x80xi32, #tpu.memory_space<vmem>> -> memref<1x80xi32, #tpu.memory_space<vmem>>
        %dma_wait3A_572 = tpu.memref_squeeze %dma_wait3A_571 : memref<1x80xi32, #tpu.memory_space<vmem>> -> memref<80xi32, #tpu.memory_space<vmem>>
        %dma_wait3A_573 = arith.constant 0 : i32
        %dma_wait3A_574 = arith.constant 0 : i32
        %dma_wait3A_575 = tpu.memref_slice %arg8[%dma_wait3A_573, %dma_wait3A_574] : memref<10240x128xf32, #tpu.memory_space<vmem_shared>> -> memref<10240x128xf32, #tpu.memory_space<vmem_shared>>
        tpu.wait_indirect_dma semaphore(%arg13 : memref<!tpu.dma_semaphore, #tpu.memory_space<semaphore_mem>>) src(%dma_wait3A_569 : memref<80x128xf32, #tpu.memory_space<vmem>>) dst(%dma_wait3A_575 : memref<10240x128xf32, #tpu.memory_space<vmem_shared>>)
        %dma_wait3A_576 = arith.constant 1 : i32
        %dma_wait3A_577 = arith.constant 0 : i32
        %dma_wait3A_578 = arith.constant 0 : i32
        %dma_wait3A_579 = tpu.memref_slice %arg10[%dma_wait3A_576, %dma_wait3A_577, %dma_wait3A_578] : memref<3x80x128xf32, #tpu.memory_space<vmem>> -> memref<1x80x128xf32, #tpu.memory_space<vmem>>
        %dma_wait3A_580 = tpu.memref_squeeze %dma_wait3A_579 : memref<1x80x128xf32, #tpu.memory_space<vmem>> -> memref<80x128xf32, #tpu.memory_space<vmem>>
        %dma_wait3A_581 = arith.constant 0 : i32
        %dma_wait3A_582 = tpu.memref_slice %arg9[%add3A_482, %dma_wait3A_581] : memref<25x80xi32, #tpu.memory_space<vmem>> -> memref<1x80xi32, #tpu.memory_space<vmem>>
        %dma_wait3A_583 = tpu.memref_squeeze %dma_wait3A_582 : memref<1x80xi32, #tpu.memory_space<vmem>> -> memref<80xi32, #tpu.memory_space<vmem>>
        %dma_wait3A_584 = arith.constant 0 : i32
        %dma_wait3A_585 = arith.constant 0 : i32
        %dma_wait3A_586 = tpu.memref_slice %arg8[%dma_wait3A_584, %dma_wait3A_585] : memref<10240x128xf32, #tpu.memory_space<vmem_shared>> -> memref<10240x128xf32, #tpu.memory_space<vmem_shared>>
        tpu.wait_indirect_dma semaphore(%arg13 : memref<!tpu.dma_semaphore, #tpu.memory_space<semaphore_mem>>) src(%dma_wait3A_580 : memref<80x128xf32, #tpu.memory_space<vmem>>) dst(%dma_wait3A_586 : memref<10240x128xf32, #tpu.memory_space<vmem_shared>>)
        %dma_wait3A_587 = arith.constant 2 : i32
        %dma_wait3A_588 = arith.constant 0 : i32
        %dma_wait3A_589 = arith.constant 0 : i32
        %dma_wait3A_590 = tpu.memref_slice %arg10[%dma_wait3A_587, %dma_wait3A_588, %dma_wait3A_589] : memref<3x80x128xf32, #tpu.memory_space<vmem>> -> memref<1x80x128xf32, #tpu.memory_space<vmem>>
        %dma_wait3A_591 = tpu.memref_squeeze %dma_wait3A_590 : memref<1x80x128xf32, #tpu.memory_space<vmem>> -> memref<80x128xf32, #tpu.memory_space<vmem>>
        %dma_wait3A_592 = arith.constant 0 : i32
        %dma_wait3A_593 = tpu.memref_slice %arg9[%add3A_525, %dma_wait3A_592] : memref<25x80xi32, #tpu.memory_space<vmem>> -> memref<1x80xi32, #tpu.memory_space<vmem>>
        %dma_wait3A_594 = tpu.memref_squeeze %dma_wait3A_593 : memref<1x80xi32, #tpu.memory_space<vmem>> -> memref<80xi32, #tpu.memory_space<vmem>>
        %dma_wait3A_595 = arith.constant 0 : i32
        %dma_wait3A_596 = arith.constant 0 : i32
        %dma_wait3A_597 = tpu.memref_slice %arg8[%dma_wait3A_595, %dma_wait3A_596] : memref<10240x128xf32, #tpu.memory_space<vmem_shared>> -> memref<10240x128xf32, #tpu.memory_space<vmem_shared>>
        tpu.wait_indirect_dma semaphore(%arg13 : memref<!tpu.dma_semaphore, #tpu.memory_space<semaphore_mem>>) src(%dma_wait3A_591 : memref<80x128xf32, #tpu.memory_space<vmem>>) dst(%dma_wait3A_597 : memref<10240x128xf32, #tpu.memory_space<vmem_shared>>)
      }
      %scan3A_336 = arith.constant 8 : i32
      %add3A_337 = arith.addi %mul3A_42, %scan3A_330 : i32
      %mul3A_338 = arith.constant 25 : i32
      %mul3A_339 = arith.muli %add3A_337, %mul3A_338 : i32
      %add3A_340 = arith.constant 24 : i32
      %add3A_341 = arith.addi %mul3A_339, %add3A_340 : i32
      %mul3A_342 = arith.constant 80 : i32
      %mul3A_343 = arith.muli %add3A_341, %mul3A_342 : i32
      %run_scoped3A_344 = arith.constant 0 : i32
      "tpu.region"() ({
        %run_scoped3A_366 = tpu.sem_alloc : memref<!tpu.dma_semaphore, #tpu.memory_space<semaphore_mem>>
        %dma_start3A_367 = arith.constant 0 : i32
        %dma_start3A_368 = arith.constant 0 : i32
        %dma_start3A_369 = tpu.memref_slice %arg10[%run_scoped3A_344, %dma_start3A_367, %dma_start3A_368] : memref<3x80x128xf32, #tpu.memory_space<vmem>> -> memref<1x80x128xf32, #tpu.memory_space<vmem>>
        %dma_start3A_370 = tpu.memref_squeeze %dma_start3A_369 : memref<1x80x128xf32, #tpu.memory_space<vmem>> -> memref<80x128xf32, #tpu.memory_space<vmem>>
        %dma_start3A_371 = arith.constant 0 : i32
        %dma_start3A_372 = tpu.memref_slice %arg2[%mul3A_343, %dma_start3A_371] : memref<320000x128xf32, #tpu.memory_space<hbm>> -> memref<80x128xf32, #tpu.memory_space<hbm>>
        %dma_start3A_373 = arith.constant 0 : i32
        %dma_start3A_374 = arith.constant 0 : i32
        %dma_start3A_375 = tpu.memref_slice %arg10[%run_scoped3A_344, %dma_start3A_373, %dma_start3A_374] : memref<3x80x128xf32, #tpu.memory_space<vmem>> -> memref<1x80x128xf32, #tpu.memory_space<vmem>>
        %dma_start3A_376 = tpu.memref_squeeze %dma_start3A_375 : memref<1x80x128xf32, #tpu.memory_space<vmem>> -> memref<80x128xf32, #tpu.memory_space<vmem>>
        %dma_start3A_377 = arith.constant 0 : i32
        %dma_start3A_378 = tpu.memref_slice %arg2[%mul3A_343, %dma_start3A_377] : memref<320000x128xf32, #tpu.memory_space<hbm>> -> memref<80x128xf32, #tpu.memory_space<hbm>>
        tpu.enqueue_dma source(%dma_start3A_378 : memref<80x128xf32, #tpu.memory_space<hbm>>) target(%dma_start3A_376 : memref<80x128xf32, #tpu.memory_space<vmem>>) target_semaphore(%run_scoped3A_366 : memref<!tpu.dma_semaphore, #tpu.memory_space<semaphore_mem>>)
        %dma_wait3A_379 = arith.constant 0 : i32
        %dma_wait3A_380 = arith.constant 0 : i32
        %dma_wait3A_381 = tpu.memref_slice %arg10[%run_scoped3A_344, %dma_wait3A_379, %dma_wait3A_380] : memref<3x80x128xf32, #tpu.memory_space<vmem>> -> memref<1x80x128xf32, #tpu.memory_space<vmem>>
        %dma_wait3A_382 = tpu.memref_squeeze %dma_wait3A_381 : memref<1x80x128xf32, #tpu.memory_space<vmem>> -> memref<80x128xf32, #tpu.memory_space<vmem>>
        %dma_wait3A_383 = arith.constant 0 : i32
        %dma_wait3A_384 = tpu.memref_slice %arg2[%mul3A_343, %dma_wait3A_383] : memref<320000x128xf32, #tpu.memory_space<hbm>> -> memref<80x128xf32, #tpu.memory_space<hbm>>
        %dma_wait3A_385 = arith.constant 0 : i32
        %dma_wait3A_386 = arith.constant 0 : i32
        %dma_wait3A_387 = tpu.memref_slice %arg10[%run_scoped3A_344, %dma_wait3A_385, %dma_wait3A_386] : memref<3x80x128xf32, #tpu.memory_space<vmem>> -> memref<1x80x128xf32, #tpu.memory_space<vmem>>
        %dma_wait3A_388 = tpu.memref_squeeze %dma_wait3A_387 : memref<1x80x128xf32, #tpu.memory_space<vmem>> -> memref<80x128xf32, #tpu.memory_space<vmem>>
        %dma_wait3A_389 = arith.constant 0 : i32
        %dma_wait3A_390 = tpu.memref_slice %arg2[%mul3A_343, %dma_wait3A_389] : memref<320000x128xf32, #tpu.memory_space<hbm>> -> memref<80x128xf32, #tpu.memory_space<hbm>>
        tpu.wait_dma2 semaphore(%run_scoped3A_366 : memref<!tpu.dma_semaphore, #tpu.memory_space<semaphore_mem>>) src(%dma_wait3A_390 : memref<80x128xf32, #tpu.memory_space<hbm>>) dst(%dma_wait3A_388 : memref<80x128xf32, #tpu.memory_space<vmem>>)
        tpu.yield
      }) : () -> ()
      %run_scoped3A_345 = arith.constant 0 : i32
      %run_scoped3A_346 = arith.constant 24 : i32
      "tpu.region"() ({
        %run_scoped3A_366 = tpu.sem_alloc : memref<!tpu.dma_semaphore, #tpu.memory_space<semaphore_mem>>
        %dma_start3A_367 = arith.constant 0 : i32
        %dma_start3A_368 = arith.constant 0 : i32
        %dma_start3A_369 = tpu.memref_slice %arg10[%run_scoped3A_345, %dma_start3A_367, %dma_start3A_368] : memref<3x80x128xf32, #tpu.memory_space<vmem>> -> memref<1x80x128xf32, #tpu.memory_space<vmem>>
        %dma_start3A_370 = tpu.memref_squeeze %dma_start3A_369 : memref<1x80x128xf32, #tpu.memory_space<vmem>> -> memref<80x128xf32, #tpu.memory_space<vmem>>
        %dma_start3A_371 = arith.constant 0 : i32
        %dma_start3A_372 = tpu.memref_slice %arg9[%run_scoped3A_346, %dma_start3A_371] : memref<25x80xi32, #tpu.memory_space<vmem>> -> memref<1x80xi32, #tpu.memory_space<vmem>>
        %dma_start3A_373 = tpu.memref_squeeze %dma_start3A_372 : memref<1x80xi32, #tpu.memory_space<vmem>> -> memref<80xi32, #tpu.memory_space<vmem>>
        %dma_start3A_374 = arith.constant 0 : i32
        %dma_start3A_375 = arith.constant 0 : i32
        %dma_start3A_376 = tpu.memref_slice %arg8[%dma_start3A_374, %dma_start3A_375] : memref<10240x128xf32, #tpu.memory_space<vmem_shared>> -> memref<10240x128xf32, #tpu.memory_space<vmem_shared>>
        tpu.enqueue_indirect_dma source(%dma_start3A_370 : memref<80x128xf32, #tpu.memory_space<vmem>>) target(%dma_start3A_376 : memref<10240x128xf32, #tpu.memory_space<vmem_shared>>) offsets(%dma_start3A_373 : memref<80xi32, #tpu.memory_space<vmem>>) semaphore(%run_scoped3A_366 : memref<!tpu.dma_semaphore, #tpu.memory_space<semaphore_mem>>) {add = true}
        %dma_wait3A_377 = arith.constant 0 : i32
        %dma_wait3A_378 = arith.constant 0 : i32
        %dma_wait3A_379 = tpu.memref_slice %arg10[%run_scoped3A_345, %dma_wait3A_377, %dma_wait3A_378] : memref<3x80x128xf32, #tpu.memory_space<vmem>> -> memref<1x80x128xf32, #tpu.memory_space<vmem>>
        %dma_wait3A_380 = tpu.memref_squeeze %dma_wait3A_379 : memref<1x80x128xf32, #tpu.memory_space<vmem>> -> memref<80x128xf32, #tpu.memory_space<vmem>>
        %dma_wait3A_381 = arith.constant 0 : i32
        %dma_wait3A_382 = tpu.memref_slice %arg9[%run_scoped3A_346, %dma_wait3A_381] : memref<25x80xi32, #tpu.memory_space<vmem>> -> memref<1x80xi32, #tpu.memory_space<vmem>>
        %dma_wait3A_383 = tpu.memref_squeeze %dma_wait3A_382 : memref<1x80xi32, #tpu.memory_space<vmem>> -> memref<80xi32, #tpu.memory_space<vmem>>
        %dma_wait3A_384 = arith.constant 0 : i32
        %dma_wait3A_385 = arith.constant 0 : i32
        %dma_wait3A_386 = tpu.memref_slice %arg8[%dma_wait3A_384, %dma_wait3A_385] : memref<10240x128xf32, #tpu.memory_space<vmem_shared>> -> memref<10240x128xf32, #tpu.memory_space<vmem_shared>>
        tpu.wait_indirect_dma semaphore(%run_scoped3A_366 : memref<!tpu.dma_semaphore, #tpu.memory_space<semaphore_mem>>) src(%dma_wait3A_380 : memref<80x128xf32, #tpu.memory_space<vmem>>) dst(%dma_wait3A_386 : memref<10240x128xf32, #tpu.memory_space<vmem_shared>>)
        tpu.yield
      }) : () -> ()
      %get3A = arith.constant 24 : i32
      %get3A_347 = arith.index_cast %get3A : i32 to index
      %get3A_348 = arith.constant 0 : index
      %get3A_349 = tpu.vector_load %arg9[%get3A_347, %get3A_348] {strides = array<i32>} : memref<25x80xi32, #tpu.memory_space<vmem>>, vector<16xi32>,
      tpu.vector_store_idx %arg11[%get3A_349], %broadcast_in_dim3A_43 {add = true} : memref<10240xf32, #tpu.memory_space<vmem>>[vector<16xi32>], vector<16xf32>,
      %get3A_350 = arith.constant 24 : i32
      %get3A_351 = arith.index_cast %get3A_350 : i32 to index
      %get3A_352 = arith.constant 16 : index
      %get3A_353 = tpu.vector_load %arg9[%get3A_351, %get3A_352] {strides = array<i32>} : memref<25x80xi32, #tpu.memory_space<vmem>>, vector<16xi32>,
      tpu.vector_store_idx %arg11[%get3A_353], %broadcast_in_dim3A_43 {add = true} : memref<10240xf32, #tpu.memory_space<vmem>>[vector<16xi32>], vector<16xf32>,
      %get3A_354 = arith.constant 24 : i32
      %get3A_355 = arith.index_cast %get3A_354 : i32 to index
      %get3A_356 = arith.constant 32 : index
      %get3A_357 = tpu.vector_load %arg9[%get3A_355, %get3A_356] {strides = array<i32>} : memref<25x80xi32, #tpu.memory_space<vmem>>, vector<16xi32>,
      tpu.vector_store_idx %arg11[%get3A_357], %broadcast_in_dim3A_43 {add = true} : memref<10240xf32, #tpu.memory_space<vmem>>[vector<16xi32>], vector<16xf32>,
      %get3A_358 = arith.constant 24 : i32
      %get3A_359 = arith.index_cast %get3A_358 : i32 to index
      %get3A_360 = arith.constant 48 : index
      %get3A_361 = tpu.vector_load %arg9[%get3A_359, %get3A_360] {strides = array<i32>} : memref<25x80xi32, #tpu.memory_space<vmem>>, vector<16xi32>,
      tpu.vector_store_idx %arg11[%get3A_361], %broadcast_in_dim3A_43 {add = true} : memref<10240xf32, #tpu.memory_space<vmem>>[vector<16xi32>], vector<16xf32>,
      %get3A_362 = arith.constant 24 : i32
      %get3A_363 = arith.index_cast %get3A_362 : i32 to index
      %get3A_364 = arith.constant 64 : index
      %get3A_365 = tpu.vector_load %arg9[%get3A_363, %get3A_364] {strides = array<i32>} : memref<25x80xi32, #tpu.memory_space<vmem>>, vector<16xi32>,
      tpu.vector_store_idx %arg11[%get3A_365], %broadcast_in_dim3A_43 {add = true} : memref<10240xf32, #tpu.memory_space<vmem>>[vector<16xi32>], vector<16xf32>,
    }
    %scan3A_47 = arith.constant 5 : i32
    %barrier3A_48 = arith.constant 0 : index
    tpu.barrier barrier_id(%barrier3A_48)
    %mul3A_49 = arith.constant 640 : i32
    %mul3A_50 = arith.muli %arg1, %mul3A_49 : i32
    %add3A_51 = arith.constant 0 : i32
    %add3A_52 = arith.addi %mul3A_50, %add3A_51 : i32
    %run_scoped3A_53 = arith.constant 0 : i32
    "tpu.region"() ({
      %run_scoped3A_330 = tpu.sem_alloc : memref<!tpu.dma_semaphore, #tpu.memory_space<semaphore_mem>>
      %dma_start3A_331 = arith.constant 0 : i32
      %dma_start3A_332 = arith.constant 0 : i32
      %dma_start3A_333 = tpu.memref_slice %arg10[%run_scoped3A_53, %dma_start3A_331, %dma_start3A_332] : memref<3x80x128xf32, #tpu.memory_space<vmem>> -> memref<1x80x128xf32, #tpu.memory_space<vmem>>
      %dma_start3A_334 = tpu.memref_squeeze %dma_start3A_333 : memref<1x80x128xf32, #tpu.memory_space<vmem>> -> memref<80x128xf32, #tpu.memory_space<vmem>>
      %dma_start3A_335 = arith.constant 0 : i32
      %dma_start3A_336 = tpu.memref_slice %arg8[%add3A_52, %dma_start3A_335] : memref<10240x128xf32, #tpu.memory_space<vmem_shared>> -> memref<80x128xf32, #tpu.memory_space<vmem_shared>>
      %dma_start3A_337 = arith.constant 0 : i32
      %dma_start3A_338 = arith.constant 0 : i32
      %dma_start3A_339 = tpu.memref_slice %arg10[%run_scoped3A_53, %dma_start3A_337, %dma_start3A_338] : memref<3x80x128xf32, #tpu.memory_space<vmem>> -> memref<1x80x128xf32, #tpu.memory_space<vmem>>
      %dma_start3A_340 = tpu.memref_squeeze %dma_start3A_339 : memref<1x80x128xf32, #tpu.memory_space<vmem>> -> memref<80x128xf32, #tpu.memory_space<vmem>>
      %dma_start3A_341 = arith.constant 0 : i32
      %dma_start3A_342 = tpu.memref_slice %arg8[%add3A_52, %dma_start3A_341] : memref<10240x128xf32, #tpu.memory_space<vmem_shared>> -> memref<80x128xf32, #tpu.memory_space<vmem_shared>>
      tpu.enqueue_dma source(%dma_start3A_342 : memref<80x128xf32, #tpu.memory_space<vmem_shared>>) target(%dma_start3A_340 : memref<80x128xf32, #tpu.memory_space<vmem>>) target_semaphore(%run_scoped3A_330 : memref<!tpu.dma_semaphore, #tpu.memory_space<semaphore_mem>>)
      %dma_wait3A_343 = arith.constant 0 : i32
      %dma_wait3A_344 = arith.constant 0 : i32
      %dma_wait3A_345 = tpu.memref_slice %arg10[%run_scoped3A_53, %dma_wait3A_343, %dma_wait3A_344] : memref<3x80x128xf32, #tpu.memory_space<vmem>> -> memref<1x80x128xf32, #tpu.memory_space<vmem>>
      %dma_wait3A_346 = tpu.memref_squeeze %dma_wait3A_345 : memref<1x80x128xf32, #tpu.memory_space<vmem>> -> memref<80x128xf32, #tpu.memory_space<vmem>>
      %dma_wait3A_347 = arith.constant 0 : i32
      %dma_wait3A_348 = tpu.memref_slice %arg8[%add3A_52, %dma_wait3A_347] : memref<10240x128xf32, #tpu.memory_space<vmem_shared>> -> memref<80x128xf32, #tpu.memory_space<vmem_shared>>
      %dma_wait3A_349 = arith.constant 0 : i32
      %dma_wait3A_350 = arith.constant 0 : i32
      %dma_wait3A_351 = tpu.memref_slice %arg10[%run_scoped3A_53, %dma_wait3A_349, %dma_wait3A_350] : memref<3x80x128xf32, #tpu.memory_space<vmem>> -> memref<1x80x128xf32, #tpu.memory_space<vmem>>
      %dma_wait3A_352 = tpu.memref_squeeze %dma_wait3A_351 : memref<1x80x128xf32, #tpu.memory_space<vmem>> -> memref<80x128xf32, #tpu.memory_space<vmem>>
      %dma_wait3A_353 = arith.constant 0 : i32
      %dma_wait3A_354 = tpu.memref_slice %arg8[%add3A_52, %dma_wait3A_353] : memref<10240x128xf32, #tpu.memory_space<vmem_shared>> -> memref<80x128xf32, #tpu.memory_space<vmem_shared>>
      tpu.wait_dma2 semaphore(%run_scoped3A_330 : memref<!tpu.dma_semaphore, #tpu.memory_space<semaphore_mem>>) src(%dma_wait3A_354 : memref<80x128xf32, #tpu.memory_space<vmem_shared>>) dst(%dma_wait3A_352 : memref<80x128xf32, #tpu.memory_space<vmem>>)
      tpu.yield
    }) : () -> ()
    %dma_start3A = arith.constant 0 : i32
    %dma_start3A_54 = arith.constant 0 : i32
    %dma_start3A_55 = arith.constant 0 : i32
    %dma_start3A_56 = tpu.memref_slice %arg10[%dma_start3A, %dma_start3A_54, %dma_start3A_55] : memref<3x80x128xf32, #tpu.memory_space<vmem>> -> memref<1x80x128xf32, #tpu.memory_space<vmem>>
    %dma_start3A_57 = tpu.memref_squeeze %dma_start3A_56 : memref<1x80x128xf32, #tpu.memory_space<vmem>> -> memref<80x128xf32, #tpu.memory_space<vmem>>
    %dma_start3A_58 = arith.constant 0 : i32
    %dma_start3A_59 = tpu.memref_slice %arg6[%arg0, %add3A_52, %dma_start3A_58] : memref<2x10240x128xf32, #tpu.memory_space<hbm>> -> memref<1x80x128xf32, #tpu.memory_space<hbm>>
    %dma_start3A_60 = tpu.memref_squeeze %dma_start3A_59 : memref<1x80x128xf32, #tpu.memory_space<hbm>> -> memref<80x128xf32, #tpu.memory_space<hbm>>
    %dma_start3A_61 = arith.constant 0 : i32
    %dma_start3A_62 = tpu.memref_slice %arg6[%arg0, %add3A_52, %dma_start3A_61] : memref<2x10240x128xf32, #tpu.memory_space<hbm>> -> memref<1x80x128xf32, #tpu.memory_space<hbm>>
    %dma_start3A_63 = tpu.memref_squeeze %dma_start3A_62 : memref<1x80x128xf32, #tpu.memory_space<hbm>> -> memref<80x128xf32, #tpu.memory_space<hbm>>
    %dma_start3A_64 = arith.constant 0 : i32
    %dma_start3A_65 = arith.constant 0 : i32
    %dma_start3A_66 = tpu.memref_slice %arg10[%dma_start3A, %dma_start3A_64, %dma_start3A_65] : memref<3x80x128xf32, #tpu.memory_space<vmem>> -> memref<1x80x128xf32, #tpu.memory_space<vmem>>
    %dma_start3A_67 = tpu.memref_squeeze %dma_start3A_66 : memref<1x80x128xf32, #tpu.memory_space<vmem>> -> memref<80x128xf32, #tpu.memory_space<vmem>>
    tpu.enqueue_dma source(%dma_start3A_67 : memref<80x128xf32, #tpu.memory_space<vmem>>) target(%dma_start3A_63 : memref<80x128xf32, #tpu.memory_space<hbm>>) target_semaphore(%arg13 : memref<!tpu.dma_semaphore, #tpu.memory_space<semaphore_mem>>)
    %mul3A_68 = arith.constant 640 : i32
    %mul3A_69 = arith.muli %arg1, %mul3A_68 : i32
    %add3A_70 = arith.constant 80 : i32
    %add3A_71 = arith.addi %mul3A_69, %add3A_70 : i32
    %run_scoped3A_72 = arith.constant 1 : i32
    "tpu.region"() ({
      %run_scoped3A_330 = tpu.sem_alloc : memref<!tpu.dma_semaphore, #tpu.memory_space<semaphore_mem>>
      %dma_start3A_331 = arith.constant 0 : i32
      %dma_start3A_332 = arith.constant 0 : i32
      %dma_start3A_333 = tpu.memref_slice %arg10[%run_scoped3A_72, %dma_start3A_331, %dma_start3A_332] : memref<3x80x128xf32, #tpu.memory_space<vmem>> -> memref<1x80x128xf32, #tpu.memory_space<vmem>>
      %dma_start3A_334 = tpu.memref_squeeze %dma_start3A_333 : memref<1x80x128xf32, #tpu.memory_space<vmem>> -> memref<80x128xf32, #tpu.memory_space<vmem>>
      %dma_start3A_335 = arith.constant 0 : i32
      %dma_start3A_336 = tpu.memref_slice %arg8[%add3A_71, %dma_start3A_335] : memref<10240x128xf32, #tpu.memory_space<vmem_shared>> -> memref<80x128xf32, #tpu.memory_space<vmem_shared>>
      %dma_start3A_337 = arith.constant 0 : i32
      %dma_start3A_338 = arith.constant 0 : i32
      %dma_start3A_339 = tpu.memref_slice %arg10[%run_scoped3A_72, %dma_start3A_337, %dma_start3A_338] : memref<3x80x128xf32, #tpu.memory_space<vmem>> -> memref<1x80x128xf32, #tpu.memory_space<vmem>>
      %dma_start3A_340 = tpu.memref_squeeze %dma_start3A_339 : memref<1x80x128xf32, #tpu.memory_space<vmem>> -> memref<80x128xf32, #tpu.memory_space<vmem>>
      %dma_start3A_341 = arith.constant 0 : i32
      %dma_start3A_342 = tpu.memref_slice %arg8[%add3A_71, %dma_start3A_341] : memref<10240x128xf32, #tpu.memory_space<vmem_shared>> -> memref<80x128xf32, #tpu.memory_space<vmem_shared>>
      tpu.enqueue_dma source(%dma_start3A_342 : memref<80x128xf32, #tpu.memory_space<vmem_shared>>) target(%dma_start3A_340 : memref<80x128xf32, #tpu.memory_space<vmem>>) target_semaphore(%run_scoped3A_330 : memref<!tpu.dma_semaphore, #tpu.memory_space<semaphore_mem>>)
      %dma_wait3A_343 = arith.constant 0 : i32
      %dma_wait3A_344 = arith.constant 0 : i32
      %dma_wait3A_345 = tpu.memref_slice %arg10[%run_scoped3A_72, %dma_wait3A_343, %dma_wait3A_344] : memref<3x80x128xf32, #tpu.memory_space<vmem>> -> memref<1x80x128xf32, #tpu.memory_space<vmem>>
      %dma_wait3A_346 = tpu.memref_squeeze %dma_wait3A_345 : memref<1x80x128xf32, #tpu.memory_space<vmem>> -> memref<80x128xf32, #tpu.memory_space<vmem>>
      %dma_wait3A_347 = arith.constant 0 : i32
      %dma_wait3A_348 = tpu.memref_slice %arg8[%add3A_71, %dma_wait3A_347] : memref<10240x128xf32, #tpu.memory_space<vmem_shared>> -> memref<80x128xf32, #tpu.memory_space<vmem_shared>>
      %dma_wait3A_349 = arith.constant 0 : i32
      %dma_wait3A_350 = arith.constant 0 : i32
      %dma_wait3A_351 = tpu.memref_slice %arg10[%run_scoped3A_72, %dma_wait3A_349, %dma_wait3A_350] : memref<3x80x128xf32, #tpu.memory_space<vmem>> -> memref<1x80x128xf32, #tpu.memory_space<vmem>>
      %dma_wait3A_352 = tpu.memref_squeeze %dma_wait3A_351 : memref<1x80x128xf32, #tpu.memory_space<vmem>> -> memref<80x128xf32, #tpu.memory_space<vmem>>
      %dma_wait3A_353 = arith.constant 0 : i32
      %dma_wait3A_354 = tpu.memref_slice %arg8[%add3A_71, %dma_wait3A_353] : memref<10240x128xf32, #tpu.memory_space<vmem_shared>> -> memref<80x128xf32, #tpu.memory_space<vmem_shared>>
      tpu.wait_dma2 semaphore(%run_scoped3A_330 : memref<!tpu.dma_semaphore, #tpu.memory_space<semaphore_mem>>) src(%dma_wait3A_354 : memref<80x128xf32, #tpu.memory_space<vmem_shared>>) dst(%dma_wait3A_352 : memref<80x128xf32, #tpu.memory_space<vmem>>)
      tpu.yield
    }) : () -> ()
    %dma_start3A_73 = arith.constant 1 : i32
    %dma_start3A_74 = arith.constant 0 : i32
    %dma_start3A_75 = arith.constant 0 : i32
    %dma_start3A_76 = tpu.memref_slice %arg10[%dma_start3A_73, %dma_start3A_74, %dma_start3A_75] : memref<3x80x128xf32, #tpu.memory_space<vmem>> -> memref<1x80x128xf32, #tpu.memory_space<vmem>>
    %dma_start3A_77 = tpu.memref_squeeze %dma_start3A_76 : memref<1x80x128xf32, #tpu.memory_space<vmem>> -> memref<80x128xf32, #tpu.memory_space<vmem>>
    %dma_start3A_78 = arith.constant 0 : i32
    %dma_start3A_79 = tpu.memref_slice %arg6[%arg0, %add3A_71, %dma_start3A_78] : memref<2x10240x128xf32, #tpu.memory_space<hbm>> -> memref<1x80x128xf32, #tpu.memory_space<hbm>>
    %dma_start3A_80 = tpu.memref_squeeze %dma_start3A_79 : memref<1x80x128xf32, #tpu.memory_space<hbm>> -> memref<80x128xf32, #tpu.memory_space<hbm>>
    %dma_start3A_81 = arith.constant 0 : i32
    %dma_start3A_82 = tpu.memref_slice %arg6[%arg0, %add3A_71, %dma_start3A_81] : memref<2x10240x128xf32, #tpu.memory_space<hbm>> -> memref<1x80x128xf32, #tpu.memory_space<hbm>>
    %dma_start3A_83 = tpu.memref_squeeze %dma_start3A_82 : memref<1x80x128xf32, #tpu.memory_space<hbm>> -> memref<80x128xf32, #tpu.memory_space<hbm>>
    %dma_start3A_84 = arith.constant 0 : i32
    %dma_start3A_85 = arith.constant 0 : i32
    %dma_start3A_86 = tpu.memref_slice %arg10[%dma_start3A_73, %dma_start3A_84, %dma_start3A_85] : memref<3x80x128xf32, #tpu.memory_space<vmem>> -> memref<1x80x128xf32, #tpu.memory_space<vmem>>
    %dma_start3A_87 = tpu.memref_squeeze %dma_start3A_86 : memref<1x80x128xf32, #tpu.memory_space<vmem>> -> memref<80x128xf32, #tpu.memory_space<vmem>>
    tpu.enqueue_dma source(%dma_start3A_87 : memref<80x128xf32, #tpu.memory_space<vmem>>) target(%dma_start3A_83 : memref<80x128xf32, #tpu.memory_space<hbm>>) target_semaphore(%arg13 : memref<!tpu.dma_semaphore, #tpu.memory_space<semaphore_mem>>)
    %mul3A_88 = arith.constant 640 : i32
    %mul3A_89 = arith.muli %arg1, %mul3A_88 : i32
    %add3A_90 = arith.constant 160 : i32
    %add3A_91 = arith.addi %mul3A_89, %add3A_90 : i32
    %run_scoped3A_92 = arith.constant 2 : i32
    "tpu.region"() ({
      %run_scoped3A_330 = tpu.sem_alloc : memref<!tpu.dma_semaphore, #tpu.memory_space<semaphore_mem>>
      %dma_start3A_331 = arith.constant 0 : i32
      %dma_start3A_332 = arith.constant 0 : i32
      %dma_start3A_333 = tpu.memref_slice %arg10[%run_scoped3A_92, %dma_start3A_331, %dma_start3A_332] : memref<3x80x128xf32, #tpu.memory_space<vmem>> -> memref<1x80x128xf32, #tpu.memory_space<vmem>>
      %dma_start3A_334 = tpu.memref_squeeze %dma_start3A_333 : memref<1x80x128xf32, #tpu.memory_space<vmem>> -> memref<80x128xf32, #tpu.memory_space<vmem>>
      %dma_start3A_335 = arith.constant 0 : i32
      %dma_start3A_336 = tpu.memref_slice %arg8[%add3A_91, %dma_start3A_335] : memref<10240x128xf32, #tpu.memory_space<vmem_shared>> -> memref<80x128xf32, #tpu.memory_space<vmem_shared>>
      %dma_start3A_337 = arith.constant 0 : i32
      %dma_start3A_338 = arith.constant 0 : i32
      %dma_start3A_339 = tpu.memref_slice %arg10[%run_scoped3A_92, %dma_start3A_337, %dma_start3A_338] : memref<3x80x128xf32, #tpu.memory_space<vmem>> -> memref<1x80x128xf32, #tpu.memory_space<vmem>>
      %dma_start3A_340 = tpu.memref_squeeze %dma_start3A_339 : memref<1x80x128xf32, #tpu.memory_space<vmem>> -> memref<80x128xf32, #tpu.memory_space<vmem>>
      %dma_start3A_341 = arith.constant 0 : i32
      %dma_start3A_342 = tpu.memref_slice %arg8[%add3A_91, %dma_start3A_341] : memref<10240x128xf32, #tpu.memory_space<vmem_shared>> -> memref<80x128xf32, #tpu.memory_space<vmem_shared>>
      tpu.enqueue_dma source(%dma_start3A_342 : memref<80x128xf32, #tpu.memory_space<vmem_shared>>) target(%dma_start3A_340 : memref<80x128xf32, #tpu.memory_space<vmem>>) target_semaphore(%run_scoped3A_330 : memref<!tpu.dma_semaphore, #tpu.memory_space<semaphore_mem>>)
      %dma_wait3A_343 = arith.constant 0 : i32
      %dma_wait3A_344 = arith.constant 0 : i32
      %dma_wait3A_345 = tpu.memref_slice %arg10[%run_scoped3A_92, %dma_wait3A_343, %dma_wait3A_344] : memref<3x80x128xf32, #tpu.memory_space<vmem>> -> memref<1x80x128xf32, #tpu.memory_space<vmem>>
      %dma_wait3A_346 = tpu.memref_squeeze %dma_wait3A_345 : memref<1x80x128xf32, #tpu.memory_space<vmem>> -> memref<80x128xf32, #tpu.memory_space<vmem>>
      %dma_wait3A_347 = arith.constant 0 : i32
      %dma_wait3A_348 = tpu.memref_slice %arg8[%add3A_91, %dma_wait3A_347] : memref<10240x128xf32, #tpu.memory_space<vmem_shared>> -> memref<80x128xf32, #tpu.memory_space<vmem_shared>>
      %dma_wait3A_349 = arith.constant 0 : i32
      %dma_wait3A_350 = arith.constant 0 : i32
      %dma_wait3A_351 = tpu.memref_slice %arg10[%run_scoped3A_92, %dma_wait3A_349, %dma_wait3A_350] : memref<3x80x128xf32, #tpu.memory_space<vmem>> -> memref<1x80x128xf32, #tpu.memory_space<vmem>>
      %dma_wait3A_352 = tpu.memref_squeeze %dma_wait3A_351 : memref<1x80x128xf32, #tpu.memory_space<vmem>> -> memref<80x128xf32, #tpu.memory_space<vmem>>
      %dma_wait3A_353 = arith.constant 0 : i32
      %dma_wait3A_354 = tpu.memref_slice %arg8[%add3A_91, %dma_wait3A_353] : memref<10240x128xf32, #tpu.memory_space<vmem_shared>> -> memref<80x128xf32, #tpu.memory_space<vmem_shared>>
      tpu.wait_dma2 semaphore(%run_scoped3A_330 : memref<!tpu.dma_semaphore, #tpu.memory_space<semaphore_mem>>) src(%dma_wait3A_354 : memref<80x128xf32, #tpu.memory_space<vmem_shared>>) dst(%dma_wait3A_352 : memref<80x128xf32, #tpu.memory_space<vmem>>)
      tpu.yield
    }) : () -> ()
    %dma_start3A_93 = arith.constant 2 : i32
    %dma_start3A_94 = arith.constant 0 : i32
    %dma_start3A_95 = arith.constant 0 : i32
    %dma_start3A_96 = tpu.memref_slice %arg10[%dma_start3A_93, %dma_start3A_94, %dma_start3A_95] : memref<3x80x128xf32, #tpu.memory_space<vmem>> -> memref<1x80x128xf32, #tpu.memory_space<vmem>>
    %dma_start3A_97 = tpu.memref_squeeze %dma_start3A_96 : memref<1x80x128xf32, #tpu.memory_space<vmem>> -> memref<80x128xf32, #tpu.memory_space<vmem>>
    %dma_start3A_98 = arith.constant 0 : i32
    %dma_start3A_99 = tpu.memref_slice %arg6[%arg0, %add3A_91, %dma_start3A_98] : memref<2x10240x128xf32, #tpu.memory_space<hbm>> -> memref<1x80x128xf32, #tpu.memory_space<hbm>>
    %dma_start3A_100 = tpu.memref_squeeze %dma_start3A_99 : memref<1x80x128xf32, #tpu.memory_space<hbm>> -> memref<80x128xf32, #tpu.memory_space<hbm>>
    %dma_start3A_101 = arith.constant 0 : i32
    %dma_start3A_102 = tpu.memref_slice %arg6[%arg0, %add3A_91, %dma_start3A_101] : memref<2x10240x128xf32, #tpu.memory_space<hbm>> -> memref<1x80x128xf32, #tpu.memory_space<hbm>>
    %dma_start3A_103 = tpu.memref_squeeze %dma_start3A_102 : memref<1x80x128xf32, #tpu.memory_space<hbm>> -> memref<80x128xf32, #tpu.memory_space<hbm>>
    %dma_start3A_104 = arith.constant 0 : i32
    %dma_start3A_105 = arith.constant 0 : i32
    %dma_start3A_106 = tpu.memref_slice %arg10[%dma_start3A_93, %dma_start3A_104, %dma_start3A_105] : memref<3x80x128xf32, #tpu.memory_space<vmem>> -> memref<1x80x128xf32, #tpu.memory_space<vmem>>
    %dma_start3A_107 = tpu.memref_squeeze %dma_start3A_106 : memref<1x80x128xf32, #tpu.memory_space<vmem>> -> memref<80x128xf32, #tpu.memory_space<vmem>>
    tpu.enqueue_dma source(%dma_start3A_107 : memref<80x128xf32, #tpu.memory_space<vmem>>) target(%dma_start3A_103 : memref<80x128xf32, #tpu.memory_space<hbm>>) target_semaphore(%arg13 : memref<!tpu.dma_semaphore, #tpu.memory_space<semaphore_mem>>)
    %dma_wait3A = arith.constant 0 : i32
    %dma_wait3A_108 = arith.constant 0 : i32
    %dma_wait3A_109 = arith.constant 0 : i32
    %dma_wait3A_110 = tpu.memref_slice %arg10[%dma_wait3A, %dma_wait3A_108, %dma_wait3A_109] : memref<3x80x128xf32, #tpu.memory_space<vmem>> -> memref<1x80x128xf32, #tpu.memory_space<vmem>>
    %dma_wait3A_111 = tpu.memref_squeeze %dma_wait3A_110 : memref<1x80x128xf32, #tpu.memory_space<vmem>> -> memref<80x128xf32, #tpu.memory_space<vmem>>
    %dma_wait3A_112 = arith.constant 0 : i32
    %dma_wait3A_113 = tpu.memref_slice %arg6[%arg0, %add3A_52, %dma_wait3A_112] : memref<2x10240x128xf32, #tpu.memory_space<hbm>> -> memref<1x80x128xf32, #tpu.memory_space<hbm>>
    %dma_wait3A_114 = tpu.memref_squeeze %dma_wait3A_113 : memref<1x80x128xf32, #tpu.memory_space<hbm>> -> memref<80x128xf32, #tpu.memory_space<hbm>>
    %dma_wait3A_115 = arith.constant 0 : i32
    %dma_wait3A_116 = tpu.memref_slice %arg6[%arg0, %add3A_52, %dma_wait3A_115] : memref<2x10240x128xf32, #tpu.memory_space<hbm>> -> memref<1x80x128xf32, #tpu.memory_space<hbm>>
    %dma_wait3A_117 = tpu.memref_squeeze %dma_wait3A_116 : memref<1x80x128xf32, #tpu.memory_space<hbm>> -> memref<80x128xf32, #tpu.memory_space<hbm>>
    %dma_wait3A_118 = arith.constant 0 : i32
    %dma_wait3A_119 = arith.constant 0 : i32
    %dma_wait3A_120 = tpu.memref_slice %arg10[%dma_wait3A, %dma_wait3A_118, %dma_wait3A_119] : memref<3x80x128xf32, #tpu.memory_space<vmem>> -> memref<1x80x128xf32, #tpu.memory_space<vmem>>
    %dma_wait3A_121 = tpu.memref_squeeze %dma_wait3A_120 : memref<1x80x128xf32, #tpu.memory_space<vmem>> -> memref<80x128xf32, #tpu.memory_space<vmem>>
    tpu.wait_dma2 semaphore(%arg13 : memref<!tpu.dma_semaphore, #tpu.memory_space<semaphore_mem>>) src(%dma_wait3A_121 : memref<80x128xf32, #tpu.memory_space<vmem>>) dst(%dma_wait3A_117 : memref<80x128xf32, #tpu.memory_space<hbm>>)
    %dma_wait3A_122 = arith.constant 1 : i32
    %dma_wait3A_123 = arith.constant 0 : i32
    %dma_wait3A_124 = arith.constant 0 : i32
    %dma_wait3A_125 = tpu.memref_slice %arg10[%dma_wait3A_122, %dma_wait3A_123, %dma_wait3A_124] : memref<3x80x128xf32, #tpu.memory_space<vmem>> -> memref<1x80x128xf32, #tpu.memory_space<vmem>>
    %dma_wait3A_126 = tpu.memref_squeeze %dma_wait3A_125 : memref<1x80x128xf32, #tpu.memory_space<vmem>> -> memref<80x128xf32, #tpu.memory_space<vmem>>
    %dma_wait3A_127 = arith.constant 0 : i32
    %dma_wait3A_128 = tpu.memref_slice %arg6[%arg0, %add3A_71, %dma_wait3A_127] : memref<2x10240x128xf32, #tpu.memory_space<hbm>> -> memref<1x80x128xf32, #tpu.memory_space<hbm>>
    %dma_wait3A_129 = tpu.memref_squeeze %dma_wait3A_128 : memref<1x80x128xf32, #tpu.memory_space<hbm>> -> memref<80x128xf32, #tpu.memory_space<hbm>>
    %dma_wait3A_130 = arith.constant 0 : i32
    %dma_wait3A_131 = tpu.memref_slice %arg6[%arg0, %add3A_71, %dma_wait3A_130] : memref<2x10240x128xf32, #tpu.memory_space<hbm>> -> memref<1x80x128xf32, #tpu.memory_space<hbm>>
    %dma_wait3A_132 = tpu.memref_squeeze %dma_wait3A_131 : memref<1x80x128xf32, #tpu.memory_space<hbm>> -> memref<80x128xf32, #tpu.memory_space<hbm>>
    %dma_wait3A_133 = arith.constant 0 : i32
    %dma_wait3A_134 = arith.constant 0 : i32
    %dma_wait3A_135 = tpu.memref_slice %arg10[%dma_wait3A_122, %dma_wait3A_133, %dma_wait3A_134] : memref<3x80x128xf32, #tpu.memory_space<vmem>> -> memref<1x80x128xf32, #tpu.memory_space<vmem>>
    %dma_wait3A_136 = tpu.memref_squeeze %dma_wait3A_135 : memref<1x80x128xf32, #tpu.memory_space<vmem>> -> memref<80x128xf32, #tpu.memory_space<vmem>>
    tpu.wait_dma2 semaphore(%arg13 : memref<!tpu.dma_semaphore, #tpu.memory_space<semaphore_mem>>) src(%dma_wait3A_136 : memref<80x128xf32, #tpu.memory_space<vmem>>) dst(%dma_wait3A_132 : memref<80x128xf32, #tpu.memory_space<hbm>>)
    %dma_wait3A_137 = arith.constant 2 : i32
    %dma_wait3A_138 = arith.constant 0 : i32
    %dma_wait3A_139 = arith.constant 0 : i32
    %dma_wait3A_140 = tpu.memref_slice %arg10[%dma_wait3A_137, %dma_wait3A_138, %dma_wait3A_139] : memref<3x80x128xf32, #tpu.memory_space<vmem>> -> memref<1x80x128xf32, #tpu.memory_space<vmem>>
    %dma_wait3A_141 = tpu.memref_squeeze %dma_wait3A_140 : memref<1x80x128xf32, #tpu.memory_space<vmem>> -> memref<80x128xf32, #tpu.memory_space<vmem>>
    %dma_wait3A_142 = arith.constant 0 : i32
    %dma_wait3A_143 = tpu.memref_slice %arg6[%arg0, %add3A_91, %dma_wait3A_142] : memref<2x10240x128xf32, #tpu.memory_space<hbm>> -> memref<1x80x128xf32, #tpu.memory_space<hbm>>
    %dma_wait3A_144 = tpu.memref_squeeze %dma_wait3A_143 : memref<1x80x128xf32, #tpu.memory_space<hbm>> -> memref<80x128xf32, #tpu.memory_space<hbm>>
    %dma_wait3A_145 = arith.constant 0 : i32
    %dma_wait3A_146 = tpu.memref_slice %arg6[%arg0, %add3A_91, %dma_wait3A_145] : memref<2x10240x128xf32, #tpu.memory_space<hbm>> -> memref<1x80x128xf32, #tpu.memory_space<hbm>>
    %dma_wait3A_147 = tpu.memref_squeeze %dma_wait3A_146 : memref<1x80x128xf32, #tpu.memory_space<hbm>> -> memref<80x128xf32, #tpu.memory_space<hbm>>
    %dma_wait3A_148 = arith.constant 0 : i32
    %dma_wait3A_149 = arith.constant 0 : i32
    %dma_wait3A_150 = tpu.memref_slice %arg10[%dma_wait3A_137, %dma_wait3A_148, %dma_wait3A_149] : memref<3x80x128xf32, #tpu.memory_space<vmem>> -> memref<1x80x128xf32, #tpu.memory_space<vmem>>
    %dma_wait3A_151 = tpu.memref_squeeze %dma_wait3A_150 : memref<1x80x128xf32, #tpu.memory_space<vmem>> -> memref<80x128xf32, #tpu.memory_space<vmem>>
    tpu.wait_dma2 semaphore(%arg13 : memref<!tpu.dma_semaphore, #tpu.memory_space<semaphore_mem>>) src(%dma_wait3A_151 : memref<80x128xf32, #tpu.memory_space<vmem>>) dst(%dma_wait3A_147 : memref<80x128xf32, #tpu.memory_space<hbm>>)
    %mul3A_152 = arith.constant 640 : i32
    %mul3A_153 = arith.muli %arg1, %mul3A_152 : i32
    %add3A_154 = arith.constant 240 : i32
    %add3A_155 = arith.addi %mul3A_153, %add3A_154 : i32
    %run_scoped3A_156 = arith.constant 0 : i32
    "tpu.region"() ({
      %run_scoped3A_330 = tpu.sem_alloc : memref<!tpu.dma_semaphore, #tpu.memory_space<semaphore_mem>>
      %dma_start3A_331 = arith.constant 0 : i32
      %dma_start3A_332 = arith.constant 0 : i32
      %dma_start3A_333 = tpu.memref_slice %arg10[%run_scoped3A_156, %dma_start3A_331, %dma_start3A_332] : memref<3x80x128xf32, #tpu.memory_space<vmem>> -> memref<1x80x128xf32, #tpu.memory_space<vmem>>
      %dma_start3A_334 = tpu.memref_squeeze %dma_start3A_333 : memref<1x80x128xf32, #tpu.memory_space<vmem>> -> memref<80x128xf32, #tpu.memory_space<vmem>>
      %dma_start3A_335 = arith.constant 0 : i32
      %dma_start3A_336 = tpu.memref_slice %arg8[%add3A_155, %dma_start3A_335] : memref<10240x128xf32, #tpu.memory_space<vmem_shared>> -> memref<80x128xf32, #tpu.memory_space<vmem_shared>>
      %dma_start3A_337 = arith.constant 0 : i32
      %dma_start3A_338 = arith.constant 0 : i32
      %dma_start3A_339 = tpu.memref_slice %arg10[%run_scoped3A_156, %dma_start3A_337, %dma_start3A_338] : memref<3x80x128xf32, #tpu.memory_space<vmem>> -> memref<1x80x128xf32, #tpu.memory_space<vmem>>
      %dma_start3A_340 = tpu.memref_squeeze %dma_start3A_339 : memref<1x80x128xf32, #tpu.memory_space<vmem>> -> memref<80x128xf32, #tpu.memory_space<vmem>>
      %dma_start3A_341 = arith.constant 0 : i32
      %dma_start3A_342 = tpu.memref_slice %arg8[%add3A_155, %dma_start3A_341] : memref<10240x128xf32, #tpu.memory_space<vmem_shared>> -> memref<80x128xf32, #tpu.memory_space<vmem_shared>>
      tpu.enqueue_dma source(%dma_start3A_342 : memref<80x128xf32, #tpu.memory_space<vmem_shared>>) target(%dma_start3A_340 : memref<80x128xf32, #tpu.memory_space<vmem>>) target_semaphore(%run_scoped3A_330 : memref<!tpu.dma_semaphore, #tpu.memory_space<semaphore_mem>>)
      %dma_wait3A_343 = arith.constant 0 : i32
      %dma_wait3A_344 = arith.constant 0 : i32
      %dma_wait3A_345 = tpu.memref_slice %arg10[%run_scoped3A_156, %dma_wait3A_343, %dma_wait3A_344] : memref<3x80x128xf32, #tpu.memory_space<vmem>> -> memref<1x80x128xf32, #tpu.memory_space<vmem>>
      %dma_wait3A_346 = tpu.memref_squeeze %dma_wait3A_345 : memref<1x80x128xf32, #tpu.memory_space<vmem>> -> memref<80x128xf32, #tpu.memory_space<vmem>>
      %dma_wait3A_347 = arith.constant 0 : i32
      %dma_wait3A_348 = tpu.memref_slice %arg8[%add3A_155, %dma_wait3A_347] : memref<10240x128xf32, #tpu.memory_space<vmem_shared>> -> memref<80x128xf32, #tpu.memory_space<vmem_shared>>
      %dma_wait3A_349 = arith.constant 0 : i32
      %dma_wait3A_350 = arith.constant 0 : i32
      %dma_wait3A_351 = tpu.memref_slice %arg10[%run_scoped3A_156, %dma_wait3A_349, %dma_wait3A_350] : memref<3x80x128xf32, #tpu.memory_space<vmem>> -> memref<1x80x128xf32, #tpu.memory_space<vmem>>
      %dma_wait3A_352 = tpu.memref_squeeze %dma_wait3A_351 : memref<1x80x128xf32, #tpu.memory_space<vmem>> -> memref<80x128xf32, #tpu.memory_space<vmem>>
      %dma_wait3A_353 = arith.constant 0 : i32
      %dma_wait3A_354 = tpu.memref_slice %arg8[%add3A_155, %dma_wait3A_353] : memref<10240x128xf32, #tpu.memory_space<vmem_shared>> -> memref<80x128xf32, #tpu.memory_space<vmem_shared>>
      tpu.wait_dma2 semaphore(%run_scoped3A_330 : memref<!tpu.dma_semaphore, #tpu.memory_space<semaphore_mem>>) src(%dma_wait3A_354 : memref<80x128xf32, #tpu.memory_space<vmem_shared>>) dst(%dma_wait3A_352 : memref<80x128xf32, #tpu.memory_space<vmem>>)
      tpu.yield
    }) : () -> ()
    %dma_start3A_157 = arith.constant 0 : i32
    %dma_start3A_158 = arith.constant 0 : i32
    %dma_start3A_159 = arith.constant 0 : i32
    %dma_start3A_160 = tpu.memref_slice %arg10[%dma_start3A_157, %dma_start3A_158, %dma_start3A_159] : memref<3x80x128xf32, #tpu.memory_space<vmem>> -> memref<1x80x128xf32, #tpu.memory_space<vmem>>
    %dma_start3A_161 = tpu.memref_squeeze %dma_start3A_160 : memref<1x80x128xf32, #tpu.memory_space<vmem>> -> memref<80x128xf32, #tpu.memory_space<vmem>>
    %dma_start3A_162 = arith.constant 0 : i32
    %dma_start3A_163 = tpu.memref_slice %arg6[%arg0, %add3A_155, %dma_start3A_162] : memref<2x10240x128xf32, #tpu.memory_space<hbm>> -> memref<1x80x128xf32, #tpu.memory_space<hbm>>
    %dma_start3A_164 = tpu.memref_squeeze %dma_start3A_163 : memref<1x80x128xf32, #tpu.memory_space<hbm>> -> memref<80x128xf32, #tpu.memory_space<hbm>>
    %dma_start3A_165 = arith.constant 0 : i32
    %dma_start3A_166 = tpu.memref_slice %arg6[%arg0, %add3A_155, %dma_start3A_165] : memref<2x10240x128xf32, #tpu.memory_space<hbm>> -> memref<1x80x128xf32, #tpu.memory_space<hbm>>
    %dma_start3A_167 = tpu.memref_squeeze %dma_start3A_166 : memref<1x80x128xf32, #tpu.memory_space<hbm>> -> memref<80x128xf32, #tpu.memory_space<hbm>>
    %dma_start3A_168 = arith.constant 0 : i32
    %dma_start3A_169 = arith.constant 0 : i32
    %dma_start3A_170 = tpu.memref_slice %arg10[%dma_start3A_157, %dma_start3A_168, %dma_start3A_169] : memref<3x80x128xf32, #tpu.memory_space<vmem>> -> memref<1x80x128xf32, #tpu.memory_space<vmem>>
    %dma_start3A_171 = tpu.memref_squeeze %dma_start3A_170 : memref<1x80x128xf32, #tpu.memory_space<vmem>> -> memref<80x128xf32, #tpu.memory_space<vmem>>
    tpu.enqueue_dma source(%dma_start3A_171 : memref<80x128xf32, #tpu.memory_space<vmem>>) target(%dma_start3A_167 : memref<80x128xf32, #tpu.memory_space<hbm>>) target_semaphore(%arg13 : memref<!tpu.dma_semaphore, #tpu.memory_space<semaphore_mem>>)
    %mul3A_172 = arith.constant 640 : i32
    %mul3A_173 = arith.muli %arg1, %mul3A_172 : i32
    %add3A_174 = arith.constant 320 : i32
    %add3A_175 = arith.addi %mul3A_173, %add3A_174 : i32
    %run_scoped3A_176 = arith.constant 1 : i32
    "tpu.region"() ({
      %run_scoped3A_330 = tpu.sem_alloc : memref<!tpu.dma_semaphore, #tpu.memory_space<semaphore_mem>>
      %dma_start3A_331 = arith.constant 0 : i32
      %dma_start3A_332 = arith.constant 0 : i32
      %dma_start3A_333 = tpu.memref_slice %arg10[%run_scoped3A_176, %dma_start3A_331, %dma_start3A_332] : memref<3x80x128xf32, #tpu.memory_space<vmem>> -> memref<1x80x128xf32, #tpu.memory_space<vmem>>
      %dma_start3A_334 = tpu.memref_squeeze %dma_start3A_333 : memref<1x80x128xf32, #tpu.memory_space<vmem>> -> memref<80x128xf32, #tpu.memory_space<vmem>>
      %dma_start3A_335 = arith.constant 0 : i32
      %dma_start3A_336 = tpu.memref_slice %arg8[%add3A_175, %dma_start3A_335] : memref<10240x128xf32, #tpu.memory_space<vmem_shared>> -> memref<80x128xf32, #tpu.memory_space<vmem_shared>>
      %dma_start3A_337 = arith.constant 0 : i32
      %dma_start3A_338 = arith.constant 0 : i32
      %dma_start3A_339 = tpu.memref_slice %arg10[%run_scoped3A_176, %dma_start3A_337, %dma_start3A_338] : memref<3x80x128xf32, #tpu.memory_space<vmem>> -> memref<1x80x128xf32, #tpu.memory_space<vmem>>
      %dma_start3A_340 = tpu.memref_squeeze %dma_start3A_339 : memref<1x80x128xf32, #tpu.memory_space<vmem>> -> memref<80x128xf32, #tpu.memory_space<vmem>>
      %dma_start3A_341 = arith.constant 0 : i32
      %dma_start3A_342 = tpu.memref_slice %arg8[%add3A_175, %dma_start3A_341] : memref<10240x128xf32, #tpu.memory_space<vmem_shared>> -> memref<80x128xf32, #tpu.memory_space<vmem_shared>>
      tpu.enqueue_dma source(%dma_start3A_342 : memref<80x128xf32, #tpu.memory_space<vmem_shared>>) target(%dma_start3A_340 : memref<80x128xf32, #tpu.memory_space<vmem>>) target_semaphore(%run_scoped3A_330 : memref<!tpu.dma_semaphore, #tpu.memory_space<semaphore_mem>>)
      %dma_wait3A_343 = arith.constant 0 : i32
      %dma_wait3A_344 = arith.constant 0 : i32
      %dma_wait3A_345 = tpu.memref_slice %arg10[%run_scoped3A_176, %dma_wait3A_343, %dma_wait3A_344] : memref<3x80x128xf32, #tpu.memory_space<vmem>> -> memref<1x80x128xf32, #tpu.memory_space<vmem>>
      %dma_wait3A_346 = tpu.memref_squeeze %dma_wait3A_345 : memref<1x80x128xf32, #tpu.memory_space<vmem>> -> memref<80x128xf32, #tpu.memory_space<vmem>>
      %dma_wait3A_347 = arith.constant 0 : i32
      %dma_wait3A_348 = tpu.memref_slice %arg8[%add3A_175, %dma_wait3A_347] : memref<10240x128xf32, #tpu.memory_space<vmem_shared>> -> memref<80x128xf32, #tpu.memory_space<vmem_shared>>
      %dma_wait3A_349 = arith.constant 0 : i32
      %dma_wait3A_350 = arith.constant 0 : i32
      %dma_wait3A_351 = tpu.memref_slice %arg10[%run_scoped3A_176, %dma_wait3A_349, %dma_wait3A_350] : memref<3x80x128xf32, #tpu.memory_space<vmem>> -> memref<1x80x128xf32, #tpu.memory_space<vmem>>
      %dma_wait3A_352 = tpu.memref_squeeze %dma_wait3A_351 : memref<1x80x128xf32, #tpu.memory_space<vmem>> -> memref<80x128xf32, #tpu.memory_space<vmem>>
      %dma_wait3A_353 = arith.constant 0 : i32
      %dma_wait3A_354 = tpu.memref_slice %arg8[%add3A_175, %dma_wait3A_353] : memref<10240x128xf32, #tpu.memory_space<vmem_shared>> -> memref<80x128xf32, #tpu.memory_space<vmem_shared>>
      tpu.wait_dma2 semaphore(%run_scoped3A_330 : memref<!tpu.dma_semaphore, #tpu.memory_space<semaphore_mem>>) src(%dma_wait3A_354 : memref<80x128xf32, #tpu.memory_space<vmem_shared>>) dst(%dma_wait3A_352 : memref<80x128xf32, #tpu.memory_space<vmem>>)
      tpu.yield
    }) : () -> ()
    %dma_start3A_177 = arith.constant 1 : i32
    %dma_start3A_178 = arith.constant 0 : i32
    %dma_start3A_179 = arith.constant 0 : i32
    %dma_start3A_180 = tpu.memref_slice %arg10[%dma_start3A_177, %dma_start3A_178, %dma_start3A_179] : memref<3x80x128xf32, #tpu.memory_space<vmem>> -> memref<1x80x128xf32, #tpu.memory_space<vmem>>
    %dma_start3A_181 = tpu.memref_squeeze %dma_start3A_180 : memref<1x80x128xf32, #tpu.memory_space<vmem>> -> memref<80x128xf32, #tpu.memory_space<vmem>>
    %dma_start3A_182 = arith.constant 0 : i32
    %dma_start3A_183 = tpu.memref_slice %arg6[%arg0, %add3A_175, %dma_start3A_182] : memref<2x10240x128xf32, #tpu.memory_space<hbm>> -> memref<1x80x128xf32, #tpu.memory_space<hbm>>
    %dma_start3A_184 = tpu.memref_squeeze %dma_start3A_183 : memref<1x80x128xf32, #tpu.memory_space<hbm>> -> memref<80x128xf32, #tpu.memory_space<hbm>>
    %dma_start3A_185 = arith.constant 0 : i32
    %dma_start3A_186 = tpu.memref_slice %arg6[%arg0, %add3A_175, %dma_start3A_185] : memref<2x10240x128xf32, #tpu.memory_space<hbm>> -> memref<1x80x128xf32, #tpu.memory_space<hbm>>
    %dma_start3A_187 = tpu.memref_squeeze %dma_start3A_186 : memref<1x80x128xf32, #tpu.memory_space<hbm>> -> memref<80x128xf32, #tpu.memory_space<hbm>>
    %dma_start3A_188 = arith.constant 0 : i32
    %dma_start3A_189 = arith.constant 0 : i32
    %dma_start3A_190 = tpu.memref_slice %arg10[%dma_start3A_177, %dma_start3A_188, %dma_start3A_189] : memref<3x80x128xf32, #tpu.memory_space<vmem>> -> memref<1x80x128xf32, #tpu.memory_space<vmem>>
    %dma_start3A_191 = tpu.memref_squeeze %dma_start3A_190 : memref<1x80x128xf32, #tpu.memory_space<vmem>> -> memref<80x128xf32, #tpu.memory_space<vmem>>
    tpu.enqueue_dma source(%dma_start3A_191 : memref<80x128xf32, #tpu.memory_space<vmem>>) target(%dma_start3A_187 : memref<80x128xf32, #tpu.memory_space<hbm>>) target_semaphore(%arg13 : memref<!tpu.dma_semaphore, #tpu.memory_space<semaphore_mem>>)
    %mul3A_192 = arith.constant 640 : i32
    %mul3A_193 = arith.muli %arg1, %mul3A_192 : i32
    %add3A_194 = arith.constant 400 : i32
    %add3A_195 = arith.addi %mul3A_193, %add3A_194 : i32
    %run_scoped3A_196 = arith.constant 2 : i32
    "tpu.region"() ({
      %run_scoped3A_330 = tpu.sem_alloc : memref<!tpu.dma_semaphore, #tpu.memory_space<semaphore_mem>>
      %dma_start3A_331 = arith.constant 0 : i32
      %dma_start3A_332 = arith.constant 0 : i32
      %dma_start3A_333 = tpu.memref_slice %arg10[%run_scoped3A_196, %dma_start3A_331, %dma_start3A_332] : memref<3x80x128xf32, #tpu.memory_space<vmem>> -> memref<1x80x128xf32, #tpu.memory_space<vmem>>
      %dma_start3A_334 = tpu.memref_squeeze %dma_start3A_333 : memref<1x80x128xf32, #tpu.memory_space<vmem>> -> memref<80x128xf32, #tpu.memory_space<vmem>>
      %dma_start3A_335 = arith.constant 0 : i32
      %dma_start3A_336 = tpu.memref_slice %arg8[%add3A_195, %dma_start3A_335] : memref<10240x128xf32, #tpu.memory_space<vmem_shared>> -> memref<80x128xf32, #tpu.memory_space<vmem_shared>>
      %dma_start3A_337 = arith.constant 0 : i32
      %dma_start3A_338 = arith.constant 0 : i32
      %dma_start3A_339 = tpu.memref_slice %arg10[%run_scoped3A_196, %dma_start3A_337, %dma_start3A_338] : memref<3x80x128xf32, #tpu.memory_space<vmem>> -> memref<1x80x128xf32, #tpu.memory_space<vmem>>
      %dma_start3A_340 = tpu.memref_squeeze %dma_start3A_339 : memref<1x80x128xf32, #tpu.memory_space<vmem>> -> memref<80x128xf32, #tpu.memory_space<vmem>>
      %dma_start3A_341 = arith.constant 0 : i32
      %dma_start3A_342 = tpu.memref_slice %arg8[%add3A_195, %dma_start3A_341] : memref<10240x128xf32, #tpu.memory_space<vmem_shared>> -> memref<80x128xf32, #tpu.memory_space<vmem_shared>>
      tpu.enqueue_dma source(%dma_start3A_342 : memref<80x128xf32, #tpu.memory_space<vmem_shared>>) target(%dma_start3A_340 : memref<80x128xf32, #tpu.memory_space<vmem>>) target_semaphore(%run_scoped3A_330 : memref<!tpu.dma_semaphore, #tpu.memory_space<semaphore_mem>>)
      %dma_wait3A_343 = arith.constant 0 : i32
      %dma_wait3A_344 = arith.constant 0 : i32
      %dma_wait3A_345 = tpu.memref_slice %arg10[%run_scoped3A_196, %dma_wait3A_343, %dma_wait3A_344] : memref<3x80x128xf32, #tpu.memory_space<vmem>> -> memref<1x80x128xf32, #tpu.memory_space<vmem>>
      %dma_wait3A_346 = tpu.memref_squeeze %dma_wait3A_345 : memref<1x80x128xf32, #tpu.memory_space<vmem>> -> memref<80x128xf32, #tpu.memory_space<vmem>>
      %dma_wait3A_347 = arith.constant 0 : i32
      %dma_wait3A_348 = tpu.memref_slice %arg8[%add3A_195, %dma_wait3A_347] : memref<10240x128xf32, #tpu.memory_space<vmem_shared>> -> memref<80x128xf32, #tpu.memory_space<vmem_shared>>
      %dma_wait3A_349 = arith.constant 0 : i32
      %dma_wait3A_350 = arith.constant 0 : i32
      %dma_wait3A_351 = tpu.memref_slice %arg10[%run_scoped3A_196, %dma_wait3A_349, %dma_wait3A_350] : memref<3x80x128xf32, #tpu.memory_space<vmem>> -> memref<1x80x128xf32, #tpu.memory_space<vmem>>
      %dma_wait3A_352 = tpu.memref_squeeze %dma_wait3A_351 : memref<1x80x128xf32, #tpu.memory_space<vmem>> -> memref<80x128xf32, #tpu.memory_space<vmem>>
      %dma_wait3A_353 = arith.constant 0 : i32
      %dma_wait3A_354 = tpu.memref_slice %arg8[%add3A_195, %dma_wait3A_353] : memref<10240x128xf32, #tpu.memory_space<vmem_shared>> -> memref<80x128xf32, #tpu.memory_space<vmem_shared>>
      tpu.wait_dma2 semaphore(%run_scoped3A_330 : memref<!tpu.dma_semaphore, #tpu.memory_space<semaphore_mem>>) src(%dma_wait3A_354 : memref<80x128xf32, #tpu.memory_space<vmem_shared>>) dst(%dma_wait3A_352 : memref<80x128xf32, #tpu.memory_space<vmem>>)
      tpu.yield
    }) : () -> ()
    %dma_start3A_197 = arith.constant 2 : i32
    %dma_start3A_198 = arith.constant 0 : i32
    %dma_start3A_199 = arith.constant 0 : i32
    %dma_start3A_200 = tpu.memref_slice %arg10[%dma_start3A_197, %dma_start3A_198, %dma_start3A_199] : memref<3x80x128xf32, #tpu.memory_space<vmem>> -> memref<1x80x128xf32, #tpu.memory_space<vmem>>
    %dma_start3A_201 = tpu.memref_squeeze %dma_start3A_200 : memref<1x80x128xf32, #tpu.memory_space<vmem>> -> memref<80x128xf32, #tpu.memory_space<vmem>>
    %dma_start3A_202 = arith.constant 0 : i32
    %dma_start3A_203 = tpu.memref_slice %arg6[%arg0, %add3A_195, %dma_start3A_202] : memref<2x10240x128xf32, #tpu.memory_space<hbm>> -> memref<1x80x128xf32, #tpu.memory_space<hbm>>
    %dma_start3A_204 = tpu.memref_squeeze %dma_start3A_203 : memref<1x80x128xf32, #tpu.memory_space<hbm>> -> memref<80x128xf32, #tpu.memory_space<hbm>>
    %dma_start3A_205 = arith.constant 0 : i32
    %dma_start3A_206 = tpu.memref_slice %arg6[%arg0, %add3A_195, %dma_start3A_205] : memref<2x10240x128xf32, #tpu.memory_space<hbm>> -> memref<1x80x128xf32, #tpu.memory_space<hbm>>
    %dma_start3A_207 = tpu.memref_squeeze %dma_start3A_206 : memref<1x80x128xf32, #tpu.memory_space<hbm>> -> memref<80x128xf32, #tpu.memory_space<hbm>>
    %dma_start3A_208 = arith.constant 0 : i32
    %dma_start3A_209 = arith.constant 0 : i32
    %dma_start3A_210 = tpu.memref_slice %arg10[%dma_start3A_197, %dma_start3A_208, %dma_start3A_209] : memref<3x80x128xf32, #tpu.memory_space<vmem>> -> memref<1x80x128xf32, #tpu.memory_space<vmem>>
    %dma_start3A_211 = tpu.memref_squeeze %dma_start3A_210 : memref<1x80x128xf32, #tpu.memory_space<vmem>> -> memref<80x128xf32, #tpu.memory_space<vmem>>
    tpu.enqueue_dma source(%dma_start3A_211 : memref<80x128xf32, #tpu.memory_space<vmem>>) target(%dma_start3A_207 : memref<80x128xf32, #tpu.memory_space<hbm>>) target_semaphore(%arg13 : memref<!tpu.dma_semaphore, #tpu.memory_space<semaphore_mem>>)
    %dma_wait3A_212 = arith.constant 0 : i32
    %dma_wait3A_213 = arith.constant 0 : i32
    %dma_wait3A_214 = arith.constant 0 : i32
    %dma_wait3A_215 = tpu.memref_slice %arg10[%dma_wait3A_212, %dma_wait3A_213, %dma_wait3A_214] : memref<3x80x128xf32, #tpu.memory_space<vmem>> -> memref<1x80x128xf32, #tpu.memory_space<vmem>>
    %dma_wait3A_216 = tpu.memref_squeeze %dma_wait3A_215 : memref<1x80x128xf32, #tpu.memory_space<vmem>> -> memref<80x128xf32, #tpu.memory_space<vmem>>
    %dma_wait3A_217 = arith.constant 0 : i32
    %dma_wait3A_218 = tpu.memref_slice %arg6[%arg0, %add3A_155, %dma_wait3A_217] : memref<2x10240x128xf32, #tpu.memory_space<hbm>> -> memref<1x80x128xf32, #tpu.memory_space<hbm>>
    %dma_wait3A_219 = tpu.memref_squeeze %dma_wait3A_218 : memref<1x80x128xf32, #tpu.memory_space<hbm>> -> memref<80x128xf32, #tpu.memory_space<hbm>>
    %dma_wait3A_220 = arith.constant 0 : i32
    %dma_wait3A_221 = tpu.memref_slice %arg6[%arg0, %add3A_155, %dma_wait3A_220] : memref<2x10240x128xf32, #tpu.memory_space<hbm>> -> memref<1x80x128xf32, #tpu.memory_space<hbm>>
    %dma_wait3A_222 = tpu.memref_squeeze %dma_wait3A_221 : memref<1x80x128xf32, #tpu.memory_space<hbm>> -> memref<80x128xf32, #tpu.memory_space<hbm>>
    %dma_wait3A_223 = arith.constant 0 : i32
    %dma_wait3A_224 = arith.constant 0 : i32
    %dma_wait3A_225 = tpu.memref_slice %arg10[%dma_wait3A_212, %dma_wait3A_223, %dma_wait3A_224] : memref<3x80x128xf32, #tpu.memory_space<vmem>> -> memref<1x80x128xf32, #tpu.memory_space<vmem>>
    %dma_wait3A_226 = tpu.memref_squeeze %dma_wait3A_225 : memref<1x80x128xf32, #tpu.memory_space<vmem>> -> memref<80x128xf32, #tpu.memory_space<vmem>>
    tpu.wait_dma2 semaphore(%arg13 : memref<!tpu.dma_semaphore, #tpu.memory_space<semaphore_mem>>) src(%dma_wait3A_226 : memref<80x128xf32, #tpu.memory_space<vmem>>) dst(%dma_wait3A_222 : memref<80x128xf32, #tpu.memory_space<hbm>>)
    %dma_wait3A_227 = arith.constant 1 : i32
    %dma_wait3A_228 = arith.constant 0 : i32
    %dma_wait3A_229 = arith.constant 0 : i32
    %dma_wait3A_230 = tpu.memref_slice %arg10[%dma_wait3A_227, %dma_wait3A_228, %dma_wait3A_229] : memref<3x80x128xf32, #tpu.memory_space<vmem>> -> memref<1x80x128xf32, #tpu.memory_space<vmem>>
    %dma_wait3A_231 = tpu.memref_squeeze %dma_wait3A_230 : memref<1x80x128xf32, #tpu.memory_space<vmem>> -> memref<80x128xf32, #tpu.memory_space<vmem>>
    %dma_wait3A_232 = arith.constant 0 : i32
    %dma_wait3A_233 = tpu.memref_slice %arg6[%arg0, %add3A_175, %dma_wait3A_232] : memref<2x10240x128xf32, #tpu.memory_space<hbm>> -> memref<1x80x128xf32, #tpu.memory_space<hbm>>
    %dma_wait3A_234 = tpu.memref_squeeze %dma_wait3A_233 : memref<1x80x128xf32, #tpu.memory_space<hbm>> -> memref<80x128xf32, #tpu.memory_space<hbm>>
    %dma_wait3A_235 = arith.constant 0 : i32
    %dma_wait3A_236 = tpu.memref_slice %arg6[%arg0, %add3A_175, %dma_wait3A_235] : memref<2x10240x128xf32, #tpu.memory_space<hbm>> -> memref<1x80x128xf32, #tpu.memory_space<hbm>>
    %dma_wait3A_237 = tpu.memref_squeeze %dma_wait3A_236 : memref<1x80x128xf32, #tpu.memory_space<hbm>> -> memref<80x128xf32, #tpu.memory_space<hbm>>
    %dma_wait3A_238 = arith.constant 0 : i32
    %dma_wait3A_239 = arith.constant 0 : i32
    %dma_wait3A_240 = tpu.memref_slice %arg10[%dma_wait3A_227, %dma_wait3A_238, %dma_wait3A_239] : memref<3x80x128xf32, #tpu.memory_space<vmem>> -> memref<1x80x128xf32, #tpu.memory_space<vmem>>
    %dma_wait3A_241 = tpu.memref_squeeze %dma_wait3A_240 : memref<1x80x128xf32, #tpu.memory_space<vmem>> -> memref<80x128xf32, #tpu.memory_space<vmem>>
    tpu.wait_dma2 semaphore(%arg13 : memref<!tpu.dma_semaphore, #tpu.memory_space<semaphore_mem>>) src(%dma_wait3A_241 : memref<80x128xf32, #tpu.memory_space<vmem>>) dst(%dma_wait3A_237 : memref<80x128xf32, #tpu.memory_space<hbm>>)
    %dma_wait3A_242 = arith.constant 2 : i32
    %dma_wait3A_243 = arith.constant 0 : i32
    %dma_wait3A_244 = arith.constant 0 : i32
    %dma_wait3A_245 = tpu.memref_slice %arg10[%dma_wait3A_242, %dma_wait3A_243, %dma_wait3A_244] : memref<3x80x128xf32, #tpu.memory_space<vmem>> -> memref<1x80x128xf32, #tpu.memory_space<vmem>>
    %dma_wait3A_246 = tpu.memref_squeeze %dma_wait3A_245 : memref<1x80x128xf32, #tpu.memory_space<vmem>> -> memref<80x128xf32, #tpu.memory_space<vmem>>
    %dma_wait3A_247 = arith.constant 0 : i32
    %dma_wait3A_248 = tpu.memref_slice %arg6[%arg0, %add3A_195, %dma_wait3A_247] : memref<2x10240x128xf32, #tpu.memory_space<hbm>> -> memref<1x80x128xf32, #tpu.memory_space<hbm>>
    %dma_wait3A_249 = tpu.memref_squeeze %dma_wait3A_248 : memref<1x80x128xf32, #tpu.memory_space<hbm>> -> memref<80x128xf32, #tpu.memory_space<hbm>>
    %dma_wait3A_250 = arith.constant 0 : i32
    %dma_wait3A_251 = tpu.memref_slice %arg6[%arg0, %add3A_195, %dma_wait3A_250] : memref<2x10240x128xf32, #tpu.memory_space<hbm>> -> memref<1x80x128xf32, #tpu.memory_space<hbm>>
    %dma_wait3A_252 = tpu.memref_squeeze %dma_wait3A_251 : memref<1x80x128xf32, #tpu.memory_space<hbm>> -> memref<80x128xf32, #tpu.memory_space<hbm>>
    %dma_wait3A_253 = arith.constant 0 : i32
    %dma_wait3A_254 = arith.constant 0 : i32
    %dma_wait3A_255 = tpu.memref_slice %arg10[%dma_wait3A_242, %dma_wait3A_253, %dma_wait3A_254] : memref<3x80x128xf32, #tpu.memory_space<vmem>> -> memref<1x80x128xf32, #tpu.memory_space<vmem>>
    %dma_wait3A_256 = tpu.memref_squeeze %dma_wait3A_255 : memref<1x80x128xf32, #tpu.memory_space<vmem>> -> memref<80x128xf32, #tpu.memory_space<vmem>>
    tpu.wait_dma2 semaphore(%arg13 : memref<!tpu.dma_semaphore, #tpu.memory_space<semaphore_mem>>) src(%dma_wait3A_256 : memref<80x128xf32, #tpu.memory_space<vmem>>) dst(%dma_wait3A_252 : memref<80x128xf32, #tpu.memory_space<hbm>>)
    %mul3A_257 = arith.constant 640 : i32
    %mul3A_258 = arith.muli %arg1, %mul3A_257 : i32
    %add3A_259 = arith.constant 480 : i32
    %add3A_260 = arith.addi %mul3A_258, %add3A_259 : i32
    %run_scoped3A_261 = arith.constant 0 : i32
    "tpu.region"() ({
      %run_scoped3A_330 = tpu.sem_alloc : memref<!tpu.dma_semaphore, #tpu.memory_space<semaphore_mem>>
      %dma_start3A_331 = arith.constant 0 : i32
      %dma_start3A_332 = arith.constant 0 : i32
      %dma_start3A_333 = tpu.memref_slice %arg10[%run_scoped3A_261, %dma_start3A_331, %dma_start3A_332] : memref<3x80x128xf32, #tpu.memory_space<vmem>> -> memref<1x80x128xf32, #tpu.memory_space<vmem>>
      %dma_start3A_334 = tpu.memref_squeeze %dma_start3A_333 : memref<1x80x128xf32, #tpu.memory_space<vmem>> -> memref<80x128xf32, #tpu.memory_space<vmem>>
      %dma_start3A_335 = arith.constant 0 : i32
      %dma_start3A_336 = tpu.memref_slice %arg8[%add3A_260, %dma_start3A_335] : memref<10240x128xf32, #tpu.memory_space<vmem_shared>> -> memref<80x128xf32, #tpu.memory_space<vmem_shared>>
      %dma_start3A_337 = arith.constant 0 : i32
      %dma_start3A_338 = arith.constant 0 : i32
      %dma_start3A_339 = tpu.memref_slice %arg10[%run_scoped3A_261, %dma_start3A_337, %dma_start3A_338] : memref<3x80x128xf32, #tpu.memory_space<vmem>> -> memref<1x80x128xf32, #tpu.memory_space<vmem>>
      %dma_start3A_340 = tpu.memref_squeeze %dma_start3A_339 : memref<1x80x128xf32, #tpu.memory_space<vmem>> -> memref<80x128xf32, #tpu.memory_space<vmem>>
      %dma_start3A_341 = arith.constant 0 : i32
      %dma_start3A_342 = tpu.memref_slice %arg8[%add3A_260, %dma_start3A_341] : memref<10240x128xf32, #tpu.memory_space<vmem_shared>> -> memref<80x128xf32, #tpu.memory_space<vmem_shared>>
      tpu.enqueue_dma source(%dma_start3A_342 : memref<80x128xf32, #tpu.memory_space<vmem_shared>>) target(%dma_start3A_340 : memref<80x128xf32, #tpu.memory_space<vmem>>) target_semaphore(%run_scoped3A_330 : memref<!tpu.dma_semaphore, #tpu.memory_space<semaphore_mem>>)
      %dma_wait3A_343 = arith.constant 0 : i32
      %dma_wait3A_344 = arith.constant 0 : i32
      %dma_wait3A_345 = tpu.memref_slice %arg10[%run_scoped3A_261, %dma_wait3A_343, %dma_wait3A_344] : memref<3x80x128xf32, #tpu.memory_space<vmem>> -> memref<1x80x128xf32, #tpu.memory_space<vmem>>
      %dma_wait3A_346 = tpu.memref_squeeze %dma_wait3A_345 : memref<1x80x128xf32, #tpu.memory_space<vmem>> -> memref<80x128xf32, #tpu.memory_space<vmem>>
      %dma_wait3A_347 = arith.constant 0 : i32
      %dma_wait3A_348 = tpu.memref_slice %arg8[%add3A_260, %dma_wait3A_347] : memref<10240x128xf32, #tpu.memory_space<vmem_shared>> -> memref<80x128xf32, #tpu.memory_space<vmem_shared>>
      %dma_wait3A_349 = arith.constant 0 : i32
      %dma_wait3A_350 = arith.constant 0 : i32
      %dma_wait3A_351 = tpu.memref_slice %arg10[%run_scoped3A_261, %dma_wait3A_349, %dma_wait3A_350] : memref<3x80x128xf32, #tpu.memory_space<vmem>> -> memref<1x80x128xf32, #tpu.memory_space<vmem>>
      %dma_wait3A_352 = tpu.memref_squeeze %dma_wait3A_351 : memref<1x80x128xf32, #tpu.memory_space<vmem>> -> memref<80x128xf32, #tpu.memory_space<vmem>>
      %dma_wait3A_353 = arith.constant 0 : i32
      %dma_wait3A_354 = tpu.memref_slice %arg8[%add3A_260, %dma_wait3A_353] : memref<10240x128xf32, #tpu.memory_space<vmem_shared>> -> memref<80x128xf32, #tpu.memory_space<vmem_shared>>
      tpu.wait_dma2 semaphore(%run_scoped3A_330 : memref<!tpu.dma_semaphore, #tpu.memory_space<semaphore_mem>>) src(%dma_wait3A_354 : memref<80x128xf32, #tpu.memory_space<vmem_shared>>) dst(%dma_wait3A_352 : memref<80x128xf32, #tpu.memory_space<vmem>>)
      tpu.yield
    }) : () -> ()
    %dma_start3A_262 = arith.constant 0 : i32
    %dma_start3A_263 = arith.constant 0 : i32
    %dma_start3A_264 = arith.constant 0 : i32
    %dma_start3A_265 = tpu.memref_slice %arg10[%dma_start3A_262, %dma_start3A_263, %dma_start3A_264] : memref<3x80x128xf32, #tpu.memory_space<vmem>> -> memref<1x80x128xf32, #tpu.memory_space<vmem>>
    %dma_start3A_266 = tpu.memref_squeeze %dma_start3A_265 : memref<1x80x128xf32, #tpu.memory_space<vmem>> -> memref<80x128xf32, #tpu.memory_space<vmem>>
    %dma_start3A_267 = arith.constant 0 : i32
    %dma_start3A_268 = tpu.memref_slice %arg6[%arg0, %add3A_260, %dma_start3A_267] : memref<2x10240x128xf32, #tpu.memory_space<hbm>> -> memref<1x80x128xf32, #tpu.memory_space<hbm>>
    %dma_start3A_269 = tpu.memref_squeeze %dma_start3A_268 : memref<1x80x128xf32, #tpu.memory_space<hbm>> -> memref<80x128xf32, #tpu.memory_space<hbm>>
    %dma_start3A_270 = arith.constant 0 : i32
    %dma_start3A_271 = tpu.memref_slice %arg6[%arg0, %add3A_260, %dma_start3A_270] : memref<2x10240x128xf32, #tpu.memory_space<hbm>> -> memref<1x80x128xf32, #tpu.memory_space<hbm>>
    %dma_start3A_272 = tpu.memref_squeeze %dma_start3A_271 : memref<1x80x128xf32, #tpu.memory_space<hbm>> -> memref<80x128xf32, #tpu.memory_space<hbm>>
    %dma_start3A_273 = arith.constant 0 : i32
    %dma_start3A_274 = arith.constant 0 : i32
    %dma_start3A_275 = tpu.memref_slice %arg10[%dma_start3A_262, %dma_start3A_273, %dma_start3A_274] : memref<3x80x128xf32, #tpu.memory_space<vmem>> -> memref<1x80x128xf32, #tpu.memory_space<vmem>>
    %dma_start3A_276 = tpu.memref_squeeze %dma_start3A_275 : memref<1x80x128xf32, #tpu.memory_space<vmem>> -> memref<80x128xf32, #tpu.memory_space<vmem>>
    tpu.enqueue_dma source(%dma_start3A_276 : memref<80x128xf32, #tpu.memory_space<vmem>>) target(%dma_start3A_272 : memref<80x128xf32, #tpu.memory_space<hbm>>) target_semaphore(%arg13 : memref<!tpu.dma_semaphore, #tpu.memory_space<semaphore_mem>>)
    %mul3A_277 = arith.constant 640 : i32
    %mul3A_278 = arith.muli %arg1, %mul3A_277 : i32
    %add3A_279 = arith.constant 560 : i32
    %add3A_280 = arith.addi %mul3A_278, %add3A_279 : i32
    %run_scoped3A_281 = arith.constant 1 : i32
    "tpu.region"() ({
      %run_scoped3A_330 = tpu.sem_alloc : memref<!tpu.dma_semaphore, #tpu.memory_space<semaphore_mem>>
      %dma_start3A_331 = arith.constant 0 : i32
      %dma_start3A_332 = arith.constant 0 : i32
      %dma_start3A_333 = tpu.memref_slice %arg10[%run_scoped3A_281, %dma_start3A_331, %dma_start3A_332] : memref<3x80x128xf32, #tpu.memory_space<vmem>> -> memref<1x80x128xf32, #tpu.memory_space<vmem>>
      %dma_start3A_334 = tpu.memref_squeeze %dma_start3A_333 : memref<1x80x128xf32, #tpu.memory_space<vmem>> -> memref<80x128xf32, #tpu.memory_space<vmem>>
      %dma_start3A_335 = arith.constant 0 : i32
      %dma_start3A_336 = tpu.memref_slice %arg8[%add3A_280, %dma_start3A_335] : memref<10240x128xf32, #tpu.memory_space<vmem_shared>> -> memref<80x128xf32, #tpu.memory_space<vmem_shared>>
      %dma_start3A_337 = arith.constant 0 : i32
      %dma_start3A_338 = arith.constant 0 : i32
      %dma_start3A_339 = tpu.memref_slice %arg10[%run_scoped3A_281, %dma_start3A_337, %dma_start3A_338] : memref<3x80x128xf32, #tpu.memory_space<vmem>> -> memref<1x80x128xf32, #tpu.memory_space<vmem>>
      %dma_start3A_340 = tpu.memref_squeeze %dma_start3A_339 : memref<1x80x128xf32, #tpu.memory_space<vmem>> -> memref<80x128xf32, #tpu.memory_space<vmem>>
      %dma_start3A_341 = arith.constant 0 : i32
      %dma_start3A_342 = tpu.memref_slice %arg8[%add3A_280, %dma_start3A_341] : memref<10240x128xf32, #tpu.memory_space<vmem_shared>> -> memref<80x128xf32, #tpu.memory_space<vmem_shared>>
      tpu.enqueue_dma source(%dma_start3A_342 : memref<80x128xf32, #tpu.memory_space<vmem_shared>>) target(%dma_start3A_340 : memref<80x128xf32, #tpu.memory_space<vmem>>) target_semaphore(%run_scoped3A_330 : memref<!tpu.dma_semaphore, #tpu.memory_space<semaphore_mem>>)
      %dma_wait3A_343 = arith.constant 0 : i32
      %dma_wait3A_344 = arith.constant 0 : i32
      %dma_wait3A_345 = tpu.memref_slice %arg10[%run_scoped3A_281, %dma_wait3A_343, %dma_wait3A_344] : memref<3x80x128xf32, #tpu.memory_space<vmem>> -> memref<1x80x128xf32, #tpu.memory_space<vmem>>
      %dma_wait3A_346 = tpu.memref_squeeze %dma_wait3A_345 : memref<1x80x128xf32, #tpu.memory_space<vmem>> -> memref<80x128xf32, #tpu.memory_space<vmem>>
      %dma_wait3A_347 = arith.constant 0 : i32
      %dma_wait3A_348 = tpu.memref_slice %arg8[%add3A_280, %dma_wait3A_347] : memref<10240x128xf32, #tpu.memory_space<vmem_shared>> -> memref<80x128xf32, #tpu.memory_space<vmem_shared>>
      %dma_wait3A_349 = arith.constant 0 : i32
      %dma_wait3A_350 = arith.constant 0 : i32
      %dma_wait3A_351 = tpu.memref_slice %arg10[%run_scoped3A_281, %dma_wait3A_349, %dma_wait3A_350] : memref<3x80x128xf32, #tpu.memory_space<vmem>> -> memref<1x80x128xf32, #tpu.memory_space<vmem>>
      %dma_wait3A_352 = tpu.memref_squeeze %dma_wait3A_351 : memref<1x80x128xf32, #tpu.memory_space<vmem>> -> memref<80x128xf32, #tpu.memory_space<vmem>>
      %dma_wait3A_353 = arith.constant 0 : i32
      %dma_wait3A_354 = tpu.memref_slice %arg8[%add3A_280, %dma_wait3A_353] : memref<10240x128xf32, #tpu.memory_space<vmem_shared>> -> memref<80x128xf32, #tpu.memory_space<vmem_shared>>
      tpu.wait_dma2 semaphore(%run_scoped3A_330 : memref<!tpu.dma_semaphore, #tpu.memory_space<semaphore_mem>>) src(%dma_wait3A_354 : memref<80x128xf32, #tpu.memory_space<vmem_shared>>) dst(%dma_wait3A_352 : memref<80x128xf32, #tpu.memory_space<vmem>>)
      tpu.yield
    }) : () -> ()
    %dma_start3A_282 = arith.constant 1 : i32
    %dma_start3A_283 = arith.constant 0 : i32
    %dma_start3A_284 = arith.constant 0 : i32
    %dma_start3A_285 = tpu.memref_slice %arg10[%dma_start3A_282, %dma_start3A_283, %dma_start3A_284] : memref<3x80x128xf32, #tpu.memory_space<vmem>> -> memref<1x80x128xf32, #tpu.memory_space<vmem>>
    %dma_start3A_286 = tpu.memref_squeeze %dma_start3A_285 : memref<1x80x128xf32, #tpu.memory_space<vmem>> -> memref<80x128xf32, #tpu.memory_space<vmem>>
    %dma_start3A_287 = arith.constant 0 : i32
    %dma_start3A_288 = tpu.memref_slice %arg6[%arg0, %add3A_280, %dma_start3A_287] : memref<2x10240x128xf32, #tpu.memory_space<hbm>> -> memref<1x80x128xf32, #tpu.memory_space<hbm>>
    %dma_start3A_289 = tpu.memref_squeeze %dma_start3A_288 : memref<1x80x128xf32, #tpu.memory_space<hbm>> -> memref<80x128xf32, #tpu.memory_space<hbm>>
    %dma_start3A_290 = arith.constant 0 : i32
    %dma_start3A_291 = tpu.memref_slice %arg6[%arg0, %add3A_280, %dma_start3A_290] : memref<2x10240x128xf32, #tpu.memory_space<hbm>> -> memref<1x80x128xf32, #tpu.memory_space<hbm>>
    %dma_start3A_292 = tpu.memref_squeeze %dma_start3A_291 : memref<1x80x128xf32, #tpu.memory_space<hbm>> -> memref<80x128xf32, #tpu.memory_space<hbm>>
    %dma_start3A_293 = arith.constant 0 : i32
    %dma_start3A_294 = arith.constant 0 : i32
    %dma_start3A_295 = tpu.memref_slice %arg10[%dma_start3A_282, %dma_start3A_293, %dma_start3A_294] : memref<3x80x128xf32, #tpu.memory_space<vmem>> -> memref<1x80x128xf32, #tpu.memory_space<vmem>>
    %dma_start3A_296 = tpu.memref_squeeze %dma_start3A_295 : memref<1x80x128xf32, #tpu.memory_space<vmem>> -> memref<80x128xf32, #tpu.memory_space<vmem>>
    tpu.enqueue_dma source(%dma_start3A_296 : memref<80x128xf32, #tpu.memory_space<vmem>>) target(%dma_start3A_292 : memref<80x128xf32, #tpu.memory_space<hbm>>) target_semaphore(%arg13 : memref<!tpu.dma_semaphore, #tpu.memory_space<semaphore_mem>>)
    %dma_wait3A_297 = arith.constant 0 : i32
    %dma_wait3A_298 = arith.constant 0 : i32
    %dma_wait3A_299 = arith.constant 0 : i32
    %dma_wait3A_300 = tpu.memref_slice %arg10[%dma_wait3A_297, %dma_wait3A_298, %dma_wait3A_299] : memref<3x80x128xf32, #tpu.memory_space<vmem>> -> memref<1x80x128xf32, #tpu.memory_space<vmem>>
    %dma_wait3A_301 = tpu.memref_squeeze %dma_wait3A_300 : memref<1x80x128xf32, #tpu.memory_space<vmem>> -> memref<80x128xf32, #tpu.memory_space<vmem>>
    %dma_wait3A_302 = arith.constant 0 : i32
    %dma_wait3A_303 = tpu.memref_slice %arg6[%arg0, %add3A_260, %dma_wait3A_302] : memref<2x10240x128xf32, #tpu.memory_space<hbm>> -> memref<1x80x128xf32, #tpu.memory_space<hbm>>
    %dma_wait3A_304 = tpu.memref_squeeze %dma_wait3A_303 : memref<1x80x128xf32, #tpu.memory_space<hbm>> -> memref<80x128xf32, #tpu.memory_space<hbm>>
    %dma_wait3A_305 = arith.constant 0 : i32
    %dma_wait3A_306 = tpu.memref_slice %arg6[%arg0, %add3A_260, %dma_wait3A_305] : memref<2x10240x128xf32, #tpu.memory_space<hbm>> -> memref<1x80x128xf32, #tpu.memory_space<hbm>>
    %dma_wait3A_307 = tpu.memref_squeeze %dma_wait3A_306 : memref<1x80x128xf32, #tpu.memory_space<hbm>> -> memref<80x128xf32, #tpu.memory_space<hbm>>
    %dma_wait3A_308 = arith.constant 0 : i32
    %dma_wait3A_309 = arith.constant 0 : i32
    %dma_wait3A_310 = tpu.memref_slice %arg10[%dma_wait3A_297, %dma_wait3A_308, %dma_wait3A_309] : memref<3x80x128xf32, #tpu.memory_space<vmem>> -> memref<1x80x128xf32, #tpu.memory_space<vmem>>
    %dma_wait3A_311 = tpu.memref_squeeze %dma_wait3A_310 : memref<1x80x128xf32, #tpu.memory_space<vmem>> -> memref<80x128xf32, #tpu.memory_space<vmem>>
    tpu.wait_dma2 semaphore(%arg13 : memref<!tpu.dma_semaphore, #tpu.memory_space<semaphore_mem>>) src(%dma_wait3A_311 : memref<80x128xf32, #tpu.memory_space<vmem>>) dst(%dma_wait3A_307 : memref<80x128xf32, #tpu.memory_space<hbm>>)
    %dma_wait3A_312 = arith.constant 1 : i32
    %dma_wait3A_313 = arith.constant 0 : i32
    %dma_wait3A_314 = arith.constant 0 : i32
    %dma_wait3A_315 = tpu.memref_slice %arg10[%dma_wait3A_312, %dma_wait3A_313, %dma_wait3A_314] : memref<3x80x128xf32, #tpu.memory_space<vmem>> -> memref<1x80x128xf32, #tpu.memory_space<vmem>>
    %dma_wait3A_316 = tpu.memref_squeeze %dma_wait3A_315 : memref<1x80x128xf32, #tpu.memory_space<vmem>> -> memref<80x128xf32, #tpu.memory_space<vmem>>
    %dma_wait3A_317 = arith.constant 0 : i32
    %dma_wait3A_318 = tpu.memref_slice %arg6[%arg0, %add3A_280, %dma_wait3A_317] : memref<2x10240x128xf32, #tpu.memory_space<hbm>> -> memref<1x80x128xf32, #tpu.memory_space<hbm>>
    %dma_wait3A_319 = tpu.memref_squeeze %dma_wait3A_318 : memref<1x80x128xf32, #tpu.memory_space<hbm>> -> memref<80x128xf32, #tpu.memory_space<hbm>>
    %dma_wait3A_320 = arith.constant 0 : i32
    %dma_wait3A_321 = tpu.memref_slice %arg6[%arg0, %add3A_280, %dma_wait3A_320] : memref<2x10240x128xf32, #tpu.memory_space<hbm>> -> memref<1x80x128xf32, #tpu.memory_space<hbm>>
    %dma_wait3A_322 = tpu.memref_squeeze %dma_wait3A_321 : memref<1x80x128xf32, #tpu.memory_space<hbm>> -> memref<80x128xf32, #tpu.memory_space<hbm>>
    %dma_wait3A_323 = arith.constant 0 : i32
    %dma_wait3A_324 = arith.constant 0 : i32
    %dma_wait3A_325 = tpu.memref_slice %arg10[%dma_wait3A_312, %dma_wait3A_323, %dma_wait3A_324] : memref<3x80x128xf32, #tpu.memory_space<vmem>> -> memref<1x80x128xf32, #tpu.memory_space<vmem>>
    %dma_wait3A_326 = tpu.memref_squeeze %dma_wait3A_325 : memref<1x80x128xf32, #tpu.memory_space<vmem>> -> memref<80x128xf32, #tpu.memory_space<vmem>>
    tpu.wait_dma2 semaphore(%arg13 : memref<!tpu.dma_semaphore, #tpu.memory_space<semaphore_mem>>) src(%dma_wait3A_326 : memref<80x128xf32, #tpu.memory_space<vmem>>) dst(%dma_wait3A_322 : memref<80x128xf32, #tpu.memory_space<hbm>>)
    %mul3A_327 = arith.constant 16 : i32
    %mul3A_328 = arith.muli %arg0, %mul3A_327 : i32
    %add3A_329 = arith.addi %mul3A_328, %arg1 : i32
    "tpu.region"() ({
      %run_scoped3A_330 = tpu.sem_alloc : memref<!tpu.dma_semaphore, #tpu.memory_space<semaphore_mem>>
      %dma_start3A_331 = arith.constant 0 : i32
      %dma_start3A_332 = tpu.memref_slice %arg7[%add3A_329, %dma_start3A_331] : memref<32x10240xf32, #tpu.memory_space<hbm>> -> memref<1x10240xf32, #tpu.memory_space<hbm>>
      %dma_start3A_333 = tpu.memref_squeeze %dma_start3A_332 : memref<1x10240xf32, #tpu.memory_space<hbm>> -> memref<10240xf32, #tpu.memory_space<hbm>>
      %dma_start3A_334 = arith.constant 0 : i32
      %dma_start3A_335 = tpu.memref_slice %arg7[%add3A_329, %dma_start3A_334] : memref<32x10240xf32, #tpu.memory_space<hbm>> -> memref<1x10240xf32, #tpu.memory_space<hbm>>
      %dma_start3A_336 = tpu.memref_squeeze %dma_start3A_335 : memref<1x10240xf32, #tpu.memory_space<hbm>> -> memref<10240xf32, #tpu.memory_space<hbm>>
      tpu.enqueue_dma source(%arg11 : memref<10240xf32, #tpu.memory_space<vmem>>) target(%dma_start3A_336 : memref<10240xf32, #tpu.memory_space<hbm>>) target_semaphore(%run_scoped3A_330 : memref<!tpu.dma_semaphore, #tpu.memory_space<semaphore_mem>>)
      %dma_wait3A_337 = arith.constant 0 : i32
      %dma_wait3A_338 = tpu.memref_slice %arg7[%add3A_329, %dma_wait3A_337] : memref<32x10240xf32, #tpu.memory_space<hbm>> -> memref<1x10240xf32, #tpu.memory_space<hbm>>
      %dma_wait3A_339 = tpu.memref_squeeze %dma_wait3A_338 : memref<1x10240xf32, #tpu.memory_space<hbm>> -> memref<10240xf32, #tpu.memory_space<hbm>>
      %dma_wait3A_340 = arith.constant 0 : i32
      %dma_wait3A_341 = tpu.memref_slice %arg7[%add3A_329, %dma_wait3A_340] : memref<32x10240xf32, #tpu.memory_space<hbm>> -> memref<1x10240xf32, #tpu.memory_space<hbm>>
      %dma_wait3A_342 = tpu.memref_squeeze %dma_wait3A_341 : memref<1x10240xf32, #tpu.memory_space<hbm>> -> memref<10240xf32, #tpu.memory_space<hbm>>
      tpu.wait_dma2 semaphore(%run_scoped3A_330 : memref<!tpu.dma_semaphore, #tpu.memory_space<semaphore_mem>>) src(%arg11 : memref<10240xf32, #tpu.memory_space<vmem>>) dst(%dma_wait3A_342 : memref<10240xf32, #tpu.memory_space<hbm>>)
      tpu.yield
    }) : () -> ()
    return
  }
}

#map = affine_map<(d0, d1) -> (0, 0)>
#map1 = affine_map<(d0, d1) -> (0, 0, 0)>
module attributes {stable_mosaic.version = 14 : i64} {
  func.func @_sc_neigh(%arg0: i32, %arg1: i32, %arg2: memref<10000x128xf32, #tpu.memory_space<hbm>>, %arg3: memref<10240x128xf32, #tpu.memory_space<hbm>>, %arg4: memref<160x25x80xi32, #tpu.memory_space<hbm>>, %arg5: memref<160x25x80xi32, #tpu.memory_space<hbm>>, %arg6: memref<80x128xf32, #tpu.memory_space<hbm>>, %arg7: memref<2x10240x128xf32, #tpu.memory_space<hbm>>, %arg8: memref<10240x128xf32, #tpu.memory_space<vmem_shared>>, %arg9: memref<25x80xi32, #tpu.memory_space<vmem>>, %arg10: memref<25x80xi32, #tpu.memory_space<vmem>>, %arg11: memref<4x80x128xf32, #tpu.memory_space<vmem>>, %arg12: memref<!tpu.dma_semaphore, #tpu.memory_space<semaphore_mem>>, %arg13: memref<!tpu.dma_semaphore, #tpu.memory_space<semaphore_mem>>) attributes {dimension_semantics = [#tpu.dimension_semantics<core_parallel>, #tpu.dimension_semantics<subcore_parallel>], iteration_bounds = array<i64: 2, 16>, scalar_prefetch = 0 : i64, scratch_operands = 6 : i64, tpu.core_type = #tpu.core_type<sc_vector_subcore>, window_params = [{transform_indices = #map}, {transform_indices = #map}, {transform_indices = #map1}, {transform_indices = #map1}, {transform_indices = #map}, {transform_indices = #map1}]} {
    %run_scoped3A = arith.constant 0 : i32
    "tpu.region"() ({
      %run_scoped3A_326 = tpu.sem_alloc : memref<!tpu.dma_semaphore, #tpu.memory_space<semaphore_mem>>
      %dma_start3A_327 = arith.constant 0 : i32
      %dma_start3A_328 = arith.constant 0 : i32
      %dma_start3A_329 = tpu.memref_slice %arg11[%run_scoped3A, %dma_start3A_327, %dma_start3A_328] : memref<4x80x128xf32, #tpu.memory_space<vmem>> -> memref<1x80x128xf32, #tpu.memory_space<vmem>>
      %dma_start3A_330 = tpu.memref_squeeze %dma_start3A_329 : memref<1x80x128xf32, #tpu.memory_space<vmem>> -> memref<80x128xf32, #tpu.memory_space<vmem>>
      %dma_start3A_331 = arith.constant 0 : i32
      %dma_start3A_332 = arith.constant 0 : i32
      %dma_start3A_333 = tpu.memref_slice %arg11[%run_scoped3A, %dma_start3A_331, %dma_start3A_332] : memref<4x80x128xf32, #tpu.memory_space<vmem>> -> memref<1x80x128xf32, #tpu.memory_space<vmem>>
      %dma_start3A_334 = tpu.memref_squeeze %dma_start3A_333 : memref<1x80x128xf32, #tpu.memory_space<vmem>> -> memref<80x128xf32, #tpu.memory_space<vmem>>
      tpu.enqueue_dma source(%arg6 : memref<80x128xf32, #tpu.memory_space<hbm>>) target(%dma_start3A_334 : memref<80x128xf32, #tpu.memory_space<vmem>>) target_semaphore(%run_scoped3A_326 : memref<!tpu.dma_semaphore, #tpu.memory_space<semaphore_mem>>)
      %dma_wait3A_335 = arith.constant 0 : i32
      %dma_wait3A_336 = arith.constant 0 : i32
      %dma_wait3A_337 = tpu.memref_slice %arg11[%run_scoped3A, %dma_wait3A_335, %dma_wait3A_336] : memref<4x80x128xf32, #tpu.memory_space<vmem>> -> memref<1x80x128xf32, #tpu.memory_space<vmem>>
      %dma_wait3A_338 = tpu.memref_squeeze %dma_wait3A_337 : memref<1x80x128xf32, #tpu.memory_space<vmem>> -> memref<80x128xf32, #tpu.memory_space<vmem>>
      %dma_wait3A_339 = arith.constant 0 : i32
      %dma_wait3A_340 = arith.constant 0 : i32
      %dma_wait3A_341 = tpu.memref_slice %arg11[%run_scoped3A, %dma_wait3A_339, %dma_wait3A_340] : memref<4x80x128xf32, #tpu.memory_space<vmem>> -> memref<1x80x128xf32, #tpu.memory_space<vmem>>
      %dma_wait3A_342 = tpu.memref_squeeze %dma_wait3A_341 : memref<1x80x128xf32, #tpu.memory_space<vmem>> -> memref<80x128xf32, #tpu.memory_space<vmem>>
      tpu.wait_dma2 semaphore(%run_scoped3A_326 : memref<!tpu.dma_semaphore, #tpu.memory_space<semaphore_mem>>) src(%arg6 : memref<80x128xf32, #tpu.memory_space<hbm>>) dst(%dma_wait3A_342 : memref<80x128xf32, #tpu.memory_space<vmem>>)
      tpu.yield
    }) : () -> ()
    %mul3A = arith.constant 640 : i32
    %mul3A_0 = arith.muli %arg1, %mul3A : i32
    %add3A = arith.constant 0 : i32
    %add3A_1 = arith.addi %mul3A_0, %add3A : i32
    %run_scoped3A_2 = arith.constant 0 : i32
    "tpu.region"() ({
      %run_scoped3A_326 = tpu.sem_alloc : memref<!tpu.dma_semaphore, #tpu.memory_space<semaphore_mem>>
      %dma_start3A_327 = arith.constant 0 : i32
      %dma_start3A_328 = arith.constant 0 : i32
      %dma_start3A_329 = tpu.memref_slice %arg11[%run_scoped3A_2, %dma_start3A_327, %dma_start3A_328] : memref<4x80x128xf32, #tpu.memory_space<vmem>> -> memref<1x80x128xf32, #tpu.memory_space<vmem>>
      %dma_start3A_330 = tpu.memref_squeeze %dma_start3A_329 : memref<1x80x128xf32, #tpu.memory_space<vmem>> -> memref<80x128xf32, #tpu.memory_space<vmem>>
      %dma_start3A_331 = arith.constant 0 : i32
      %dma_start3A_332 = tpu.memref_slice %arg8[%add3A_1, %dma_start3A_331] : memref<10240x128xf32, #tpu.memory_space<vmem_shared>> -> memref<80x128xf32, #tpu.memory_space<vmem_shared>>
      %dma_start3A_333 = arith.constant 0 : i32
      %dma_start3A_334 = tpu.memref_slice %arg8[%add3A_1, %dma_start3A_333] : memref<10240x128xf32, #tpu.memory_space<vmem_shared>> -> memref<80x128xf32, #tpu.memory_space<vmem_shared>>
      %dma_start3A_335 = arith.constant 0 : i32
      %dma_start3A_336 = arith.constant 0 : i32
      %dma_start3A_337 = tpu.memref_slice %arg11[%run_scoped3A_2, %dma_start3A_335, %dma_start3A_336] : memref<4x80x128xf32, #tpu.memory_space<vmem>> -> memref<1x80x128xf32, #tpu.memory_space<vmem>>
      %dma_start3A_338 = tpu.memref_squeeze %dma_start3A_337 : memref<1x80x128xf32, #tpu.memory_space<vmem>> -> memref<80x128xf32, #tpu.memory_space<vmem>>
      tpu.enqueue_dma source(%dma_start3A_338 : memref<80x128xf32, #tpu.memory_space<vmem>>) target(%dma_start3A_334 : memref<80x128xf32, #tpu.memory_space<vmem_shared>>) target_semaphore(%run_scoped3A_326 : memref<!tpu.dma_semaphore, #tpu.memory_space<semaphore_mem>>)
      %dma_wait3A_339 = arith.constant 0 : i32
      %dma_wait3A_340 = arith.constant 0 : i32
      %dma_wait3A_341 = tpu.memref_slice %arg11[%run_scoped3A_2, %dma_wait3A_339, %dma_wait3A_340] : memref<4x80x128xf32, #tpu.memory_space<vmem>> -> memref<1x80x128xf32, #tpu.memory_space<vmem>>
      %dma_wait3A_342 = tpu.memref_squeeze %dma_wait3A_341 : memref<1x80x128xf32, #tpu.memory_space<vmem>> -> memref<80x128xf32, #tpu.memory_space<vmem>>
      %dma_wait3A_343 = arith.constant 0 : i32
      %dma_wait3A_344 = tpu.memref_slice %arg8[%add3A_1, %dma_wait3A_343] : memref<10240x128xf32, #tpu.memory_space<vmem_shared>> -> memref<80x128xf32, #tpu.memory_space<vmem_shared>>
      %dma_wait3A_345 = arith.constant 0 : i32
      %dma_wait3A_346 = tpu.memref_slice %arg8[%add3A_1, %dma_wait3A_345] : memref<10240x128xf32, #tpu.memory_space<vmem_shared>> -> memref<80x128xf32, #tpu.memory_space<vmem_shared>>
      %dma_wait3A_347 = arith.constant 0 : i32
      %dma_wait3A_348 = arith.constant 0 : i32
      %dma_wait3A_349 = tpu.memref_slice %arg11[%run_scoped3A_2, %dma_wait3A_347, %dma_wait3A_348] : memref<4x80x128xf32, #tpu.memory_space<vmem>> -> memref<1x80x128xf32, #tpu.memory_space<vmem>>
      %dma_wait3A_350 = tpu.memref_squeeze %dma_wait3A_349 : memref<1x80x128xf32, #tpu.memory_space<vmem>> -> memref<80x128xf32, #tpu.memory_space<vmem>>
      tpu.wait_dma2 semaphore(%run_scoped3A_326 : memref<!tpu.dma_semaphore, #tpu.memory_space<semaphore_mem>>) src(%dma_wait3A_350 : memref<80x128xf32, #tpu.memory_space<vmem>>) dst(%dma_wait3A_346 : memref<80x128xf32, #tpu.memory_space<vmem_shared>>)
      tpu.yield
    }) : () -> ()
    %mul3A_3 = arith.constant 640 : i32
    %mul3A_4 = arith.muli %arg1, %mul3A_3 : i32
    %add3A_5 = arith.constant 80 : i32
    %add3A_6 = arith.addi %mul3A_4, %add3A_5 : i32
    %run_scoped3A_7 = arith.constant 0 : i32
    "tpu.region"() ({
      %run_scoped3A_326 = tpu.sem_alloc : memref<!tpu.dma_semaphore, #tpu.memory_space<semaphore_mem>>
      %dma_start3A_327 = arith.constant 0 : i32
      %dma_start3A_328 = arith.constant 0 : i32
      %dma_start3A_329 = tpu.memref_slice %arg11[%run_scoped3A_7, %dma_start3A_327, %dma_start3A_328] : memref<4x80x128xf32, #tpu.memory_space<vmem>> -> memref<1x80x128xf32, #tpu.memory_space<vmem>>
      %dma_start3A_330 = tpu.memref_squeeze %dma_start3A_329 : memref<1x80x128xf32, #tpu.memory_space<vmem>> -> memref<80x128xf32, #tpu.memory_space<vmem>>
      %dma_start3A_331 = arith.constant 0 : i32
      %dma_start3A_332 = tpu.memref_slice %arg8[%add3A_6, %dma_start3A_331] : memref<10240x128xf32, #tpu.memory_space<vmem_shared>> -> memref<80x128xf32, #tpu.memory_space<vmem_shared>>
      %dma_start3A_333 = arith.constant 0 : i32
      %dma_start3A_334 = tpu.memref_slice %arg8[%add3A_6, %dma_start3A_333] : memref<10240x128xf32, #tpu.memory_space<vmem_shared>> -> memref<80x128xf32, #tpu.memory_space<vmem_shared>>
      %dma_start3A_335 = arith.constant 0 : i32
      %dma_start3A_336 = arith.constant 0 : i32
      %dma_start3A_337 = tpu.memref_slice %arg11[%run_scoped3A_7, %dma_start3A_335, %dma_start3A_336] : memref<4x80x128xf32, #tpu.memory_space<vmem>> -> memref<1x80x128xf32, #tpu.memory_space<vmem>>
      %dma_start3A_338 = tpu.memref_squeeze %dma_start3A_337 : memref<1x80x128xf32, #tpu.memory_space<vmem>> -> memref<80x128xf32, #tpu.memory_space<vmem>>
      tpu.enqueue_dma source(%dma_start3A_338 : memref<80x128xf32, #tpu.memory_space<vmem>>) target(%dma_start3A_334 : memref<80x128xf32, #tpu.memory_space<vmem_shared>>) target_semaphore(%run_scoped3A_326 : memref<!tpu.dma_semaphore, #tpu.memory_space<semaphore_mem>>)
      %dma_wait3A_339 = arith.constant 0 : i32
      %dma_wait3A_340 = arith.constant 0 : i32
      %dma_wait3A_341 = tpu.memref_slice %arg11[%run_scoped3A_7, %dma_wait3A_339, %dma_wait3A_340] : memref<4x80x128xf32, #tpu.memory_space<vmem>> -> memref<1x80x128xf32, #tpu.memory_space<vmem>>
      %dma_wait3A_342 = tpu.memref_squeeze %dma_wait3A_341 : memref<1x80x128xf32, #tpu.memory_space<vmem>> -> memref<80x128xf32, #tpu.memory_space<vmem>>
      %dma_wait3A_343 = arith.constant 0 : i32
      %dma_wait3A_344 = tpu.memref_slice %arg8[%add3A_6, %dma_wait3A_343] : memref<10240x128xf32, #tpu.memory_space<vmem_shared>> -> memref<80x128xf32, #tpu.memory_space<vmem_shared>>
      %dma_wait3A_345 = arith.constant 0 : i32
      %dma_wait3A_346 = tpu.memref_slice %arg8[%add3A_6, %dma_wait3A_345] : memref<10240x128xf32, #tpu.memory_space<vmem_shared>> -> memref<80x128xf32, #tpu.memory_space<vmem_shared>>
      %dma_wait3A_347 = arith.constant 0 : i32
      %dma_wait3A_348 = arith.constant 0 : i32
      %dma_wait3A_349 = tpu.memref_slice %arg11[%run_scoped3A_7, %dma_wait3A_347, %dma_wait3A_348] : memref<4x80x128xf32, #tpu.memory_space<vmem>> -> memref<1x80x128xf32, #tpu.memory_space<vmem>>
      %dma_wait3A_350 = tpu.memref_squeeze %dma_wait3A_349 : memref<1x80x128xf32, #tpu.memory_space<vmem>> -> memref<80x128xf32, #tpu.memory_space<vmem>>
      tpu.wait_dma2 semaphore(%run_scoped3A_326 : memref<!tpu.dma_semaphore, #tpu.memory_space<semaphore_mem>>) src(%dma_wait3A_350 : memref<80x128xf32, #tpu.memory_space<vmem>>) dst(%dma_wait3A_346 : memref<80x128xf32, #tpu.memory_space<vmem_shared>>)
      tpu.yield
    }) : () -> ()
    %mul3A_8 = arith.constant 640 : i32
    %mul3A_9 = arith.muli %arg1, %mul3A_8 : i32
    %add3A_10 = arith.constant 160 : i32
    %add3A_11 = arith.addi %mul3A_9, %add3A_10 : i32
    %run_scoped3A_12 = arith.constant 0 : i32
    "tpu.region"() ({
      %run_scoped3A_326 = tpu.sem_alloc : memref<!tpu.dma_semaphore, #tpu.memory_space<semaphore_mem>>
      %dma_start3A_327 = arith.constant 0 : i32
      %dma_start3A_328 = arith.constant 0 : i32
      %dma_start3A_329 = tpu.memref_slice %arg11[%run_scoped3A_12, %dma_start3A_327, %dma_start3A_328] : memref<4x80x128xf32, #tpu.memory_space<vmem>> -> memref<1x80x128xf32, #tpu.memory_space<vmem>>
      %dma_start3A_330 = tpu.memref_squeeze %dma_start3A_329 : memref<1x80x128xf32, #tpu.memory_space<vmem>> -> memref<80x128xf32, #tpu.memory_space<vmem>>
      %dma_start3A_331 = arith.constant 0 : i32
      %dma_start3A_332 = tpu.memref_slice %arg8[%add3A_11, %dma_start3A_331] : memref<10240x128xf32, #tpu.memory_space<vmem_shared>> -> memref<80x128xf32, #tpu.memory_space<vmem_shared>>
      %dma_start3A_333 = arith.constant 0 : i32
      %dma_start3A_334 = tpu.memref_slice %arg8[%add3A_11, %dma_start3A_333] : memref<10240x128xf32, #tpu.memory_space<vmem_shared>> -> memref<80x128xf32, #tpu.memory_space<vmem_shared>>
      %dma_start3A_335 = arith.constant 0 : i32
      %dma_start3A_336 = arith.constant 0 : i32
      %dma_start3A_337 = tpu.memref_slice %arg11[%run_scoped3A_12, %dma_start3A_335, %dma_start3A_336] : memref<4x80x128xf32, #tpu.memory_space<vmem>> -> memref<1x80x128xf32, #tpu.memory_space<vmem>>
      %dma_start3A_338 = tpu.memref_squeeze %dma_start3A_337 : memref<1x80x128xf32, #tpu.memory_space<vmem>> -> memref<80x128xf32, #tpu.memory_space<vmem>>
      tpu.enqueue_dma source(%dma_start3A_338 : memref<80x128xf32, #tpu.memory_space<vmem>>) target(%dma_start3A_334 : memref<80x128xf32, #tpu.memory_space<vmem_shared>>) target_semaphore(%run_scoped3A_326 : memref<!tpu.dma_semaphore, #tpu.memory_space<semaphore_mem>>)
      %dma_wait3A_339 = arith.constant 0 : i32
      %dma_wait3A_340 = arith.constant 0 : i32
      %dma_wait3A_341 = tpu.memref_slice %arg11[%run_scoped3A_12, %dma_wait3A_339, %dma_wait3A_340] : memref<4x80x128xf32, #tpu.memory_space<vmem>> -> memref<1x80x128xf32, #tpu.memory_space<vmem>>
      %dma_wait3A_342 = tpu.memref_squeeze %dma_wait3A_341 : memref<1x80x128xf32, #tpu.memory_space<vmem>> -> memref<80x128xf32, #tpu.memory_space<vmem>>
      %dma_wait3A_343 = arith.constant 0 : i32
      %dma_wait3A_344 = tpu.memref_slice %arg8[%add3A_11, %dma_wait3A_343] : memref<10240x128xf32, #tpu.memory_space<vmem_shared>> -> memref<80x128xf32, #tpu.memory_space<vmem_shared>>
      %dma_wait3A_345 = arith.constant 0 : i32
      %dma_wait3A_346 = tpu.memref_slice %arg8[%add3A_11, %dma_wait3A_345] : memref<10240x128xf32, #tpu.memory_space<vmem_shared>> -> memref<80x128xf32, #tpu.memory_space<vmem_shared>>
      %dma_wait3A_347 = arith.constant 0 : i32
      %dma_wait3A_348 = arith.constant 0 : i32
      %dma_wait3A_349 = tpu.memref_slice %arg11[%run_scoped3A_12, %dma_wait3A_347, %dma_wait3A_348] : memref<4x80x128xf32, #tpu.memory_space<vmem>> -> memref<1x80x128xf32, #tpu.memory_space<vmem>>
      %dma_wait3A_350 = tpu.memref_squeeze %dma_wait3A_349 : memref<1x80x128xf32, #tpu.memory_space<vmem>> -> memref<80x128xf32, #tpu.memory_space<vmem>>
      tpu.wait_dma2 semaphore(%run_scoped3A_326 : memref<!tpu.dma_semaphore, #tpu.memory_space<semaphore_mem>>) src(%dma_wait3A_350 : memref<80x128xf32, #tpu.memory_space<vmem>>) dst(%dma_wait3A_346 : memref<80x128xf32, #tpu.memory_space<vmem_shared>>)
      tpu.yield
    }) : () -> ()
    %mul3A_13 = arith.constant 640 : i32
    %mul3A_14 = arith.muli %arg1, %mul3A_13 : i32
    %add3A_15 = arith.constant 240 : i32
    %add3A_16 = arith.addi %mul3A_14, %add3A_15 : i32
    %run_scoped3A_17 = arith.constant 0 : i32
    "tpu.region"() ({
      %run_scoped3A_326 = tpu.sem_alloc : memref<!tpu.dma_semaphore, #tpu.memory_space<semaphore_mem>>
      %dma_start3A_327 = arith.constant 0 : i32
      %dma_start3A_328 = arith.constant 0 : i32
      %dma_start3A_329 = tpu.memref_slice %arg11[%run_scoped3A_17, %dma_start3A_327, %dma_start3A_328] : memref<4x80x128xf32, #tpu.memory_space<vmem>> -> memref<1x80x128xf32, #tpu.memory_space<vmem>>
      %dma_start3A_330 = tpu.memref_squeeze %dma_start3A_329 : memref<1x80x128xf32, #tpu.memory_space<vmem>> -> memref<80x128xf32, #tpu.memory_space<vmem>>
      %dma_start3A_331 = arith.constant 0 : i32
      %dma_start3A_332 = tpu.memref_slice %arg8[%add3A_16, %dma_start3A_331] : memref<10240x128xf32, #tpu.memory_space<vmem_shared>> -> memref<80x128xf32, #tpu.memory_space<vmem_shared>>
      %dma_start3A_333 = arith.constant 0 : i32
      %dma_start3A_334 = tpu.memref_slice %arg8[%add3A_16, %dma_start3A_333] : memref<10240x128xf32, #tpu.memory_space<vmem_shared>> -> memref<80x128xf32, #tpu.memory_space<vmem_shared>>
      %dma_start3A_335 = arith.constant 0 : i32
      %dma_start3A_336 = arith.constant 0 : i32
      %dma_start3A_337 = tpu.memref_slice %arg11[%run_scoped3A_17, %dma_start3A_335, %dma_start3A_336] : memref<4x80x128xf32, #tpu.memory_space<vmem>> -> memref<1x80x128xf32, #tpu.memory_space<vmem>>
      %dma_start3A_338 = tpu.memref_squeeze %dma_start3A_337 : memref<1x80x128xf32, #tpu.memory_space<vmem>> -> memref<80x128xf32, #tpu.memory_space<vmem>>
      tpu.enqueue_dma source(%dma_start3A_338 : memref<80x128xf32, #tpu.memory_space<vmem>>) target(%dma_start3A_334 : memref<80x128xf32, #tpu.memory_space<vmem_shared>>) target_semaphore(%run_scoped3A_326 : memref<!tpu.dma_semaphore, #tpu.memory_space<semaphore_mem>>)
      %dma_wait3A_339 = arith.constant 0 : i32
      %dma_wait3A_340 = arith.constant 0 : i32
      %dma_wait3A_341 = tpu.memref_slice %arg11[%run_scoped3A_17, %dma_wait3A_339, %dma_wait3A_340] : memref<4x80x128xf32, #tpu.memory_space<vmem>> -> memref<1x80x128xf32, #tpu.memory_space<vmem>>
      %dma_wait3A_342 = tpu.memref_squeeze %dma_wait3A_341 : memref<1x80x128xf32, #tpu.memory_space<vmem>> -> memref<80x128xf32, #tpu.memory_space<vmem>>
      %dma_wait3A_343 = arith.constant 0 : i32
      %dma_wait3A_344 = tpu.memref_slice %arg8[%add3A_16, %dma_wait3A_343] : memref<10240x128xf32, #tpu.memory_space<vmem_shared>> -> memref<80x128xf32, #tpu.memory_space<vmem_shared>>
      %dma_wait3A_345 = arith.constant 0 : i32
      %dma_wait3A_346 = tpu.memref_slice %arg8[%add3A_16, %dma_wait3A_345] : memref<10240x128xf32, #tpu.memory_space<vmem_shared>> -> memref<80x128xf32, #tpu.memory_space<vmem_shared>>
      %dma_wait3A_347 = arith.constant 0 : i32
      %dma_wait3A_348 = arith.constant 0 : i32
      %dma_wait3A_349 = tpu.memref_slice %arg11[%run_scoped3A_17, %dma_wait3A_347, %dma_wait3A_348] : memref<4x80x128xf32, #tpu.memory_space<vmem>> -> memref<1x80x128xf32, #tpu.memory_space<vmem>>
      %dma_wait3A_350 = tpu.memref_squeeze %dma_wait3A_349 : memref<1x80x128xf32, #tpu.memory_space<vmem>> -> memref<80x128xf32, #tpu.memory_space<vmem>>
      tpu.wait_dma2 semaphore(%run_scoped3A_326 : memref<!tpu.dma_semaphore, #tpu.memory_space<semaphore_mem>>) src(%dma_wait3A_350 : memref<80x128xf32, #tpu.memory_space<vmem>>) dst(%dma_wait3A_346 : memref<80x128xf32, #tpu.memory_space<vmem_shared>>)
      tpu.yield
    }) : () -> ()
    %mul3A_18 = arith.constant 640 : i32
    %mul3A_19 = arith.muli %arg1, %mul3A_18 : i32
    %add3A_20 = arith.constant 320 : i32
    %add3A_21 = arith.addi %mul3A_19, %add3A_20 : i32
    %run_scoped3A_22 = arith.constant 0 : i32
    "tpu.region"() ({
      %run_scoped3A_326 = tpu.sem_alloc : memref<!tpu.dma_semaphore, #tpu.memory_space<semaphore_mem>>
      %dma_start3A_327 = arith.constant 0 : i32
      %dma_start3A_328 = arith.constant 0 : i32
      %dma_start3A_329 = tpu.memref_slice %arg11[%run_scoped3A_22, %dma_start3A_327, %dma_start3A_328] : memref<4x80x128xf32, #tpu.memory_space<vmem>> -> memref<1x80x128xf32, #tpu.memory_space<vmem>>
      %dma_start3A_330 = tpu.memref_squeeze %dma_start3A_329 : memref<1x80x128xf32, #tpu.memory_space<vmem>> -> memref<80x128xf32, #tpu.memory_space<vmem>>
      %dma_start3A_331 = arith.constant 0 : i32
      %dma_start3A_332 = tpu.memref_slice %arg8[%add3A_21, %dma_start3A_331] : memref<10240x128xf32, #tpu.memory_space<vmem_shared>> -> memref<80x128xf32, #tpu.memory_space<vmem_shared>>
      %dma_start3A_333 = arith.constant 0 : i32
      %dma_start3A_334 = tpu.memref_slice %arg8[%add3A_21, %dma_start3A_333] : memref<10240x128xf32, #tpu.memory_space<vmem_shared>> -> memref<80x128xf32, #tpu.memory_space<vmem_shared>>
      %dma_start3A_335 = arith.constant 0 : i32
      %dma_start3A_336 = arith.constant 0 : i32
      %dma_start3A_337 = tpu.memref_slice %arg11[%run_scoped3A_22, %dma_start3A_335, %dma_start3A_336] : memref<4x80x128xf32, #tpu.memory_space<vmem>> -> memref<1x80x128xf32, #tpu.memory_space<vmem>>
      %dma_start3A_338 = tpu.memref_squeeze %dma_start3A_337 : memref<1x80x128xf32, #tpu.memory_space<vmem>> -> memref<80x128xf32, #tpu.memory_space<vmem>>
      tpu.enqueue_dma source(%dma_start3A_338 : memref<80x128xf32, #tpu.memory_space<vmem>>) target(%dma_start3A_334 : memref<80x128xf32, #tpu.memory_space<vmem_shared>>) target_semaphore(%run_scoped3A_326 : memref<!tpu.dma_semaphore, #tpu.memory_space<semaphore_mem>>)
      %dma_wait3A_339 = arith.constant 0 : i32
      %dma_wait3A_340 = arith.constant 0 : i32
      %dma_wait3A_341 = tpu.memref_slice %arg11[%run_scoped3A_22, %dma_wait3A_339, %dma_wait3A_340] : memref<4x80x128xf32, #tpu.memory_space<vmem>> -> memref<1x80x128xf32, #tpu.memory_space<vmem>>
      %dma_wait3A_342 = tpu.memref_squeeze %dma_wait3A_341 : memref<1x80x128xf32, #tpu.memory_space<vmem>> -> memref<80x128xf32, #tpu.memory_space<vmem>>
      %dma_wait3A_343 = arith.constant 0 : i32
      %dma_wait3A_344 = tpu.memref_slice %arg8[%add3A_21, %dma_wait3A_343] : memref<10240x128xf32, #tpu.memory_space<vmem_shared>> -> memref<80x128xf32, #tpu.memory_space<vmem_shared>>
      %dma_wait3A_345 = arith.constant 0 : i32
      %dma_wait3A_346 = tpu.memref_slice %arg8[%add3A_21, %dma_wait3A_345] : memref<10240x128xf32, #tpu.memory_space<vmem_shared>> -> memref<80x128xf32, #tpu.memory_space<vmem_shared>>
      %dma_wait3A_347 = arith.constant 0 : i32
      %dma_wait3A_348 = arith.constant 0 : i32
      %dma_wait3A_349 = tpu.memref_slice %arg11[%run_scoped3A_22, %dma_wait3A_347, %dma_wait3A_348] : memref<4x80x128xf32, #tpu.memory_space<vmem>> -> memref<1x80x128xf32, #tpu.memory_space<vmem>>
      %dma_wait3A_350 = tpu.memref_squeeze %dma_wait3A_349 : memref<1x80x128xf32, #tpu.memory_space<vmem>> -> memref<80x128xf32, #tpu.memory_space<vmem>>
      tpu.wait_dma2 semaphore(%run_scoped3A_326 : memref<!tpu.dma_semaphore, #tpu.memory_space<semaphore_mem>>) src(%dma_wait3A_350 : memref<80x128xf32, #tpu.memory_space<vmem>>) dst(%dma_wait3A_346 : memref<80x128xf32, #tpu.memory_space<vmem_shared>>)
      tpu.yield
    }) : () -> ()
    %mul3A_23 = arith.constant 640 : i32
    %mul3A_24 = arith.muli %arg1, %mul3A_23 : i32
    %add3A_25 = arith.constant 400 : i32
    %add3A_26 = arith.addi %mul3A_24, %add3A_25 : i32
    %run_scoped3A_27 = arith.constant 0 : i32
    "tpu.region"() ({
      %run_scoped3A_326 = tpu.sem_alloc : memref<!tpu.dma_semaphore, #tpu.memory_space<semaphore_mem>>
      %dma_start3A_327 = arith.constant 0 : i32
      %dma_start3A_328 = arith.constant 0 : i32
      %dma_start3A_329 = tpu.memref_slice %arg11[%run_scoped3A_27, %dma_start3A_327, %dma_start3A_328] : memref<4x80x128xf32, #tpu.memory_space<vmem>> -> memref<1x80x128xf32, #tpu.memory_space<vmem>>
      %dma_start3A_330 = tpu.memref_squeeze %dma_start3A_329 : memref<1x80x128xf32, #tpu.memory_space<vmem>> -> memref<80x128xf32, #tpu.memory_space<vmem>>
      %dma_start3A_331 = arith.constant 0 : i32
      %dma_start3A_332 = tpu.memref_slice %arg8[%add3A_26, %dma_start3A_331] : memref<10240x128xf32, #tpu.memory_space<vmem_shared>> -> memref<80x128xf32, #tpu.memory_space<vmem_shared>>
      %dma_start3A_333 = arith.constant 0 : i32
      %dma_start3A_334 = tpu.memref_slice %arg8[%add3A_26, %dma_start3A_333] : memref<10240x128xf32, #tpu.memory_space<vmem_shared>> -> memref<80x128xf32, #tpu.memory_space<vmem_shared>>
      %dma_start3A_335 = arith.constant 0 : i32
      %dma_start3A_336 = arith.constant 0 : i32
      %dma_start3A_337 = tpu.memref_slice %arg11[%run_scoped3A_27, %dma_start3A_335, %dma_start3A_336] : memref<4x80x128xf32, #tpu.memory_space<vmem>> -> memref<1x80x128xf32, #tpu.memory_space<vmem>>
      %dma_start3A_338 = tpu.memref_squeeze %dma_start3A_337 : memref<1x80x128xf32, #tpu.memory_space<vmem>> -> memref<80x128xf32, #tpu.memory_space<vmem>>
      tpu.enqueue_dma source(%dma_start3A_338 : memref<80x128xf32, #tpu.memory_space<vmem>>) target(%dma_start3A_334 : memref<80x128xf32, #tpu.memory_space<vmem_shared>>) target_semaphore(%run_scoped3A_326 : memref<!tpu.dma_semaphore, #tpu.memory_space<semaphore_mem>>)
      %dma_wait3A_339 = arith.constant 0 : i32
      %dma_wait3A_340 = arith.constant 0 : i32
      %dma_wait3A_341 = tpu.memref_slice %arg11[%run_scoped3A_27, %dma_wait3A_339, %dma_wait3A_340] : memref<4x80x128xf32, #tpu.memory_space<vmem>> -> memref<1x80x128xf32, #tpu.memory_space<vmem>>
      %dma_wait3A_342 = tpu.memref_squeeze %dma_wait3A_341 : memref<1x80x128xf32, #tpu.memory_space<vmem>> -> memref<80x128xf32, #tpu.memory_space<vmem>>
      %dma_wait3A_343 = arith.constant 0 : i32
      %dma_wait3A_344 = tpu.memref_slice %arg8[%add3A_26, %dma_wait3A_343] : memref<10240x128xf32, #tpu.memory_space<vmem_shared>> -> memref<80x128xf32, #tpu.memory_space<vmem_shared>>
      %dma_wait3A_345 = arith.constant 0 : i32
      %dma_wait3A_346 = tpu.memref_slice %arg8[%add3A_26, %dma_wait3A_345] : memref<10240x128xf32, #tpu.memory_space<vmem_shared>> -> memref<80x128xf32, #tpu.memory_space<vmem_shared>>
      %dma_wait3A_347 = arith.constant 0 : i32
      %dma_wait3A_348 = arith.constant 0 : i32
      %dma_wait3A_349 = tpu.memref_slice %arg11[%run_scoped3A_27, %dma_wait3A_347, %dma_wait3A_348] : memref<4x80x128xf32, #tpu.memory_space<vmem>> -> memref<1x80x128xf32, #tpu.memory_space<vmem>>
      %dma_wait3A_350 = tpu.memref_squeeze %dma_wait3A_349 : memref<1x80x128xf32, #tpu.memory_space<vmem>> -> memref<80x128xf32, #tpu.memory_space<vmem>>
      tpu.wait_dma2 semaphore(%run_scoped3A_326 : memref<!tpu.dma_semaphore, #tpu.memory_space<semaphore_mem>>) src(%dma_wait3A_350 : memref<80x128xf32, #tpu.memory_space<vmem>>) dst(%dma_wait3A_346 : memref<80x128xf32, #tpu.memory_space<vmem_shared>>)
      tpu.yield
    }) : () -> ()
    %mul3A_28 = arith.constant 640 : i32
    %mul3A_29 = arith.muli %arg1, %mul3A_28 : i32
    %add3A_30 = arith.constant 480 : i32
    %add3A_31 = arith.addi %mul3A_29, %add3A_30 : i32
    %run_scoped3A_32 = arith.constant 0 : i32
    "tpu.region"() ({
      %run_scoped3A_326 = tpu.sem_alloc : memref<!tpu.dma_semaphore, #tpu.memory_space<semaphore_mem>>
      %dma_start3A_327 = arith.constant 0 : i32
      %dma_start3A_328 = arith.constant 0 : i32
      %dma_start3A_329 = tpu.memref_slice %arg11[%run_scoped3A_32, %dma_start3A_327, %dma_start3A_328] : memref<4x80x128xf32, #tpu.memory_space<vmem>> -> memref<1x80x128xf32, #tpu.memory_space<vmem>>
      %dma_start3A_330 = tpu.memref_squeeze %dma_start3A_329 : memref<1x80x128xf32, #tpu.memory_space<vmem>> -> memref<80x128xf32, #tpu.memory_space<vmem>>
      %dma_start3A_331 = arith.constant 0 : i32
      %dma_start3A_332 = tpu.memref_slice %arg8[%add3A_31, %dma_start3A_331] : memref<10240x128xf32, #tpu.memory_space<vmem_shared>> -> memref<80x128xf32, #tpu.memory_space<vmem_shared>>
      %dma_start3A_333 = arith.constant 0 : i32
      %dma_start3A_334 = tpu.memref_slice %arg8[%add3A_31, %dma_start3A_333] : memref<10240x128xf32, #tpu.memory_space<vmem_shared>> -> memref<80x128xf32, #tpu.memory_space<vmem_shared>>
      %dma_start3A_335 = arith.constant 0 : i32
      %dma_start3A_336 = arith.constant 0 : i32
      %dma_start3A_337 = tpu.memref_slice %arg11[%run_scoped3A_32, %dma_start3A_335, %dma_start3A_336] : memref<4x80x128xf32, #tpu.memory_space<vmem>> -> memref<1x80x128xf32, #tpu.memory_space<vmem>>
      %dma_start3A_338 = tpu.memref_squeeze %dma_start3A_337 : memref<1x80x128xf32, #tpu.memory_space<vmem>> -> memref<80x128xf32, #tpu.memory_space<vmem>>
      tpu.enqueue_dma source(%dma_start3A_338 : memref<80x128xf32, #tpu.memory_space<vmem>>) target(%dma_start3A_334 : memref<80x128xf32, #tpu.memory_space<vmem_shared>>) target_semaphore(%run_scoped3A_326 : memref<!tpu.dma_semaphore, #tpu.memory_space<semaphore_mem>>)
      %dma_wait3A_339 = arith.constant 0 : i32
      %dma_wait3A_340 = arith.constant 0 : i32
      %dma_wait3A_341 = tpu.memref_slice %arg11[%run_scoped3A_32, %dma_wait3A_339, %dma_wait3A_340] : memref<4x80x128xf32, #tpu.memory_space<vmem>> -> memref<1x80x128xf32, #tpu.memory_space<vmem>>
      %dma_wait3A_342 = tpu.memref_squeeze %dma_wait3A_341 : memref<1x80x128xf32, #tpu.memory_space<vmem>> -> memref<80x128xf32, #tpu.memory_space<vmem>>
      %dma_wait3A_343 = arith.constant 0 : i32
      %dma_wait3A_344 = tpu.memref_slice %arg8[%add3A_31, %dma_wait3A_343] : memref<10240x128xf32, #tpu.memory_space<vmem_shared>> -> memref<80x128xf32, #tpu.memory_space<vmem_shared>>
      %dma_wait3A_345 = arith.constant 0 : i32
      %dma_wait3A_346 = tpu.memref_slice %arg8[%add3A_31, %dma_wait3A_345] : memref<10240x128xf32, #tpu.memory_space<vmem_shared>> -> memref<80x128xf32, #tpu.memory_space<vmem_shared>>
      %dma_wait3A_347 = arith.constant 0 : i32
      %dma_wait3A_348 = arith.constant 0 : i32
      %dma_wait3A_349 = tpu.memref_slice %arg11[%run_scoped3A_32, %dma_wait3A_347, %dma_wait3A_348] : memref<4x80x128xf32, #tpu.memory_space<vmem>> -> memref<1x80x128xf32, #tpu.memory_space<vmem>>
      %dma_wait3A_350 = tpu.memref_squeeze %dma_wait3A_349 : memref<1x80x128xf32, #tpu.memory_space<vmem>> -> memref<80x128xf32, #tpu.memory_space<vmem>>
      tpu.wait_dma2 semaphore(%run_scoped3A_326 : memref<!tpu.dma_semaphore, #tpu.memory_space<semaphore_mem>>) src(%dma_wait3A_350 : memref<80x128xf32, #tpu.memory_space<vmem>>) dst(%dma_wait3A_346 : memref<80x128xf32, #tpu.memory_space<vmem_shared>>)
      tpu.yield
    }) : () -> ()
    %mul3A_33 = arith.constant 640 : i32
    %mul3A_34 = arith.muli %arg1, %mul3A_33 : i32
    %add3A_35 = arith.constant 560 : i32
    %add3A_36 = arith.addi %mul3A_34, %add3A_35 : i32
    %run_scoped3A_37 = arith.constant 0 : i32
    "tpu.region"() ({
      %run_scoped3A_326 = tpu.sem_alloc : memref<!tpu.dma_semaphore, #tpu.memory_space<semaphore_mem>>
      %dma_start3A_327 = arith.constant 0 : i32
      %dma_start3A_328 = arith.constant 0 : i32
      %dma_start3A_329 = tpu.memref_slice %arg11[%run_scoped3A_37, %dma_start3A_327, %dma_start3A_328] : memref<4x80x128xf32, #tpu.memory_space<vmem>> -> memref<1x80x128xf32, #tpu.memory_space<vmem>>
      %dma_start3A_330 = tpu.memref_squeeze %dma_start3A_329 : memref<1x80x128xf32, #tpu.memory_space<vmem>> -> memref<80x128xf32, #tpu.memory_space<vmem>>
      %dma_start3A_331 = arith.constant 0 : i32
      %dma_start3A_332 = tpu.memref_slice %arg8[%add3A_36, %dma_start3A_331] : memref<10240x128xf32, #tpu.memory_space<vmem_shared>> -> memref<80x128xf32, #tpu.memory_space<vmem_shared>>
      %dma_start3A_333 = arith.constant 0 : i32
      %dma_start3A_334 = tpu.memref_slice %arg8[%add3A_36, %dma_start3A_333] : memref<10240x128xf32, #tpu.memory_space<vmem_shared>> -> memref<80x128xf32, #tpu.memory_space<vmem_shared>>
      %dma_start3A_335 = arith.constant 0 : i32
      %dma_start3A_336 = arith.constant 0 : i32
      %dma_start3A_337 = tpu.memref_slice %arg11[%run_scoped3A_37, %dma_start3A_335, %dma_start3A_336] : memref<4x80x128xf32, #tpu.memory_space<vmem>> -> memref<1x80x128xf32, #tpu.memory_space<vmem>>
      %dma_start3A_338 = tpu.memref_squeeze %dma_start3A_337 : memref<1x80x128xf32, #tpu.memory_space<vmem>> -> memref<80x128xf32, #tpu.memory_space<vmem>>
      tpu.enqueue_dma source(%dma_start3A_338 : memref<80x128xf32, #tpu.memory_space<vmem>>) target(%dma_start3A_334 : memref<80x128xf32, #tpu.memory_space<vmem_shared>>) target_semaphore(%run_scoped3A_326 : memref<!tpu.dma_semaphore, #tpu.memory_space<semaphore_mem>>)
      %dma_wait3A_339 = arith.constant 0 : i32
      %dma_wait3A_340 = arith.constant 0 : i32
      %dma_wait3A_341 = tpu.memref_slice %arg11[%run_scoped3A_37, %dma_wait3A_339, %dma_wait3A_340] : memref<4x80x128xf32, #tpu.memory_space<vmem>> -> memref<1x80x128xf32, #tpu.memory_space<vmem>>
      %dma_wait3A_342 = tpu.memref_squeeze %dma_wait3A_341 : memref<1x80x128xf32, #tpu.memory_space<vmem>> -> memref<80x128xf32, #tpu.memory_space<vmem>>
      %dma_wait3A_343 = arith.constant 0 : i32
      %dma_wait3A_344 = tpu.memref_slice %arg8[%add3A_36, %dma_wait3A_343] : memref<10240x128xf32, #tpu.memory_space<vmem_shared>> -> memref<80x128xf32, #tpu.memory_space<vmem_shared>>
      %dma_wait3A_345 = arith.constant 0 : i32
      %dma_wait3A_346 = tpu.memref_slice %arg8[%add3A_36, %dma_wait3A_345] : memref<10240x128xf32, #tpu.memory_space<vmem_shared>> -> memref<80x128xf32, #tpu.memory_space<vmem_shared>>
      %dma_wait3A_347 = arith.constant 0 : i32
      %dma_wait3A_348 = arith.constant 0 : i32
      %dma_wait3A_349 = tpu.memref_slice %arg11[%run_scoped3A_37, %dma_wait3A_347, %dma_wait3A_348] : memref<4x80x128xf32, #tpu.memory_space<vmem>> -> memref<1x80x128xf32, #tpu.memory_space<vmem>>
      %dma_wait3A_350 = tpu.memref_squeeze %dma_wait3A_349 : memref<1x80x128xf32, #tpu.memory_space<vmem>> -> memref<80x128xf32, #tpu.memory_space<vmem>>
      tpu.wait_dma2 semaphore(%run_scoped3A_326 : memref<!tpu.dma_semaphore, #tpu.memory_space<semaphore_mem>>) src(%dma_wait3A_350 : memref<80x128xf32, #tpu.memory_space<vmem>>) dst(%dma_wait3A_346 : memref<80x128xf32, #tpu.memory_space<vmem_shared>>)
      tpu.yield
    }) : () -> ()
    %barrier3A = arith.constant 0 : index
    tpu.barrier barrier_id(%barrier3A)
    %mul3A_38 = arith.constant 10 : i32
    %mul3A_39 = arith.muli %arg1, %mul3A_38 : i32
    %eq3A = arith.constant 0 : i32
    %eq3A_40 = arith.cmpi eq, %arg0, %eq3A : i32
    %convert_element_type3A = arith.extui %eq3A_40 : i1 to i32
    %cond3A = arith.constant 0 : i32
    %cond3A_41 = arith.cmpi ne, %convert_element_type3A, %cond3A : i32
    scf.if %cond3A_41 {
      %scan3A = arith.constant 0 : i32
      %scan3A_326 = arith.constant 10 : i32
      %scan3A_327 = arith.addi %scan3A, %scan3A_326 : i32
      %scan3A_328 = arith.constant 1 : i32
      scf.for %scan3A_330 = %scan3A to %scan3A_327 step %scan3A_328  : i32 {
        %add3A_331 = arith.addi %mul3A_39, %scan3A_330 : i32
        "tpu.region"() ({
          %run_scoped3A_342 = tpu.sem_alloc : memref<!tpu.dma_semaphore, #tpu.memory_space<semaphore_mem>>
          %dma_start3A_343 = arith.constant 0 : i32
          %dma_start3A_344 = arith.constant 0 : i32
          %dma_start3A_345 = tpu.memref_slice %arg4[%add3A_331, %dma_start3A_343, %dma_start3A_344] : memref<160x25x80xi32, #tpu.memory_space<hbm>> -> memref<1x25x80xi32, #tpu.memory_space<hbm>>
          %dma_start3A_346 = tpu.memref_squeeze %dma_start3A_345 : memref<1x25x80xi32, #tpu.memory_space<hbm>> -> memref<25x80xi32, #tpu.memory_space<hbm>>
          %dma_start3A_347 = arith.constant 0 : i32
          %dma_start3A_348 = arith.constant 0 : i32
          %dma_start3A_349 = tpu.memref_slice %arg4[%add3A_331, %dma_start3A_347, %dma_start3A_348] : memref<160x25x80xi32, #tpu.memory_space<hbm>> -> memref<1x25x80xi32, #tpu.memory_space<hbm>>
          %dma_start3A_350 = tpu.memref_squeeze %dma_start3A_349 : memref<1x25x80xi32, #tpu.memory_space<hbm>> -> memref<25x80xi32, #tpu.memory_space<hbm>>
          tpu.enqueue_dma source(%dma_start3A_350 : memref<25x80xi32, #tpu.memory_space<hbm>>) target(%arg9 : memref<25x80xi32, #tpu.memory_space<vmem>>) target_semaphore(%run_scoped3A_342 : memref<!tpu.dma_semaphore, #tpu.memory_space<semaphore_mem>>)
          %dma_wait3A_351 = arith.constant 0 : i32
          %dma_wait3A_352 = arith.constant 0 : i32
          %dma_wait3A_353 = tpu.memref_slice %arg4[%add3A_331, %dma_wait3A_351, %dma_wait3A_352] : memref<160x25x80xi32, #tpu.memory_space<hbm>> -> memref<1x25x80xi32, #tpu.memory_space<hbm>>
          %dma_wait3A_354 = tpu.memref_squeeze %dma_wait3A_353 : memref<1x25x80xi32, #tpu.memory_space<hbm>> -> memref<25x80xi32, #tpu.memory_space<hbm>>
          %dma_wait3A_355 = arith.constant 0 : i32
          %dma_wait3A_356 = arith.constant 0 : i32
          %dma_wait3A_357 = tpu.memref_slice %arg4[%add3A_331, %dma_wait3A_355, %dma_wait3A_356] : memref<160x25x80xi32, #tpu.memory_space<hbm>> -> memref<1x25x80xi32, #tpu.memory_space<hbm>>
          %dma_wait3A_358 = tpu.memref_squeeze %dma_wait3A_357 : memref<1x25x80xi32, #tpu.memory_space<hbm>> -> memref<25x80xi32, #tpu.memory_space<hbm>>
          tpu.wait_dma2 semaphore(%run_scoped3A_342 : memref<!tpu.dma_semaphore, #tpu.memory_space<semaphore_mem>>) src(%dma_wait3A_358 : memref<25x80xi32, #tpu.memory_space<hbm>>) dst(%arg9 : memref<25x80xi32, #tpu.memory_space<vmem>>)
          tpu.yield
        }) : () -> ()
        %add3A_332 = arith.addi %mul3A_39, %scan3A_330 : i32
        "tpu.region"() ({
          %run_scoped3A_342 = tpu.sem_alloc : memref<!tpu.dma_semaphore, #tpu.memory_space<semaphore_mem>>
          %dma_start3A_343 = arith.constant 0 : i32
          %dma_start3A_344 = arith.constant 0 : i32
          %dma_start3A_345 = tpu.memref_slice %arg5[%add3A_332, %dma_start3A_343, %dma_start3A_344] : memref<160x25x80xi32, #tpu.memory_space<hbm>> -> memref<1x25x80xi32, #tpu.memory_space<hbm>>
          %dma_start3A_346 = tpu.memref_squeeze %dma_start3A_345 : memref<1x25x80xi32, #tpu.memory_space<hbm>> -> memref<25x80xi32, #tpu.memory_space<hbm>>
          %dma_start3A_347 = arith.constant 0 : i32
          %dma_start3A_348 = arith.constant 0 : i32
          %dma_start3A_349 = tpu.memref_slice %arg5[%add3A_332, %dma_start3A_347, %dma_start3A_348] : memref<160x25x80xi32, #tpu.memory_space<hbm>> -> memref<1x25x80xi32, #tpu.memory_space<hbm>>
          %dma_start3A_350 = tpu.memref_squeeze %dma_start3A_349 : memref<1x25x80xi32, #tpu.memory_space<hbm>> -> memref<25x80xi32, #tpu.memory_space<hbm>>
          tpu.enqueue_dma source(%dma_start3A_350 : memref<25x80xi32, #tpu.memory_space<hbm>>) target(%arg10 : memref<25x80xi32, #tpu.memory_space<vmem>>) target_semaphore(%run_scoped3A_342 : memref<!tpu.dma_semaphore, #tpu.memory_space<semaphore_mem>>)
          %dma_wait3A_351 = arith.constant 0 : i32
          %dma_wait3A_352 = arith.constant 0 : i32
          %dma_wait3A_353 = tpu.memref_slice %arg5[%add3A_332, %dma_wait3A_351, %dma_wait3A_352] : memref<160x25x80xi32, #tpu.memory_space<hbm>> -> memref<1x25x80xi32, #tpu.memory_space<hbm>>
          %dma_wait3A_354 = tpu.memref_squeeze %dma_wait3A_353 : memref<1x25x80xi32, #tpu.memory_space<hbm>> -> memref<25x80xi32, #tpu.memory_space<hbm>>
          %dma_wait3A_355 = arith.constant 0 : i32
          %dma_wait3A_356 = arith.constant 0 : i32
          %dma_wait3A_357 = tpu.memref_slice %arg5[%add3A_332, %dma_wait3A_355, %dma_wait3A_356] : memref<160x25x80xi32, #tpu.memory_space<hbm>> -> memref<1x25x80xi32, #tpu.memory_space<hbm>>
          %dma_wait3A_358 = tpu.memref_squeeze %dma_wait3A_357 : memref<1x25x80xi32, #tpu.memory_space<hbm>> -> memref<25x80xi32, #tpu.memory_space<hbm>>
          tpu.wait_dma2 semaphore(%run_scoped3A_342 : memref<!tpu.dma_semaphore, #tpu.memory_space<semaphore_mem>>) src(%dma_wait3A_358 : memref<25x80xi32, #tpu.memory_space<hbm>>) dst(%arg10 : memref<25x80xi32, #tpu.memory_space<vmem>>)
          tpu.yield
        }) : () -> ()
        %scan3A_333 = arith.constant 0 : i32
        %scan3A_334 = arith.constant 6 : i32
        %scan3A_335 = arith.addi %scan3A_333, %scan3A_334 : i32
        %scan3A_336 = arith.constant 1 : i32
        scf.for %scan3A_342 = %scan3A_333 to %scan3A_335 step %scan3A_336  : i32 {
          %mul3A_343 = arith.constant 4 : i32
          %mul3A_344 = arith.muli %scan3A_342, %mul3A_343 : i32
          %add3A_345 = arith.constant 0 : i32
          %add3A_346 = arith.addi %mul3A_344, %add3A_345 : i32
          %dma_start3A_347 = arith.constant 0 : i32
          %dma_start3A_348 = arith.constant 0 : i32
          %dma_start3A_349 = arith.constant 0 : i32
          %dma_start3A_350 = tpu.memref_slice %arg11[%dma_start3A_347, %dma_start3A_348, %dma_start3A_349] : memref<4x80x128xf32, #tpu.memory_space<vmem>> -> memref<1x80x128xf32, #tpu.memory_space<vmem>>
          %dma_start3A_351 = tpu.memref_squeeze %dma_start3A_350 : memref<1x80x128xf32, #tpu.memory_space<vmem>> -> memref<80x128xf32, #tpu.memory_space<vmem>>
          %dma_start3A_352 = arith.constant 0 : i32
          %dma_start3A_353 = tpu.memref_slice %arg9[%add3A_346, %dma_start3A_352] : memref<25x80xi32, #tpu.memory_space<vmem>> -> memref<1x80xi32, #tpu.memory_space<vmem>>
          %dma_start3A_354 = tpu.memref_squeeze %dma_start3A_353 : memref<1x80xi32, #tpu.memory_space<vmem>> -> memref<80xi32, #tpu.memory_space<vmem>>
          %dma_start3A_355 = arith.constant 0 : i32
          %dma_start3A_356 = arith.constant 0 : i32
          %dma_start3A_357 = tpu.memref_slice %arg2[%dma_start3A_355, %dma_start3A_356] : memref<10000x128xf32, #tpu.memory_space<hbm>> -> memref<10000x128xf32, #tpu.memory_space<hbm>>
          tpu.enqueue_indirect_dma source(%dma_start3A_357 : memref<10000x128xf32, #tpu.memory_space<hbm>>) target(%dma_start3A_351 : memref<80x128xf32, #tpu.memory_space<vmem>>) offsets(%dma_start3A_354 : memref<80xi32, #tpu.memory_space<vmem>>) semaphore(%arg12 : memref<!tpu.dma_semaphore, #tpu.memory_space<semaphore_mem>>)
          %mul3A_358 = arith.constant 4 : i32
          %mul3A_359 = arith.muli %scan3A_342, %mul3A_358 : i32
          %add3A_360 = arith.constant 1 : i32
          %add3A_361 = arith.addi %mul3A_359, %add3A_360 : i32
          %dma_start3A_362 = arith.constant 1 : i32
          %dma_start3A_363 = arith.constant 0 : i32
          %dma_start3A_364 = arith.constant 0 : i32
          %dma_start3A_365 = tpu.memref_slice %arg11[%dma_start3A_362, %dma_start3A_363, %dma_start3A_364] : memref<4x80x128xf32, #tpu.memory_space<vmem>> -> memref<1x80x128xf32, #tpu.memory_space<vmem>>
          %dma_start3A_366 = tpu.memref_squeeze %dma_start3A_365 : memref<1x80x128xf32, #tpu.memory_space<vmem>> -> memref<80x128xf32, #tpu.memory_space<vmem>>
          %dma_start3A_367 = arith.constant 0 : i32
          %dma_start3A_368 = tpu.memref_slice %arg9[%add3A_361, %dma_start3A_367] : memref<25x80xi32, #tpu.memory_space<vmem>> -> memref<1x80xi32, #tpu.memory_space<vmem>>
          %dma_start3A_369 = tpu.memref_squeeze %dma_start3A_368 : memref<1x80xi32, #tpu.memory_space<vmem>> -> memref<80xi32, #tpu.memory_space<vmem>>
          %dma_start3A_370 = arith.constant 0 : i32
          %dma_start3A_371 = arith.constant 0 : i32
          %dma_start3A_372 = tpu.memref_slice %arg2[%dma_start3A_370, %dma_start3A_371] : memref<10000x128xf32, #tpu.memory_space<hbm>> -> memref<10000x128xf32, #tpu.memory_space<hbm>>
          tpu.enqueue_indirect_dma source(%dma_start3A_372 : memref<10000x128xf32, #tpu.memory_space<hbm>>) target(%dma_start3A_366 : memref<80x128xf32, #tpu.memory_space<vmem>>) offsets(%dma_start3A_369 : memref<80xi32, #tpu.memory_space<vmem>>) semaphore(%arg12 : memref<!tpu.dma_semaphore, #tpu.memory_space<semaphore_mem>>)
          %mul3A_373 = arith.constant 4 : i32
          %mul3A_374 = arith.muli %scan3A_342, %mul3A_373 : i32
          %add3A_375 = arith.constant 2 : i32
          %add3A_376 = arith.addi %mul3A_374, %add3A_375 : i32
          %dma_start3A_377 = arith.constant 2 : i32
          %dma_start3A_378 = arith.constant 0 : i32
          %dma_start3A_379 = arith.constant 0 : i32
          %dma_start3A_380 = tpu.memref_slice %arg11[%dma_start3A_377, %dma_start3A_378, %dma_start3A_379] : memref<4x80x128xf32, #tpu.memory_space<vmem>> -> memref<1x80x128xf32, #tpu.memory_space<vmem>>
          %dma_start3A_381 = tpu.memref_squeeze %dma_start3A_380 : memref<1x80x128xf32, #tpu.memory_space<vmem>> -> memref<80x128xf32, #tpu.memory_space<vmem>>
          %dma_start3A_382 = arith.constant 0 : i32
          %dma_start3A_383 = tpu.memref_slice %arg9[%add3A_376, %dma_start3A_382] : memref<25x80xi32, #tpu.memory_space<vmem>> -> memref<1x80xi32, #tpu.memory_space<vmem>>
          %dma_start3A_384 = tpu.memref_squeeze %dma_start3A_383 : memref<1x80xi32, #tpu.memory_space<vmem>> -> memref<80xi32, #tpu.memory_space<vmem>>
          %dma_start3A_385 = arith.constant 0 : i32
          %dma_start3A_386 = arith.constant 0 : i32
          %dma_start3A_387 = tpu.memref_slice %arg2[%dma_start3A_385, %dma_start3A_386] : memref<10000x128xf32, #tpu.memory_space<hbm>> -> memref<10000x128xf32, #tpu.memory_space<hbm>>
          tpu.enqueue_indirect_dma source(%dma_start3A_387 : memref<10000x128xf32, #tpu.memory_space<hbm>>) target(%dma_start3A_381 : memref<80x128xf32, #tpu.memory_space<vmem>>) offsets(%dma_start3A_384 : memref<80xi32, #tpu.memory_space<vmem>>) semaphore(%arg12 : memref<!tpu.dma_semaphore, #tpu.memory_space<semaphore_mem>>)
          %mul3A_388 = arith.constant 4 : i32
          %mul3A_389 = arith.muli %scan3A_342, %mul3A_388 : i32
          %add3A_390 = arith.constant 3 : i32
          %add3A_391 = arith.addi %mul3A_389, %add3A_390 : i32
          %dma_start3A_392 = arith.constant 3 : i32
          %dma_start3A_393 = arith.constant 0 : i32
          %dma_start3A_394 = arith.constant 0 : i32
          %dma_start3A_395 = tpu.memref_slice %arg11[%dma_start3A_392, %dma_start3A_393, %dma_start3A_394] : memref<4x80x128xf32, #tpu.memory_space<vmem>> -> memref<1x80x128xf32, #tpu.memory_space<vmem>>
          %dma_start3A_396 = tpu.memref_squeeze %dma_start3A_395 : memref<1x80x128xf32, #tpu.memory_space<vmem>> -> memref<80x128xf32, #tpu.memory_space<vmem>>
          %dma_start3A_397 = arith.constant 0 : i32
          %dma_start3A_398 = tpu.memref_slice %arg9[%add3A_391, %dma_start3A_397] : memref<25x80xi32, #tpu.memory_space<vmem>> -> memref<1x80xi32, #tpu.memory_space<vmem>>
          %dma_start3A_399 = tpu.memref_squeeze %dma_start3A_398 : memref<1x80xi32, #tpu.memory_space<vmem>> -> memref<80xi32, #tpu.memory_space<vmem>>
          %dma_start3A_400 = arith.constant 0 : i32
          %dma_start3A_401 = arith.constant 0 : i32
          %dma_start3A_402 = tpu.memref_slice %arg2[%dma_start3A_400, %dma_start3A_401] : memref<10000x128xf32, #tpu.memory_space<hbm>> -> memref<10000x128xf32, #tpu.memory_space<hbm>>
          tpu.enqueue_indirect_dma source(%dma_start3A_402 : memref<10000x128xf32, #tpu.memory_space<hbm>>) target(%dma_start3A_396 : memref<80x128xf32, #tpu.memory_space<vmem>>) offsets(%dma_start3A_399 : memref<80xi32, #tpu.memory_space<vmem>>) semaphore(%arg12 : memref<!tpu.dma_semaphore, #tpu.memory_space<semaphore_mem>>)
          %mul3A_403 = arith.constant 4 : i32
          %mul3A_404 = arith.muli %scan3A_342, %mul3A_403 : i32
          %add3A_405 = arith.constant 0 : i32
          %add3A_406 = arith.addi %mul3A_404, %add3A_405 : i32
          %dma_wait3A_407 = arith.constant 0 : i32
          %dma_wait3A_408 = arith.constant 0 : i32
          %dma_wait3A_409 = arith.constant 0 : i32
          %dma_wait3A_410 = tpu.memref_slice %arg11[%dma_wait3A_407, %dma_wait3A_408, %dma_wait3A_409] : memref<4x80x128xf32, #tpu.memory_space<vmem>> -> memref<1x80x128xf32, #tpu.memory_space<vmem>>
          %dma_wait3A_411 = tpu.memref_squeeze %dma_wait3A_410 : memref<1x80x128xf32, #tpu.memory_space<vmem>> -> memref<80x128xf32, #tpu.memory_space<vmem>>
          %dma_wait3A_412 = arith.constant 0 : i32
          %dma_wait3A_413 = tpu.memref_slice %arg9[%add3A_346, %dma_wait3A_412] : memref<25x80xi32, #tpu.memory_space<vmem>> -> memref<1x80xi32, #tpu.memory_space<vmem>>
          %dma_wait3A_414 = tpu.memref_squeeze %dma_wait3A_413 : memref<1x80xi32, #tpu.memory_space<vmem>> -> memref<80xi32, #tpu.memory_space<vmem>>
          %dma_wait3A_415 = arith.constant 0 : i32
          %dma_wait3A_416 = arith.constant 0 : i32
          %dma_wait3A_417 = tpu.memref_slice %arg2[%dma_wait3A_415, %dma_wait3A_416] : memref<10000x128xf32, #tpu.memory_space<hbm>> -> memref<10000x128xf32, #tpu.memory_space<hbm>>
          tpu.wait_indirect_dma semaphore(%arg12 : memref<!tpu.dma_semaphore, #tpu.memory_space<semaphore_mem>>) src(%dma_wait3A_417 : memref<10000x128xf32, #tpu.memory_space<hbm>>) dst(%dma_wait3A_411 : memref<80x128xf32, #tpu.memory_space<vmem>>)
          %dma_start3A_418 = arith.constant 0 : i32
          %dma_start3A_419 = arith.constant 0 : i32
          %dma_start3A_420 = arith.constant 0 : i32
          %dma_start3A_421 = tpu.memref_slice %arg11[%dma_start3A_418, %dma_start3A_419, %dma_start3A_420] : memref<4x80x128xf32, #tpu.memory_space<vmem>> -> memref<1x80x128xf32, #tpu.memory_space<vmem>>
          %dma_start3A_422 = tpu.memref_squeeze %dma_start3A_421 : memref<1x80x128xf32, #tpu.memory_space<vmem>> -> memref<80x128xf32, #tpu.memory_space<vmem>>
          %dma_start3A_423 = arith.constant 0 : i32
          %dma_start3A_424 = tpu.memref_slice %arg10[%add3A_406, %dma_start3A_423] : memref<25x80xi32, #tpu.memory_space<vmem>> -> memref<1x80xi32, #tpu.memory_space<vmem>>
          %dma_start3A_425 = tpu.memref_squeeze %dma_start3A_424 : memref<1x80xi32, #tpu.memory_space<vmem>> -> memref<80xi32, #tpu.memory_space<vmem>>
          %dma_start3A_426 = arith.constant 0 : i32
          %dma_start3A_427 = arith.constant 0 : i32
          %dma_start3A_428 = tpu.memref_slice %arg8[%dma_start3A_426, %dma_start3A_427] : memref<10240x128xf32, #tpu.memory_space<vmem_shared>> -> memref<10240x128xf32, #tpu.memory_space<vmem_shared>>
          tpu.enqueue_indirect_dma source(%dma_start3A_422 : memref<80x128xf32, #tpu.memory_space<vmem>>) target(%dma_start3A_428 : memref<10240x128xf32, #tpu.memory_space<vmem_shared>>) offsets(%dma_start3A_425 : memref<80xi32, #tpu.memory_space<vmem>>) semaphore(%arg13 : memref<!tpu.dma_semaphore, #tpu.memory_space<semaphore_mem>>) {add = true}
          %mul3A_429 = arith.constant 4 : i32
          %mul3A_430 = arith.muli %scan3A_342, %mul3A_429 : i32
          %add3A_431 = arith.constant 1 : i32
          %add3A_432 = arith.addi %mul3A_430, %add3A_431 : i32
          %dma_wait3A_433 = arith.constant 1 : i32
          %dma_wait3A_434 = arith.constant 0 : i32
          %dma_wait3A_435 = arith.constant 0 : i32
          %dma_wait3A_436 = tpu.memref_slice %arg11[%dma_wait3A_433, %dma_wait3A_434, %dma_wait3A_435] : memref<4x80x128xf32, #tpu.memory_space<vmem>> -> memref<1x80x128xf32, #tpu.memory_space<vmem>>
          %dma_wait3A_437 = tpu.memref_squeeze %dma_wait3A_436 : memref<1x80x128xf32, #tpu.memory_space<vmem>> -> memref<80x128xf32, #tpu.memory_space<vmem>>
          %dma_wait3A_438 = arith.constant 0 : i32
          %dma_wait3A_439 = tpu.memref_slice %arg9[%add3A_361, %dma_wait3A_438] : memref<25x80xi32, #tpu.memory_space<vmem>> -> memref<1x80xi32, #tpu.memory_space<vmem>>
          %dma_wait3A_440 = tpu.memref_squeeze %dma_wait3A_439 : memref<1x80xi32, #tpu.memory_space<vmem>> -> memref<80xi32, #tpu.memory_space<vmem>>
          %dma_wait3A_441 = arith.constant 0 : i32
          %dma_wait3A_442 = arith.constant 0 : i32
          %dma_wait3A_443 = tpu.memref_slice %arg2[%dma_wait3A_441, %dma_wait3A_442] : memref<10000x128xf32, #tpu.memory_space<hbm>> -> memref<10000x128xf32, #tpu.memory_space<hbm>>
          tpu.wait_indirect_dma semaphore(%arg12 : memref<!tpu.dma_semaphore, #tpu.memory_space<semaphore_mem>>) src(%dma_wait3A_443 : memref<10000x128xf32, #tpu.memory_space<hbm>>) dst(%dma_wait3A_437 : memref<80x128xf32, #tpu.memory_space<vmem>>)
          %dma_start3A_444 = arith.constant 1 : i32
          %dma_start3A_445 = arith.constant 0 : i32
          %dma_start3A_446 = arith.constant 0 : i32
          %dma_start3A_447 = tpu.memref_slice %arg11[%dma_start3A_444, %dma_start3A_445, %dma_start3A_446] : memref<4x80x128xf32, #tpu.memory_space<vmem>> -> memref<1x80x128xf32, #tpu.memory_space<vmem>>
          %dma_start3A_448 = tpu.memref_squeeze %dma_start3A_447 : memref<1x80x128xf32, #tpu.memory_space<vmem>> -> memref<80x128xf32, #tpu.memory_space<vmem>>
          %dma_start3A_449 = arith.constant 0 : i32
          %dma_start3A_450 = tpu.memref_slice %arg10[%add3A_432, %dma_start3A_449] : memref<25x80xi32, #tpu.memory_space<vmem>> -> memref<1x80xi32, #tpu.memory_space<vmem>>
          %dma_start3A_451 = tpu.memref_squeeze %dma_start3A_450 : memref<1x80xi32, #tpu.memory_space<vmem>> -> memref<80xi32, #tpu.memory_space<vmem>>
          %dma_start3A_452 = arith.constant 0 : i32
          %dma_start3A_453 = arith.constant 0 : i32
          %dma_start3A_454 = tpu.memref_slice %arg8[%dma_start3A_452, %dma_start3A_453] : memref<10240x128xf32, #tpu.memory_space<vmem_shared>> -> memref<10240x128xf32, #tpu.memory_space<vmem_shared>>
          tpu.enqueue_indirect_dma source(%dma_start3A_448 : memref<80x128xf32, #tpu.memory_space<vmem>>) target(%dma_start3A_454 : memref<10240x128xf32, #tpu.memory_space<vmem_shared>>) offsets(%dma_start3A_451 : memref<80xi32, #tpu.memory_space<vmem>>) semaphore(%arg13 : memref<!tpu.dma_semaphore, #tpu.memory_space<semaphore_mem>>) {add = true}
          %mul3A_455 = arith.constant 4 : i32
          %mul3A_456 = arith.muli %scan3A_342, %mul3A_455 : i32
          %add3A_457 = arith.constant 2 : i32
          %add3A_458 = arith.addi %mul3A_456, %add3A_457 : i32
          %dma_wait3A_459 = arith.constant 2 : i32
          %dma_wait3A_460 = arith.constant 0 : i32
          %dma_wait3A_461 = arith.constant 0 : i32
          %dma_wait3A_462 = tpu.memref_slice %arg11[%dma_wait3A_459, %dma_wait3A_460, %dma_wait3A_461] : memref<4x80x128xf32, #tpu.memory_space<vmem>> -> memref<1x80x128xf32, #tpu.memory_space<vmem>>
          %dma_wait3A_463 = tpu.memref_squeeze %dma_wait3A_462 : memref<1x80x128xf32, #tpu.memory_space<vmem>> -> memref<80x128xf32, #tpu.memory_space<vmem>>
          %dma_wait3A_464 = arith.constant 0 : i32
          %dma_wait3A_465 = tpu.memref_slice %arg9[%add3A_376, %dma_wait3A_464] : memref<25x80xi32, #tpu.memory_space<vmem>> -> memref<1x80xi32, #tpu.memory_space<vmem>>
          %dma_wait3A_466 = tpu.memref_squeeze %dma_wait3A_465 : memref<1x80xi32, #tpu.memory_space<vmem>> -> memref<80xi32, #tpu.memory_space<vmem>>
          %dma_wait3A_467 = arith.constant 0 : i32
          %dma_wait3A_468 = arith.constant 0 : i32
          %dma_wait3A_469 = tpu.memref_slice %arg2[%dma_wait3A_467, %dma_wait3A_468] : memref<10000x128xf32, #tpu.memory_space<hbm>> -> memref<10000x128xf32, #tpu.memory_space<hbm>>
          tpu.wait_indirect_dma semaphore(%arg12 : memref<!tpu.dma_semaphore, #tpu.memory_space<semaphore_mem>>) src(%dma_wait3A_469 : memref<10000x128xf32, #tpu.memory_space<hbm>>) dst(%dma_wait3A_463 : memref<80x128xf32, #tpu.memory_space<vmem>>)
          %dma_start3A_470 = arith.constant 2 : i32
          %dma_start3A_471 = arith.constant 0 : i32
          %dma_start3A_472 = arith.constant 0 : i32
          %dma_start3A_473 = tpu.memref_slice %arg11[%dma_start3A_470, %dma_start3A_471, %dma_start3A_472] : memref<4x80x128xf32, #tpu.memory_space<vmem>> -> memref<1x80x128xf32, #tpu.memory_space<vmem>>
          %dma_start3A_474 = tpu.memref_squeeze %dma_start3A_473 : memref<1x80x128xf32, #tpu.memory_space<vmem>> -> memref<80x128xf32, #tpu.memory_space<vmem>>
          %dma_start3A_475 = arith.constant 0 : i32
          %dma_start3A_476 = tpu.memref_slice %arg10[%add3A_458, %dma_start3A_475] : memref<25x80xi32, #tpu.memory_space<vmem>> -> memref<1x80xi32, #tpu.memory_space<vmem>>
          %dma_start3A_477 = tpu.memref_squeeze %dma_start3A_476 : memref<1x80xi32, #tpu.memory_space<vmem>> -> memref<80xi32, #tpu.memory_space<vmem>>
          %dma_start3A_478 = arith.constant 0 : i32
          %dma_start3A_479 = arith.constant 0 : i32
          %dma_start3A_480 = tpu.memref_slice %arg8[%dma_start3A_478, %dma_start3A_479] : memref<10240x128xf32, #tpu.memory_space<vmem_shared>> -> memref<10240x128xf32, #tpu.memory_space<vmem_shared>>
          tpu.enqueue_indirect_dma source(%dma_start3A_474 : memref<80x128xf32, #tpu.memory_space<vmem>>) target(%dma_start3A_480 : memref<10240x128xf32, #tpu.memory_space<vmem_shared>>) offsets(%dma_start3A_477 : memref<80xi32, #tpu.memory_space<vmem>>) semaphore(%arg13 : memref<!tpu.dma_semaphore, #tpu.memory_space<semaphore_mem>>) {add = true}
          %mul3A_481 = arith.constant 4 : i32
          %mul3A_482 = arith.muli %scan3A_342, %mul3A_481 : i32
          %add3A_483 = arith.constant 3 : i32
          %add3A_484 = arith.addi %mul3A_482, %add3A_483 : i32
          %dma_wait3A_485 = arith.constant 3 : i32
          %dma_wait3A_486 = arith.constant 0 : i32
          %dma_wait3A_487 = arith.constant 0 : i32
          %dma_wait3A_488 = tpu.memref_slice %arg11[%dma_wait3A_485, %dma_wait3A_486, %dma_wait3A_487] : memref<4x80x128xf32, #tpu.memory_space<vmem>> -> memref<1x80x128xf32, #tpu.memory_space<vmem>>
          %dma_wait3A_489 = tpu.memref_squeeze %dma_wait3A_488 : memref<1x80x128xf32, #tpu.memory_space<vmem>> -> memref<80x128xf32, #tpu.memory_space<vmem>>
          %dma_wait3A_490 = arith.constant 0 : i32
          %dma_wait3A_491 = tpu.memref_slice %arg9[%add3A_391, %dma_wait3A_490] : memref<25x80xi32, #tpu.memory_space<vmem>> -> memref<1x80xi32, #tpu.memory_space<vmem>>
          %dma_wait3A_492 = tpu.memref_squeeze %dma_wait3A_491 : memref<1x80xi32, #tpu.memory_space<vmem>> -> memref<80xi32, #tpu.memory_space<vmem>>
          %dma_wait3A_493 = arith.constant 0 : i32
          %dma_wait3A_494 = arith.constant 0 : i32
          %dma_wait3A_495 = tpu.memref_slice %arg2[%dma_wait3A_493, %dma_wait3A_494] : memref<10000x128xf32, #tpu.memory_space<hbm>> -> memref<10000x128xf32, #tpu.memory_space<hbm>>
          tpu.wait_indirect_dma semaphore(%arg12 : memref<!tpu.dma_semaphore, #tpu.memory_space<semaphore_mem>>) src(%dma_wait3A_495 : memref<10000x128xf32, #tpu.memory_space<hbm>>) dst(%dma_wait3A_489 : memref<80x128xf32, #tpu.memory_space<vmem>>)
          %dma_start3A_496 = arith.constant 3 : i32
          %dma_start3A_497 = arith.constant 0 : i32
          %dma_start3A_498 = arith.constant 0 : i32
          %dma_start3A_499 = tpu.memref_slice %arg11[%dma_start3A_496, %dma_start3A_497, %dma_start3A_498] : memref<4x80x128xf32, #tpu.memory_space<vmem>> -> memref<1x80x128xf32, #tpu.memory_space<vmem>>
          %dma_start3A_500 = tpu.memref_squeeze %dma_start3A_499 : memref<1x80x128xf32, #tpu.memory_space<vmem>> -> memref<80x128xf32, #tpu.memory_space<vmem>>
          %dma_start3A_501 = arith.constant 0 : i32
          %dma_start3A_502 = tpu.memref_slice %arg10[%add3A_484, %dma_start3A_501] : memref<25x80xi32, #tpu.memory_space<vmem>> -> memref<1x80xi32, #tpu.memory_space<vmem>>
          %dma_start3A_503 = tpu.memref_squeeze %dma_start3A_502 : memref<1x80xi32, #tpu.memory_space<vmem>> -> memref<80xi32, #tpu.memory_space<vmem>>
          %dma_start3A_504 = arith.constant 0 : i32
          %dma_start3A_505 = arith.constant 0 : i32
          %dma_start3A_506 = tpu.memref_slice %arg8[%dma_start3A_504, %dma_start3A_505] : memref<10240x128xf32, #tpu.memory_space<vmem_shared>> -> memref<10240x128xf32, #tpu.memory_space<vmem_shared>>
          tpu.enqueue_indirect_dma source(%dma_start3A_500 : memref<80x128xf32, #tpu.memory_space<vmem>>) target(%dma_start3A_506 : memref<10240x128xf32, #tpu.memory_space<vmem_shared>>) offsets(%dma_start3A_503 : memref<80xi32, #tpu.memory_space<vmem>>) semaphore(%arg13 : memref<!tpu.dma_semaphore, #tpu.memory_space<semaphore_mem>>) {add = true}
          %dma_wait3A_507 = arith.constant 0 : i32
          %dma_wait3A_508 = arith.constant 0 : i32
          %dma_wait3A_509 = arith.constant 0 : i32
          %dma_wait3A_510 = tpu.memref_slice %arg11[%dma_wait3A_507, %dma_wait3A_508, %dma_wait3A_509] : memref<4x80x128xf32, #tpu.memory_space<vmem>> -> memref<1x80x128xf32, #tpu.memory_space<vmem>>
          %dma_wait3A_511 = tpu.memref_squeeze %dma_wait3A_510 : memref<1x80x128xf32, #tpu.memory_space<vmem>> -> memref<80x128xf32, #tpu.memory_space<vmem>>
          %dma_wait3A_512 = arith.constant 0 : i32
          %dma_wait3A_513 = tpu.memref_slice %arg10[%add3A_406, %dma_wait3A_512] : memref<25x80xi32, #tpu.memory_space<vmem>> -> memref<1x80xi32, #tpu.memory_space<vmem>>
          %dma_wait3A_514 = tpu.memref_squeeze %dma_wait3A_513 : memref<1x80xi32, #tpu.memory_space<vmem>> -> memref<80xi32, #tpu.memory_space<vmem>>
          %dma_wait3A_515 = arith.constant 0 : i32
          %dma_wait3A_516 = arith.constant 0 : i32
          %dma_wait3A_517 = tpu.memref_slice %arg8[%dma_wait3A_515, %dma_wait3A_516] : memref<10240x128xf32, #tpu.memory_space<vmem_shared>> -> memref<10240x128xf32, #tpu.memory_space<vmem_shared>>
          tpu.wait_indirect_dma semaphore(%arg13 : memref<!tpu.dma_semaphore, #tpu.memory_space<semaphore_mem>>) src(%dma_wait3A_511 : memref<80x128xf32, #tpu.memory_space<vmem>>) dst(%dma_wait3A_517 : memref<10240x128xf32, #tpu.memory_space<vmem_shared>>)
          %dma_wait3A_518 = arith.constant 1 : i32
          %dma_wait3A_519 = arith.constant 0 : i32
          %dma_wait3A_520 = arith.constant 0 : i32
          %dma_wait3A_521 = tpu.memref_slice %arg11[%dma_wait3A_518, %dma_wait3A_519, %dma_wait3A_520] : memref<4x80x128xf32, #tpu.memory_space<vmem>> -> memref<1x80x128xf32, #tpu.memory_space<vmem>>
          %dma_wait3A_522 = tpu.memref_squeeze %dma_wait3A_521 : memref<1x80x128xf32, #tpu.memory_space<vmem>> -> memref<80x128xf32, #tpu.memory_space<vmem>>
          %dma_wait3A_523 = arith.constant 0 : i32
          %dma_wait3A_524 = tpu.memref_slice %arg10[%add3A_432, %dma_wait3A_523] : memref<25x80xi32, #tpu.memory_space<vmem>> -> memref<1x80xi32, #tpu.memory_space<vmem>>
          %dma_wait3A_525 = tpu.memref_squeeze %dma_wait3A_524 : memref<1x80xi32, #tpu.memory_space<vmem>> -> memref<80xi32, #tpu.memory_space<vmem>>
          %dma_wait3A_526 = arith.constant 0 : i32
          %dma_wait3A_527 = arith.constant 0 : i32
          %dma_wait3A_528 = tpu.memref_slice %arg8[%dma_wait3A_526, %dma_wait3A_527] : memref<10240x128xf32, #tpu.memory_space<vmem_shared>> -> memref<10240x128xf32, #tpu.memory_space<vmem_shared>>
          tpu.wait_indirect_dma semaphore(%arg13 : memref<!tpu.dma_semaphore, #tpu.memory_space<semaphore_mem>>) src(%dma_wait3A_522 : memref<80x128xf32, #tpu.memory_space<vmem>>) dst(%dma_wait3A_528 : memref<10240x128xf32, #tpu.memory_space<vmem_shared>>)
          %dma_wait3A_529 = arith.constant 2 : i32
          %dma_wait3A_530 = arith.constant 0 : i32
          %dma_wait3A_531 = arith.constant 0 : i32
          %dma_wait3A_532 = tpu.memref_slice %arg11[%dma_wait3A_529, %dma_wait3A_530, %dma_wait3A_531] : memref<4x80x128xf32, #tpu.memory_space<vmem>> -> memref<1x80x128xf32, #tpu.memory_space<vmem>>
          %dma_wait3A_533 = tpu.memref_squeeze %dma_wait3A_532 : memref<1x80x128xf32, #tpu.memory_space<vmem>> -> memref<80x128xf32, #tpu.memory_space<vmem>>
          %dma_wait3A_534 = arith.constant 0 : i32
          %dma_wait3A_535 = tpu.memref_slice %arg10[%add3A_458, %dma_wait3A_534] : memref<25x80xi32, #tpu.memory_space<vmem>> -> memref<1x80xi32, #tpu.memory_space<vmem>>
          %dma_wait3A_536 = tpu.memref_squeeze %dma_wait3A_535 : memref<1x80xi32, #tpu.memory_space<vmem>> -> memref<80xi32, #tpu.memory_space<vmem>>
          %dma_wait3A_537 = arith.constant 0 : i32
          %dma_wait3A_538 = arith.constant 0 : i32
          %dma_wait3A_539 = tpu.memref_slice %arg8[%dma_wait3A_537, %dma_wait3A_538] : memref<10240x128xf32, #tpu.memory_space<vmem_shared>> -> memref<10240x128xf32, #tpu.memory_space<vmem_shared>>
          tpu.wait_indirect_dma semaphore(%arg13 : memref<!tpu.dma_semaphore, #tpu.memory_space<semaphore_mem>>) src(%dma_wait3A_533 : memref<80x128xf32, #tpu.memory_space<vmem>>) dst(%dma_wait3A_539 : memref<10240x128xf32, #tpu.memory_space<vmem_shared>>)
          %dma_wait3A_540 = arith.constant 3 : i32
          %dma_wait3A_541 = arith.constant 0 : i32
          %dma_wait3A_542 = arith.constant 0 : i32
          %dma_wait3A_543 = tpu.memref_slice %arg11[%dma_wait3A_540, %dma_wait3A_541, %dma_wait3A_542] : memref<4x80x128xf32, #tpu.memory_space<vmem>> -> memref<1x80x128xf32, #tpu.memory_space<vmem>>
          %dma_wait3A_544 = tpu.memref_squeeze %dma_wait3A_543 : memref<1x80x128xf32, #tpu.memory_space<vmem>> -> memref<80x128xf32, #tpu.memory_space<vmem>>
          %dma_wait3A_545 = arith.constant 0 : i32
          %dma_wait3A_546 = tpu.memref_slice %arg10[%add3A_484, %dma_wait3A_545] : memref<25x80xi32, #tpu.memory_space<vmem>> -> memref<1x80xi32, #tpu.memory_space<vmem>>
          %dma_wait3A_547 = tpu.memref_squeeze %dma_wait3A_546 : memref<1x80xi32, #tpu.memory_space<vmem>> -> memref<80xi32, #tpu.memory_space<vmem>>
          %dma_wait3A_548 = arith.constant 0 : i32
          %dma_wait3A_549 = arith.constant 0 : i32
          %dma_wait3A_550 = tpu.memref_slice %arg8[%dma_wait3A_548, %dma_wait3A_549] : memref<10240x128xf32, #tpu.memory_space<vmem_shared>> -> memref<10240x128xf32, #tpu.memory_space<vmem_shared>>
          tpu.wait_indirect_dma semaphore(%arg13 : memref<!tpu.dma_semaphore, #tpu.memory_space<semaphore_mem>>) src(%dma_wait3A_544 : memref<80x128xf32, #tpu.memory_space<vmem>>) dst(%dma_wait3A_550 : memref<10240x128xf32, #tpu.memory_space<vmem_shared>>)
        }
        %scan3A_337 = arith.constant 6 : i32
        %run_scoped3A_338 = arith.constant 24 : i32
        %run_scoped3A_339 = arith.constant 0 : i32
        "tpu.region"() ({
          %run_scoped3A_342 = tpu.sem_alloc : memref<!tpu.dma_semaphore, #tpu.memory_space<semaphore_mem>>
          %dma_start3A_343 = arith.constant 0 : i32
          %dma_start3A_344 = arith.constant 0 : i32
          %dma_start3A_345 = tpu.memref_slice %arg11[%run_scoped3A_339, %dma_start3A_343, %dma_start3A_344] : memref<4x80x128xf32, #tpu.memory_space<vmem>> -> memref<1x80x128xf32, #tpu.memory_space<vmem>>
          %dma_start3A_346 = tpu.memref_squeeze %dma_start3A_345 : memref<1x80x128xf32, #tpu.memory_space<vmem>> -> memref<80x128xf32, #tpu.memory_space<vmem>>
          %dma_start3A_347 = arith.constant 0 : i32
          %dma_start3A_348 = tpu.memref_slice %arg9[%run_scoped3A_338, %dma_start3A_347] : memref<25x80xi32, #tpu.memory_space<vmem>> -> memref<1x80xi32, #tpu.memory_space<vmem>>
          %dma_start3A_349 = tpu.memref_squeeze %dma_start3A_348 : memref<1x80xi32, #tpu.memory_space<vmem>> -> memref<80xi32, #tpu.memory_space<vmem>>
          %dma_start3A_350 = arith.constant 0 : i32
          %dma_start3A_351 = arith.constant 0 : i32
          %dma_start3A_352 = tpu.memref_slice %arg2[%dma_start3A_350, %dma_start3A_351] : memref<10000x128xf32, #tpu.memory_space<hbm>> -> memref<10000x128xf32, #tpu.memory_space<hbm>>
          tpu.enqueue_indirect_dma source(%dma_start3A_352 : memref<10000x128xf32, #tpu.memory_space<hbm>>) target(%dma_start3A_346 : memref<80x128xf32, #tpu.memory_space<vmem>>) offsets(%dma_start3A_349 : memref<80xi32, #tpu.memory_space<vmem>>) semaphore(%run_scoped3A_342 : memref<!tpu.dma_semaphore, #tpu.memory_space<semaphore_mem>>)
          %dma_wait3A_353 = arith.constant 0 : i32
          %dma_wait3A_354 = arith.constant 0 : i32
          %dma_wait3A_355 = tpu.memref_slice %arg11[%run_scoped3A_339, %dma_wait3A_353, %dma_wait3A_354] : memref<4x80x128xf32, #tpu.memory_space<vmem>> -> memref<1x80x128xf32, #tpu.memory_space<vmem>>
          %dma_wait3A_356 = tpu.memref_squeeze %dma_wait3A_355 : memref<1x80x128xf32, #tpu.memory_space<vmem>> -> memref<80x128xf32, #tpu.memory_space<vmem>>
          %dma_wait3A_357 = arith.constant 0 : i32
          %dma_wait3A_358 = tpu.memref_slice %arg9[%run_scoped3A_338, %dma_wait3A_357] : memref<25x80xi32, #tpu.memory_space<vmem>> -> memref<1x80xi32, #tpu.memory_space<vmem>>
          %dma_wait3A_359 = tpu.memref_squeeze %dma_wait3A_358 : memref<1x80xi32, #tpu.memory_space<vmem>> -> memref<80xi32, #tpu.memory_space<vmem>>
          %dma_wait3A_360 = arith.constant 0 : i32
          %dma_wait3A_361 = arith.constant 0 : i32
          %dma_wait3A_362 = tpu.memref_slice %arg2[%dma_wait3A_360, %dma_wait3A_361] : memref<10000x128xf32, #tpu.memory_space<hbm>> -> memref<10000x128xf32, #tpu.memory_space<hbm>>
          tpu.wait_indirect_dma semaphore(%run_scoped3A_342 : memref<!tpu.dma_semaphore, #tpu.memory_space<semaphore_mem>>) src(%dma_wait3A_362 : memref<10000x128xf32, #tpu.memory_space<hbm>>) dst(%dma_wait3A_356 : memref<80x128xf32, #tpu.memory_space<vmem>>)
          tpu.yield
        }) : () -> ()
        %run_scoped3A_340 = arith.constant 0 : i32
        %run_scoped3A_341 = arith.constant 24 : i32
        "tpu.region"() ({
          %run_scoped3A_342 = tpu.sem_alloc : memref<!tpu.dma_semaphore, #tpu.memory_space<semaphore_mem>>
          %dma_start3A_343 = arith.constant 0 : i32
          %dma_start3A_344 = arith.constant 0 : i32
          %dma_start3A_345 = tpu.memref_slice %arg11[%run_scoped3A_340, %dma_start3A_343, %dma_start3A_344] : memref<4x80x128xf32, #tpu.memory_space<vmem>> -> memref<1x80x128xf32, #tpu.memory_space<vmem>>
          %dma_start3A_346 = tpu.memref_squeeze %dma_start3A_345 : memref<1x80x128xf32, #tpu.memory_space<vmem>> -> memref<80x128xf32, #tpu.memory_space<vmem>>
          %dma_start3A_347 = arith.constant 0 : i32
          %dma_start3A_348 = tpu.memref_slice %arg10[%run_scoped3A_341, %dma_start3A_347] : memref<25x80xi32, #tpu.memory_space<vmem>> -> memref<1x80xi32, #tpu.memory_space<vmem>>
          %dma_start3A_349 = tpu.memref_squeeze %dma_start3A_348 : memref<1x80xi32, #tpu.memory_space<vmem>> -> memref<80xi32, #tpu.memory_space<vmem>>
          %dma_start3A_350 = arith.constant 0 : i32
          %dma_start3A_351 = arith.constant 0 : i32
          %dma_start3A_352 = tpu.memref_slice %arg8[%dma_start3A_350, %dma_start3A_351] : memref<10240x128xf32, #tpu.memory_space<vmem_shared>> -> memref<10240x128xf32, #tpu.memory_space<vmem_shared>>
          tpu.enqueue_indirect_dma source(%dma_start3A_346 : memref<80x128xf32, #tpu.memory_space<vmem>>) target(%dma_start3A_352 : memref<10240x128xf32, #tpu.memory_space<vmem_shared>>) offsets(%dma_start3A_349 : memref<80xi32, #tpu.memory_space<vmem>>) semaphore(%run_scoped3A_342 : memref<!tpu.dma_semaphore, #tpu.memory_space<semaphore_mem>>) {add = true}
          %dma_wait3A_353 = arith.constant 0 : i32
          %dma_wait3A_354 = arith.constant 0 : i32
          %dma_wait3A_355 = tpu.memref_slice %arg11[%run_scoped3A_340, %dma_wait3A_353, %dma_wait3A_354] : memref<4x80x128xf32, #tpu.memory_space<vmem>> -> memref<1x80x128xf32, #tpu.memory_space<vmem>>
          %dma_wait3A_356 = tpu.memref_squeeze %dma_wait3A_355 : memref<1x80x128xf32, #tpu.memory_space<vmem>> -> memref<80x128xf32, #tpu.memory_space<vmem>>
          %dma_wait3A_357 = arith.constant 0 : i32
          %dma_wait3A_358 = tpu.memref_slice %arg10[%run_scoped3A_341, %dma_wait3A_357] : memref<25x80xi32, #tpu.memory_space<vmem>> -> memref<1x80xi32, #tpu.memory_space<vmem>>
          %dma_wait3A_359 = tpu.memref_squeeze %dma_wait3A_358 : memref<1x80xi32, #tpu.memory_space<vmem>> -> memref<80xi32, #tpu.memory_space<vmem>>
          %dma_wait3A_360 = arith.constant 0 : i32
          %dma_wait3A_361 = arith.constant 0 : i32
          %dma_wait3A_362 = tpu.memref_slice %arg8[%dma_wait3A_360, %dma_wait3A_361] : memref<10240x128xf32, #tpu.memory_space<vmem_shared>> -> memref<10240x128xf32, #tpu.memory_space<vmem_shared>>
          tpu.wait_indirect_dma semaphore(%run_scoped3A_342 : memref<!tpu.dma_semaphore, #tpu.memory_space<semaphore_mem>>) src(%dma_wait3A_356 : memref<80x128xf32, #tpu.memory_space<vmem>>) dst(%dma_wait3A_362 : memref<10240x128xf32, #tpu.memory_space<vmem_shared>>)
          tpu.yield
        }) : () -> ()
      }
      %scan3A_329 = arith.constant 10 : i32
    } else {
    }
    %eq3A_42 = arith.constant 1 : i32
    %eq3A_43 = arith.cmpi eq, %arg0, %eq3A_42 : i32
    %convert_element_type3A_44 = arith.extui %eq3A_43 : i1 to i32
    %cond3A_45 = arith.constant 0 : i32
    %cond3A_46 = arith.cmpi ne, %convert_element_type3A_44, %cond3A_45 : i32
    scf.if %cond3A_46 {
      %scan3A = arith.constant 0 : i32
      %scan3A_326 = arith.constant 10 : i32
      %scan3A_327 = arith.addi %scan3A, %scan3A_326 : i32
      %scan3A_328 = arith.constant 1 : i32
      scf.for %scan3A_330 = %scan3A to %scan3A_327 step %scan3A_328  : i32 {
        %add3A_331 = arith.addi %mul3A_39, %scan3A_330 : i32
        "tpu.region"() ({
          %run_scoped3A_342 = tpu.sem_alloc : memref<!tpu.dma_semaphore, #tpu.memory_space<semaphore_mem>>
          %dma_start3A_343 = arith.constant 0 : i32
          %dma_start3A_344 = arith.constant 0 : i32
          %dma_start3A_345 = tpu.memref_slice %arg4[%add3A_331, %dma_start3A_343, %dma_start3A_344] : memref<160x25x80xi32, #tpu.memory_space<hbm>> -> memref<1x25x80xi32, #tpu.memory_space<hbm>>
          %dma_start3A_346 = tpu.memref_squeeze %dma_start3A_345 : memref<1x25x80xi32, #tpu.memory_space<hbm>> -> memref<25x80xi32, #tpu.memory_space<hbm>>
          %dma_start3A_347 = arith.constant 0 : i32
          %dma_start3A_348 = arith.constant 0 : i32
          %dma_start3A_349 = tpu.memref_slice %arg4[%add3A_331, %dma_start3A_347, %dma_start3A_348] : memref<160x25x80xi32, #tpu.memory_space<hbm>> -> memref<1x25x80xi32, #tpu.memory_space<hbm>>
          %dma_start3A_350 = tpu.memref_squeeze %dma_start3A_349 : memref<1x25x80xi32, #tpu.memory_space<hbm>> -> memref<25x80xi32, #tpu.memory_space<hbm>>
          tpu.enqueue_dma source(%dma_start3A_350 : memref<25x80xi32, #tpu.memory_space<hbm>>) target(%arg9 : memref<25x80xi32, #tpu.memory_space<vmem>>) target_semaphore(%run_scoped3A_342 : memref<!tpu.dma_semaphore, #tpu.memory_space<semaphore_mem>>)
          %dma_wait3A_351 = arith.constant 0 : i32
          %dma_wait3A_352 = arith.constant 0 : i32
          %dma_wait3A_353 = tpu.memref_slice %arg4[%add3A_331, %dma_wait3A_351, %dma_wait3A_352] : memref<160x25x80xi32, #tpu.memory_space<hbm>> -> memref<1x25x80xi32, #tpu.memory_space<hbm>>
          %dma_wait3A_354 = tpu.memref_squeeze %dma_wait3A_353 : memref<1x25x80xi32, #tpu.memory_space<hbm>> -> memref<25x80xi32, #tpu.memory_space<hbm>>
          %dma_wait3A_355 = arith.constant 0 : i32
          %dma_wait3A_356 = arith.constant 0 : i32
          %dma_wait3A_357 = tpu.memref_slice %arg4[%add3A_331, %dma_wait3A_355, %dma_wait3A_356] : memref<160x25x80xi32, #tpu.memory_space<hbm>> -> memref<1x25x80xi32, #tpu.memory_space<hbm>>
          %dma_wait3A_358 = tpu.memref_squeeze %dma_wait3A_357 : memref<1x25x80xi32, #tpu.memory_space<hbm>> -> memref<25x80xi32, #tpu.memory_space<hbm>>
          tpu.wait_dma2 semaphore(%run_scoped3A_342 : memref<!tpu.dma_semaphore, #tpu.memory_space<semaphore_mem>>) src(%dma_wait3A_358 : memref<25x80xi32, #tpu.memory_space<hbm>>) dst(%arg9 : memref<25x80xi32, #tpu.memory_space<vmem>>)
          tpu.yield
        }) : () -> ()
        %add3A_332 = arith.addi %mul3A_39, %scan3A_330 : i32
        "tpu.region"() ({
          %run_scoped3A_342 = tpu.sem_alloc : memref<!tpu.dma_semaphore, #tpu.memory_space<semaphore_mem>>
          %dma_start3A_343 = arith.constant 0 : i32
          %dma_start3A_344 = arith.constant 0 : i32
          %dma_start3A_345 = tpu.memref_slice %arg5[%add3A_332, %dma_start3A_343, %dma_start3A_344] : memref<160x25x80xi32, #tpu.memory_space<hbm>> -> memref<1x25x80xi32, #tpu.memory_space<hbm>>
          %dma_start3A_346 = tpu.memref_squeeze %dma_start3A_345 : memref<1x25x80xi32, #tpu.memory_space<hbm>> -> memref<25x80xi32, #tpu.memory_space<hbm>>
          %dma_start3A_347 = arith.constant 0 : i32
          %dma_start3A_348 = arith.constant 0 : i32
          %dma_start3A_349 = tpu.memref_slice %arg5[%add3A_332, %dma_start3A_347, %dma_start3A_348] : memref<160x25x80xi32, #tpu.memory_space<hbm>> -> memref<1x25x80xi32, #tpu.memory_space<hbm>>
          %dma_start3A_350 = tpu.memref_squeeze %dma_start3A_349 : memref<1x25x80xi32, #tpu.memory_space<hbm>> -> memref<25x80xi32, #tpu.memory_space<hbm>>
          tpu.enqueue_dma source(%dma_start3A_350 : memref<25x80xi32, #tpu.memory_space<hbm>>) target(%arg10 : memref<25x80xi32, #tpu.memory_space<vmem>>) target_semaphore(%run_scoped3A_342 : memref<!tpu.dma_semaphore, #tpu.memory_space<semaphore_mem>>)
          %dma_wait3A_351 = arith.constant 0 : i32
          %dma_wait3A_352 = arith.constant 0 : i32
          %dma_wait3A_353 = tpu.memref_slice %arg5[%add3A_332, %dma_wait3A_351, %dma_wait3A_352] : memref<160x25x80xi32, #tpu.memory_space<hbm>> -> memref<1x25x80xi32, #tpu.memory_space<hbm>>
          %dma_wait3A_354 = tpu.memref_squeeze %dma_wait3A_353 : memref<1x25x80xi32, #tpu.memory_space<hbm>> -> memref<25x80xi32, #tpu.memory_space<hbm>>
          %dma_wait3A_355 = arith.constant 0 : i32
          %dma_wait3A_356 = arith.constant 0 : i32
          %dma_wait3A_357 = tpu.memref_slice %arg5[%add3A_332, %dma_wait3A_355, %dma_wait3A_356] : memref<160x25x80xi32, #tpu.memory_space<hbm>> -> memref<1x25x80xi32, #tpu.memory_space<hbm>>
          %dma_wait3A_358 = tpu.memref_squeeze %dma_wait3A_357 : memref<1x25x80xi32, #tpu.memory_space<hbm>> -> memref<25x80xi32, #tpu.memory_space<hbm>>
          tpu.wait_dma2 semaphore(%run_scoped3A_342 : memref<!tpu.dma_semaphore, #tpu.memory_space<semaphore_mem>>) src(%dma_wait3A_358 : memref<25x80xi32, #tpu.memory_space<hbm>>) dst(%arg10 : memref<25x80xi32, #tpu.memory_space<vmem>>)
          tpu.yield
        }) : () -> ()
        %scan3A_333 = arith.constant 0 : i32
        %scan3A_334 = arith.constant 6 : i32
        %scan3A_335 = arith.addi %scan3A_333, %scan3A_334 : i32
        %scan3A_336 = arith.constant 1 : i32
        scf.for %scan3A_342 = %scan3A_333 to %scan3A_335 step %scan3A_336  : i32 {
          %mul3A_343 = arith.constant 4 : i32
          %mul3A_344 = arith.muli %scan3A_342, %mul3A_343 : i32
          %add3A_345 = arith.constant 0 : i32
          %add3A_346 = arith.addi %mul3A_344, %add3A_345 : i32
          %dma_start3A_347 = arith.constant 0 : i32
          %dma_start3A_348 = arith.constant 0 : i32
          %dma_start3A_349 = arith.constant 0 : i32
          %dma_start3A_350 = tpu.memref_slice %arg11[%dma_start3A_347, %dma_start3A_348, %dma_start3A_349] : memref<4x80x128xf32, #tpu.memory_space<vmem>> -> memref<1x80x128xf32, #tpu.memory_space<vmem>>
          %dma_start3A_351 = tpu.memref_squeeze %dma_start3A_350 : memref<1x80x128xf32, #tpu.memory_space<vmem>> -> memref<80x128xf32, #tpu.memory_space<vmem>>
          %dma_start3A_352 = arith.constant 0 : i32
          %dma_start3A_353 = tpu.memref_slice %arg9[%add3A_346, %dma_start3A_352] : memref<25x80xi32, #tpu.memory_space<vmem>> -> memref<1x80xi32, #tpu.memory_space<vmem>>
          %dma_start3A_354 = tpu.memref_squeeze %dma_start3A_353 : memref<1x80xi32, #tpu.memory_space<vmem>> -> memref<80xi32, #tpu.memory_space<vmem>>
          %dma_start3A_355 = arith.constant 0 : i32
          %dma_start3A_356 = arith.constant 0 : i32
          %dma_start3A_357 = tpu.memref_slice %arg3[%dma_start3A_355, %dma_start3A_356] : memref<10240x128xf32, #tpu.memory_space<hbm>> -> memref<10240x128xf32, #tpu.memory_space<hbm>>
          tpu.enqueue_indirect_dma source(%dma_start3A_357 : memref<10240x128xf32, #tpu.memory_space<hbm>>) target(%dma_start3A_351 : memref<80x128xf32, #tpu.memory_space<vmem>>) offsets(%dma_start3A_354 : memref<80xi32, #tpu.memory_space<vmem>>) semaphore(%arg12 : memref<!tpu.dma_semaphore, #tpu.memory_space<semaphore_mem>>)
          %mul3A_358 = arith.constant 4 : i32
          %mul3A_359 = arith.muli %scan3A_342, %mul3A_358 : i32
          %add3A_360 = arith.constant 1 : i32
          %add3A_361 = arith.addi %mul3A_359, %add3A_360 : i32
          %dma_start3A_362 = arith.constant 1 : i32
          %dma_start3A_363 = arith.constant 0 : i32
          %dma_start3A_364 = arith.constant 0 : i32
          %dma_start3A_365 = tpu.memref_slice %arg11[%dma_start3A_362, %dma_start3A_363, %dma_start3A_364] : memref<4x80x128xf32, #tpu.memory_space<vmem>> -> memref<1x80x128xf32, #tpu.memory_space<vmem>>
          %dma_start3A_366 = tpu.memref_squeeze %dma_start3A_365 : memref<1x80x128xf32, #tpu.memory_space<vmem>> -> memref<80x128xf32, #tpu.memory_space<vmem>>
          %dma_start3A_367 = arith.constant 0 : i32
          %dma_start3A_368 = tpu.memref_slice %arg9[%add3A_361, %dma_start3A_367] : memref<25x80xi32, #tpu.memory_space<vmem>> -> memref<1x80xi32, #tpu.memory_space<vmem>>
          %dma_start3A_369 = tpu.memref_squeeze %dma_start3A_368 : memref<1x80xi32, #tpu.memory_space<vmem>> -> memref<80xi32, #tpu.memory_space<vmem>>
          %dma_start3A_370 = arith.constant 0 : i32
          %dma_start3A_371 = arith.constant 0 : i32
          %dma_start3A_372 = tpu.memref_slice %arg3[%dma_start3A_370, %dma_start3A_371] : memref<10240x128xf32, #tpu.memory_space<hbm>> -> memref<10240x128xf32, #tpu.memory_space<hbm>>
          tpu.enqueue_indirect_dma source(%dma_start3A_372 : memref<10240x128xf32, #tpu.memory_space<hbm>>) target(%dma_start3A_366 : memref<80x128xf32, #tpu.memory_space<vmem>>) offsets(%dma_start3A_369 : memref<80xi32, #tpu.memory_space<vmem>>) semaphore(%arg12 : memref<!tpu.dma_semaphore, #tpu.memory_space<semaphore_mem>>)
          %mul3A_373 = arith.constant 4 : i32
          %mul3A_374 = arith.muli %scan3A_342, %mul3A_373 : i32
          %add3A_375 = arith.constant 2 : i32
          %add3A_376 = arith.addi %mul3A_374, %add3A_375 : i32
          %dma_start3A_377 = arith.constant 2 : i32
          %dma_start3A_378 = arith.constant 0 : i32
          %dma_start3A_379 = arith.constant 0 : i32
          %dma_start3A_380 = tpu.memref_slice %arg11[%dma_start3A_377, %dma_start3A_378, %dma_start3A_379] : memref<4x80x128xf32, #tpu.memory_space<vmem>> -> memref<1x80x128xf32, #tpu.memory_space<vmem>>
          %dma_start3A_381 = tpu.memref_squeeze %dma_start3A_380 : memref<1x80x128xf32, #tpu.memory_space<vmem>> -> memref<80x128xf32, #tpu.memory_space<vmem>>
          %dma_start3A_382 = arith.constant 0 : i32
          %dma_start3A_383 = tpu.memref_slice %arg9[%add3A_376, %dma_start3A_382] : memref<25x80xi32, #tpu.memory_space<vmem>> -> memref<1x80xi32, #tpu.memory_space<vmem>>
          %dma_start3A_384 = tpu.memref_squeeze %dma_start3A_383 : memref<1x80xi32, #tpu.memory_space<vmem>> -> memref<80xi32, #tpu.memory_space<vmem>>
          %dma_start3A_385 = arith.constant 0 : i32
          %dma_start3A_386 = arith.constant 0 : i32
          %dma_start3A_387 = tpu.memref_slice %arg3[%dma_start3A_385, %dma_start3A_386] : memref<10240x128xf32, #tpu.memory_space<hbm>> -> memref<10240x128xf32, #tpu.memory_space<hbm>>
          tpu.enqueue_indirect_dma source(%dma_start3A_387 : memref<10240x128xf32, #tpu.memory_space<hbm>>) target(%dma_start3A_381 : memref<80x128xf32, #tpu.memory_space<vmem>>) offsets(%dma_start3A_384 : memref<80xi32, #tpu.memory_space<vmem>>) semaphore(%arg12 : memref<!tpu.dma_semaphore, #tpu.memory_space<semaphore_mem>>)
          %mul3A_388 = arith.constant 4 : i32
          %mul3A_389 = arith.muli %scan3A_342, %mul3A_388 : i32
          %add3A_390 = arith.constant 3 : i32
          %add3A_391 = arith.addi %mul3A_389, %add3A_390 : i32
          %dma_start3A_392 = arith.constant 3 : i32
          %dma_start3A_393 = arith.constant 0 : i32
          %dma_start3A_394 = arith.constant 0 : i32
          %dma_start3A_395 = tpu.memref_slice %arg11[%dma_start3A_392, %dma_start3A_393, %dma_start3A_394] : memref<4x80x128xf32, #tpu.memory_space<vmem>> -> memref<1x80x128xf32, #tpu.memory_space<vmem>>
          %dma_start3A_396 = tpu.memref_squeeze %dma_start3A_395 : memref<1x80x128xf32, #tpu.memory_space<vmem>> -> memref<80x128xf32, #tpu.memory_space<vmem>>
          %dma_start3A_397 = arith.constant 0 : i32
          %dma_start3A_398 = tpu.memref_slice %arg9[%add3A_391, %dma_start3A_397] : memref<25x80xi32, #tpu.memory_space<vmem>> -> memref<1x80xi32, #tpu.memory_space<vmem>>
          %dma_start3A_399 = tpu.memref_squeeze %dma_start3A_398 : memref<1x80xi32, #tpu.memory_space<vmem>> -> memref<80xi32, #tpu.memory_space<vmem>>
          %dma_start3A_400 = arith.constant 0 : i32
          %dma_start3A_401 = arith.constant 0 : i32
          %dma_start3A_402 = tpu.memref_slice %arg3[%dma_start3A_400, %dma_start3A_401] : memref<10240x128xf32, #tpu.memory_space<hbm>> -> memref<10240x128xf32, #tpu.memory_space<hbm>>
          tpu.enqueue_indirect_dma source(%dma_start3A_402 : memref<10240x128xf32, #tpu.memory_space<hbm>>) target(%dma_start3A_396 : memref<80x128xf32, #tpu.memory_space<vmem>>) offsets(%dma_start3A_399 : memref<80xi32, #tpu.memory_space<vmem>>) semaphore(%arg12 : memref<!tpu.dma_semaphore, #tpu.memory_space<semaphore_mem>>)
          %mul3A_403 = arith.constant 4 : i32
          %mul3A_404 = arith.muli %scan3A_342, %mul3A_403 : i32
          %add3A_405 = arith.constant 0 : i32
          %add3A_406 = arith.addi %mul3A_404, %add3A_405 : i32
          %dma_wait3A_407 = arith.constant 0 : i32
          %dma_wait3A_408 = arith.constant 0 : i32
          %dma_wait3A_409 = arith.constant 0 : i32
          %dma_wait3A_410 = tpu.memref_slice %arg11[%dma_wait3A_407, %dma_wait3A_408, %dma_wait3A_409] : memref<4x80x128xf32, #tpu.memory_space<vmem>> -> memref<1x80x128xf32, #tpu.memory_space<vmem>>
          %dma_wait3A_411 = tpu.memref_squeeze %dma_wait3A_410 : memref<1x80x128xf32, #tpu.memory_space<vmem>> -> memref<80x128xf32, #tpu.memory_space<vmem>>
          %dma_wait3A_412 = arith.constant 0 : i32
          %dma_wait3A_413 = tpu.memref_slice %arg9[%add3A_346, %dma_wait3A_412] : memref<25x80xi32, #tpu.memory_space<vmem>> -> memref<1x80xi32, #tpu.memory_space<vmem>>
          %dma_wait3A_414 = tpu.memref_squeeze %dma_wait3A_413 : memref<1x80xi32, #tpu.memory_space<vmem>> -> memref<80xi32, #tpu.memory_space<vmem>>
          %dma_wait3A_415 = arith.constant 0 : i32
          %dma_wait3A_416 = arith.constant 0 : i32
          %dma_wait3A_417 = tpu.memref_slice %arg3[%dma_wait3A_415, %dma_wait3A_416] : memref<10240x128xf32, #tpu.memory_space<hbm>> -> memref<10240x128xf32, #tpu.memory_space<hbm>>
          tpu.wait_indirect_dma semaphore(%arg12 : memref<!tpu.dma_semaphore, #tpu.memory_space<semaphore_mem>>) src(%dma_wait3A_417 : memref<10240x128xf32, #tpu.memory_space<hbm>>) dst(%dma_wait3A_411 : memref<80x128xf32, #tpu.memory_space<vmem>>)
          %dma_start3A_418 = arith.constant 0 : i32
          %dma_start3A_419 = arith.constant 0 : i32
          %dma_start3A_420 = arith.constant 0 : i32
          %dma_start3A_421 = tpu.memref_slice %arg11[%dma_start3A_418, %dma_start3A_419, %dma_start3A_420] : memref<4x80x128xf32, #tpu.memory_space<vmem>> -> memref<1x80x128xf32, #tpu.memory_space<vmem>>
          %dma_start3A_422 = tpu.memref_squeeze %dma_start3A_421 : memref<1x80x128xf32, #tpu.memory_space<vmem>> -> memref<80x128xf32, #tpu.memory_space<vmem>>
          %dma_start3A_423 = arith.constant 0 : i32
          %dma_start3A_424 = tpu.memref_slice %arg10[%add3A_406, %dma_start3A_423] : memref<25x80xi32, #tpu.memory_space<vmem>> -> memref<1x80xi32, #tpu.memory_space<vmem>>
          %dma_start3A_425 = tpu.memref_squeeze %dma_start3A_424 : memref<1x80xi32, #tpu.memory_space<vmem>> -> memref<80xi32, #tpu.memory_space<vmem>>
          %dma_start3A_426 = arith.constant 0 : i32
          %dma_start3A_427 = arith.constant 0 : i32
          %dma_start3A_428 = tpu.memref_slice %arg8[%dma_start3A_426, %dma_start3A_427] : memref<10240x128xf32, #tpu.memory_space<vmem_shared>> -> memref<10240x128xf32, #tpu.memory_space<vmem_shared>>
          tpu.enqueue_indirect_dma source(%dma_start3A_422 : memref<80x128xf32, #tpu.memory_space<vmem>>) target(%dma_start3A_428 : memref<10240x128xf32, #tpu.memory_space<vmem_shared>>) offsets(%dma_start3A_425 : memref<80xi32, #tpu.memory_space<vmem>>) semaphore(%arg13 : memref<!tpu.dma_semaphore, #tpu.memory_space<semaphore_mem>>) {add = true}
          %mul3A_429 = arith.constant 4 : i32
          %mul3A_430 = arith.muli %scan3A_342, %mul3A_429 : i32
          %add3A_431 = arith.constant 1 : i32
          %add3A_432 = arith.addi %mul3A_430, %add3A_431 : i32
          %dma_wait3A_433 = arith.constant 1 : i32
          %dma_wait3A_434 = arith.constant 0 : i32
          %dma_wait3A_435 = arith.constant 0 : i32
          %dma_wait3A_436 = tpu.memref_slice %arg11[%dma_wait3A_433, %dma_wait3A_434, %dma_wait3A_435] : memref<4x80x128xf32, #tpu.memory_space<vmem>> -> memref<1x80x128xf32, #tpu.memory_space<vmem>>
          %dma_wait3A_437 = tpu.memref_squeeze %dma_wait3A_436 : memref<1x80x128xf32, #tpu.memory_space<vmem>> -> memref<80x128xf32, #tpu.memory_space<vmem>>
          %dma_wait3A_438 = arith.constant 0 : i32
          %dma_wait3A_439 = tpu.memref_slice %arg9[%add3A_361, %dma_wait3A_438] : memref<25x80xi32, #tpu.memory_space<vmem>> -> memref<1x80xi32, #tpu.memory_space<vmem>>
          %dma_wait3A_440 = tpu.memref_squeeze %dma_wait3A_439 : memref<1x80xi32, #tpu.memory_space<vmem>> -> memref<80xi32, #tpu.memory_space<vmem>>
          %dma_wait3A_441 = arith.constant 0 : i32
          %dma_wait3A_442 = arith.constant 0 : i32
          %dma_wait3A_443 = tpu.memref_slice %arg3[%dma_wait3A_441, %dma_wait3A_442] : memref<10240x128xf32, #tpu.memory_space<hbm>> -> memref<10240x128xf32, #tpu.memory_space<hbm>>
          tpu.wait_indirect_dma semaphore(%arg12 : memref<!tpu.dma_semaphore, #tpu.memory_space<semaphore_mem>>) src(%dma_wait3A_443 : memref<10240x128xf32, #tpu.memory_space<hbm>>) dst(%dma_wait3A_437 : memref<80x128xf32, #tpu.memory_space<vmem>>)
          %dma_start3A_444 = arith.constant 1 : i32
          %dma_start3A_445 = arith.constant 0 : i32
          %dma_start3A_446 = arith.constant 0 : i32
          %dma_start3A_447 = tpu.memref_slice %arg11[%dma_start3A_444, %dma_start3A_445, %dma_start3A_446] : memref<4x80x128xf32, #tpu.memory_space<vmem>> -> memref<1x80x128xf32, #tpu.memory_space<vmem>>
          %dma_start3A_448 = tpu.memref_squeeze %dma_start3A_447 : memref<1x80x128xf32, #tpu.memory_space<vmem>> -> memref<80x128xf32, #tpu.memory_space<vmem>>
          %dma_start3A_449 = arith.constant 0 : i32
          %dma_start3A_450 = tpu.memref_slice %arg10[%add3A_432, %dma_start3A_449] : memref<25x80xi32, #tpu.memory_space<vmem>> -> memref<1x80xi32, #tpu.memory_space<vmem>>
          %dma_start3A_451 = tpu.memref_squeeze %dma_start3A_450 : memref<1x80xi32, #tpu.memory_space<vmem>> -> memref<80xi32, #tpu.memory_space<vmem>>
          %dma_start3A_452 = arith.constant 0 : i32
          %dma_start3A_453 = arith.constant 0 : i32
          %dma_start3A_454 = tpu.memref_slice %arg8[%dma_start3A_452, %dma_start3A_453] : memref<10240x128xf32, #tpu.memory_space<vmem_shared>> -> memref<10240x128xf32, #tpu.memory_space<vmem_shared>>
          tpu.enqueue_indirect_dma source(%dma_start3A_448 : memref<80x128xf32, #tpu.memory_space<vmem>>) target(%dma_start3A_454 : memref<10240x128xf32, #tpu.memory_space<vmem_shared>>) offsets(%dma_start3A_451 : memref<80xi32, #tpu.memory_space<vmem>>) semaphore(%arg13 : memref<!tpu.dma_semaphore, #tpu.memory_space<semaphore_mem>>) {add = true}
          %mul3A_455 = arith.constant 4 : i32
          %mul3A_456 = arith.muli %scan3A_342, %mul3A_455 : i32
          %add3A_457 = arith.constant 2 : i32
          %add3A_458 = arith.addi %mul3A_456, %add3A_457 : i32
          %dma_wait3A_459 = arith.constant 2 : i32
          %dma_wait3A_460 = arith.constant 0 : i32
          %dma_wait3A_461 = arith.constant 0 : i32
          %dma_wait3A_462 = tpu.memref_slice %arg11[%dma_wait3A_459, %dma_wait3A_460, %dma_wait3A_461] : memref<4x80x128xf32, #tpu.memory_space<vmem>> -> memref<1x80x128xf32, #tpu.memory_space<vmem>>
          %dma_wait3A_463 = tpu.memref_squeeze %dma_wait3A_462 : memref<1x80x128xf32, #tpu.memory_space<vmem>> -> memref<80x128xf32, #tpu.memory_space<vmem>>
          %dma_wait3A_464 = arith.constant 0 : i32
          %dma_wait3A_465 = tpu.memref_slice %arg9[%add3A_376, %dma_wait3A_464] : memref<25x80xi32, #tpu.memory_space<vmem>> -> memref<1x80xi32, #tpu.memory_space<vmem>>
          %dma_wait3A_466 = tpu.memref_squeeze %dma_wait3A_465 : memref<1x80xi32, #tpu.memory_space<vmem>> -> memref<80xi32, #tpu.memory_space<vmem>>
          %dma_wait3A_467 = arith.constant 0 : i32
          %dma_wait3A_468 = arith.constant 0 : i32
          %dma_wait3A_469 = tpu.memref_slice %arg3[%dma_wait3A_467, %dma_wait3A_468] : memref<10240x128xf32, #tpu.memory_space<hbm>> -> memref<10240x128xf32, #tpu.memory_space<hbm>>
          tpu.wait_indirect_dma semaphore(%arg12 : memref<!tpu.dma_semaphore, #tpu.memory_space<semaphore_mem>>) src(%dma_wait3A_469 : memref<10240x128xf32, #tpu.memory_space<hbm>>) dst(%dma_wait3A_463 : memref<80x128xf32, #tpu.memory_space<vmem>>)
          %dma_start3A_470 = arith.constant 2 : i32
          %dma_start3A_471 = arith.constant 0 : i32
          %dma_start3A_472 = arith.constant 0 : i32
          %dma_start3A_473 = tpu.memref_slice %arg11[%dma_start3A_470, %dma_start3A_471, %dma_start3A_472] : memref<4x80x128xf32, #tpu.memory_space<vmem>> -> memref<1x80x128xf32, #tpu.memory_space<vmem>>
          %dma_start3A_474 = tpu.memref_squeeze %dma_start3A_473 : memref<1x80x128xf32, #tpu.memory_space<vmem>> -> memref<80x128xf32, #tpu.memory_space<vmem>>
          %dma_start3A_475 = arith.constant 0 : i32
          %dma_start3A_476 = tpu.memref_slice %arg10[%add3A_458, %dma_start3A_475] : memref<25x80xi32, #tpu.memory_space<vmem>> -> memref<1x80xi32, #tpu.memory_space<vmem>>
          %dma_start3A_477 = tpu.memref_squeeze %dma_start3A_476 : memref<1x80xi32, #tpu.memory_space<vmem>> -> memref<80xi32, #tpu.memory_space<vmem>>
          %dma_start3A_478 = arith.constant 0 : i32
          %dma_start3A_479 = arith.constant 0 : i32
          %dma_start3A_480 = tpu.memref_slice %arg8[%dma_start3A_478, %dma_start3A_479] : memref<10240x128xf32, #tpu.memory_space<vmem_shared>> -> memref<10240x128xf32, #tpu.memory_space<vmem_shared>>
          tpu.enqueue_indirect_dma source(%dma_start3A_474 : memref<80x128xf32, #tpu.memory_space<vmem>>) target(%dma_start3A_480 : memref<10240x128xf32, #tpu.memory_space<vmem_shared>>) offsets(%dma_start3A_477 : memref<80xi32, #tpu.memory_space<vmem>>) semaphore(%arg13 : memref<!tpu.dma_semaphore, #tpu.memory_space<semaphore_mem>>) {add = true}
          %mul3A_481 = arith.constant 4 : i32
          %mul3A_482 = arith.muli %scan3A_342, %mul3A_481 : i32
          %add3A_483 = arith.constant 3 : i32
          %add3A_484 = arith.addi %mul3A_482, %add3A_483 : i32
          %dma_wait3A_485 = arith.constant 3 : i32
          %dma_wait3A_486 = arith.constant 0 : i32
          %dma_wait3A_487 = arith.constant 0 : i32
          %dma_wait3A_488 = tpu.memref_slice %arg11[%dma_wait3A_485, %dma_wait3A_486, %dma_wait3A_487] : memref<4x80x128xf32, #tpu.memory_space<vmem>> -> memref<1x80x128xf32, #tpu.memory_space<vmem>>
          %dma_wait3A_489 = tpu.memref_squeeze %dma_wait3A_488 : memref<1x80x128xf32, #tpu.memory_space<vmem>> -> memref<80x128xf32, #tpu.memory_space<vmem>>
          %dma_wait3A_490 = arith.constant 0 : i32
          %dma_wait3A_491 = tpu.memref_slice %arg9[%add3A_391, %dma_wait3A_490] : memref<25x80xi32, #tpu.memory_space<vmem>> -> memref<1x80xi32, #tpu.memory_space<vmem>>
          %dma_wait3A_492 = tpu.memref_squeeze %dma_wait3A_491 : memref<1x80xi32, #tpu.memory_space<vmem>> -> memref<80xi32, #tpu.memory_space<vmem>>
          %dma_wait3A_493 = arith.constant 0 : i32
          %dma_wait3A_494 = arith.constant 0 : i32
          %dma_wait3A_495 = tpu.memref_slice %arg3[%dma_wait3A_493, %dma_wait3A_494] : memref<10240x128xf32, #tpu.memory_space<hbm>> -> memref<10240x128xf32, #tpu.memory_space<hbm>>
          tpu.wait_indirect_dma semaphore(%arg12 : memref<!tpu.dma_semaphore, #tpu.memory_space<semaphore_mem>>) src(%dma_wait3A_495 : memref<10240x128xf32, #tpu.memory_space<hbm>>) dst(%dma_wait3A_489 : memref<80x128xf32, #tpu.memory_space<vmem>>)
          %dma_start3A_496 = arith.constant 3 : i32
          %dma_start3A_497 = arith.constant 0 : i32
          %dma_start3A_498 = arith.constant 0 : i32
          %dma_start3A_499 = tpu.memref_slice %arg11[%dma_start3A_496, %dma_start3A_497, %dma_start3A_498] : memref<4x80x128xf32, #tpu.memory_space<vmem>> -> memref<1x80x128xf32, #tpu.memory_space<vmem>>
          %dma_start3A_500 = tpu.memref_squeeze %dma_start3A_499 : memref<1x80x128xf32, #tpu.memory_space<vmem>> -> memref<80x128xf32, #tpu.memory_space<vmem>>
          %dma_start3A_501 = arith.constant 0 : i32
          %dma_start3A_502 = tpu.memref_slice %arg10[%add3A_484, %dma_start3A_501] : memref<25x80xi32, #tpu.memory_space<vmem>> -> memref<1x80xi32, #tpu.memory_space<vmem>>
          %dma_start3A_503 = tpu.memref_squeeze %dma_start3A_502 : memref<1x80xi32, #tpu.memory_space<vmem>> -> memref<80xi32, #tpu.memory_space<vmem>>
          %dma_start3A_504 = arith.constant 0 : i32
          %dma_start3A_505 = arith.constant 0 : i32
          %dma_start3A_506 = tpu.memref_slice %arg8[%dma_start3A_504, %dma_start3A_505] : memref<10240x128xf32, #tpu.memory_space<vmem_shared>> -> memref<10240x128xf32, #tpu.memory_space<vmem_shared>>
          tpu.enqueue_indirect_dma source(%dma_start3A_500 : memref<80x128xf32, #tpu.memory_space<vmem>>) target(%dma_start3A_506 : memref<10240x128xf32, #tpu.memory_space<vmem_shared>>) offsets(%dma_start3A_503 : memref<80xi32, #tpu.memory_space<vmem>>) semaphore(%arg13 : memref<!tpu.dma_semaphore, #tpu.memory_space<semaphore_mem>>) {add = true}
          %dma_wait3A_507 = arith.constant 0 : i32
          %dma_wait3A_508 = arith.constant 0 : i32
          %dma_wait3A_509 = arith.constant 0 : i32
          %dma_wait3A_510 = tpu.memref_slice %arg11[%dma_wait3A_507, %dma_wait3A_508, %dma_wait3A_509] : memref<4x80x128xf32, #tpu.memory_space<vmem>> -> memref<1x80x128xf32, #tpu.memory_space<vmem>>
          %dma_wait3A_511 = tpu.memref_squeeze %dma_wait3A_510 : memref<1x80x128xf32, #tpu.memory_space<vmem>> -> memref<80x128xf32, #tpu.memory_space<vmem>>
          %dma_wait3A_512 = arith.constant 0 : i32
          %dma_wait3A_513 = tpu.memref_slice %arg10[%add3A_406, %dma_wait3A_512] : memref<25x80xi32, #tpu.memory_space<vmem>> -> memref<1x80xi32, #tpu.memory_space<vmem>>
          %dma_wait3A_514 = tpu.memref_squeeze %dma_wait3A_513 : memref<1x80xi32, #tpu.memory_space<vmem>> -> memref<80xi32, #tpu.memory_space<vmem>>
          %dma_wait3A_515 = arith.constant 0 : i32
          %dma_wait3A_516 = arith.constant 0 : i32
          %dma_wait3A_517 = tpu.memref_slice %arg8[%dma_wait3A_515, %dma_wait3A_516] : memref<10240x128xf32, #tpu.memory_space<vmem_shared>> -> memref<10240x128xf32, #tpu.memory_space<vmem_shared>>
          tpu.wait_indirect_dma semaphore(%arg13 : memref<!tpu.dma_semaphore, #tpu.memory_space<semaphore_mem>>) src(%dma_wait3A_511 : memref<80x128xf32, #tpu.memory_space<vmem>>) dst(%dma_wait3A_517 : memref<10240x128xf32, #tpu.memory_space<vmem_shared>>)
          %dma_wait3A_518 = arith.constant 1 : i32
          %dma_wait3A_519 = arith.constant 0 : i32
          %dma_wait3A_520 = arith.constant 0 : i32
          %dma_wait3A_521 = tpu.memref_slice %arg11[%dma_wait3A_518, %dma_wait3A_519, %dma_wait3A_520] : memref<4x80x128xf32, #tpu.memory_space<vmem>> -> memref<1x80x128xf32, #tpu.memory_space<vmem>>
          %dma_wait3A_522 = tpu.memref_squeeze %dma_wait3A_521 : memref<1x80x128xf32, #tpu.memory_space<vmem>> -> memref<80x128xf32, #tpu.memory_space<vmem>>
          %dma_wait3A_523 = arith.constant 0 : i32
          %dma_wait3A_524 = tpu.memref_slice %arg10[%add3A_432, %dma_wait3A_523] : memref<25x80xi32, #tpu.memory_space<vmem>> -> memref<1x80xi32, #tpu.memory_space<vmem>>
          %dma_wait3A_525 = tpu.memref_squeeze %dma_wait3A_524 : memref<1x80xi32, #tpu.memory_space<vmem>> -> memref<80xi32, #tpu.memory_space<vmem>>
          %dma_wait3A_526 = arith.constant 0 : i32
          %dma_wait3A_527 = arith.constant 0 : i32
          %dma_wait3A_528 = tpu.memref_slice %arg8[%dma_wait3A_526, %dma_wait3A_527] : memref<10240x128xf32, #tpu.memory_space<vmem_shared>> -> memref<10240x128xf32, #tpu.memory_space<vmem_shared>>
          tpu.wait_indirect_dma semaphore(%arg13 : memref<!tpu.dma_semaphore, #tpu.memory_space<semaphore_mem>>) src(%dma_wait3A_522 : memref<80x128xf32, #tpu.memory_space<vmem>>) dst(%dma_wait3A_528 : memref<10240x128xf32, #tpu.memory_space<vmem_shared>>)
          %dma_wait3A_529 = arith.constant 2 : i32
          %dma_wait3A_530 = arith.constant 0 : i32
          %dma_wait3A_531 = arith.constant 0 : i32
          %dma_wait3A_532 = tpu.memref_slice %arg11[%dma_wait3A_529, %dma_wait3A_530, %dma_wait3A_531] : memref<4x80x128xf32, #tpu.memory_space<vmem>> -> memref<1x80x128xf32, #tpu.memory_space<vmem>>
          %dma_wait3A_533 = tpu.memref_squeeze %dma_wait3A_532 : memref<1x80x128xf32, #tpu.memory_space<vmem>> -> memref<80x128xf32, #tpu.memory_space<vmem>>
          %dma_wait3A_534 = arith.constant 0 : i32
          %dma_wait3A_535 = tpu.memref_slice %arg10[%add3A_458, %dma_wait3A_534] : memref<25x80xi32, #tpu.memory_space<vmem>> -> memref<1x80xi32, #tpu.memory_space<vmem>>
          %dma_wait3A_536 = tpu.memref_squeeze %dma_wait3A_535 : memref<1x80xi32, #tpu.memory_space<vmem>> -> memref<80xi32, #tpu.memory_space<vmem>>
          %dma_wait3A_537 = arith.constant 0 : i32
          %dma_wait3A_538 = arith.constant 0 : i32
          %dma_wait3A_539 = tpu.memref_slice %arg8[%dma_wait3A_537, %dma_wait3A_538] : memref<10240x128xf32, #tpu.memory_space<vmem_shared>> -> memref<10240x128xf32, #tpu.memory_space<vmem_shared>>
          tpu.wait_indirect_dma semaphore(%arg13 : memref<!tpu.dma_semaphore, #tpu.memory_space<semaphore_mem>>) src(%dma_wait3A_533 : memref<80x128xf32, #tpu.memory_space<vmem>>) dst(%dma_wait3A_539 : memref<10240x128xf32, #tpu.memory_space<vmem_shared>>)
          %dma_wait3A_540 = arith.constant 3 : i32
          %dma_wait3A_541 = arith.constant 0 : i32
          %dma_wait3A_542 = arith.constant 0 : i32
          %dma_wait3A_543 = tpu.memref_slice %arg11[%dma_wait3A_540, %dma_wait3A_541, %dma_wait3A_542] : memref<4x80x128xf32, #tpu.memory_space<vmem>> -> memref<1x80x128xf32, #tpu.memory_space<vmem>>
          %dma_wait3A_544 = tpu.memref_squeeze %dma_wait3A_543 : memref<1x80x128xf32, #tpu.memory_space<vmem>> -> memref<80x128xf32, #tpu.memory_space<vmem>>
          %dma_wait3A_545 = arith.constant 0 : i32
          %dma_wait3A_546 = tpu.memref_slice %arg10[%add3A_484, %dma_wait3A_545] : memref<25x80xi32, #tpu.memory_space<vmem>> -> memref<1x80xi32, #tpu.memory_space<vmem>>
          %dma_wait3A_547 = tpu.memref_squeeze %dma_wait3A_546 : memref<1x80xi32, #tpu.memory_space<vmem>> -> memref<80xi32, #tpu.memory_space<vmem>>
          %dma_wait3A_548 = arith.constant 0 : i32
          %dma_wait3A_549 = arith.constant 0 : i32
          %dma_wait3A_550 = tpu.memref_slice %arg8[%dma_wait3A_548, %dma_wait3A_549] : memref<10240x128xf32, #tpu.memory_space<vmem_shared>> -> memref<10240x128xf32, #tpu.memory_space<vmem_shared>>
          tpu.wait_indirect_dma semaphore(%arg13 : memref<!tpu.dma_semaphore, #tpu.memory_space<semaphore_mem>>) src(%dma_wait3A_544 : memref<80x128xf32, #tpu.memory_space<vmem>>) dst(%dma_wait3A_550 : memref<10240x128xf32, #tpu.memory_space<vmem_shared>>)
        }
        %scan3A_337 = arith.constant 6 : i32
        %run_scoped3A_338 = arith.constant 24 : i32
        %run_scoped3A_339 = arith.constant 0 : i32
        "tpu.region"() ({
          %run_scoped3A_342 = tpu.sem_alloc : memref<!tpu.dma_semaphore, #tpu.memory_space<semaphore_mem>>
          %dma_start3A_343 = arith.constant 0 : i32
          %dma_start3A_344 = arith.constant 0 : i32
          %dma_start3A_345 = tpu.memref_slice %arg11[%run_scoped3A_339, %dma_start3A_343, %dma_start3A_344] : memref<4x80x128xf32, #tpu.memory_space<vmem>> -> memref<1x80x128xf32, #tpu.memory_space<vmem>>
          %dma_start3A_346 = tpu.memref_squeeze %dma_start3A_345 : memref<1x80x128xf32, #tpu.memory_space<vmem>> -> memref<80x128xf32, #tpu.memory_space<vmem>>
          %dma_start3A_347 = arith.constant 0 : i32
          %dma_start3A_348 = tpu.memref_slice %arg9[%run_scoped3A_338, %dma_start3A_347] : memref<25x80xi32, #tpu.memory_space<vmem>> -> memref<1x80xi32, #tpu.memory_space<vmem>>
          %dma_start3A_349 = tpu.memref_squeeze %dma_start3A_348 : memref<1x80xi32, #tpu.memory_space<vmem>> -> memref<80xi32, #tpu.memory_space<vmem>>
          %dma_start3A_350 = arith.constant 0 : i32
          %dma_start3A_351 = arith.constant 0 : i32
          %dma_start3A_352 = tpu.memref_slice %arg3[%dma_start3A_350, %dma_start3A_351] : memref<10240x128xf32, #tpu.memory_space<hbm>> -> memref<10240x128xf32, #tpu.memory_space<hbm>>
          tpu.enqueue_indirect_dma source(%dma_start3A_352 : memref<10240x128xf32, #tpu.memory_space<hbm>>) target(%dma_start3A_346 : memref<80x128xf32, #tpu.memory_space<vmem>>) offsets(%dma_start3A_349 : memref<80xi32, #tpu.memory_space<vmem>>) semaphore(%run_scoped3A_342 : memref<!tpu.dma_semaphore, #tpu.memory_space<semaphore_mem>>)
          %dma_wait3A_353 = arith.constant 0 : i32
          %dma_wait3A_354 = arith.constant 0 : i32
          %dma_wait3A_355 = tpu.memref_slice %arg11[%run_scoped3A_339, %dma_wait3A_353, %dma_wait3A_354] : memref<4x80x128xf32, #tpu.memory_space<vmem>> -> memref<1x80x128xf32, #tpu.memory_space<vmem>>
          %dma_wait3A_356 = tpu.memref_squeeze %dma_wait3A_355 : memref<1x80x128xf32, #tpu.memory_space<vmem>> -> memref<80x128xf32, #tpu.memory_space<vmem>>
          %dma_wait3A_357 = arith.constant 0 : i32
          %dma_wait3A_358 = tpu.memref_slice %arg9[%run_scoped3A_338, %dma_wait3A_357] : memref<25x80xi32, #tpu.memory_space<vmem>> -> memref<1x80xi32, #tpu.memory_space<vmem>>
          %dma_wait3A_359 = tpu.memref_squeeze %dma_wait3A_358 : memref<1x80xi32, #tpu.memory_space<vmem>> -> memref<80xi32, #tpu.memory_space<vmem>>
          %dma_wait3A_360 = arith.constant 0 : i32
          %dma_wait3A_361 = arith.constant 0 : i32
          %dma_wait3A_362 = tpu.memref_slice %arg3[%dma_wait3A_360, %dma_wait3A_361] : memref<10240x128xf32, #tpu.memory_space<hbm>> -> memref<10240x128xf32, #tpu.memory_space<hbm>>
          tpu.wait_indirect_dma semaphore(%run_scoped3A_342 : memref<!tpu.dma_semaphore, #tpu.memory_space<semaphore_mem>>) src(%dma_wait3A_362 : memref<10240x128xf32, #tpu.memory_space<hbm>>) dst(%dma_wait3A_356 : memref<80x128xf32, #tpu.memory_space<vmem>>)
          tpu.yield
        }) : () -> ()
        %run_scoped3A_340 = arith.constant 0 : i32
        %run_scoped3A_341 = arith.constant 24 : i32
        "tpu.region"() ({
          %run_scoped3A_342 = tpu.sem_alloc : memref<!tpu.dma_semaphore, #tpu.memory_space<semaphore_mem>>
          %dma_start3A_343 = arith.constant 0 : i32
          %dma_start3A_344 = arith.constant 0 : i32
          %dma_start3A_345 = tpu.memref_slice %arg11[%run_scoped3A_340, %dma_start3A_343, %dma_start3A_344] : memref<4x80x128xf32, #tpu.memory_space<vmem>> -> memref<1x80x128xf32, #tpu.memory_space<vmem>>
          %dma_start3A_346 = tpu.memref_squeeze %dma_start3A_345 : memref<1x80x128xf32, #tpu.memory_space<vmem>> -> memref<80x128xf32, #tpu.memory_space<vmem>>
          %dma_start3A_347 = arith.constant 0 : i32
          %dma_start3A_348 = tpu.memref_slice %arg10[%run_scoped3A_341, %dma_start3A_347] : memref<25x80xi32, #tpu.memory_space<vmem>> -> memref<1x80xi32, #tpu.memory_space<vmem>>
          %dma_start3A_349 = tpu.memref_squeeze %dma_start3A_348 : memref<1x80xi32, #tpu.memory_space<vmem>> -> memref<80xi32, #tpu.memory_space<vmem>>
          %dma_start3A_350 = arith.constant 0 : i32
          %dma_start3A_351 = arith.constant 0 : i32
          %dma_start3A_352 = tpu.memref_slice %arg8[%dma_start3A_350, %dma_start3A_351] : memref<10240x128xf32, #tpu.memory_space<vmem_shared>> -> memref<10240x128xf32, #tpu.memory_space<vmem_shared>>
          tpu.enqueue_indirect_dma source(%dma_start3A_346 : memref<80x128xf32, #tpu.memory_space<vmem>>) target(%dma_start3A_352 : memref<10240x128xf32, #tpu.memory_space<vmem_shared>>) offsets(%dma_start3A_349 : memref<80xi32, #tpu.memory_space<vmem>>) semaphore(%run_scoped3A_342 : memref<!tpu.dma_semaphore, #tpu.memory_space<semaphore_mem>>) {add = true}
          %dma_wait3A_353 = arith.constant 0 : i32
          %dma_wait3A_354 = arith.constant 0 : i32
          %dma_wait3A_355 = tpu.memref_slice %arg11[%run_scoped3A_340, %dma_wait3A_353, %dma_wait3A_354] : memref<4x80x128xf32, #tpu.memory_space<vmem>> -> memref<1x80x128xf32, #tpu.memory_space<vmem>>
          %dma_wait3A_356 = tpu.memref_squeeze %dma_wait3A_355 : memref<1x80x128xf32, #tpu.memory_space<vmem>> -> memref<80x128xf32, #tpu.memory_space<vmem>>
          %dma_wait3A_357 = arith.constant 0 : i32
          %dma_wait3A_358 = tpu.memref_slice %arg10[%run_scoped3A_341, %dma_wait3A_357] : memref<25x80xi32, #tpu.memory_space<vmem>> -> memref<1x80xi32, #tpu.memory_space<vmem>>
          %dma_wait3A_359 = tpu.memref_squeeze %dma_wait3A_358 : memref<1x80xi32, #tpu.memory_space<vmem>> -> memref<80xi32, #tpu.memory_space<vmem>>
          %dma_wait3A_360 = arith.constant 0 : i32
          %dma_wait3A_361 = arith.constant 0 : i32
          %dma_wait3A_362 = tpu.memref_slice %arg8[%dma_wait3A_360, %dma_wait3A_361] : memref<10240x128xf32, #tpu.memory_space<vmem_shared>> -> memref<10240x128xf32, #tpu.memory_space<vmem_shared>>
          tpu.wait_indirect_dma semaphore(%run_scoped3A_342 : memref<!tpu.dma_semaphore, #tpu.memory_space<semaphore_mem>>) src(%dma_wait3A_356 : memref<80x128xf32, #tpu.memory_space<vmem>>) dst(%dma_wait3A_362 : memref<10240x128xf32, #tpu.memory_space<vmem_shared>>)
          tpu.yield
        }) : () -> ()
      }
      %scan3A_329 = arith.constant 10 : i32
    } else {
    }
    %barrier3A_47 = arith.constant 0 : index
    tpu.barrier barrier_id(%barrier3A_47)
    %mul3A_48 = arith.constant 640 : i32
    %mul3A_49 = arith.muli %arg1, %mul3A_48 : i32
    %add3A_50 = arith.constant 0 : i32
    %add3A_51 = arith.addi %mul3A_49, %add3A_50 : i32
    %run_scoped3A_52 = arith.constant 0 : i32
    "tpu.region"() ({
      %run_scoped3A_326 = tpu.sem_alloc : memref<!tpu.dma_semaphore, #tpu.memory_space<semaphore_mem>>
      %dma_start3A_327 = arith.constant 0 : i32
      %dma_start3A_328 = arith.constant 0 : i32
      %dma_start3A_329 = tpu.memref_slice %arg11[%run_scoped3A_52, %dma_start3A_327, %dma_start3A_328] : memref<4x80x128xf32, #tpu.memory_space<vmem>> -> memref<1x80x128xf32, #tpu.memory_space<vmem>>
      %dma_start3A_330 = tpu.memref_squeeze %dma_start3A_329 : memref<1x80x128xf32, #tpu.memory_space<vmem>> -> memref<80x128xf32, #tpu.memory_space<vmem>>
      %dma_start3A_331 = arith.constant 0 : i32
      %dma_start3A_332 = tpu.memref_slice %arg8[%add3A_51, %dma_start3A_331] : memref<10240x128xf32, #tpu.memory_space<vmem_shared>> -> memref<80x128xf32, #tpu.memory_space<vmem_shared>>
      %dma_start3A_333 = arith.constant 0 : i32
      %dma_start3A_334 = arith.constant 0 : i32
      %dma_start3A_335 = tpu.memref_slice %arg11[%run_scoped3A_52, %dma_start3A_333, %dma_start3A_334] : memref<4x80x128xf32, #tpu.memory_space<vmem>> -> memref<1x80x128xf32, #tpu.memory_space<vmem>>
      %dma_start3A_336 = tpu.memref_squeeze %dma_start3A_335 : memref<1x80x128xf32, #tpu.memory_space<vmem>> -> memref<80x128xf32, #tpu.memory_space<vmem>>
      %dma_start3A_337 = arith.constant 0 : i32
      %dma_start3A_338 = tpu.memref_slice %arg8[%add3A_51, %dma_start3A_337] : memref<10240x128xf32, #tpu.memory_space<vmem_shared>> -> memref<80x128xf32, #tpu.memory_space<vmem_shared>>
      tpu.enqueue_dma source(%dma_start3A_338 : memref<80x128xf32, #tpu.memory_space<vmem_shared>>) target(%dma_start3A_336 : memref<80x128xf32, #tpu.memory_space<vmem>>) target_semaphore(%run_scoped3A_326 : memref<!tpu.dma_semaphore, #tpu.memory_space<semaphore_mem>>)
      %dma_wait3A_339 = arith.constant 0 : i32
      %dma_wait3A_340 = arith.constant 0 : i32
      %dma_wait3A_341 = tpu.memref_slice %arg11[%run_scoped3A_52, %dma_wait3A_339, %dma_wait3A_340] : memref<4x80x128xf32, #tpu.memory_space<vmem>> -> memref<1x80x128xf32, #tpu.memory_space<vmem>>
      %dma_wait3A_342 = tpu.memref_squeeze %dma_wait3A_341 : memref<1x80x128xf32, #tpu.memory_space<vmem>> -> memref<80x128xf32, #tpu.memory_space<vmem>>
      %dma_wait3A_343 = arith.constant 0 : i32
      %dma_wait3A_344 = tpu.memref_slice %arg8[%add3A_51, %dma_wait3A_343] : memref<10240x128xf32, #tpu.memory_space<vmem_shared>> -> memref<80x128xf32, #tpu.memory_space<vmem_shared>>
      %dma_wait3A_345 = arith.constant 0 : i32
      %dma_wait3A_346 = arith.constant 0 : i32
      %dma_wait3A_347 = tpu.memref_slice %arg11[%run_scoped3A_52, %dma_wait3A_345, %dma_wait3A_346] : memref<4x80x128xf32, #tpu.memory_space<vmem>> -> memref<1x80x128xf32, #tpu.memory_space<vmem>>
      %dma_wait3A_348 = tpu.memref_squeeze %dma_wait3A_347 : memref<1x80x128xf32, #tpu.memory_space<vmem>> -> memref<80x128xf32, #tpu.memory_space<vmem>>
      %dma_wait3A_349 = arith.constant 0 : i32
      %dma_wait3A_350 = tpu.memref_slice %arg8[%add3A_51, %dma_wait3A_349] : memref<10240x128xf32, #tpu.memory_space<vmem_shared>> -> memref<80x128xf32, #tpu.memory_space<vmem_shared>>
      tpu.wait_dma2 semaphore(%run_scoped3A_326 : memref<!tpu.dma_semaphore, #tpu.memory_space<semaphore_mem>>) src(%dma_wait3A_350 : memref<80x128xf32, #tpu.memory_space<vmem_shared>>) dst(%dma_wait3A_348 : memref<80x128xf32, #tpu.memory_space<vmem>>)
      tpu.yield
    }) : () -> ()
    %dma_start3A = arith.constant 0 : i32
    %dma_start3A_53 = arith.constant 0 : i32
    %dma_start3A_54 = arith.constant 0 : i32
    %dma_start3A_55 = tpu.memref_slice %arg11[%dma_start3A, %dma_start3A_53, %dma_start3A_54] : memref<4x80x128xf32, #tpu.memory_space<vmem>> -> memref<1x80x128xf32, #tpu.memory_space<vmem>>
    %dma_start3A_56 = tpu.memref_squeeze %dma_start3A_55 : memref<1x80x128xf32, #tpu.memory_space<vmem>> -> memref<80x128xf32, #tpu.memory_space<vmem>>
    %dma_start3A_57 = arith.constant 0 : i32
    %dma_start3A_58 = tpu.memref_slice %arg7[%arg0, %add3A_51, %dma_start3A_57] : memref<2x10240x128xf32, #tpu.memory_space<hbm>> -> memref<1x80x128xf32, #tpu.memory_space<hbm>>
    %dma_start3A_59 = tpu.memref_squeeze %dma_start3A_58 : memref<1x80x128xf32, #tpu.memory_space<hbm>> -> memref<80x128xf32, #tpu.memory_space<hbm>>
    %dma_start3A_60 = arith.constant 0 : i32
    %dma_start3A_61 = tpu.memref_slice %arg7[%arg0, %add3A_51, %dma_start3A_60] : memref<2x10240x128xf32, #tpu.memory_space<hbm>> -> memref<1x80x128xf32, #tpu.memory_space<hbm>>
    %dma_start3A_62 = tpu.memref_squeeze %dma_start3A_61 : memref<1x80x128xf32, #tpu.memory_space<hbm>> -> memref<80x128xf32, #tpu.memory_space<hbm>>
    %dma_start3A_63 = arith.constant 0 : i32
    %dma_start3A_64 = arith.constant 0 : i32
    %dma_start3A_65 = tpu.memref_slice %arg11[%dma_start3A, %dma_start3A_63, %dma_start3A_64] : memref<4x80x128xf32, #tpu.memory_space<vmem>> -> memref<1x80x128xf32, #tpu.memory_space<vmem>>
    %dma_start3A_66 = tpu.memref_squeeze %dma_start3A_65 : memref<1x80x128xf32, #tpu.memory_space<vmem>> -> memref<80x128xf32, #tpu.memory_space<vmem>>
    tpu.enqueue_dma source(%dma_start3A_66 : memref<80x128xf32, #tpu.memory_space<vmem>>) target(%dma_start3A_62 : memref<80x128xf32, #tpu.memory_space<hbm>>) target_semaphore(%arg13 : memref<!tpu.dma_semaphore, #tpu.memory_space<semaphore_mem>>)
    %mul3A_67 = arith.constant 640 : i32
    %mul3A_68 = arith.muli %arg1, %mul3A_67 : i32
    %add3A_69 = arith.constant 80 : i32
    %add3A_70 = arith.addi %mul3A_68, %add3A_69 : i32
    %run_scoped3A_71 = arith.constant 1 : i32
    "tpu.region"() ({
      %run_scoped3A_326 = tpu.sem_alloc : memref<!tpu.dma_semaphore, #tpu.memory_space<semaphore_mem>>
      %dma_start3A_327 = arith.constant 0 : i32
      %dma_start3A_328 = arith.constant 0 : i32
      %dma_start3A_329 = tpu.memref_slice %arg11[%run_scoped3A_71, %dma_start3A_327, %dma_start3A_328] : memref<4x80x128xf32, #tpu.memory_space<vmem>> -> memref<1x80x128xf32, #tpu.memory_space<vmem>>
      %dma_start3A_330 = tpu.memref_squeeze %dma_start3A_329 : memref<1x80x128xf32, #tpu.memory_space<vmem>> -> memref<80x128xf32, #tpu.memory_space<vmem>>
      %dma_start3A_331 = arith.constant 0 : i32
      %dma_start3A_332 = tpu.memref_slice %arg8[%add3A_70, %dma_start3A_331] : memref<10240x128xf32, #tpu.memory_space<vmem_shared>> -> memref<80x128xf32, #tpu.memory_space<vmem_shared>>
      %dma_start3A_333 = arith.constant 0 : i32
      %dma_start3A_334 = arith.constant 0 : i32
      %dma_start3A_335 = tpu.memref_slice %arg11[%run_scoped3A_71, %dma_start3A_333, %dma_start3A_334] : memref<4x80x128xf32, #tpu.memory_space<vmem>> -> memref<1x80x128xf32, #tpu.memory_space<vmem>>
      %dma_start3A_336 = tpu.memref_squeeze %dma_start3A_335 : memref<1x80x128xf32, #tpu.memory_space<vmem>> -> memref<80x128xf32, #tpu.memory_space<vmem>>
      %dma_start3A_337 = arith.constant 0 : i32
      %dma_start3A_338 = tpu.memref_slice %arg8[%add3A_70, %dma_start3A_337] : memref<10240x128xf32, #tpu.memory_space<vmem_shared>> -> memref<80x128xf32, #tpu.memory_space<vmem_shared>>
      tpu.enqueue_dma source(%dma_start3A_338 : memref<80x128xf32, #tpu.memory_space<vmem_shared>>) target(%dma_start3A_336 : memref<80x128xf32, #tpu.memory_space<vmem>>) target_semaphore(%run_scoped3A_326 : memref<!tpu.dma_semaphore, #tpu.memory_space<semaphore_mem>>)
      %dma_wait3A_339 = arith.constant 0 : i32
      %dma_wait3A_340 = arith.constant 0 : i32
      %dma_wait3A_341 = tpu.memref_slice %arg11[%run_scoped3A_71, %dma_wait3A_339, %dma_wait3A_340] : memref<4x80x128xf32, #tpu.memory_space<vmem>> -> memref<1x80x128xf32, #tpu.memory_space<vmem>>
      %dma_wait3A_342 = tpu.memref_squeeze %dma_wait3A_341 : memref<1x80x128xf32, #tpu.memory_space<vmem>> -> memref<80x128xf32, #tpu.memory_space<vmem>>
      %dma_wait3A_343 = arith.constant 0 : i32
      %dma_wait3A_344 = tpu.memref_slice %arg8[%add3A_70, %dma_wait3A_343] : memref<10240x128xf32, #tpu.memory_space<vmem_shared>> -> memref<80x128xf32, #tpu.memory_space<vmem_shared>>
      %dma_wait3A_345 = arith.constant 0 : i32
      %dma_wait3A_346 = arith.constant 0 : i32
      %dma_wait3A_347 = tpu.memref_slice %arg11[%run_scoped3A_71, %dma_wait3A_345, %dma_wait3A_346] : memref<4x80x128xf32, #tpu.memory_space<vmem>> -> memref<1x80x128xf32, #tpu.memory_space<vmem>>
      %dma_wait3A_348 = tpu.memref_squeeze %dma_wait3A_347 : memref<1x80x128xf32, #tpu.memory_space<vmem>> -> memref<80x128xf32, #tpu.memory_space<vmem>>
      %dma_wait3A_349 = arith.constant 0 : i32
      %dma_wait3A_350 = tpu.memref_slice %arg8[%add3A_70, %dma_wait3A_349] : memref<10240x128xf32, #tpu.memory_space<vmem_shared>> -> memref<80x128xf32, #tpu.memory_space<vmem_shared>>
      tpu.wait_dma2 semaphore(%run_scoped3A_326 : memref<!tpu.dma_semaphore, #tpu.memory_space<semaphore_mem>>) src(%dma_wait3A_350 : memref<80x128xf32, #tpu.memory_space<vmem_shared>>) dst(%dma_wait3A_348 : memref<80x128xf32, #tpu.memory_space<vmem>>)
      tpu.yield
    }) : () -> ()
    %dma_start3A_72 = arith.constant 1 : i32
    %dma_start3A_73 = arith.constant 0 : i32
    %dma_start3A_74 = arith.constant 0 : i32
    %dma_start3A_75 = tpu.memref_slice %arg11[%dma_start3A_72, %dma_start3A_73, %dma_start3A_74] : memref<4x80x128xf32, #tpu.memory_space<vmem>> -> memref<1x80x128xf32, #tpu.memory_space<vmem>>
    %dma_start3A_76 = tpu.memref_squeeze %dma_start3A_75 : memref<1x80x128xf32, #tpu.memory_space<vmem>> -> memref<80x128xf32, #tpu.memory_space<vmem>>
    %dma_start3A_77 = arith.constant 0 : i32
    %dma_start3A_78 = tpu.memref_slice %arg7[%arg0, %add3A_70, %dma_start3A_77] : memref<2x10240x128xf32, #tpu.memory_space<hbm>> -> memref<1x80x128xf32, #tpu.memory_space<hbm>>
    %dma_start3A_79 = tpu.memref_squeeze %dma_start3A_78 : memref<1x80x128xf32, #tpu.memory_space<hbm>> -> memref<80x128xf32, #tpu.memory_space<hbm>>
    %dma_start3A_80 = arith.constant 0 : i32
    %dma_start3A_81 = tpu.memref_slice %arg7[%arg0, %add3A_70, %dma_start3A_80] : memref<2x10240x128xf32, #tpu.memory_space<hbm>> -> memref<1x80x128xf32, #tpu.memory_space<hbm>>
    %dma_start3A_82 = tpu.memref_squeeze %dma_start3A_81 : memref<1x80x128xf32, #tpu.memory_space<hbm>> -> memref<80x128xf32, #tpu.memory_space<hbm>>
    %dma_start3A_83 = arith.constant 0 : i32
    %dma_start3A_84 = arith.constant 0 : i32
    %dma_start3A_85 = tpu.memref_slice %arg11[%dma_start3A_72, %dma_start3A_83, %dma_start3A_84] : memref<4x80x128xf32, #tpu.memory_space<vmem>> -> memref<1x80x128xf32, #tpu.memory_space<vmem>>
    %dma_start3A_86 = tpu.memref_squeeze %dma_start3A_85 : memref<1x80x128xf32, #tpu.memory_space<vmem>> -> memref<80x128xf32, #tpu.memory_space<vmem>>
    tpu.enqueue_dma source(%dma_start3A_86 : memref<80x128xf32, #tpu.memory_space<vmem>>) target(%dma_start3A_82 : memref<80x128xf32, #tpu.memory_space<hbm>>) target_semaphore(%arg13 : memref<!tpu.dma_semaphore, #tpu.memory_space<semaphore_mem>>)
    %mul3A_87 = arith.constant 640 : i32
    %mul3A_88 = arith.muli %arg1, %mul3A_87 : i32
    %add3A_89 = arith.constant 160 : i32
    %add3A_90 = arith.addi %mul3A_88, %add3A_89 : i32
    %run_scoped3A_91 = arith.constant 2 : i32
    "tpu.region"() ({
      %run_scoped3A_326 = tpu.sem_alloc : memref<!tpu.dma_semaphore, #tpu.memory_space<semaphore_mem>>
      %dma_start3A_327 = arith.constant 0 : i32
      %dma_start3A_328 = arith.constant 0 : i32
      %dma_start3A_329 = tpu.memref_slice %arg11[%run_scoped3A_91, %dma_start3A_327, %dma_start3A_328] : memref<4x80x128xf32, #tpu.memory_space<vmem>> -> memref<1x80x128xf32, #tpu.memory_space<vmem>>
      %dma_start3A_330 = tpu.memref_squeeze %dma_start3A_329 : memref<1x80x128xf32, #tpu.memory_space<vmem>> -> memref<80x128xf32, #tpu.memory_space<vmem>>
      %dma_start3A_331 = arith.constant 0 : i32
      %dma_start3A_332 = tpu.memref_slice %arg8[%add3A_90, %dma_start3A_331] : memref<10240x128xf32, #tpu.memory_space<vmem_shared>> -> memref<80x128xf32, #tpu.memory_space<vmem_shared>>
      %dma_start3A_333 = arith.constant 0 : i32
      %dma_start3A_334 = arith.constant 0 : i32
      %dma_start3A_335 = tpu.memref_slice %arg11[%run_scoped3A_91, %dma_start3A_333, %dma_start3A_334] : memref<4x80x128xf32, #tpu.memory_space<vmem>> -> memref<1x80x128xf32, #tpu.memory_space<vmem>>
      %dma_start3A_336 = tpu.memref_squeeze %dma_start3A_335 : memref<1x80x128xf32, #tpu.memory_space<vmem>> -> memref<80x128xf32, #tpu.memory_space<vmem>>
      %dma_start3A_337 = arith.constant 0 : i32
      %dma_start3A_338 = tpu.memref_slice %arg8[%add3A_90, %dma_start3A_337] : memref<10240x128xf32, #tpu.memory_space<vmem_shared>> -> memref<80x128xf32, #tpu.memory_space<vmem_shared>>
      tpu.enqueue_dma source(%dma_start3A_338 : memref<80x128xf32, #tpu.memory_space<vmem_shared>>) target(%dma_start3A_336 : memref<80x128xf32, #tpu.memory_space<vmem>>) target_semaphore(%run_scoped3A_326 : memref<!tpu.dma_semaphore, #tpu.memory_space<semaphore_mem>>)
      %dma_wait3A_339 = arith.constant 0 : i32
      %dma_wait3A_340 = arith.constant 0 : i32
      %dma_wait3A_341 = tpu.memref_slice %arg11[%run_scoped3A_91, %dma_wait3A_339, %dma_wait3A_340] : memref<4x80x128xf32, #tpu.memory_space<vmem>> -> memref<1x80x128xf32, #tpu.memory_space<vmem>>
      %dma_wait3A_342 = tpu.memref_squeeze %dma_wait3A_341 : memref<1x80x128xf32, #tpu.memory_space<vmem>> -> memref<80x128xf32, #tpu.memory_space<vmem>>
      %dma_wait3A_343 = arith.constant 0 : i32
      %dma_wait3A_344 = tpu.memref_slice %arg8[%add3A_90, %dma_wait3A_343] : memref<10240x128xf32, #tpu.memory_space<vmem_shared>> -> memref<80x128xf32, #tpu.memory_space<vmem_shared>>
      %dma_wait3A_345 = arith.constant 0 : i32
      %dma_wait3A_346 = arith.constant 0 : i32
      %dma_wait3A_347 = tpu.memref_slice %arg11[%run_scoped3A_91, %dma_wait3A_345, %dma_wait3A_346] : memref<4x80x128xf32, #tpu.memory_space<vmem>> -> memref<1x80x128xf32, #tpu.memory_space<vmem>>
      %dma_wait3A_348 = tpu.memref_squeeze %dma_wait3A_347 : memref<1x80x128xf32, #tpu.memory_space<vmem>> -> memref<80x128xf32, #tpu.memory_space<vmem>>
      %dma_wait3A_349 = arith.constant 0 : i32
      %dma_wait3A_350 = tpu.memref_slice %arg8[%add3A_90, %dma_wait3A_349] : memref<10240x128xf32, #tpu.memory_space<vmem_shared>> -> memref<80x128xf32, #tpu.memory_space<vmem_shared>>
      tpu.wait_dma2 semaphore(%run_scoped3A_326 : memref<!tpu.dma_semaphore, #tpu.memory_space<semaphore_mem>>) src(%dma_wait3A_350 : memref<80x128xf32, #tpu.memory_space<vmem_shared>>) dst(%dma_wait3A_348 : memref<80x128xf32, #tpu.memory_space<vmem>>)
      tpu.yield
    }) : () -> ()
    %dma_start3A_92 = arith.constant 2 : i32
    %dma_start3A_93 = arith.constant 0 : i32
    %dma_start3A_94 = arith.constant 0 : i32
    %dma_start3A_95 = tpu.memref_slice %arg11[%dma_start3A_92, %dma_start3A_93, %dma_start3A_94] : memref<4x80x128xf32, #tpu.memory_space<vmem>> -> memref<1x80x128xf32, #tpu.memory_space<vmem>>
    %dma_start3A_96 = tpu.memref_squeeze %dma_start3A_95 : memref<1x80x128xf32, #tpu.memory_space<vmem>> -> memref<80x128xf32, #tpu.memory_space<vmem>>
    %dma_start3A_97 = arith.constant 0 : i32
    %dma_start3A_98 = tpu.memref_slice %arg7[%arg0, %add3A_90, %dma_start3A_97] : memref<2x10240x128xf32, #tpu.memory_space<hbm>> -> memref<1x80x128xf32, #tpu.memory_space<hbm>>
    %dma_start3A_99 = tpu.memref_squeeze %dma_start3A_98 : memref<1x80x128xf32, #tpu.memory_space<hbm>> -> memref<80x128xf32, #tpu.memory_space<hbm>>
    %dma_start3A_100 = arith.constant 0 : i32
    %dma_start3A_101 = tpu.memref_slice %arg7[%arg0, %add3A_90, %dma_start3A_100] : memref<2x10240x128xf32, #tpu.memory_space<hbm>> -> memref<1x80x128xf32, #tpu.memory_space<hbm>>
    %dma_start3A_102 = tpu.memref_squeeze %dma_start3A_101 : memref<1x80x128xf32, #tpu.memory_space<hbm>> -> memref<80x128xf32, #tpu.memory_space<hbm>>
    %dma_start3A_103 = arith.constant 0 : i32
    %dma_start3A_104 = arith.constant 0 : i32
    %dma_start3A_105 = tpu.memref_slice %arg11[%dma_start3A_92, %dma_start3A_103, %dma_start3A_104] : memref<4x80x128xf32, #tpu.memory_space<vmem>> -> memref<1x80x128xf32, #tpu.memory_space<vmem>>
    %dma_start3A_106 = tpu.memref_squeeze %dma_start3A_105 : memref<1x80x128xf32, #tpu.memory_space<vmem>> -> memref<80x128xf32, #tpu.memory_space<vmem>>
    tpu.enqueue_dma source(%dma_start3A_106 : memref<80x128xf32, #tpu.memory_space<vmem>>) target(%dma_start3A_102 : memref<80x128xf32, #tpu.memory_space<hbm>>) target_semaphore(%arg13 : memref<!tpu.dma_semaphore, #tpu.memory_space<semaphore_mem>>)
    %mul3A_107 = arith.constant 640 : i32
    %mul3A_108 = arith.muli %arg1, %mul3A_107 : i32
    %add3A_109 = arith.constant 240 : i32
    %add3A_110 = arith.addi %mul3A_108, %add3A_109 : i32
    %run_scoped3A_111 = arith.constant 3 : i32
    "tpu.region"() ({
      %run_scoped3A_326 = tpu.sem_alloc : memref<!tpu.dma_semaphore, #tpu.memory_space<semaphore_mem>>
      %dma_start3A_327 = arith.constant 0 : i32
      %dma_start3A_328 = arith.constant 0 : i32
      %dma_start3A_329 = tpu.memref_slice %arg11[%run_scoped3A_111, %dma_start3A_327, %dma_start3A_328] : memref<4x80x128xf32, #tpu.memory_space<vmem>> -> memref<1x80x128xf32, #tpu.memory_space<vmem>>
      %dma_start3A_330 = tpu.memref_squeeze %dma_start3A_329 : memref<1x80x128xf32, #tpu.memory_space<vmem>> -> memref<80x128xf32, #tpu.memory_space<vmem>>
      %dma_start3A_331 = arith.constant 0 : i32
      %dma_start3A_332 = tpu.memref_slice %arg8[%add3A_110, %dma_start3A_331] : memref<10240x128xf32, #tpu.memory_space<vmem_shared>> -> memref<80x128xf32, #tpu.memory_space<vmem_shared>>
      %dma_start3A_333 = arith.constant 0 : i32
      %dma_start3A_334 = arith.constant 0 : i32
      %dma_start3A_335 = tpu.memref_slice %arg11[%run_scoped3A_111, %dma_start3A_333, %dma_start3A_334] : memref<4x80x128xf32, #tpu.memory_space<vmem>> -> memref<1x80x128xf32, #tpu.memory_space<vmem>>
      %dma_start3A_336 = tpu.memref_squeeze %dma_start3A_335 : memref<1x80x128xf32, #tpu.memory_space<vmem>> -> memref<80x128xf32, #tpu.memory_space<vmem>>
      %dma_start3A_337 = arith.constant 0 : i32
      %dma_start3A_338 = tpu.memref_slice %arg8[%add3A_110, %dma_start3A_337] : memref<10240x128xf32, #tpu.memory_space<vmem_shared>> -> memref<80x128xf32, #tpu.memory_space<vmem_shared>>
      tpu.enqueue_dma source(%dma_start3A_338 : memref<80x128xf32, #tpu.memory_space<vmem_shared>>) target(%dma_start3A_336 : memref<80x128xf32, #tpu.memory_space<vmem>>) target_semaphore(%run_scoped3A_326 : memref<!tpu.dma_semaphore, #tpu.memory_space<semaphore_mem>>)
      %dma_wait3A_339 = arith.constant 0 : i32
      %dma_wait3A_340 = arith.constant 0 : i32
      %dma_wait3A_341 = tpu.memref_slice %arg11[%run_scoped3A_111, %dma_wait3A_339, %dma_wait3A_340] : memref<4x80x128xf32, #tpu.memory_space<vmem>> -> memref<1x80x128xf32, #tpu.memory_space<vmem>>
      %dma_wait3A_342 = tpu.memref_squeeze %dma_wait3A_341 : memref<1x80x128xf32, #tpu.memory_space<vmem>> -> memref<80x128xf32, #tpu.memory_space<vmem>>
      %dma_wait3A_343 = arith.constant 0 : i32
      %dma_wait3A_344 = tpu.memref_slice %arg8[%add3A_110, %dma_wait3A_343] : memref<10240x128xf32, #tpu.memory_space<vmem_shared>> -> memref<80x128xf32, #tpu.memory_space<vmem_shared>>
      %dma_wait3A_345 = arith.constant 0 : i32
      %dma_wait3A_346 = arith.constant 0 : i32
      %dma_wait3A_347 = tpu.memref_slice %arg11[%run_scoped3A_111, %dma_wait3A_345, %dma_wait3A_346] : memref<4x80x128xf32, #tpu.memory_space<vmem>> -> memref<1x80x128xf32, #tpu.memory_space<vmem>>
      %dma_wait3A_348 = tpu.memref_squeeze %dma_wait3A_347 : memref<1x80x128xf32, #tpu.memory_space<vmem>> -> memref<80x128xf32, #tpu.memory_space<vmem>>
      %dma_wait3A_349 = arith.constant 0 : i32
      %dma_wait3A_350 = tpu.memref_slice %arg8[%add3A_110, %dma_wait3A_349] : memref<10240x128xf32, #tpu.memory_space<vmem_shared>> -> memref<80x128xf32, #tpu.memory_space<vmem_shared>>
      tpu.wait_dma2 semaphore(%run_scoped3A_326 : memref<!tpu.dma_semaphore, #tpu.memory_space<semaphore_mem>>) src(%dma_wait3A_350 : memref<80x128xf32, #tpu.memory_space<vmem_shared>>) dst(%dma_wait3A_348 : memref<80x128xf32, #tpu.memory_space<vmem>>)
      tpu.yield
    }) : () -> ()
    %dma_start3A_112 = arith.constant 3 : i32
    %dma_start3A_113 = arith.constant 0 : i32
    %dma_start3A_114 = arith.constant 0 : i32
    %dma_start3A_115 = tpu.memref_slice %arg11[%dma_start3A_112, %dma_start3A_113, %dma_start3A_114] : memref<4x80x128xf32, #tpu.memory_space<vmem>> -> memref<1x80x128xf32, #tpu.memory_space<vmem>>
    %dma_start3A_116 = tpu.memref_squeeze %dma_start3A_115 : memref<1x80x128xf32, #tpu.memory_space<vmem>> -> memref<80x128xf32, #tpu.memory_space<vmem>>
    %dma_start3A_117 = arith.constant 0 : i32
    %dma_start3A_118 = tpu.memref_slice %arg7[%arg0, %add3A_110, %dma_start3A_117] : memref<2x10240x128xf32, #tpu.memory_space<hbm>> -> memref<1x80x128xf32, #tpu.memory_space<hbm>>
    %dma_start3A_119 = tpu.memref_squeeze %dma_start3A_118 : memref<1x80x128xf32, #tpu.memory_space<hbm>> -> memref<80x128xf32, #tpu.memory_space<hbm>>
    %dma_start3A_120 = arith.constant 0 : i32
    %dma_start3A_121 = tpu.memref_slice %arg7[%arg0, %add3A_110, %dma_start3A_120] : memref<2x10240x128xf32, #tpu.memory_space<hbm>> -> memref<1x80x128xf32, #tpu.memory_space<hbm>>
    %dma_start3A_122 = tpu.memref_squeeze %dma_start3A_121 : memref<1x80x128xf32, #tpu.memory_space<hbm>> -> memref<80x128xf32, #tpu.memory_space<hbm>>
    %dma_start3A_123 = arith.constant 0 : i32
    %dma_start3A_124 = arith.constant 0 : i32
    %dma_start3A_125 = tpu.memref_slice %arg11[%dma_start3A_112, %dma_start3A_123, %dma_start3A_124] : memref<4x80x128xf32, #tpu.memory_space<vmem>> -> memref<1x80x128xf32, #tpu.memory_space<vmem>>
    %dma_start3A_126 = tpu.memref_squeeze %dma_start3A_125 : memref<1x80x128xf32, #tpu.memory_space<vmem>> -> memref<80x128xf32, #tpu.memory_space<vmem>>
    tpu.enqueue_dma source(%dma_start3A_126 : memref<80x128xf32, #tpu.memory_space<vmem>>) target(%dma_start3A_122 : memref<80x128xf32, #tpu.memory_space<hbm>>) target_semaphore(%arg13 : memref<!tpu.dma_semaphore, #tpu.memory_space<semaphore_mem>>)
    %dma_wait3A = arith.constant 0 : i32
    %dma_wait3A_127 = arith.constant 0 : i32
    %dma_wait3A_128 = arith.constant 0 : i32
    %dma_wait3A_129 = tpu.memref_slice %arg11[%dma_wait3A, %dma_wait3A_127, %dma_wait3A_128] : memref<4x80x128xf32, #tpu.memory_space<vmem>> -> memref<1x80x128xf32, #tpu.memory_space<vmem>>
    %dma_wait3A_130 = tpu.memref_squeeze %dma_wait3A_129 : memref<1x80x128xf32, #tpu.memory_space<vmem>> -> memref<80x128xf32, #tpu.memory_space<vmem>>
    %dma_wait3A_131 = arith.constant 0 : i32
    %dma_wait3A_132 = tpu.memref_slice %arg7[%arg0, %add3A_51, %dma_wait3A_131] : memref<2x10240x128xf32, #tpu.memory_space<hbm>> -> memref<1x80x128xf32, #tpu.memory_space<hbm>>
    %dma_wait3A_133 = tpu.memref_squeeze %dma_wait3A_132 : memref<1x80x128xf32, #tpu.memory_space<hbm>> -> memref<80x128xf32, #tpu.memory_space<hbm>>
    %dma_wait3A_134 = arith.constant 0 : i32
    %dma_wait3A_135 = tpu.memref_slice %arg7[%arg0, %add3A_51, %dma_wait3A_134] : memref<2x10240x128xf32, #tpu.memory_space<hbm>> -> memref<1x80x128xf32, #tpu.memory_space<hbm>>
    %dma_wait3A_136 = tpu.memref_squeeze %dma_wait3A_135 : memref<1x80x128xf32, #tpu.memory_space<hbm>> -> memref<80x128xf32, #tpu.memory_space<hbm>>
    %dma_wait3A_137 = arith.constant 0 : i32
    %dma_wait3A_138 = arith.constant 0 : i32
    %dma_wait3A_139 = tpu.memref_slice %arg11[%dma_wait3A, %dma_wait3A_137, %dma_wait3A_138] : memref<4x80x128xf32, #tpu.memory_space<vmem>> -> memref<1x80x128xf32, #tpu.memory_space<vmem>>
    %dma_wait3A_140 = tpu.memref_squeeze %dma_wait3A_139 : memref<1x80x128xf32, #tpu.memory_space<vmem>> -> memref<80x128xf32, #tpu.memory_space<vmem>>
    tpu.wait_dma2 semaphore(%arg13 : memref<!tpu.dma_semaphore, #tpu.memory_space<semaphore_mem>>) src(%dma_wait3A_140 : memref<80x128xf32, #tpu.memory_space<vmem>>) dst(%dma_wait3A_136 : memref<80x128xf32, #tpu.memory_space<hbm>>)
    %dma_wait3A_141 = arith.constant 1 : i32
    %dma_wait3A_142 = arith.constant 0 : i32
    %dma_wait3A_143 = arith.constant 0 : i32
    %dma_wait3A_144 = tpu.memref_slice %arg11[%dma_wait3A_141, %dma_wait3A_142, %dma_wait3A_143] : memref<4x80x128xf32, #tpu.memory_space<vmem>> -> memref<1x80x128xf32, #tpu.memory_space<vmem>>
    %dma_wait3A_145 = tpu.memref_squeeze %dma_wait3A_144 : memref<1x80x128xf32, #tpu.memory_space<vmem>> -> memref<80x128xf32, #tpu.memory_space<vmem>>
    %dma_wait3A_146 = arith.constant 0 : i32
    %dma_wait3A_147 = tpu.memref_slice %arg7[%arg0, %add3A_70, %dma_wait3A_146] : memref<2x10240x128xf32, #tpu.memory_space<hbm>> -> memref<1x80x128xf32, #tpu.memory_space<hbm>>
    %dma_wait3A_148 = tpu.memref_squeeze %dma_wait3A_147 : memref<1x80x128xf32, #tpu.memory_space<hbm>> -> memref<80x128xf32, #tpu.memory_space<hbm>>
    %dma_wait3A_149 = arith.constant 0 : i32
    %dma_wait3A_150 = tpu.memref_slice %arg7[%arg0, %add3A_70, %dma_wait3A_149] : memref<2x10240x128xf32, #tpu.memory_space<hbm>> -> memref<1x80x128xf32, #tpu.memory_space<hbm>>
    %dma_wait3A_151 = tpu.memref_squeeze %dma_wait3A_150 : memref<1x80x128xf32, #tpu.memory_space<hbm>> -> memref<80x128xf32, #tpu.memory_space<hbm>>
    %dma_wait3A_152 = arith.constant 0 : i32
    %dma_wait3A_153 = arith.constant 0 : i32
    %dma_wait3A_154 = tpu.memref_slice %arg11[%dma_wait3A_141, %dma_wait3A_152, %dma_wait3A_153] : memref<4x80x128xf32, #tpu.memory_space<vmem>> -> memref<1x80x128xf32, #tpu.memory_space<vmem>>
    %dma_wait3A_155 = tpu.memref_squeeze %dma_wait3A_154 : memref<1x80x128xf32, #tpu.memory_space<vmem>> -> memref<80x128xf32, #tpu.memory_space<vmem>>
    tpu.wait_dma2 semaphore(%arg13 : memref<!tpu.dma_semaphore, #tpu.memory_space<semaphore_mem>>) src(%dma_wait3A_155 : memref<80x128xf32, #tpu.memory_space<vmem>>) dst(%dma_wait3A_151 : memref<80x128xf32, #tpu.memory_space<hbm>>)
    %dma_wait3A_156 = arith.constant 2 : i32
    %dma_wait3A_157 = arith.constant 0 : i32
    %dma_wait3A_158 = arith.constant 0 : i32
    %dma_wait3A_159 = tpu.memref_slice %arg11[%dma_wait3A_156, %dma_wait3A_157, %dma_wait3A_158] : memref<4x80x128xf32, #tpu.memory_space<vmem>> -> memref<1x80x128xf32, #tpu.memory_space<vmem>>
    %dma_wait3A_160 = tpu.memref_squeeze %dma_wait3A_159 : memref<1x80x128xf32, #tpu.memory_space<vmem>> -> memref<80x128xf32, #tpu.memory_space<vmem>>
    %dma_wait3A_161 = arith.constant 0 : i32
    %dma_wait3A_162 = tpu.memref_slice %arg7[%arg0, %add3A_90, %dma_wait3A_161] : memref<2x10240x128xf32, #tpu.memory_space<hbm>> -> memref<1x80x128xf32, #tpu.memory_space<hbm>>
    %dma_wait3A_163 = tpu.memref_squeeze %dma_wait3A_162 : memref<1x80x128xf32, #tpu.memory_space<hbm>> -> memref<80x128xf32, #tpu.memory_space<hbm>>
    %dma_wait3A_164 = arith.constant 0 : i32
    %dma_wait3A_165 = tpu.memref_slice %arg7[%arg0, %add3A_90, %dma_wait3A_164] : memref<2x10240x128xf32, #tpu.memory_space<hbm>> -> memref<1x80x128xf32, #tpu.memory_space<hbm>>
    %dma_wait3A_166 = tpu.memref_squeeze %dma_wait3A_165 : memref<1x80x128xf32, #tpu.memory_space<hbm>> -> memref<80x128xf32, #tpu.memory_space<hbm>>
    %dma_wait3A_167 = arith.constant 0 : i32
    %dma_wait3A_168 = arith.constant 0 : i32
    %dma_wait3A_169 = tpu.memref_slice %arg11[%dma_wait3A_156, %dma_wait3A_167, %dma_wait3A_168] : memref<4x80x128xf32, #tpu.memory_space<vmem>> -> memref<1x80x128xf32, #tpu.memory_space<vmem>>
    %dma_wait3A_170 = tpu.memref_squeeze %dma_wait3A_169 : memref<1x80x128xf32, #tpu.memory_space<vmem>> -> memref<80x128xf32, #tpu.memory_space<vmem>>
    tpu.wait_dma2 semaphore(%arg13 : memref<!tpu.dma_semaphore, #tpu.memory_space<semaphore_mem>>) src(%dma_wait3A_170 : memref<80x128xf32, #tpu.memory_space<vmem>>) dst(%dma_wait3A_166 : memref<80x128xf32, #tpu.memory_space<hbm>>)
    %dma_wait3A_171 = arith.constant 3 : i32
    %dma_wait3A_172 = arith.constant 0 : i32
    %dma_wait3A_173 = arith.constant 0 : i32
    %dma_wait3A_174 = tpu.memref_slice %arg11[%dma_wait3A_171, %dma_wait3A_172, %dma_wait3A_173] : memref<4x80x128xf32, #tpu.memory_space<vmem>> -> memref<1x80x128xf32, #tpu.memory_space<vmem>>
    %dma_wait3A_175 = tpu.memref_squeeze %dma_wait3A_174 : memref<1x80x128xf32, #tpu.memory_space<vmem>> -> memref<80x128xf32, #tpu.memory_space<vmem>>
    %dma_wait3A_176 = arith.constant 0 : i32
    %dma_wait3A_177 = tpu.memref_slice %arg7[%arg0, %add3A_110, %dma_wait3A_176] : memref<2x10240x128xf32, #tpu.memory_space<hbm>> -> memref<1x80x128xf32, #tpu.memory_space<hbm>>
    %dma_wait3A_178 = tpu.memref_squeeze %dma_wait3A_177 : memref<1x80x128xf32, #tpu.memory_space<hbm>> -> memref<80x128xf32, #tpu.memory_space<hbm>>
    %dma_wait3A_179 = arith.constant 0 : i32
    %dma_wait3A_180 = tpu.memref_slice %arg7[%arg0, %add3A_110, %dma_wait3A_179] : memref<2x10240x128xf32, #tpu.memory_space<hbm>> -> memref<1x80x128xf32, #tpu.memory_space<hbm>>
    %dma_wait3A_181 = tpu.memref_squeeze %dma_wait3A_180 : memref<1x80x128xf32, #tpu.memory_space<hbm>> -> memref<80x128xf32, #tpu.memory_space<hbm>>
    %dma_wait3A_182 = arith.constant 0 : i32
    %dma_wait3A_183 = arith.constant 0 : i32
    %dma_wait3A_184 = tpu.memref_slice %arg11[%dma_wait3A_171, %dma_wait3A_182, %dma_wait3A_183] : memref<4x80x128xf32, #tpu.memory_space<vmem>> -> memref<1x80x128xf32, #tpu.memory_space<vmem>>
    %dma_wait3A_185 = tpu.memref_squeeze %dma_wait3A_184 : memref<1x80x128xf32, #tpu.memory_space<vmem>> -> memref<80x128xf32, #tpu.memory_space<vmem>>
    tpu.wait_dma2 semaphore(%arg13 : memref<!tpu.dma_semaphore, #tpu.memory_space<semaphore_mem>>) src(%dma_wait3A_185 : memref<80x128xf32, #tpu.memory_space<vmem>>) dst(%dma_wait3A_181 : memref<80x128xf32, #tpu.memory_space<hbm>>)
    %mul3A_186 = arith.constant 640 : i32
    %mul3A_187 = arith.muli %arg1, %mul3A_186 : i32
    %add3A_188 = arith.constant 320 : i32
    %add3A_189 = arith.addi %mul3A_187, %add3A_188 : i32
    %run_scoped3A_190 = arith.constant 0 : i32
    "tpu.region"() ({
      %run_scoped3A_326 = tpu.sem_alloc : memref<!tpu.dma_semaphore, #tpu.memory_space<semaphore_mem>>
      %dma_start3A_327 = arith.constant 0 : i32
      %dma_start3A_328 = arith.constant 0 : i32
      %dma_start3A_329 = tpu.memref_slice %arg11[%run_scoped3A_190, %dma_start3A_327, %dma_start3A_328] : memref<4x80x128xf32, #tpu.memory_space<vmem>> -> memref<1x80x128xf32, #tpu.memory_space<vmem>>
      %dma_start3A_330 = tpu.memref_squeeze %dma_start3A_329 : memref<1x80x128xf32, #tpu.memory_space<vmem>> -> memref<80x128xf32, #tpu.memory_space<vmem>>
      %dma_start3A_331 = arith.constant 0 : i32
      %dma_start3A_332 = tpu.memref_slice %arg8[%add3A_189, %dma_start3A_331] : memref<10240x128xf32, #tpu.memory_space<vmem_shared>> -> memref<80x128xf32, #tpu.memory_space<vmem_shared>>
      %dma_start3A_333 = arith.constant 0 : i32
      %dma_start3A_334 = arith.constant 0 : i32
      %dma_start3A_335 = tpu.memref_slice %arg11[%run_scoped3A_190, %dma_start3A_333, %dma_start3A_334] : memref<4x80x128xf32, #tpu.memory_space<vmem>> -> memref<1x80x128xf32, #tpu.memory_space<vmem>>
      %dma_start3A_336 = tpu.memref_squeeze %dma_start3A_335 : memref<1x80x128xf32, #tpu.memory_space<vmem>> -> memref<80x128xf32, #tpu.memory_space<vmem>>
      %dma_start3A_337 = arith.constant 0 : i32
      %dma_start3A_338 = tpu.memref_slice %arg8[%add3A_189, %dma_start3A_337] : memref<10240x128xf32, #tpu.memory_space<vmem_shared>> -> memref<80x128xf32, #tpu.memory_space<vmem_shared>>
      tpu.enqueue_dma source(%dma_start3A_338 : memref<80x128xf32, #tpu.memory_space<vmem_shared>>) target(%dma_start3A_336 : memref<80x128xf32, #tpu.memory_space<vmem>>) target_semaphore(%run_scoped3A_326 : memref<!tpu.dma_semaphore, #tpu.memory_space<semaphore_mem>>)
      %dma_wait3A_339 = arith.constant 0 : i32
      %dma_wait3A_340 = arith.constant 0 : i32
      %dma_wait3A_341 = tpu.memref_slice %arg11[%run_scoped3A_190, %dma_wait3A_339, %dma_wait3A_340] : memref<4x80x128xf32, #tpu.memory_space<vmem>> -> memref<1x80x128xf32, #tpu.memory_space<vmem>>
      %dma_wait3A_342 = tpu.memref_squeeze %dma_wait3A_341 : memref<1x80x128xf32, #tpu.memory_space<vmem>> -> memref<80x128xf32, #tpu.memory_space<vmem>>
      %dma_wait3A_343 = arith.constant 0 : i32
      %dma_wait3A_344 = tpu.memref_slice %arg8[%add3A_189, %dma_wait3A_343] : memref<10240x128xf32, #tpu.memory_space<vmem_shared>> -> memref<80x128xf32, #tpu.memory_space<vmem_shared>>
      %dma_wait3A_345 = arith.constant 0 : i32
      %dma_wait3A_346 = arith.constant 0 : i32
      %dma_wait3A_347 = tpu.memref_slice %arg11[%run_scoped3A_190, %dma_wait3A_345, %dma_wait3A_346] : memref<4x80x128xf32, #tpu.memory_space<vmem>> -> memref<1x80x128xf32, #tpu.memory_space<vmem>>
      %dma_wait3A_348 = tpu.memref_squeeze %dma_wait3A_347 : memref<1x80x128xf32, #tpu.memory_space<vmem>> -> memref<80x128xf32, #tpu.memory_space<vmem>>
      %dma_wait3A_349 = arith.constant 0 : i32
      %dma_wait3A_350 = tpu.memref_slice %arg8[%add3A_189, %dma_wait3A_349] : memref<10240x128xf32, #tpu.memory_space<vmem_shared>> -> memref<80x128xf32, #tpu.memory_space<vmem_shared>>
      tpu.wait_dma2 semaphore(%run_scoped3A_326 : memref<!tpu.dma_semaphore, #tpu.memory_space<semaphore_mem>>) src(%dma_wait3A_350 : memref<80x128xf32, #tpu.memory_space<vmem_shared>>) dst(%dma_wait3A_348 : memref<80x128xf32, #tpu.memory_space<vmem>>)
      tpu.yield
    }) : () -> ()
    %dma_start3A_191 = arith.constant 0 : i32
    %dma_start3A_192 = arith.constant 0 : i32
    %dma_start3A_193 = arith.constant 0 : i32
    %dma_start3A_194 = tpu.memref_slice %arg11[%dma_start3A_191, %dma_start3A_192, %dma_start3A_193] : memref<4x80x128xf32, #tpu.memory_space<vmem>> -> memref<1x80x128xf32, #tpu.memory_space<vmem>>
    %dma_start3A_195 = tpu.memref_squeeze %dma_start3A_194 : memref<1x80x128xf32, #tpu.memory_space<vmem>> -> memref<80x128xf32, #tpu.memory_space<vmem>>
    %dma_start3A_196 = arith.constant 0 : i32
    %dma_start3A_197 = tpu.memref_slice %arg7[%arg0, %add3A_189, %dma_start3A_196] : memref<2x10240x128xf32, #tpu.memory_space<hbm>> -> memref<1x80x128xf32, #tpu.memory_space<hbm>>
    %dma_start3A_198 = tpu.memref_squeeze %dma_start3A_197 : memref<1x80x128xf32, #tpu.memory_space<hbm>> -> memref<80x128xf32, #tpu.memory_space<hbm>>
    %dma_start3A_199 = arith.constant 0 : i32
    %dma_start3A_200 = tpu.memref_slice %arg7[%arg0, %add3A_189, %dma_start3A_199] : memref<2x10240x128xf32, #tpu.memory_space<hbm>> -> memref<1x80x128xf32, #tpu.memory_space<hbm>>
    %dma_start3A_201 = tpu.memref_squeeze %dma_start3A_200 : memref<1x80x128xf32, #tpu.memory_space<hbm>> -> memref<80x128xf32, #tpu.memory_space<hbm>>
    %dma_start3A_202 = arith.constant 0 : i32
    %dma_start3A_203 = arith.constant 0 : i32
    %dma_start3A_204 = tpu.memref_slice %arg11[%dma_start3A_191, %dma_start3A_202, %dma_start3A_203] : memref<4x80x128xf32, #tpu.memory_space<vmem>> -> memref<1x80x128xf32, #tpu.memory_space<vmem>>
    %dma_start3A_205 = tpu.memref_squeeze %dma_start3A_204 : memref<1x80x128xf32, #tpu.memory_space<vmem>> -> memref<80x128xf32, #tpu.memory_space<vmem>>
    tpu.enqueue_dma source(%dma_start3A_205 : memref<80x128xf32, #tpu.memory_space<vmem>>) target(%dma_start3A_201 : memref<80x128xf32, #tpu.memory_space<hbm>>) target_semaphore(%arg13 : memref<!tpu.dma_semaphore, #tpu.memory_space<semaphore_mem>>)
    %mul3A_206 = arith.constant 640 : i32
    %mul3A_207 = arith.muli %arg1, %mul3A_206 : i32
    %add3A_208 = arith.constant 400 : i32
    %add3A_209 = arith.addi %mul3A_207, %add3A_208 : i32
    %run_scoped3A_210 = arith.constant 1 : i32
    "tpu.region"() ({
      %run_scoped3A_326 = tpu.sem_alloc : memref<!tpu.dma_semaphore, #tpu.memory_space<semaphore_mem>>
      %dma_start3A_327 = arith.constant 0 : i32
      %dma_start3A_328 = arith.constant 0 : i32
      %dma_start3A_329 = tpu.memref_slice %arg11[%run_scoped3A_210, %dma_start3A_327, %dma_start3A_328] : memref<4x80x128xf32, #tpu.memory_space<vmem>> -> memref<1x80x128xf32, #tpu.memory_space<vmem>>
      %dma_start3A_330 = tpu.memref_squeeze %dma_start3A_329 : memref<1x80x128xf32, #tpu.memory_space<vmem>> -> memref<80x128xf32, #tpu.memory_space<vmem>>
      %dma_start3A_331 = arith.constant 0 : i32
      %dma_start3A_332 = tpu.memref_slice %arg8[%add3A_209, %dma_start3A_331] : memref<10240x128xf32, #tpu.memory_space<vmem_shared>> -> memref<80x128xf32, #tpu.memory_space<vmem_shared>>
      %dma_start3A_333 = arith.constant 0 : i32
      %dma_start3A_334 = arith.constant 0 : i32
      %dma_start3A_335 = tpu.memref_slice %arg11[%run_scoped3A_210, %dma_start3A_333, %dma_start3A_334] : memref<4x80x128xf32, #tpu.memory_space<vmem>> -> memref<1x80x128xf32, #tpu.memory_space<vmem>>
      %dma_start3A_336 = tpu.memref_squeeze %dma_start3A_335 : memref<1x80x128xf32, #tpu.memory_space<vmem>> -> memref<80x128xf32, #tpu.memory_space<vmem>>
      %dma_start3A_337 = arith.constant 0 : i32
      %dma_start3A_338 = tpu.memref_slice %arg8[%add3A_209, %dma_start3A_337] : memref<10240x128xf32, #tpu.memory_space<vmem_shared>> -> memref<80x128xf32, #tpu.memory_space<vmem_shared>>
      tpu.enqueue_dma source(%dma_start3A_338 : memref<80x128xf32, #tpu.memory_space<vmem_shared>>) target(%dma_start3A_336 : memref<80x128xf32, #tpu.memory_space<vmem>>) target_semaphore(%run_scoped3A_326 : memref<!tpu.dma_semaphore, #tpu.memory_space<semaphore_mem>>)
      %dma_wait3A_339 = arith.constant 0 : i32
      %dma_wait3A_340 = arith.constant 0 : i32
      %dma_wait3A_341 = tpu.memref_slice %arg11[%run_scoped3A_210, %dma_wait3A_339, %dma_wait3A_340] : memref<4x80x128xf32, #tpu.memory_space<vmem>> -> memref<1x80x128xf32, #tpu.memory_space<vmem>>
      %dma_wait3A_342 = tpu.memref_squeeze %dma_wait3A_341 : memref<1x80x128xf32, #tpu.memory_space<vmem>> -> memref<80x128xf32, #tpu.memory_space<vmem>>
      %dma_wait3A_343 = arith.constant 0 : i32
      %dma_wait3A_344 = tpu.memref_slice %arg8[%add3A_209, %dma_wait3A_343] : memref<10240x128xf32, #tpu.memory_space<vmem_shared>> -> memref<80x128xf32, #tpu.memory_space<vmem_shared>>
      %dma_wait3A_345 = arith.constant 0 : i32
      %dma_wait3A_346 = arith.constant 0 : i32
      %dma_wait3A_347 = tpu.memref_slice %arg11[%run_scoped3A_210, %dma_wait3A_345, %dma_wait3A_346] : memref<4x80x128xf32, #tpu.memory_space<vmem>> -> memref<1x80x128xf32, #tpu.memory_space<vmem>>
      %dma_wait3A_348 = tpu.memref_squeeze %dma_wait3A_347 : memref<1x80x128xf32, #tpu.memory_space<vmem>> -> memref<80x128xf32, #tpu.memory_space<vmem>>
      %dma_wait3A_349 = arith.constant 0 : i32
      %dma_wait3A_350 = tpu.memref_slice %arg8[%add3A_209, %dma_wait3A_349] : memref<10240x128xf32, #tpu.memory_space<vmem_shared>> -> memref<80x128xf32, #tpu.memory_space<vmem_shared>>
      tpu.wait_dma2 semaphore(%run_scoped3A_326 : memref<!tpu.dma_semaphore, #tpu.memory_space<semaphore_mem>>) src(%dma_wait3A_350 : memref<80x128xf32, #tpu.memory_space<vmem_shared>>) dst(%dma_wait3A_348 : memref<80x128xf32, #tpu.memory_space<vmem>>)
      tpu.yield
    }) : () -> ()
    %dma_start3A_211 = arith.constant 1 : i32
    %dma_start3A_212 = arith.constant 0 : i32
    %dma_start3A_213 = arith.constant 0 : i32
    %dma_start3A_214 = tpu.memref_slice %arg11[%dma_start3A_211, %dma_start3A_212, %dma_start3A_213] : memref<4x80x128xf32, #tpu.memory_space<vmem>> -> memref<1x80x128xf32, #tpu.memory_space<vmem>>
    %dma_start3A_215 = tpu.memref_squeeze %dma_start3A_214 : memref<1x80x128xf32, #tpu.memory_space<vmem>> -> memref<80x128xf32, #tpu.memory_space<vmem>>
    %dma_start3A_216 = arith.constant 0 : i32
    %dma_start3A_217 = tpu.memref_slice %arg7[%arg0, %add3A_209, %dma_start3A_216] : memref<2x10240x128xf32, #tpu.memory_space<hbm>> -> memref<1x80x128xf32, #tpu.memory_space<hbm>>
    %dma_start3A_218 = tpu.memref_squeeze %dma_start3A_217 : memref<1x80x128xf32, #tpu.memory_space<hbm>> -> memref<80x128xf32, #tpu.memory_space<hbm>>
    %dma_start3A_219 = arith.constant 0 : i32
    %dma_start3A_220 = tpu.memref_slice %arg7[%arg0, %add3A_209, %dma_start3A_219] : memref<2x10240x128xf32, #tpu.memory_space<hbm>> -> memref<1x80x128xf32, #tpu.memory_space<hbm>>
    %dma_start3A_221 = tpu.memref_squeeze %dma_start3A_220 : memref<1x80x128xf32, #tpu.memory_space<hbm>> -> memref<80x128xf32, #tpu.memory_space<hbm>>
    %dma_start3A_222 = arith.constant 0 : i32
    %dma_start3A_223 = arith.constant 0 : i32
    %dma_start3A_224 = tpu.memref_slice %arg11[%dma_start3A_211, %dma_start3A_222, %dma_start3A_223] : memref<4x80x128xf32, #tpu.memory_space<vmem>> -> memref<1x80x128xf32, #tpu.memory_space<vmem>>
    %dma_start3A_225 = tpu.memref_squeeze %dma_start3A_224 : memref<1x80x128xf32, #tpu.memory_space<vmem>> -> memref<80x128xf32, #tpu.memory_space<vmem>>
    tpu.enqueue_dma source(%dma_start3A_225 : memref<80x128xf32, #tpu.memory_space<vmem>>) target(%dma_start3A_221 : memref<80x128xf32, #tpu.memory_space<hbm>>) target_semaphore(%arg13 : memref<!tpu.dma_semaphore, #tpu.memory_space<semaphore_mem>>)
    %mul3A_226 = arith.constant 640 : i32
    %mul3A_227 = arith.muli %arg1, %mul3A_226 : i32
    %add3A_228 = arith.constant 480 : i32
    %add3A_229 = arith.addi %mul3A_227, %add3A_228 : i32
    %run_scoped3A_230 = arith.constant 2 : i32
    "tpu.region"() ({
      %run_scoped3A_326 = tpu.sem_alloc : memref<!tpu.dma_semaphore, #tpu.memory_space<semaphore_mem>>
      %dma_start3A_327 = arith.constant 0 : i32
      %dma_start3A_328 = arith.constant 0 : i32
      %dma_start3A_329 = tpu.memref_slice %arg11[%run_scoped3A_230, %dma_start3A_327, %dma_start3A_328] : memref<4x80x128xf32, #tpu.memory_space<vmem>> -> memref<1x80x128xf32, #tpu.memory_space<vmem>>
      %dma_start3A_330 = tpu.memref_squeeze %dma_start3A_329 : memref<1x80x128xf32, #tpu.memory_space<vmem>> -> memref<80x128xf32, #tpu.memory_space<vmem>>
      %dma_start3A_331 = arith.constant 0 : i32
      %dma_start3A_332 = tpu.memref_slice %arg8[%add3A_229, %dma_start3A_331] : memref<10240x128xf32, #tpu.memory_space<vmem_shared>> -> memref<80x128xf32, #tpu.memory_space<vmem_shared>>
      %dma_start3A_333 = arith.constant 0 : i32
      %dma_start3A_334 = arith.constant 0 : i32
      %dma_start3A_335 = tpu.memref_slice %arg11[%run_scoped3A_230, %dma_start3A_333, %dma_start3A_334] : memref<4x80x128xf32, #tpu.memory_space<vmem>> -> memref<1x80x128xf32, #tpu.memory_space<vmem>>
      %dma_start3A_336 = tpu.memref_squeeze %dma_start3A_335 : memref<1x80x128xf32, #tpu.memory_space<vmem>> -> memref<80x128xf32, #tpu.memory_space<vmem>>
      %dma_start3A_337 = arith.constant 0 : i32
      %dma_start3A_338 = tpu.memref_slice %arg8[%add3A_229, %dma_start3A_337] : memref<10240x128xf32, #tpu.memory_space<vmem_shared>> -> memref<80x128xf32, #tpu.memory_space<vmem_shared>>
      tpu.enqueue_dma source(%dma_start3A_338 : memref<80x128xf32, #tpu.memory_space<vmem_shared>>) target(%dma_start3A_336 : memref<80x128xf32, #tpu.memory_space<vmem>>) target_semaphore(%run_scoped3A_326 : memref<!tpu.dma_semaphore, #tpu.memory_space<semaphore_mem>>)
      %dma_wait3A_339 = arith.constant 0 : i32
      %dma_wait3A_340 = arith.constant 0 : i32
      %dma_wait3A_341 = tpu.memref_slice %arg11[%run_scoped3A_230, %dma_wait3A_339, %dma_wait3A_340] : memref<4x80x128xf32, #tpu.memory_space<vmem>> -> memref<1x80x128xf32, #tpu.memory_space<vmem>>
      %dma_wait3A_342 = tpu.memref_squeeze %dma_wait3A_341 : memref<1x80x128xf32, #tpu.memory_space<vmem>> -> memref<80x128xf32, #tpu.memory_space<vmem>>
      %dma_wait3A_343 = arith.constant 0 : i32
      %dma_wait3A_344 = tpu.memref_slice %arg8[%add3A_229, %dma_wait3A_343] : memref<10240x128xf32, #tpu.memory_space<vmem_shared>> -> memref<80x128xf32, #tpu.memory_space<vmem_shared>>
      %dma_wait3A_345 = arith.constant 0 : i32
      %dma_wait3A_346 = arith.constant 0 : i32
      %dma_wait3A_347 = tpu.memref_slice %arg11[%run_scoped3A_230, %dma_wait3A_345, %dma_wait3A_346] : memref<4x80x128xf32, #tpu.memory_space<vmem>> -> memref<1x80x128xf32, #tpu.memory_space<vmem>>
      %dma_wait3A_348 = tpu.memref_squeeze %dma_wait3A_347 : memref<1x80x128xf32, #tpu.memory_space<vmem>> -> memref<80x128xf32, #tpu.memory_space<vmem>>
      %dma_wait3A_349 = arith.constant 0 : i32
      %dma_wait3A_350 = tpu.memref_slice %arg8[%add3A_229, %dma_wait3A_349] : memref<10240x128xf32, #tpu.memory_space<vmem_shared>> -> memref<80x128xf32, #tpu.memory_space<vmem_shared>>
      tpu.wait_dma2 semaphore(%run_scoped3A_326 : memref<!tpu.dma_semaphore, #tpu.memory_space<semaphore_mem>>) src(%dma_wait3A_350 : memref<80x128xf32, #tpu.memory_space<vmem_shared>>) dst(%dma_wait3A_348 : memref<80x128xf32, #tpu.memory_space<vmem>>)
      tpu.yield
    }) : () -> ()
    %dma_start3A_231 = arith.constant 2 : i32
    %dma_start3A_232 = arith.constant 0 : i32
    %dma_start3A_233 = arith.constant 0 : i32
    %dma_start3A_234 = tpu.memref_slice %arg11[%dma_start3A_231, %dma_start3A_232, %dma_start3A_233] : memref<4x80x128xf32, #tpu.memory_space<vmem>> -> memref<1x80x128xf32, #tpu.memory_space<vmem>>
    %dma_start3A_235 = tpu.memref_squeeze %dma_start3A_234 : memref<1x80x128xf32, #tpu.memory_space<vmem>> -> memref<80x128xf32, #tpu.memory_space<vmem>>
    %dma_start3A_236 = arith.constant 0 : i32
    %dma_start3A_237 = tpu.memref_slice %arg7[%arg0, %add3A_229, %dma_start3A_236] : memref<2x10240x128xf32, #tpu.memory_space<hbm>> -> memref<1x80x128xf32, #tpu.memory_space<hbm>>
    %dma_start3A_238 = tpu.memref_squeeze %dma_start3A_237 : memref<1x80x128xf32, #tpu.memory_space<hbm>> -> memref<80x128xf32, #tpu.memory_space<hbm>>
    %dma_start3A_239 = arith.constant 0 : i32
    %dma_start3A_240 = tpu.memref_slice %arg7[%arg0, %add3A_229, %dma_start3A_239] : memref<2x10240x128xf32, #tpu.memory_space<hbm>> -> memref<1x80x128xf32, #tpu.memory_space<hbm>>
    %dma_start3A_241 = tpu.memref_squeeze %dma_start3A_240 : memref<1x80x128xf32, #tpu.memory_space<hbm>> -> memref<80x128xf32, #tpu.memory_space<hbm>>
    %dma_start3A_242 = arith.constant 0 : i32
    %dma_start3A_243 = arith.constant 0 : i32
    %dma_start3A_244 = tpu.memref_slice %arg11[%dma_start3A_231, %dma_start3A_242, %dma_start3A_243] : memref<4x80x128xf32, #tpu.memory_space<vmem>> -> memref<1x80x128xf32, #tpu.memory_space<vmem>>
    %dma_start3A_245 = tpu.memref_squeeze %dma_start3A_244 : memref<1x80x128xf32, #tpu.memory_space<vmem>> -> memref<80x128xf32, #tpu.memory_space<vmem>>
    tpu.enqueue_dma source(%dma_start3A_245 : memref<80x128xf32, #tpu.memory_space<vmem>>) target(%dma_start3A_241 : memref<80x128xf32, #tpu.memory_space<hbm>>) target_semaphore(%arg13 : memref<!tpu.dma_semaphore, #tpu.memory_space<semaphore_mem>>)
    %mul3A_246 = arith.constant 640 : i32
    %mul3A_247 = arith.muli %arg1, %mul3A_246 : i32
    %add3A_248 = arith.constant 560 : i32
    %add3A_249 = arith.addi %mul3A_247, %add3A_248 : i32
    %run_scoped3A_250 = arith.constant 3 : i32
    "tpu.region"() ({
      %run_scoped3A_326 = tpu.sem_alloc : memref<!tpu.dma_semaphore, #tpu.memory_space<semaphore_mem>>
      %dma_start3A_327 = arith.constant 0 : i32
      %dma_start3A_328 = arith.constant 0 : i32
      %dma_start3A_329 = tpu.memref_slice %arg11[%run_scoped3A_250, %dma_start3A_327, %dma_start3A_328] : memref<4x80x128xf32, #tpu.memory_space<vmem>> -> memref<1x80x128xf32, #tpu.memory_space<vmem>>
      %dma_start3A_330 = tpu.memref_squeeze %dma_start3A_329 : memref<1x80x128xf32, #tpu.memory_space<vmem>> -> memref<80x128xf32, #tpu.memory_space<vmem>>
      %dma_start3A_331 = arith.constant 0 : i32
      %dma_start3A_332 = tpu.memref_slice %arg8[%add3A_249, %dma_start3A_331] : memref<10240x128xf32, #tpu.memory_space<vmem_shared>> -> memref<80x128xf32, #tpu.memory_space<vmem_shared>>
      %dma_start3A_333 = arith.constant 0 : i32
      %dma_start3A_334 = arith.constant 0 : i32
      %dma_start3A_335 = tpu.memref_slice %arg11[%run_scoped3A_250, %dma_start3A_333, %dma_start3A_334] : memref<4x80x128xf32, #tpu.memory_space<vmem>> -> memref<1x80x128xf32, #tpu.memory_space<vmem>>
      %dma_start3A_336 = tpu.memref_squeeze %dma_start3A_335 : memref<1x80x128xf32, #tpu.memory_space<vmem>> -> memref<80x128xf32, #tpu.memory_space<vmem>>
      %dma_start3A_337 = arith.constant 0 : i32
      %dma_start3A_338 = tpu.memref_slice %arg8[%add3A_249, %dma_start3A_337] : memref<10240x128xf32, #tpu.memory_space<vmem_shared>> -> memref<80x128xf32, #tpu.memory_space<vmem_shared>>
      tpu.enqueue_dma source(%dma_start3A_338 : memref<80x128xf32, #tpu.memory_space<vmem_shared>>) target(%dma_start3A_336 : memref<80x128xf32, #tpu.memory_space<vmem>>) target_semaphore(%run_scoped3A_326 : memref<!tpu.dma_semaphore, #tpu.memory_space<semaphore_mem>>)
      %dma_wait3A_339 = arith.constant 0 : i32
      %dma_wait3A_340 = arith.constant 0 : i32
      %dma_wait3A_341 = tpu.memref_slice %arg11[%run_scoped3A_250, %dma_wait3A_339, %dma_wait3A_340] : memref<4x80x128xf32, #tpu.memory_space<vmem>> -> memref<1x80x128xf32, #tpu.memory_space<vmem>>
      %dma_wait3A_342 = tpu.memref_squeeze %dma_wait3A_341 : memref<1x80x128xf32, #tpu.memory_space<vmem>> -> memref<80x128xf32, #tpu.memory_space<vmem>>
      %dma_wait3A_343 = arith.constant 0 : i32
      %dma_wait3A_344 = tpu.memref_slice %arg8[%add3A_249, %dma_wait3A_343] : memref<10240x128xf32, #tpu.memory_space<vmem_shared>> -> memref<80x128xf32, #tpu.memory_space<vmem_shared>>
      %dma_wait3A_345 = arith.constant 0 : i32
      %dma_wait3A_346 = arith.constant 0 : i32
      %dma_wait3A_347 = tpu.memref_slice %arg11[%run_scoped3A_250, %dma_wait3A_345, %dma_wait3A_346] : memref<4x80x128xf32, #tpu.memory_space<vmem>> -> memref<1x80x128xf32, #tpu.memory_space<vmem>>
      %dma_wait3A_348 = tpu.memref_squeeze %dma_wait3A_347 : memref<1x80x128xf32, #tpu.memory_space<vmem>> -> memref<80x128xf32, #tpu.memory_space<vmem>>
      %dma_wait3A_349 = arith.constant 0 : i32
      %dma_wait3A_350 = tpu.memref_slice %arg8[%add3A_249, %dma_wait3A_349] : memref<10240x128xf32, #tpu.memory_space<vmem_shared>> -> memref<80x128xf32, #tpu.memory_space<vmem_shared>>
      tpu.wait_dma2 semaphore(%run_scoped3A_326 : memref<!tpu.dma_semaphore, #tpu.memory_space<semaphore_mem>>) src(%dma_wait3A_350 : memref<80x128xf32, #tpu.memory_space<vmem_shared>>) dst(%dma_wait3A_348 : memref<80x128xf32, #tpu.memory_space<vmem>>)
      tpu.yield
    }) : () -> ()
    %dma_start3A_251 = arith.constant 3 : i32
    %dma_start3A_252 = arith.constant 0 : i32
    %dma_start3A_253 = arith.constant 0 : i32
    %dma_start3A_254 = tpu.memref_slice %arg11[%dma_start3A_251, %dma_start3A_252, %dma_start3A_253] : memref<4x80x128xf32, #tpu.memory_space<vmem>> -> memref<1x80x128xf32, #tpu.memory_space<vmem>>
    %dma_start3A_255 = tpu.memref_squeeze %dma_start3A_254 : memref<1x80x128xf32, #tpu.memory_space<vmem>> -> memref<80x128xf32, #tpu.memory_space<vmem>>
    %dma_start3A_256 = arith.constant 0 : i32
    %dma_start3A_257 = tpu.memref_slice %arg7[%arg0, %add3A_249, %dma_start3A_256] : memref<2x10240x128xf32, #tpu.memory_space<hbm>> -> memref<1x80x128xf32, #tpu.memory_space<hbm>>
    %dma_start3A_258 = tpu.memref_squeeze %dma_start3A_257 : memref<1x80x128xf32, #tpu.memory_space<hbm>> -> memref<80x128xf32, #tpu.memory_space<hbm>>
    %dma_start3A_259 = arith.constant 0 : i32
    %dma_start3A_260 = tpu.memref_slice %arg7[%arg0, %add3A_249, %dma_start3A_259] : memref<2x10240x128xf32, #tpu.memory_space<hbm>> -> memref<1x80x128xf32, #tpu.memory_space<hbm>>
    %dma_start3A_261 = tpu.memref_squeeze %dma_start3A_260 : memref<1x80x128xf32, #tpu.memory_space<hbm>> -> memref<80x128xf32, #tpu.memory_space<hbm>>
    %dma_start3A_262 = arith.constant 0 : i32
    %dma_start3A_263 = arith.constant 0 : i32
    %dma_start3A_264 = tpu.memref_slice %arg11[%dma_start3A_251, %dma_start3A_262, %dma_start3A_263] : memref<4x80x128xf32, #tpu.memory_space<vmem>> -> memref<1x80x128xf32, #tpu.memory_space<vmem>>
    %dma_start3A_265 = tpu.memref_squeeze %dma_start3A_264 : memref<1x80x128xf32, #tpu.memory_space<vmem>> -> memref<80x128xf32, #tpu.memory_space<vmem>>
    tpu.enqueue_dma source(%dma_start3A_265 : memref<80x128xf32, #tpu.memory_space<vmem>>) target(%dma_start3A_261 : memref<80x128xf32, #tpu.memory_space<hbm>>) target_semaphore(%arg13 : memref<!tpu.dma_semaphore, #tpu.memory_space<semaphore_mem>>)
    %dma_wait3A_266 = arith.constant 0 : i32
    %dma_wait3A_267 = arith.constant 0 : i32
    %dma_wait3A_268 = arith.constant 0 : i32
    %dma_wait3A_269 = tpu.memref_slice %arg11[%dma_wait3A_266, %dma_wait3A_267, %dma_wait3A_268] : memref<4x80x128xf32, #tpu.memory_space<vmem>> -> memref<1x80x128xf32, #tpu.memory_space<vmem>>
    %dma_wait3A_270 = tpu.memref_squeeze %dma_wait3A_269 : memref<1x80x128xf32, #tpu.memory_space<vmem>> -> memref<80x128xf32, #tpu.memory_space<vmem>>
    %dma_wait3A_271 = arith.constant 0 : i32
    %dma_wait3A_272 = tpu.memref_slice %arg7[%arg0, %add3A_189, %dma_wait3A_271] : memref<2x10240x128xf32, #tpu.memory_space<hbm>> -> memref<1x80x128xf32, #tpu.memory_space<hbm>>
    %dma_wait3A_273 = tpu.memref_squeeze %dma_wait3A_272 : memref<1x80x128xf32, #tpu.memory_space<hbm>> -> memref<80x128xf32, #tpu.memory_space<hbm>>
    %dma_wait3A_274 = arith.constant 0 : i32
    %dma_wait3A_275 = tpu.memref_slice %arg7[%arg0, %add3A_189, %dma_wait3A_274] : memref<2x10240x128xf32, #tpu.memory_space<hbm>> -> memref<1x80x128xf32, #tpu.memory_space<hbm>>
    %dma_wait3A_276 = tpu.memref_squeeze %dma_wait3A_275 : memref<1x80x128xf32, #tpu.memory_space<hbm>> -> memref<80x128xf32, #tpu.memory_space<hbm>>
    %dma_wait3A_277 = arith.constant 0 : i32
    %dma_wait3A_278 = arith.constant 0 : i32
    %dma_wait3A_279 = tpu.memref_slice %arg11[%dma_wait3A_266, %dma_wait3A_277, %dma_wait3A_278] : memref<4x80x128xf32, #tpu.memory_space<vmem>> -> memref<1x80x128xf32, #tpu.memory_space<vmem>>
    %dma_wait3A_280 = tpu.memref_squeeze %dma_wait3A_279 : memref<1x80x128xf32, #tpu.memory_space<vmem>> -> memref<80x128xf32, #tpu.memory_space<vmem>>
    tpu.wait_dma2 semaphore(%arg13 : memref<!tpu.dma_semaphore, #tpu.memory_space<semaphore_mem>>) src(%dma_wait3A_280 : memref<80x128xf32, #tpu.memory_space<vmem>>) dst(%dma_wait3A_276 : memref<80x128xf32, #tpu.memory_space<hbm>>)
    %dma_wait3A_281 = arith.constant 1 : i32
    %dma_wait3A_282 = arith.constant 0 : i32
    %dma_wait3A_283 = arith.constant 0 : i32
    %dma_wait3A_284 = tpu.memref_slice %arg11[%dma_wait3A_281, %dma_wait3A_282, %dma_wait3A_283] : memref<4x80x128xf32, #tpu.memory_space<vmem>> -> memref<1x80x128xf32, #tpu.memory_space<vmem>>
    %dma_wait3A_285 = tpu.memref_squeeze %dma_wait3A_284 : memref<1x80x128xf32, #tpu.memory_space<vmem>> -> memref<80x128xf32, #tpu.memory_space<vmem>>
    %dma_wait3A_286 = arith.constant 0 : i32
    %dma_wait3A_287 = tpu.memref_slice %arg7[%arg0, %add3A_209, %dma_wait3A_286] : memref<2x10240x128xf32, #tpu.memory_space<hbm>> -> memref<1x80x128xf32, #tpu.memory_space<hbm>>
    %dma_wait3A_288 = tpu.memref_squeeze %dma_wait3A_287 : memref<1x80x128xf32, #tpu.memory_space<hbm>> -> memref<80x128xf32, #tpu.memory_space<hbm>>
    %dma_wait3A_289 = arith.constant 0 : i32
    %dma_wait3A_290 = tpu.memref_slice %arg7[%arg0, %add3A_209, %dma_wait3A_289] : memref<2x10240x128xf32, #tpu.memory_space<hbm>> -> memref<1x80x128xf32, #tpu.memory_space<hbm>>
    %dma_wait3A_291 = tpu.memref_squeeze %dma_wait3A_290 : memref<1x80x128xf32, #tpu.memory_space<hbm>> -> memref<80x128xf32, #tpu.memory_space<hbm>>
    %dma_wait3A_292 = arith.constant 0 : i32
    %dma_wait3A_293 = arith.constant 0 : i32
    %dma_wait3A_294 = tpu.memref_slice %arg11[%dma_wait3A_281, %dma_wait3A_292, %dma_wait3A_293] : memref<4x80x128xf32, #tpu.memory_space<vmem>> -> memref<1x80x128xf32, #tpu.memory_space<vmem>>
    %dma_wait3A_295 = tpu.memref_squeeze %dma_wait3A_294 : memref<1x80x128xf32, #tpu.memory_space<vmem>> -> memref<80x128xf32, #tpu.memory_space<vmem>>
    tpu.wait_dma2 semaphore(%arg13 : memref<!tpu.dma_semaphore, #tpu.memory_space<semaphore_mem>>) src(%dma_wait3A_295 : memref<80x128xf32, #tpu.memory_space<vmem>>) dst(%dma_wait3A_291 : memref<80x128xf32, #tpu.memory_space<hbm>>)
    %dma_wait3A_296 = arith.constant 2 : i32
    %dma_wait3A_297 = arith.constant 0 : i32
    %dma_wait3A_298 = arith.constant 0 : i32
    %dma_wait3A_299 = tpu.memref_slice %arg11[%dma_wait3A_296, %dma_wait3A_297, %dma_wait3A_298] : memref<4x80x128xf32, #tpu.memory_space<vmem>> -> memref<1x80x128xf32, #tpu.memory_space<vmem>>
    %dma_wait3A_300 = tpu.memref_squeeze %dma_wait3A_299 : memref<1x80x128xf32, #tpu.memory_space<vmem>> -> memref<80x128xf32, #tpu.memory_space<vmem>>
    %dma_wait3A_301 = arith.constant 0 : i32
    %dma_wait3A_302 = tpu.memref_slice %arg7[%arg0, %add3A_229, %dma_wait3A_301] : memref<2x10240x128xf32, #tpu.memory_space<hbm>> -> memref<1x80x128xf32, #tpu.memory_space<hbm>>
    %dma_wait3A_303 = tpu.memref_squeeze %dma_wait3A_302 : memref<1x80x128xf32, #tpu.memory_space<hbm>> -> memref<80x128xf32, #tpu.memory_space<hbm>>
    %dma_wait3A_304 = arith.constant 0 : i32
    %dma_wait3A_305 = tpu.memref_slice %arg7[%arg0, %add3A_229, %dma_wait3A_304] : memref<2x10240x128xf32, #tpu.memory_space<hbm>> -> memref<1x80x128xf32, #tpu.memory_space<hbm>>
    %dma_wait3A_306 = tpu.memref_squeeze %dma_wait3A_305 : memref<1x80x128xf32, #tpu.memory_space<hbm>> -> memref<80x128xf32, #tpu.memory_space<hbm>>
    %dma_wait3A_307 = arith.constant 0 : i32
    %dma_wait3A_308 = arith.constant 0 : i32
    %dma_wait3A_309 = tpu.memref_slice %arg11[%dma_wait3A_296, %dma_wait3A_307, %dma_wait3A_308] : memref<4x80x128xf32, #tpu.memory_space<vmem>> -> memref<1x80x128xf32, #tpu.memory_space<vmem>>
    %dma_wait3A_310 = tpu.memref_squeeze %dma_wait3A_309 : memref<1x80x128xf32, #tpu.memory_space<vmem>> -> memref<80x128xf32, #tpu.memory_space<vmem>>
    tpu.wait_dma2 semaphore(%arg13 : memref<!tpu.dma_semaphore, #tpu.memory_space<semaphore_mem>>) src(%dma_wait3A_310 : memref<80x128xf32, #tpu.memory_space<vmem>>) dst(%dma_wait3A_306 : memref<80x128xf32, #tpu.memory_space<hbm>>)
    %dma_wait3A_311 = arith.constant 3 : i32
    %dma_wait3A_312 = arith.constant 0 : i32
    %dma_wait3A_313 = arith.constant 0 : i32
    %dma_wait3A_314 = tpu.memref_slice %arg11[%dma_wait3A_311, %dma_wait3A_312, %dma_wait3A_313] : memref<4x80x128xf32, #tpu.memory_space<vmem>> -> memref<1x80x128xf32, #tpu.memory_space<vmem>>
    %dma_wait3A_315 = tpu.memref_squeeze %dma_wait3A_314 : memref<1x80x128xf32, #tpu.memory_space<vmem>> -> memref<80x128xf32, #tpu.memory_space<vmem>>
    %dma_wait3A_316 = arith.constant 0 : i32
    %dma_wait3A_317 = tpu.memref_slice %arg7[%arg0, %add3A_249, %dma_wait3A_316] : memref<2x10240x128xf32, #tpu.memory_space<hbm>> -> memref<1x80x128xf32, #tpu.memory_space<hbm>>
    %dma_wait3A_318 = tpu.memref_squeeze %dma_wait3A_317 : memref<1x80x128xf32, #tpu.memory_space<hbm>> -> memref<80x128xf32, #tpu.memory_space<hbm>>
    %dma_wait3A_319 = arith.constant 0 : i32
    %dma_wait3A_320 = tpu.memref_slice %arg7[%arg0, %add3A_249, %dma_wait3A_319] : memref<2x10240x128xf32, #tpu.memory_space<hbm>> -> memref<1x80x128xf32, #tpu.memory_space<hbm>>
    %dma_wait3A_321 = tpu.memref_squeeze %dma_wait3A_320 : memref<1x80x128xf32, #tpu.memory_space<hbm>> -> memref<80x128xf32, #tpu.memory_space<hbm>>
    %dma_wait3A_322 = arith.constant 0 : i32
    %dma_wait3A_323 = arith.constant 0 : i32
    %dma_wait3A_324 = tpu.memref_slice %arg11[%dma_wait3A_311, %dma_wait3A_322, %dma_wait3A_323] : memref<4x80x128xf32, #tpu.memory_space<vmem>> -> memref<1x80x128xf32, #tpu.memory_space<vmem>>
    %dma_wait3A_325 = tpu.memref_squeeze %dma_wait3A_324 : memref<1x80x128xf32, #tpu.memory_space<vmem>> -> memref<80x128xf32, #tpu.memory_space<vmem>>
    tpu.wait_dma2 semaphore(%arg13 : memref<!tpu.dma_semaphore, #tpu.memory_space<semaphore_mem>>) src(%dma_wait3A_325 : memref<80x128xf32, #tpu.memory_space<vmem>>) dst(%dma_wait3A_321 : memref<80x128xf32, #tpu.memory_space<hbm>>)
    return
  }
}

module attributes {stable_mosaic.version = 14 : i64} {
  func.func @_tc_combine_body(%arg0: i32, %arg1: memref<2x1024x128xf32, #tpu.memory_space<vmem>>, %arg2: memref<32x1024xf32, #tpu.memory_space<vmem>>, %arg3: memref<128x128xf32, #tpu.memory_space<vmem>>, %arg4: memref<1x128xf32, #tpu.memory_space<vmem>>, %arg5: memref<1024x128xf32, #tpu.memory_space<vmem>>) attributes {dimension_semantics = [#tpu.dimension_semantics<arbitrary>], iteration_bounds = array<i64: 10>, scalar_prefetch = 0 : i64, scratch_operands = 0 : i64, tpu.core_type = #tpu.core_type<tc>, window_params = [{transform_indices = @transform_0, window_bounds = array<i64: 2, 1024, 128>}, {transform_indices = @transform_1, window_bounds = array<i64: 32, 1024>}, {pipeline_mode = #tpu.pipeline_mode<synchronous>, transform_indices = @transform_2, window_bounds = array<i64: 128, 128>}, {pipeline_mode = #tpu.pipeline_mode<synchronous>, transform_indices = @transform_3, window_bounds = array<i64: 1, 128>}, {transform_indices = @transform_4, window_bounds = array<i64: 1024, 128>}]} {
    %get3A = arith.constant 0 : index
    %get3A_0 = arith.constant 0 : index
    %get3A_1 = arith.constant 0 : index
    %get3A_2 = vector.load %arg1[%get3A, %get3A_0, %get3A_1] : memref<2x1024x128xf32, #tpu.memory_space<vmem>>, vector<1x1024x128xf32>
    %get3A_3 = vector.shape_cast %get3A_2 : vector<1x1024x128xf32> to vector<1024x128xf32>
    %get3A_4 = arith.constant 1 : index
    %get3A_5 = arith.constant 0 : index
    %get3A_6 = arith.constant 0 : index
    %get3A_7 = vector.load %arg1[%get3A_4, %get3A_5, %get3A_6] : memref<2x1024x128xf32, #tpu.memory_space<vmem>>, vector<1x1024x128xf32>
    %get3A_8 = vector.shape_cast %get3A_7 : vector<1x1024x128xf32> to vector<1024x128xf32>
    %add3A = arith.addf %get3A_3, %get3A_8 : vector<1024x128xf32>
    %get3A_9 = arith.constant 0 : index
    %get3A_10 = arith.constant 0 : index
    %get3A_11 = vector.load %arg2[%get3A_9, %get3A_10] : memref<32x1024xf32, #tpu.memory_space<vmem>>, vector<32x1024xf32>
    %reduce_sum3A = arith.constant dense<0.000000e+00> : vector<1024xf32>
    %reduce_sum3A_12 = vector.multi_reduction <add>, %get3A_11, %reduce_sum3A [0] : vector<32x1024xf32> to vector<1024xf32>
    %broadcast_in_dim3A = vector.shape_cast %reduce_sum3A_12 : vector<1024xf32> to vector<1024x1xf32>
    %get3A_13 = arith.constant 0 : index
    %get3A_14 = arith.constant 0 : index
    %get3A_15 = vector.load %arg3[%get3A_13, %get3A_14] : memref<128x128xf32, #tpu.memory_space<vmem>>, vector<128x128xf32>
    %dot_general3A = arith.constant dense<0.000000e+00> : vector<1024x128xf32>
    %dot_general3A_16 = tpu.matmul %add3A, %get3A_15, %dot_general3A {dimension_numbers = #tpu.dot_dimension_numbers<[1], [0], [0], [1], [0, 0, 1, 1], [], []>, transpose_lhs_hint = false} : vector<1024x128xf32>, vector<128x128xf32>, vector<1024x128xf32> -> vector<1024x128xf32>
    %get3A_17 = arith.constant 0 : index
    %get3A_18 = arith.constant 0 : index
    %get3A_19 = vector.load %arg4[%get3A_17, %get3A_18] : memref<1x128xf32, #tpu.memory_space<vmem>>, vector<1x128xf32>
    %mul3A = vector.broadcast %broadcast_in_dim3A : vector<1024x1xf32> to vector<1024x128xf32>
    %mul3A_20 = vector.broadcast %get3A_19 : vector<1x128xf32> to vector<1024x128xf32>
    %mul3A_21 = arith.mulf %mul3A, %mul3A_20 : vector<1024x128xf32>
    %add3A_22 = arith.addf %dot_general3A_16, %mul3A_21 : vector<1024x128xf32>
    %swap3A = arith.constant 0 : index
    %swap3A_23 = arith.constant 0 : index
    %swap3A_24 = vector.load %arg5[%swap3A, %swap3A_23] : memref<1024x128xf32, #tpu.memory_space<vmem>>, vector<1024x128xf32>
    tpu.vector_store %arg5[%swap3A, %swap3A_23], %add3A_22 {strides = array<i32>} : memref<1024x128xf32, #tpu.memory_space<vmem>>, vector<1024x128xf32>,
    return
  }
  func.func @transform_0(%arg0: i32) -> (i32, i32, i32) {
    %c0_i32 = arith.constant 0 : i32
    %c0_i32_0 = arith.constant 0 : i32
    %c0_i32_1 = arith.constant 0 : i32
    return %c0_i32, %arg0, %c0_i32_0 : i32, i32, i32
  }
  func.func @transform_1(%arg0: i32) -> (i32, i32) {
    %c0_i32 = arith.constant 0 : i32
    %c0_i32_0 = arith.constant 0 : i32
    return %c0_i32, %arg0 : i32, i32
  }
  func.func @transform_2(%arg0: i32) -> (i32, i32) {
    %c0_i32 = arith.constant 0 : i32
    %c0_i32_0 = arith.constant 0 : i32
    %c0_i32_1 = arith.constant 0 : i32
    return %c0_i32, %c0_i32_0 : i32, i32
  }
  func.func @transform_3(%arg0: i32) -> (i32, i32) {
    %c0_i32 = arith.constant 0 : i32
    %c0_i32_0 = arith.constant 0 : i32
    %c0_i32_1 = arith.constant 0 : i32
    return %c0_i32, %c0_i32_0 : i32, i32
  }
  func.func @transform_4(%arg0: i32) -> (i32, i32) {
    %c0_i32 = arith.constant 0 : i32
    %c0_i32_0 = arith.constant 0 : i32
    return %arg0, %c0_i32 : i32, i32
  }
}

module attributes {stable_mosaic.version = 14 : i64} {
  func.func @_tc_mlp_body(%arg0: i32, %arg1: memref<1000x128xf32, #tpu.memory_space<vmem>>, %arg2: memref<1000x128xf32, #tpu.memory_space<vmem>>, %arg3: memref<1000x128xf32, #tpu.memory_space<vmem>>, %arg4: memref<1000x128xf32, #tpu.memory_space<vmem>>, %arg5: memref<128x128xf32, #tpu.memory_space<vmem>>, %arg6: memref<128x128xf32, #tpu.memory_space<vmem>>, %arg7: memref<1x128xf32, #tpu.memory_space<vmem>>, %arg8: memref<128x128xf32, #tpu.memory_space<vmem>>, %arg9: memref<1x128xf32, #tpu.memory_space<vmem>>, %arg10: memref<1000x128xf32, #tpu.memory_space<vmem>>) attributes {dimension_semantics = [#tpu.dimension_semantics<arbitrary>], iteration_bounds = array<i64: 10>, scalar_prefetch = 0 : i64, scratch_operands = 0 : i64, tpu.core_type = #tpu.core_type<tc>, window_params = [{transform_indices = @transform_0, window_bounds = array<i64: 1000, 128>}, {transform_indices = @transform_1, window_bounds = array<i64: 1000, 128>}, {transform_indices = @transform_2, window_bounds = array<i64: 1000, 128>}, {transform_indices = @transform_3, window_bounds = array<i64: 1000, 128>}, {pipeline_mode = #tpu.pipeline_mode<synchronous>, transform_indices = @transform_4, window_bounds = array<i64: 128, 128>}, {pipeline_mode = #tpu.pipeline_mode<synchronous>, transform_indices = @transform_5, window_bounds = array<i64: 128, 128>}, {pipeline_mode = #tpu.pipeline_mode<synchronous>, transform_indices = @transform_6, window_bounds = array<i64: 1, 128>}, {pipeline_mode = #tpu.pipeline_mode<synchronous>, transform_indices = @transform_7, window_bounds = array<i64: 128, 128>}, {pipeline_mode = #tpu.pipeline_mode<synchronous>, transform_indices = @transform_8, window_bounds = array<i64: 1, 128>}, {transform_indices = @transform_9, window_bounds = array<i64: 1000, 128>}]} {
    %get3A = arith.constant 0 : index
    %get3A_0 = arith.constant 0 : index
    %get3A_1 = vector.load %arg1[%get3A, %get3A_0] : memref<1000x128xf32, #tpu.memory_space<vmem>>, vector<1000x128xf32>
    %get3A_2 = arith.constant 0 : index
    %get3A_3 = arith.constant 0 : index
    %get3A_4 = vector.load %arg3[%get3A_2, %get3A_3] : memref<1000x128xf32, #tpu.memory_space<vmem>>, vector<1000x128xf32>
    %add3A = arith.addf %get3A_1, %get3A_4 : vector<1000x128xf32>
    %get3A_5 = arith.constant 0 : index
    %get3A_6 = arith.constant 0 : index
    %get3A_7 = vector.load %arg2[%get3A_5, %get3A_6] : memref<1000x128xf32, #tpu.memory_space<vmem>>, vector<1000x128xf32>
    %get3A_8 = arith.constant 0 : index
    %get3A_9 = arith.constant 0 : index
    %get3A_10 = vector.load %arg4[%get3A_8, %get3A_9] : memref<1000x128xf32, #tpu.memory_space<vmem>>, vector<1000x128xf32>
    %add3A_11 = arith.addf %get3A_7, %get3A_10 : vector<1000x128xf32>
    %get3A_12 = arith.constant 0 : index
    %get3A_13 = arith.constant 0 : index
    %get3A_14 = vector.load %arg5[%get3A_12, %get3A_13] : memref<128x128xf32, #tpu.memory_space<vmem>>, vector<128x128xf32>
    %dot_general3A = arith.constant dense<0.000000e+00> : vector<1000x128xf32>
    %dot_general3A_15 = tpu.matmul %add3A, %get3A_14, %dot_general3A {dimension_numbers = #tpu.dot_dimension_numbers<[1], [0], [0], [1], [0, 0, 1, 1], [], []>, transpose_lhs_hint = false} : vector<1000x128xf32>, vector<128x128xf32>, vector<1000x128xf32> -> vector<1000x128xf32>
    %get3A_16 = arith.constant 0 : index
    %get3A_17 = arith.constant 0 : index
    %get3A_18 = vector.load %arg6[%get3A_16, %get3A_17] : memref<128x128xf32, #tpu.memory_space<vmem>>, vector<128x128xf32>
    %dot_general3A_19 = arith.constant dense<0.000000e+00> : vector<1000x128xf32>
    %dot_general3A_20 = tpu.matmul %add3A_11, %get3A_18, %dot_general3A_19 {dimension_numbers = #tpu.dot_dimension_numbers<[1], [0], [0], [1], [0, 0, 1, 1], [], []>, transpose_lhs_hint = false} : vector<1000x128xf32>, vector<128x128xf32>, vector<1000x128xf32> -> vector<1000x128xf32>
    %add3A_21 = arith.addf %dot_general3A_15, %dot_general3A_20 : vector<1000x128xf32>
    %get3A_22 = arith.constant 0 : index
    %get3A_23 = arith.constant 0 : index
    %get3A_24 = vector.load %arg7[%get3A_22, %get3A_23] : memref<1x128xf32, #tpu.memory_space<vmem>>, vector<1x128xf32>
    %add3A_25 = vector.broadcast %get3A_24 : vector<1x128xf32> to vector<1000x128xf32>
    %add3A_26 = arith.addf %add3A_21, %add3A_25 : vector<1000x128xf32>
    %max3A = arith.constant 0.000000e+00 : f32
    %max3A_27 = vector.broadcast %max3A : f32 to vector<1000x128xf32>
    %max3A_28 = arith.maximumf %add3A_26, %max3A_27 : vector<1000x128xf32>
    %get3A_29 = arith.constant 0 : index
    %get3A_30 = arith.constant 0 : index
    %get3A_31 = vector.load %arg8[%get3A_29, %get3A_30] : memref<128x128xf32, #tpu.memory_space<vmem>>, vector<128x128xf32>
    %dot_general3A_32 = arith.constant dense<0.000000e+00> : vector<1000x128xf32>
    %dot_general3A_33 = tpu.matmul %max3A_28, %get3A_31, %dot_general3A_32 {dimension_numbers = #tpu.dot_dimension_numbers<[1], [0], [0], [1], [0, 0, 1, 1], [], []>, transpose_lhs_hint = false} : vector<1000x128xf32>, vector<128x128xf32>, vector<1000x128xf32> -> vector<1000x128xf32>
    %get3A_34 = arith.constant 0 : index
    %get3A_35 = arith.constant 0 : index
    %get3A_36 = vector.load %arg9[%get3A_34, %get3A_35] : memref<1x128xf32, #tpu.memory_space<vmem>>, vector<1x128xf32>
    %add3A_37 = vector.broadcast %get3A_36 : vector<1x128xf32> to vector<1000x128xf32>
    %add3A_38 = arith.addf %dot_general3A_33, %add3A_37 : vector<1000x128xf32>
    %swap3A = arith.constant 0 : index
    %swap3A_39 = arith.constant 0 : index
    %swap3A_40 = vector.load %arg10[%swap3A, %swap3A_39] : memref<1000x128xf32, #tpu.memory_space<vmem>>, vector<1000x128xf32>
    tpu.vector_store %arg10[%swap3A, %swap3A_39], %add3A_38 {strides = array<i32>} : memref<1000x128xf32, #tpu.memory_space<vmem>>, vector<1000x128xf32>,
    return
  }
  func.func @transform_0(%arg0: i32) -> (i32, i32) {
    %c0_i32 = arith.constant 0 : i32
    %c0_i32_0 = arith.constant 0 : i32
    return %arg0, %c0_i32 : i32, i32
  }
  func.func @transform_1(%arg0: i32) -> (i32, i32) {
    %c0_i32 = arith.constant 0 : i32
    %c0_i32_0 = arith.constant 0 : i32
    return %arg0, %c0_i32 : i32, i32
  }
  func.func @transform_2(%arg0: i32) -> (i32, i32) {
    %c0_i32 = arith.constant 0 : i32
    %c0_i32_0 = arith.constant 0 : i32
    return %arg0, %c0_i32 : i32, i32
  }
  func.func @transform_3(%arg0: i32) -> (i32, i32) {
    %c0_i32 = arith.constant 0 : i32
    %c0_i32_0 = arith.constant 0 : i32
    return %arg0, %c0_i32 : i32, i32
  }
  func.func @transform_4(%arg0: i32) -> (i32, i32) {
    %c0_i32 = arith.constant 0 : i32
    %c0_i32_0 = arith.constant 0 : i32
    %c0_i32_1 = arith.constant 0 : i32
    return %c0_i32, %c0_i32_0 : i32, i32
  }
  func.func @transform_5(%arg0: i32) -> (i32, i32) {
    %c0_i32 = arith.constant 0 : i32
    %c0_i32_0 = arith.constant 0 : i32
    %c0_i32_1 = arith.constant 0 : i32
    return %c0_i32, %c0_i32_0 : i32, i32
  }
  func.func @transform_6(%arg0: i32) -> (i32, i32) {
    %c0_i32 = arith.constant 0 : i32
    %c0_i32_0 = arith.constant 0 : i32
    %c0_i32_1 = arith.constant 0 : i32
    return %c0_i32, %c0_i32_0 : i32, i32
  }
  func.func @transform_7(%arg0: i32) -> (i32, i32) {
    %c0_i32 = arith.constant 0 : i32
    %c0_i32_0 = arith.constant 0 : i32
    %c0_i32_1 = arith.constant 0 : i32
    return %c0_i32, %c0_i32_0 : i32, i32
  }
  func.func @transform_8(%arg0: i32) -> (i32, i32) {
    %c0_i32 = arith.constant 0 : i32
    %c0_i32_0 = arith.constant 0 : i32
    %c0_i32_1 = arith.constant 0 : i32
    return %c0_i32, %c0_i32_0 : i32, i32
  }
  func.func @transform_9(%arg0: i32) -> (i32, i32) {
    %c0_i32 = arith.constant 0 : i32
    %c0_i32_0 = arith.constant 0 : i32
    return %arg0, %c0_i32 : i32, i32
  }
}

</mosaic_0001>

<sc_bundles>
// kernel: kernel.6.cloned.1.call-start
scs
__scs_entry_jumppad:
0x0: {  	(pc) =	sbr.rel $0x88, $3  }
0x1: {  	(tag) =	ssettag $0x0;
	lr =	simm.s32 $0x1  }
0x2: {  	[smem:$0x3F98] =	sst lr;
	_ =	strace $0xD0000000  }
0x3: {  	_ = 	snop  }
0x4: {  	_ = 	snop  }
0x5: {  	_ = 	snop  }
0x6: {  	_ = 	snop  }
0x7: {  	_ = 	snop  }
__scs_overlays_trampoline_lowered:
0x8: {  	[smem:$0x3FA7] =	sst s0  }
0x9: {  	[smem:$0x3FA8] =	sst s1  }
0xa: {  	[smem:$0x3FA9] =	sst s2  }
0xb: {  	[smem:$0x3FAA] =	sst s3  }
0xc: {  	[smem:$0x3FAB] =	sst s4  }
0xd: {  	[smem:$0x3FAC] =	sst s5  }
0xe: {  	[smem:$0x3FAD] =	sst s6  }
0xf: {  	[smem:$0x3FAE] =	sst s7  }
0x10: {  	[smem:$0x3FAF] =	sst s8  }
0x11: {  	[smem:$0x3FB0] =	sst s9;
	s0 =	simm.s32 @!p0 $0x0  }
0x12: {  	s1 =	sld [smem:$0x3F96];
	s0 =	simm.s32 @p0 $0x1  }
0x13: {  	[smem:$0x3FB1] =	sst s0;
	s0 =	simm.s32 @!p1 $0x0  }
0x14: {  	s2 =	sld [smem:$0x3F95];
	s0 =	simm.s32 @p1 $0x1  }
0x15: {  	[smem:$0x3FB2] =	sst s0;
	s0 =	simm.s32 @!p2 $0x0  }
0x16: {  	s3 =	sld [smem:$0x3FDB];
	s0 =	simm.s32 @p2 $0x1  }
0x17: {  	s4 =	simm.s32 $0x1BF5;
	[smem:$0x3FB4] =	sst s0  }
0x18: {  	s0 =	sld [smem:$0x3F97];
	_ =	swait.ge [sflag:s4], $0x0  }
0x19: {  	s7 =	sld [smem:$0x3F98]  }
0x1a: {  	s8 =	sadd.s32 $0xFFFFE003, lr  }
0x1b: {  	s9 =	sadd.s32 $0xFFFFFEF7, lr;
	s5 =	simm.s32 $0xFFFFFFFF;
	p2 =	slt.u32 s8, $0xFFFFF086  }
0x1c: {  	p1 =	slt.u32 s9, $0xF7A;
	s5 =	simm.s32 @!p2 $0x0  }
0x1d: {  	s5 =	simm.s32 @p1 $0x1;
	p0 =	seq.s32 s7, s2  }
0x1e: {  	s7 =	smul.u32 @!p0 $0xF7A, s2;
	p2 =	seq.s32 @!p0 s5, $0x0  }
0x1f: {  	s9 =	smul.u32 $0xF7A, s1;
	s8 =	simm.s32 @!p0 $0x1BF5;
	p2 =	por !p2, p0  }
0x20: {  	[sflag:s8] =	ssyncset.s32 @!p0 $0xFFFFF086;
	s6 =	sadd.s32 @!p0 s3, s7;
	s7 =	simm.s32 @!p0 $0x108  }
0x21: {  	s3 =	sadd.s32 s3, s9;
	s6 =	sadd.s32 @!p0 $0x88, s6;
	s7 =	simm.s32 @p2 $0x1082  }
0x22: {  	[simem:s7], [sflag:s8] =	dma.local @!p0 [hbm:s6], $0xF7A  }
0x23: {  	s9 =	sor.u32 $0xD0000000, s2;
	s6 =	simm.s32 $0x108;
	_ =	swait.ge @!p0 [sflag:s8], $0x0  }
0x24: {  	s3 =	sadd.s32 $0x88, s3;
	s6 =	simm.s32 @!p1 $0x1082;
	[sflag:s4] =	ssyncset.s32 $0xFFFFF086  }
0x25: {  	[simem:s6], [sflag:s4] =	dma.local [hbm:s3], $0xF7A  }
0x26: {  	[smem:$0x3F98] =	sst s1;
	(tag) =	ssettag s2;
	_ =	strace s9  }
0x27: {  	s1 =	sld [smem:$0x3FA8]  }
0x28: {  	s2 =	sld [smem:$0x3FA9]  }
0x29: {  	s4 =	sld [smem:$0x3FAB]  }
0x2a: {  	p0 =	seq.s32 s5, $0x0;
	s5 =	sld [smem:$0x3FAC]  }
0x2b: {  	s6 =	sld [smem:$0x3FAD]  }
0x2c: {  	s7 =	sld [smem:$0x3FAE]  }
0x2d: {  	s3 =	simm.s32 $0x108;
	s8 =	sld [smem:$0x3FAF]  }
0x2e: {  	s3 =	simm.s32 @!p0 $0x1082;
	s9 =	sld [smem:$0x3FB0]  }
0x2f: {  	lr =	sadd.s32 s0, s3;
	s0 =	sld [smem:$0x3FA7]  }
0x30: {  	s3 =	sld [smem:$0x3FAA]  }
0x31: {  	[smem:$0x3FB3] =	sst s10  }
0x32: {  	s10 =	sld [smem:$0x3FB1];
	_ =	sdelay $0x3  }
0x33: {  	p0 =	seq.s32 s10, $0x1;
	s10 =	sld [smem:$0x3FB3];
	_ =	sdelay $0x3  }
0x34: {  	[smem:$0x3FB3] =	sst s10  }
0x35: {  	s10 =	sld [smem:$0x3FB2];
	_ =	sdelay $0x3  }
0x36: {  	p1 =	seq.s32 s10, $0x1;
	s10 =	sld [smem:$0x3FB3];
	_ =	sdelay $0x3  }
0x37: {  	[smem:$0x3FB3] =	sst s10  }
0x38: {  	s10 =	sld [smem:$0x3FB4]  }
0x39: {  	_ = 	snop;
	(pc) =	sbr.ind lr, $3  }
0x3a: {  	_ = 	snop  }
0x3b: {  	_ = 	snop  }
0x3c: {  	p2 =	seq.s32 s10, $0x1;
	s10 =	sld [smem:$0x3FB3]  }
0x3d: {  	_ =	shalt  }
0x3e: {  	_ =	shalt  }
0x3f: {  	_ =	shalt  }
0x40: {  	_ =	shalt  }
0x41: {  	_ =	shalt  }
0x42: {  	_ =	shalt  }
0x43: {  	_ =	shalt  }
0x44: {  	_ =	shalt  }
0x45: {  	_ =	shalt  }
0x46: {  	_ =	shalt  }
0x47: {  	_ =	shalt  }
0x48: {  	_ =	shalt  }
0x49: {  	_ =	shalt  }
0x4a: {  	_ =	shalt  }
0x4b: {  	_ =	shalt  }
0x4c: {  	_ =	shalt  }
0x4d: {  	_ =	shalt  }
0x4e: {  	_ =	shalt  }
0x4f: {  	_ =	shalt  }
0x50: {  	_ =	shalt  }
0x51: {  	_ =	shalt  }
0x52: {  	_ =	shalt  }
0x53: {  	_ =	shalt  }
0x54: {  	_ =	shalt  }
0x55: {  	_ =	shalt  }
0x56: {  	_ =	shalt  }
0x57: {  	_ =	shalt  }
0x58: {  	_ =	shalt  }
0x59: {  	_ =	shalt  }
0x5a: {  	_ =	shalt  }
0x5b: {  	_ =	shalt  }
0x5c: {  	_ =	shalt  }
0x5d: {  	_ =	shalt  }
0x5e: {  	_ =	shalt  }
0x5f: {  	_ =	shalt  }
0x60: {  	_ =	shalt  }
0x61: {  	_ =	shalt  }
0x62: {  	_ =	shalt  }
0x63: {  	_ =	shalt  }
0x64: {  	_ =	shalt  }
0x65: {  	_ =	shalt  }
0x66: {  	_ =	shalt  }
0x67: {  	_ =	shalt  }
0x68: {  	_ =	shalt  }
0x69: {  	_ =	shalt  }
0x6a: {  	_ =	shalt  }
0x6b: {  	_ =	shalt  }
0x6c: {  	_ =	shalt  }
0x6d: {  	_ =	shalt  }
0x6e: {  	_ =	shalt  }
0x6f: {  	_ =	shalt  }
0x70: {  	_ =	shalt  }
0x71: {  	_ =	shalt  }
0x72: {  	_ =	shalt  }
0x73: {  	_ =	shalt  }
0x74: {  	_ =	shalt  }
0x75: {  	_ =	shalt  }
0x76: {  	_ =	shalt  }
0x77: {  	_ =	shalt  }
0x78: {  	_ =	shalt  }
0x79: {  	_ =	shalt  }
0x7a: {  	_ =	shalt  }
0x7b: {  	_ =	shalt  }
0x7c: {  	_ =	shalt  }
0x7d: {  	_ =	shalt  }
0x7e: {  	_ =	shalt  }
0x7f: {  	_ =	shalt  }
0x80: {  	_ =	shalt  }
0x81: {  	_ =	shalt  }
0x82: {  	_ =	shalt  }
0x83: {  	_ =	shalt  }
0x84: {  	_ =	shalt  }
0x85: {  	_ =	shalt  }
0x86: {  	_ =	shalt  }
0x87: {  	_ =	shalt  }
.Lfunc_end0:
.L_simem_size_0:
called_computation_lowered:
.L_overlay_start_0:
0x88: {  	s2 =	sld [smem:$0x3FD9]  }
0x89: {  	s3 =	sld [smem:$0x3FFE];
	_ =	sdelay $0x1  }
0x8a: {  	s1 =	srdreg.scid  }
0x8b: {  	s0 =	sand.u32 $0x1, s1  }
0x8c: {  	s17 =	sshll.u32 s0, $0xA;
	s2 =	sadd.s32 s3, s2  }
0x8d: {  	s2 =	sadd.s32 s2, s17  }
0x8e: {  	[smem:$0x3FBF] =	sst s2  }
0x8f: {  	_ = 	snop  }
0x90: {  	s2 =	sld [smem:$0x3FC7]  }
0x91: {  	s18 =	sld [smem:$0x3FD0];
	(tm) =	ssettm $0x1  }
0x92: {  	s4 =	sld [smem:$0x3FFB];
	_ =	sdelay $0x3  }
0x93: {  	_ =	strace s4  }
0x94: {  	s4 =	sld [smem:$0x3FFC];
	_ =	sdelay $0x3  }
0x95: {  	_ =	strace s4  }
0x96: {  	s4 =	sld [smem:$0x3FFD];
	_ =	sdelay $0x3  }
0x97: {  	_ =	strace s4  }
0x98: {  	_ =	strace $0x8FFFFFFF  }
0x99: {  	s19 =	sld [smem:$0x3FDB];
	_ =	sdelay $0x1  }
0x9a: {  	s5 =	simm.s32 $_scs_section_size  }
0x9b: {  	s6 =	simm.s32 $_size__tile_overlayer_lowered;
	s7 =	simm.s32 $_tile_overlayer_lowered  }
0x9c: {  	s22 =	simm.s32 $0x1BFF;
	s21 =	sshll.u32 s7, $0x1;
	s4 =	sadd.s32 s5, s19  }
0x9d: {  	s8 =	simm.s32 $0x0;
	s20 =	sshll.u32 s6, $0x1;
	s6 =	sadd.s32 s21, s4  }
0x9e: {  	[timem:s8], [sflag:s22] =	dma.local [hbm:s6], s20  }
0x9f: {  	_ =	swait.ge [sflag:s22], s20  }
0xa0: {  	s5 =	ssub.s32 $0x0, s20;
	[sflag:s22] =	ssyncset.done $0x0  }
0xa1: {  	[sflag:s22] =	ssyncadd.s32 s5;
	_ =	sdelay $0x1  }
0xa2: {  	s23 =	simm.s32 $0x1B8B  }
0xa3: {  	_ =	swait.ge [sflag:s23], $0x1  }
0xa4: {  	[sflag:s23] =	ssyncset.done $0x0  }
0xa5: {  	s25 =	simm.s32 $0x1B8E;
	s24 =	sld [smem:$0x3FFE];
	[sflag:s23] =	ssyncadd.s32 $0xFFFFFFFF  }
0xa6: {  	s26 =	simm.s32 $execute0_lowered;
	[smem:$0x3FD2] =	sst s25  }
0xa7: {  	s6 =	sshll.u32 s26, $0x1;
	_ =	strace $0x80000046;
	[dreg:$0x1] =	wrdreg $0xFFFFFFFF  }
0xa8: {  	s28 =	simm.s32 $_size_execute0_lowered;
	s4 =	sadd.s32 s4, s6;
	[dreg:$0x0] =	wrdreg $0x0  }
0xa9: {  	s6 =	sshll.u32 s28, $0x1;
	[dreg:$0x2] =	wrdreg s4  }
0xaa: {  	[dreg:$0x3] =	wrdreg s6  }
0xab: {  	[dreg:$0x4] =	wrdreg $0xC0  }
0xac: {  	_ =	task [dreg:s8], $0x5FFFF  }
0xad: {  	[dreg:$0x1] =	wrdreg $0xFFFFFFFF  }
0xae: {  	[dreg:$0x0] =	wrdreg $0x60  }
0xaf: {  	[dreg:$0x2] =	wrdreg s2  }
0xb0: {  	[dreg:$0x3] =	wrdreg s18  }
0xb1: {  	[dreg:$0x4] =	wrdreg s24  }
0xb2: {  	[dreg:$0x5] =	wrdreg $0x0  }
0xb3: {  	[dreg:$0x6] =	wrdreg $0x9  }
0xb4: {  	_ =	task.clear_ibuf [dreg:s8], $0x7FFFF;
	_ =	strace $0x90000046  }
0xb5: {  	s29 =	simm.s32 $0x9;
	_ =	strace $0x80000048  }
0xb6: {  	_ =	swait.ge [sflag:s29], $0x1  }
0xb7: {  	[sflag:s29] =	ssyncadd.s32 $0xFFFFFFFF  }
0xb8: {  	_ =	strace $0x90000048  }
0xb9: {  	_ =	sfence  }
0xba: {  	s30 =	sld [smem:$0x0];
	_ =	sdelay $0x2  }
0xbb: {  	s31 =	sshll.u32 s1, $0xD;
	s1 =	sshrl.u32 s1, $0x2  }
0xbc: {  	s3 =	sand.u32 $0x4000, s31;
	s1 =	sadd.s32 s1, s30  }
0xbd: {  	s0 =	sor.u32 s3, s0;
	s1 =	sshll.u32 s1, $0x11  }
0xbe: {  	s0 =	sor.u32 s1, s0  }
0xbf: {  	s0 =	sadd.s32 $0x8F2B, s0  }
0xc0: {  	[sflag:s0] =	ssyncadd.remote.s32 $0x1  }
0xc1: {  	_ =	sfence.sel $0xFFFF  }
0xc2: {  	[dreg:$0x0] =	wrdreg $0xFFFFFFFF;
	(pc) =	sbr.abs _section_cstart, $3  }
0xc3: {  	[dreg:$0x1] =	wrdreg $0xFFFFFFFF  }
0xc4: {  	_ =	task.clear_ibuf [dreg:s8], $0x2FFFF;
	_ =	strace $0x9FFFFFFF  }
0xc5: {  	(tm) =	ssettm $0x7FFFFFFF  }
tec
execute0_lowered:
.L_overlay_start_1:
0x0: {  	(tag) =	ssettag $0x1  }
0x1: {  	s0 =	rddreg [dreg:$0x0]  }
0x2: {  	s2 =	rddreg [dreg:$0x1]  }
0x3: {  	s1 =	srdreg.scid;
	s6 =	rddreg [dreg:$0x2]  }
0x4: {  	s20 =	stileid.u32;
	s3 =	rddreg [dreg:$0x3];
	s4 =	simm.s32 $0x0  }
0x5: {  	s31 =	simm.s32 $0x15000;
	s5 =	sand.u32 $0x1, s1;
	[smem:$0x7FF] =	sst s4  }
0x6: {  	s8 =	sshll.u32 s20, $0x7;
	s11 =	smul.u32 $0x14000, s20;
	s12 =	sadd.s32 $0x3600, s6  }
0x7: {  	s1 =	sshll.u32 s5, $0x4;
	s9 =	ssub.s32 $0x2, s5;
	s13 =	smul.u32 $0x140000, s5  }
0x8: {  	s8 =	sand.u32 $0x380, s8;
	s5 =	smul.u32 $0x1388000, s5;
	s1 =	sor.u32 s20, s1  }
0x9: {  	s10 =	sshrl.u32 s9, $0x1;
	s14 =	sadd.s32 $0x7800, s11;
	s15 =	sadd.s32 $0xA000, s11  }
0xa: {  	s16 =	sadd.s32 $0xC800, s11;
	s17 =	sadd.s32 $0xF000, s11;
	s7 =	sshrl.u32 s1, $0x3  }
0xb: {  	s23 =	sadd.s32 $0x11800, s11;
	s21 =	sadd.s32 s13, s16;
	s7 =	smul.u32 $0x14000, s7  }
0xc: {  	s16 =	sadd.s32 s16, s3;
	s28 =	sadd.s32 s23, s3;
	s24 =	sshrl.u32 s21, $0x3  }
0xd: {  	s25 =	sadd.s32 s12, s24;
	s7 =	sor.u32 s8, s7;
	s8 =	ssub.s32 s9, s10  }
0xe: {  	s9 =	sor.u32 $0x2800, s11;
	s10 =	sadd.s32 $0x5000, s11;
	s11 =	sadd.s32 s11, s13  }
0xf: {  	s24 =	smul.u32 $0x5, s1;
	[dreg:$0xa] =	wrdreg s25;
	s11 =	sshrl.u32 s11, $0x3  }
0x10: {  	s18 =	sadd.s32 s13, s9;
	s19 =	sadd.s32 s13, s10;
	s7 =	sshrl.u32 s7, $0x3  }
0x11: {  	s25 =	sadd.s32 s10, s3;
	s10 =	simm.s32 $0x2;
	s11 =	sadd.s32 s12, s11  }
0x12: {  	s26 =	sshrl.u32 s18, $0x3;
	s29 =	sshrl.u32 s19, $0x3;
	s18 =	sadd.s32 s13, s14  }
0x13: {  	s19 =	sadd.s32 s13, s15;
	s7 =	sadd.s32 s7, s6;
	s15 =	sadd.s32 s15, s3  }
0x14: {  	[dreg:$0x5] =	wrdreg s11;
	s11 =	sadd.s32 s12, s26;
	s30 =	sadd.s32 s12, s29  }
0x15: {  	s22 =	sshrl.u32 s19, $0x3;
	s26 =	sadd.s32 s13, s17;
	s13 =	sadd.s32 s13, s23  }
0x16: {  	s19 =	sadd.s32 $0x2A00, s6;
	[dreg:$0x6] =	wrdreg s11;
	s11 =	sshrl.u32 s18, $0x3  }
0x17: {  	s6 =	sadd.s32 $0x3000, s6;
	[dreg:$0x7] =	wrdreg s30;
	s11 =	sadd.s32 s12, s11  }
0x18: {  	s17 =	sadd.s32 s17, s3;
	[dreg:$0x8] =	wrdreg s11;
	s11 =	sadd.s32 s12, s22  }
0x19: {  	s30 =	smul.u32 $0x138800, s20;
	[dreg:$0x9] =	wrdreg s11;
	s11 =	sshrl.u32 s26, $0x3  }
0x1a: {  	s29 =	sshrl.u32 s13, $0x3;
	s18 =	smul.u32 $0x50000, s20;
	s11 =	sadd.s32 s12, s11  }
0x1b: {  	s20 =	sadd.s32 $0x53600, s7;
	[dreg:$0xb] =	wrdreg s11;
	s11 =	sadd.s32 s12, s29  }
0x1c: {  	s7 =	simm.s32 $0x1A000;
	s13 =	simm.s32 $0x0;
	[dreg:$0xc] =	wrdreg s11  }
0x1d: {  	s5 =	sadd.s32 s30, s5;
	_ =	strace $0x80000047;
	[dreg:$0xd] =	wrdreg s19  }
0x1e: {  	s22 =	smax.u32 s8, $0x1;
	s21 =	sadd.s32 $0x5000, s5;
	[dreg:$0xe] =	wrdreg s6  }
0x1f: {  	s23 =	sadd.s32 $0x2800, s5;
	s1 =	sshrl.u32 s21, $0x3;
	[dreg:$0x13] =	wrdreg s20  }
0x20: {  	s5 =	sshrl.u32 s5, $0x3;
	s1 =	sadd.s32 s1, s0;
	[dreg:$0x14] =	wrdreg s22  }
0x21: {  	s8 =	simm.s32 $0x1;
	s30 =	sadd.s32 s5, s0;
	[dreg:$0x15] =	wrdreg s1  }
0x22: {  	s26 =	sadd.s32 s14, s3;
	s5 =	simm.s32 $0x14000;
	[dreg:$0x17] =	wrdreg s30  }
0x23: {  	s29 =	sshrl.u32 s23, $0x3;
	s11 =	sshrl.u32 s18, $0x2;
	[dreg:$0xf] =	wrdreg s15  }
0x24: {  	s12 =	simm.s32 $0x14C00;
	s18 =	sadd.s32 s11, s3;
	[dreg:$0x10] =	wrdreg s16  }
0x25: {  	s19 =	sadd.s32 s9, s3;
	s1 =	sadd.s32 s29, s0;
	[dreg:$0x11] =	wrdreg s17  }
0x26: {  	s11 =	simm.s32 $0x3;
	s6 =	simm.s32 $0x17800;
	[dreg:$0x12] =	wrdreg s28  }
0x27: {  	v0 =	vimm.f32 $1.000000000e+00;
	s9 =	simm.s32 $0x50;
	[dreg:$0x16] =	wrdreg s1;
	s1 =	simm.s32 $0x1C800  }
.LBB2_1:
0x28: {  	s14 =	rddreg [dreg:$0xd]  }
0x29: {  	[tilespmem:s31], [sflag:$0x3] =	stream.linear.gather [hbm4b:s14+s4], $0x2800, $0x38;
	[tilespmem:$0x1F000] =	vst v63  }
0x2a: {  	_ =	swait.ge [sflag:s11], $0x2800  }
0x2b: {  	[sflag:s11] =	ssyncset.done $0x0  }
0x2c: {  	[sflag:s11] =	ssyncadd.s32 $0xFFFFD800  }
0x2d: {  	[spmem:s18] =	stream.linear.scatter [tilespmem:s31], [sflag:$0x3], $0x2800, $0x38;
	[tilespmem:$0x1F000] =	vst v63  }
0x2e: {  	_ =	swait.ge [sflag:s11], $0x2800  }
0x2f: {  	[sflag:s11] =	ssyncset.done $0x0  }
0x30: {  	[sflag:s11] =	ssyncadd.s32 $0xFFFFD800  }
0x31: {  	[spmem:s19] =	stream.linear.scatter [tilespmem:s31], [sflag:$0x3], $0x2800, $0x38;
	[tilespmem:$0x1F000] =	vst v63  }
0x32: {  	_ =	swait.ge [sflag:s11], $0x2800  }
0x33: {  	[sflag:s11] =	ssyncset.done $0x0  }
0x34: {  	[sflag:s11] =	ssyncadd.s32 $0xFFFFD800  }
0x35: {  	[spmem:s25] =	stream.linear.scatter [tilespmem:s31], [sflag:$0x3], $0x2800, $0x38;
	[tilespmem:$0x1F000] =	vst v63  }
0x36: {  	_ =	swait.ge [sflag:s11], $0x2800  }
0x37: {  	[sflag:s11] =	ssyncset.done $0x0  }
0x38: {  	[sflag:s11] =	ssyncadd.s32 $0xFFFFD800  }
0x39: {  	[spmem:s26] =	stream.linear.scatter [tilespmem:s31], [sflag:$0x3], $0x2800, $0x38;
	[tilespmem:$0x1F000] =	vst v63  }
0x3a: {  	_ =	swait.ge [sflag:s11], $0x2800  }
0x3b: {  	[sflag:s11] =	ssyncset.done $0x0  }
0x3c: {  	[sflag:s11] =	ssyncadd.s32 $0xFFFFD800  }
0x3d: {  	[spmem:s15] =	stream.linear.scatter [tilespmem:s31], [sflag:$0x3], $0x2800, $0x38;
	[tilespmem:$0x1F000] =	vst v63  }
0x3e: {  	_ =	swait.ge [sflag:s11], $0x2800  }
0x3f: {  	[sflag:s11] =	ssyncset.done $0x0  }
0x40: {  	[sflag:s11] =	ssyncadd.s32 $0xFFFFD800  }
0x41: {  	[spmem:s16] =	stream.linear.scatter [tilespmem:s31], [sflag:$0x3], $0x2800, $0x38;
	[tilespmem:$0x1F000] =	vst v63  }
0x42: {  	_ =	swait.ge [sflag:s11], $0x2800  }
0x43: {  	[sflag:s11] =	ssyncset.done $0x0  }
0x44: {  	[sflag:s11] =	ssyncadd.s32 $0xFFFFD800  }
0x45: {  	[spmem:s17] =	stream.linear.scatter [tilespmem:s31], [sflag:$0x3], $0x2800, $0x38;
	[tilespmem:$0x1F000] =	vst v63  }
0x46: {  	_ =	swait.ge [sflag:s11], $0x2800  }
0x47: {  	[sflag:s11] =	ssyncset.done $0x0  }
0x48: {  	[sflag:s11] =	ssyncadd.s32 $0xFFFFD800  }
0x49: {  	[spmem:s28] =	stream.linear.scatter [tilespmem:s31], [sflag:$0x3], $0x2800, $0x38;
	[tilespmem:$0x1F000] =	vst v63  }
0x4a: {  	_ =	swait.ge [sflag:s11], $0x2800  }
0x4b: {  	[sflag:s11] =	ssyncset.done $0x0  }
0x4c: {  	s30 =	rddreg [dreg:$0xe];
	[sflag:s11] =	ssyncadd.s32 $0xFFFFD800  }
0x4d: {  	[tilespmem:s1], [sflag:$0x3] =	stream.linear.gather [hbm4b:s30+s4], $0x2800, $0x38;
	[tilespmem:$0x1F000] =	vst v63  }
0x4e: {  	_ =	swait.ge [sflag:s11], $0x2800  }
0x4f: {  	[sflag:s11] =	ssyncset.done $0x0  }
0x50: {  	[sflag:s11] =	ssyncadd.s32 $0xFFFFD800  }
0x51: {  	[bflag:$0x0] =	sbarrier.arrive $0xFFFF  }
0x52: {  	s20 =	smov.u32 s18;
	s14 =	rddreg [dreg:$0x17]  }
0x53: {  	s21 =	smov.u32 s19;
	s22 =	smov.u32 s25;
	s16 =	rddreg [dreg:$0x16]  }
0x54: {  	s23 =	smov.u32 s26;
	s26 =	simm.s32 $0x0;
	s17 =	rddreg [dreg:$0x15]  }
.LBB2_2:
0x55: {  	s25 =	sadd.s32 s24, s26  }
0x56: {  	s15 =	sshll.u32 s25, $0x9  }
0x57: {  	s28 =	sadd.s32 s2, s15;
	s15 =	simm.s32 $0x0  }
0x58: {  	[tilespmem:s5], [sflag:$0x3] =	stream.linear.gather [hbm4b:s28+s15], $0xC80, $0x38;
	[tilespmem:$0x1F000] =	vst v63  }
0x59: {  	_ =	swait.ge [sflag:s11], $0xC80  }
0x5a: {  	s30 =	smov.u32 s14;
	[sflag:s11] =	ssyncset.done $0x0  }
0x5b: {  	s29 =	smov.u32 s16;
	s28 =	smov.u32 s17;
	[sflag:s11] =	ssyncadd.s32 $0xFFFFF380  }
.LBB2_3:
0x5c: {  	[tilespmem:s31], [sflag:$0x1] =	stream.linear.gather [hbm4b:s30+s4], $0x2800, $0x38;
	[tilespmem:$0x1F000] =	vst v63  }
0x5d: {  	_ = 	snop  }
0x5e: {  	[tilespmem:s6], [sflag:$0x1] =	stream.linear.gather [hbm4b:s29+s4], $0x2800, $0x38;
	[tilespmem:$0x1F000] =	vst v63  }
0x5f: {  	_ = 	snop  }
0x60: {  	[tilespmem:s7], [sflag:$0x1] =	stream.linear.gather [hbm4b:s28+s4], $0x2800, $0x38;
	[tilespmem:$0x1F000] =	vst v63  }
0x61: {  	_ =	swait.ge [sflag:s8], $0x2800  }
0x62: {  	s18 =	sshra.s32 s15, $0x2;
	[sflag:s8] =	ssyncset.done $0x0  }
0x63: {  	s19 =	sadd.s32 $0x14000, s18;
	[sflag:s8] =	ssyncadd.s32 $0xFFFFD800  }
0x64: {  	[spmem:s3] =	stream.indirect.scatter.add.f32 [tilespmem:s31], [sflag:$0x2], $0x80, s19, s9, $0xb8;
	[tilespmem:$0x1F000] =	vst v63  }
0x65: {  	v1 =	vld [tilespmem:s18+$0x14000];
	_ =	sdelay $0x7  }
0x66: {  	[tilespmem:v1+s1+$0x0] =	vst.idx.add.f32.msk $0xffff, v0  }
0x67: {  	v1 =	vld [tilespmem:s18+$0x14010];
	_ =	sdelay $0x7  }
0x68: {  	[tilespmem:v1+s1+$0x0] =	vst.idx.add.f32.msk $0xffff, v0  }
0x69: {  	v1 =	vld [tilespmem:s18+$0x14020];
	_ =	sdelay $0x7  }
0x6a: {  	[tilespmem:v1+s1+$0x0] =	vst.idx.add.f32.msk $0xffff, v0  }
0x6b: {  	v1 =	vld [tilespmem:s18+$0x14030];
	_ =	sdelay $0x7  }
0x6c: {  	[tilespmem:v1+s1+$0x0] =	vst.idx.add.f32.msk $0xffff, v0  }
0x6d: {  	v1 =	vld [tilespmem:s18+$0x14040];
	_ =	sdelay $0x7  }
0x6e: {  	[tilespmem:v1+s1+$0x0] =	vst.idx.add.f32.msk $0xffff, v0  }
0x6f: {  	_ =	swait.ge [sflag:s8], $0x2800  }
0x70: {  	[sflag:s8] =	ssyncset.done $0x0  }
0x71: {  	s19 =	sadd.s32 $0x14080, s18;
	[sflag:s8] =	ssyncadd.s32 $0xFFFFD800  }
0x72: {  	[spmem:s3] =	stream.indirect.scatter.add.f32 [tilespmem:s6], [sflag:$0x2], $0x80, s19, s9, $0xb8;
	[tilespmem:$0x1F000] =	vst v63  }
0x73: {  	v1 =	vld [tilespmem:s18+$0x14080];
	_ =	sdelay $0x7  }
0x74: {  	[tilespmem:v1+s1+$0x0] =	vst.idx.add.f32.msk $0xffff, v0  }
0x75: {  	v1 =	vld [tilespmem:s18+$0x14090];
	_ =	sdelay $0x7  }
0x76: {  	[tilespmem:v1+s1+$0x0] =	vst.idx.add.f32.msk $0xffff, v0  }
0x77: {  	v1 =	vld [tilespmem:s18+$0x140A0];
	_ =	sdelay $0x7  }
0x78: {  	[tilespmem:v1+s1+$0x0] =	vst.idx.add.f32.msk $0xffff, v0  }
0x79: {  	v1 =	vld [tilespmem:s18+$0x140B0];
	_ =	sdelay $0x7  }
0x7a: {  	[tilespmem:v1+s1+$0x0] =	vst.idx.add.f32.msk $0xffff, v0  }
0x7b: {  	v1 =	vld [tilespmem:s18+$0x140C0];
	_ =	sdelay $0x7  }
0x7c: {  	[tilespmem:v1+s1+$0x0] =	vst.idx.add.f32.msk $0xffff, v0  }
0x7d: {  	_ =	swait.ge [sflag:s8], $0x2800  }
0x7e: {  	[sflag:s8] =	ssyncset.done $0x0  }
0x7f: {  	s19 =	sadd.s32 $0x14100, s18;
	[sflag:s8] =	ssyncadd.s32 $0xFFFFD800  }
0x80: {  	[spmem:s3] =	stream.indirect.scatter.add.f32 [tilespmem:s7], [sflag:$0x2], $0x80, s19, s9, $0xb8;
	[tilespmem:$0x1F000] =	vst v63  }
0x81: {  	v1 =	vld [tilespmem:s18+$0x14100];
	_ =	sdelay $0x7  }
0x82: {  	[tilespmem:v1+s1+$0x0] =	vst.idx.add.f32.msk $0xffff, v0  }
0x83: {  	v1 =	vld [tilespmem:s18+$0x14110];
	_ =	sdelay $0x7  }
0x84: {  	[tilespmem:v1+s1+$0x0] =	vst.idx.add.f32.msk $0xffff, v0  }
0x85: {  	v1 =	vld [tilespmem:s18+$0x14120];
	_ =	sdelay $0x7  }
0x86: {  	[tilespmem:v1+s1+$0x0] =	vst.idx.add.f32.msk $0xffff, v0  }
0x87: {  	v1 =	vld [tilespmem:s18+$0x14130];
	_ =	sdelay $0x7  }
0x88: {  	[tilespmem:v1+s1+$0x0] =	vst.idx.add.f32.msk $0xffff, v0  }
0x89: {  	v1 =	vld [tilespmem:s18+$0x14140];
	_ =	sdelay $0x7  }
0x8a: {  	[tilespmem:v1+s1+$0x0] =	vst.idx.add.f32.msk $0xffff, v0  }
0x8b: {  	_ =	swait.ge [sflag:s10], $0x2800  }
0x8c: {  	[sflag:s10] =	ssyncset.done $0x0  }
0x8d: {  	[sflag:s10] =	ssyncadd.s32 $0xFFFFD800  }
0x8e: {  	p0 =	sne.s32 s15, $0x2A00;
	_ =	swait.ge [sflag:s10], $0x2800  }
.Ltmp0:
0x8f: {  	[sflag:s10] =	ssyncset.done $0x0;
	(pc) =	sbr.rel @p0 .LBB2_3-.Ltmp0, $4  }
0x90: {  	[sflag:s10] =	ssyncadd.s32 $0xFFFFD800  }
0x91: {  	_ =	swait.ge [sflag:s10], $0x2800  }
0x92: {  	s30 =	sadd.s32 $0xF00, s30;
	s15 =	sadd.s32 $0x600, s15;
	[sflag:s10] =	ssyncset.done $0x0  }
0x93: {  	s29 =	sadd.s32 $0xF00, s29;
	s28 =	sadd.s32 $0xF00, s28;
	[sflag:s10] =	ssyncadd.s32 $0xFFFFD800  }
0x94: {  	s15 =	smul.u32 $0x3E800, s25;
	_ =	sdelay $0x1  }
0x95: {  	s15 =	sshrl.u32 s15, $0x3  }
0x96: {  	s15 =	sadd.s32 s0, s15  }
0x97: {  	s15 =	sadd.s32 $0x7800, s15  }
0x98: {  	[tilespmem:s31], [sflag:$0x3] =	stream.linear.gather [hbm4b:s15+s4], $0x2800, $0x38;
	[tilespmem:$0x1F000] =	vst v63  }
0x99: {  	_ =	swait.ge [sflag:s11], $0x2800  }
0x9a: {  	[sflag:s11] =	ssyncset.done $0x0  }
0x9b: {  	[sflag:s11] =	ssyncadd.s32 $0xFFFFD800  }
0x9c: {  	[spmem:s3] =	stream.indirect.scatter.add.f32 [tilespmem:s31], [sflag:$0x3], $0x80, s12, s9, $0xb8;
	[tilespmem:$0x1F000] =	vst v63  }
0x9d: {  	_ =	swait.ge [sflag:s11], $0x2800  }
0x9e: {  	[sflag:s11] =	ssyncset.done $0x0  }
0x9f: {  	[sflag:s11] =	ssyncadd.s32 $0xFFFFD800  }
0xa0: {  	v1 =	vld [tilespmem:$0x14C00];
	_ =	sdelay $0x7  }
0xa1: {  	[tilespmem:v1+s1+$0x0] =	vst.idx.add.f32.msk $0xffff, v0  }
0xa2: {  	v1 =	vld [tilespmem:$0x14C10];
	_ =	sdelay $0x7  }
0xa3: {  	[tilespmem:v1+s1+$0x0] =	vst.idx.add.f32.msk $0xffff, v0  }
0xa4: {  	v1 =	vld [tilespmem:$0x14C20];
	_ =	sdelay $0x7  }
0xa5: {  	[tilespmem:v1+s1+$0x0] =	vst.idx.add.f32.msk $0xffff, v0  }
0xa6: {  	v1 =	vld [tilespmem:$0x14C30];
	_ =	sdelay $0x7  }
0xa7: {  	[tilespmem:v1+s1+$0x0] =	vst.idx.add.f32.msk $0xffff, v0  }
0xa8: {  	v1 =	vld [tilespmem:$0x14C40];
	_ =	sdelay $0x1  }
0xa9: {  	s26 =	sadd.s32 $0x1, s26  }
0xaa: {  	p0 =	sne.s32 s26, $0x5  }
.Ltmp1:
0xab: {  	_ = 	snop;
	(pc) =	sbr.rel @p0 .LBB2_2-.Ltmp1, $2  }
0xac: {  	_ =	sdelay $0x2  }
0xad: {  	s17 =	sadd.s32 $0x7D00, s17;
	s16 =	sadd.s32 $0x7D00, s16;
	s14 =	sadd.s32 $0x7D00, s14;
	[tilespmem:v1+s1+$0x0] =	vst.idx.add.f32.msk $0xffff, v0  }
0xae: {  	[bflag:$0x0] =	sbarrier.arrive $0xFFFF  }
0xaf: {  	[tilespmem:s31], [sflag:$0x3] =	stream.linear.gather [spmem:s20], $0x2800, $0x38;
	[tilespmem:$0x1F000] =	vst v63  }
0xb0: {  	_ =	swait.ge [sflag:s11], $0x2800  }
0xb1: {  	[sflag:s11] =	ssyncset.done $0x0  }
0xb2: {  	s14 =	rddreg [dreg:$0x5];
	[sflag:s11] =	ssyncadd.s32 $0xFFFFD800  }
0xb3: {  	[hbm4b:s14+s4] =	stream.linear.scatter [tilespmem:s31], [sflag:$0x2], $0x2800, $0x38;
	[tilespmem:$0x1F000] =	vst v63  }
0xb4: {  	_ = 	snop  }
0xb5: {  	[tilespmem:s6], [sflag:$0x3] =	stream.linear.gather [spmem:s21], $0x2800, $0x38;
	[tilespmem:$0x1F000] =	vst v63  }
0xb6: {  	_ =	swait.ge [sflag:s11], $0x2800  }
0xb7: {  	[sflag:s11] =	ssyncset.done $0x0  }
0xb8: {  	s29 =	rddreg [dreg:$0x6];
	[sflag:s11] =	ssyncadd.s32 $0xFFFFD800  }
0xb9: {  	[hbm4b:s29+s4] =	stream.linear.scatter [tilespmem:s6], [sflag:$0x2], $0x2800, $0x38;
	[tilespmem:$0x1F000] =	vst v63  }
0xba: {  	_ = 	snop  }
0xbb: {  	[tilespmem:s7], [sflag:$0x3] =	stream.linear.gather [spmem:s22], $0x2800, $0x38;
	[tilespmem:$0x1F000] =	vst v63  }
0xbc: {  	_ =	swait.ge [sflag:s11], $0x2800  }
0xbd: {  	[sflag:s11] =	ssyncset.done $0x0  }
0xbe: {  	s30 =	rddreg [dreg:$0x7];
	[sflag:s11] =	ssyncadd.s32 $0xFFFFD800  }
0xbf: {  	[hbm4b:s30+s4] =	stream.linear.scatter [tilespmem:s7], [sflag:$0x2], $0x2800, $0x38;
	[tilespmem:$0x1F000] =	vst v63  }
0xc0: {  	_ =	swait.ge [sflag:s10], $0x2800  }
0xc1: {  	[sflag:s10] =	ssyncset.done $0x0  }
0xc2: {  	[sflag:s10] =	ssyncadd.s32 $0xFFFFD800  }
0xc3: {  	_ =	swait.ge [sflag:s10], $0x2800  }
0xc4: {  	[sflag:s10] =	ssyncset.done $0x0  }
0xc5: {  	[sflag:s10] =	ssyncadd.s32 $0xFFFFD800  }
0xc6: {  	_ =	swait.ge [sflag:s10], $0x2800  }
0xc7: {  	[sflag:s10] =	ssyncset.done $0x0  }
0xc8: {  	[sflag:s10] =	ssyncadd.s32 $0xFFFFD800  }
0xc9: {  	[tilespmem:s31], [sflag:$0x3] =	stream.linear.gather [spmem:s23], $0x2800, $0x38;
	[tilespmem:$0x1F000] =	vst v63  }
0xca: {  	_ =	swait.ge [sflag:s11], $0x2800  }
0xcb: {  	[sflag:s11] =	ssyncset.done $0x0  }
0xcc: {  	s15 =	rddreg [dreg:$0x8];
	[sflag:s11] =	ssyncadd.s32 $0xFFFFD800  }
0xcd: {  	[hbm4b:s15+s4] =	stream.linear.scatter [tilespmem:s31], [sflag:$0x2], $0x2800, $0x38;
	[tilespmem:$0x1F000] =	vst v63  }
0xce: {  	s15 =	rddreg [dreg:$0xf]  }
0xcf: {  	[tilespmem:s6], [sflag:$0x3] =	stream.linear.gather [spmem:s15], $0x2800, $0x38;
	[tilespmem:$0x1F000] =	vst v63  }
0xd0: {  	_ =	swait.ge [sflag:s11], $0x2800  }
0xd1: {  	[sflag:s11] =	ssyncset.done $0x0  }
0xd2: {  	s16 =	rddreg [dreg:$0x9];
	[sflag:s11] =	ssyncadd.s32 $0xFFFFD800  }
0xd3: {  	[hbm4b:s16+s4] =	stream.linear.scatter [tilespmem:s6], [sflag:$0x2], $0x2800, $0x38;
	[tilespmem:$0x1F000] =	vst v63  }
0xd4: {  	s16 =	rddreg [dreg:$0x10]  }
0xd5: {  	[tilespmem:s7], [sflag:$0x3] =	stream.linear.gather [spmem:s16], $0x2800, $0x38;
	[tilespmem:$0x1F000] =	vst v63  }
0xd6: {  	_ =	swait.ge [sflag:s11], $0x2800  }
0xd7: {  	[sflag:s11] =	ssyncset.done $0x0  }
0xd8: {  	s17 =	rddreg [dreg:$0xa];
	[sflag:s11] =	ssyncadd.s32 $0xFFFFD800  }
0xd9: {  	[hbm4b:s17+s4] =	stream.linear.scatter [tilespmem:s7], [sflag:$0x2], $0x2800, $0x38;
	[tilespmem:$0x1F000] =	vst v63  }
0xda: {  	_ =	swait.ge [sflag:s10], $0x2800  }
0xdb: {  	[sflag:s10] =	ssyncset.done $0x0  }
0xdc: {  	[sflag:s10] =	ssyncadd.s32 $0xFFFFD800  }
0xdd: {  	_ =	swait.ge [sflag:s10], $0x2800  }
0xde: {  	[sflag:s10] =	ssyncset.done $0x0  }
0xdf: {  	[sflag:s10] =	ssyncadd.s32 $0xFFFFD800  }
0xe0: {  	_ =	swait.ge [sflag:s10], $0x2800  }
0xe1: {  	[sflag:s10] =	ssyncset.done $0x0  }
0xe2: {  	s17 =	rddreg [dreg:$0x11];
	[sflag:s10] =	ssyncadd.s32 $0xFFFFD800  }
0xe3: {  	[tilespmem:s31], [sflag:$0x3] =	stream.linear.gather [spmem:s17], $0x2800, $0x38;
	[tilespmem:$0x1F000] =	vst v63  }
0xe4: {  	_ =	swait.ge [sflag:s11], $0x2800  }
0xe5: {  	[sflag:s11] =	ssyncset.done $0x0  }
0xe6: {  	s18 =	smov.u32 s20;
	s20 =	rddreg [dreg:$0xb];
	[sflag:s11] =	ssyncadd.s32 $0xFFFFD800  }
0xe7: {  	[hbm4b:s20+s4] =	stream.linear.scatter [tilespmem:s31], [sflag:$0x2], $0x2800, $0x38;
	[tilespmem:$0x1F000] =	vst v63  }
0xe8: {  	s28 =	rddreg [dreg:$0x12]  }
0xe9: {  	[tilespmem:s6], [sflag:$0x3] =	stream.linear.gather [spmem:s28], $0x2800, $0x38;
	[tilespmem:$0x1F000] =	vst v63  }
0xea: {  	_ =	swait.ge [sflag:s11], $0x2800  }
0xeb: {  	[sflag:s11] =	ssyncset.done $0x0  }
0xec: {  	s19 =	smov.u32 s21;
	s21 =	rddreg [dreg:$0xc];
	[sflag:s11] =	ssyncadd.s32 $0xFFFFD800  }
0xed: {  	[hbm4b:s21+s4] =	stream.linear.scatter [tilespmem:s6], [sflag:$0x2], $0x2800, $0x38;
	[tilespmem:$0x1F000] =	vst v63  }
0xee: {  	_ =	swait.ge [sflag:s10], $0x2800  }
0xef: {  	[sflag:s10] =	ssyncset.done $0x0  }
0xf0: {  	[sflag:s10] =	ssyncadd.s32 $0xFFFFD800  }
0xf1: {  	s25 =	smov.u32 s22;
	_ =	swait.ge [sflag:s10], $0x2800  }
0xf2: {  	s26 =	smov.u32 s23;
	s29 =	simm.s32 $0x400;
	[sflag:s10] =	ssyncset.done $0x0  }
0xf3: {  	s23 =	simm.s32 $0x80;
	s22 =	rddreg [dreg:$0x13];
	[sflag:s10] =	ssyncadd.s32 $0xFFFFD800  }
0xf4: {  	[hbm4b:s22+s23] =	stream.strided.scatter [tilespmem:s1], [sflag:$0x3], $0x2800, s29, s23, $0x38;
	[tilespmem:$0x1F000] =	vst v63  }
0xf5: {  	_ =	swait.ge [sflag:s11], $0x2800  }
0xf6: {  	s13 =	sadd.s32 $0x1, s13;
	s30 =	rddreg [dreg:$0x14]  }
0xf7: {  	p0 =	sne.s32 s13, s30  }
.Ltmp2:
0xf8: {  	_ = 	snop;
	(pc) =	sbr.rel @p0 .LBB2_1-.Ltmp2, $3  }
0xf9: {  	_ =	sdelay $0x1  }
0xfa: {  	[sflag:s11] =	ssyncset.done $0x0  }
0xfb: {  	[sflag:s11] =	ssyncadd.s32 $0xFFFFD800  }
0xfc: {  	_ =	sfence.sel $0x180000  }
0xfd: {  	[bflag:$0x0] =	sbarrier.arrive $0xFFFF  }
0xfe: {  	_ =	strace $0x90000047  }
0xff: {  	s0 =	stileid.u32;
	[bflag:$0x2] =	sbarrier.arrive $0xFFFF  }
0x100: {  	p0 =	sne.s32 s0, $0x0;
	s0 =	rddreg [dreg:$0x4]  }
0x101: {  	s0 =	sadd.s32 @!p0 $0x100000, s0  }
0x102: {  	[sflag:s0] =	ssyncadd.tile.s32 @!p0 $0x1;
	_ =	shalt  }
.Lfunc_end2:
_tile_overlayer_lowered:
.L_overlay_start_2:
0x103: {  	(tag) =	ssettag $0x2  }
0x104: {  	s0 =	rddreg [dreg:$0x0];
	s2 =	stileid.u32  }
0x105: {  	s1 =	rddreg [dreg:$0x1];
	p0 =	sne.s32 s2, $0x0  }
0x106: {  	s3 =	rddreg [dreg:$0x2];
	[bflag:$0x3] =	sbarrier.arrive $0xFFFF;
	s2 =	simm.s32 @!p0 $0x1C03  }
0x107: {  	[timem:s3], [sflag:s2] =	dma.local @!p0 [hbm:s0], s1  }
0x108: {  	s0 =	simm.s32 @!p0 $0x3  }
0x109: {  	_ =	swait.ge @!p0 [sflag:s0], s1  }
0x10a: {  	s1 =	ssub.s32 @!p0 $0x0, s1;
	[sflag:s0] =	ssyncset.done @!p0 $0x0  }
0x10b: {  	[sflag:s0] =	ssyncadd.s32 @!p0 s1  }
0x10c: {  	[bflag:$0x3] =	sbarrier.arrive $0xFFFF  }
0x10d: {  	_ =	shalt  }

// kernel: kernel.9.cloned.1.call-start
scs
__scs_entry_jumppad:
0x0: {  	(pc) =	sbr.rel $0x88, $3  }
0x1: {  	(tag) =	ssettag $0x0;
	lr =	simm.s32 $0x1  }
0x2: {  	[smem:$0x3F98] =	sst lr;
	_ =	strace $0xD0000000  }
0x3: {  	_ = 	snop  }
0x4: {  	_ = 	snop  }
0x5: {  	_ = 	snop  }
0x6: {  	_ = 	snop  }
0x7: {  	_ = 	snop  }
__scs_overlays_trampoline_lowered:
0x8: {  	[smem:$0x3FA7] =	sst s0  }
0x9: {  	[smem:$0x3FA8] =	sst s1  }
0xa: {  	[smem:$0x3FA9] =	sst s2  }
0xb: {  	[smem:$0x3FAA] =	sst s3  }
0xc: {  	[smem:$0x3FAB] =	sst s4  }
0xd: {  	[smem:$0x3FAC] =	sst s5  }
0xe: {  	[smem:$0x3FAD] =	sst s6  }
0xf: {  	[smem:$0x3FAE] =	sst s7  }
0x10: {  	[smem:$0x3FAF] =	sst s8  }
0x11: {  	[smem:$0x3FB0] =	sst s9;
	s0 =	simm.s32 @!p0 $0x0  }
0x12: {  	s1 =	sld [smem:$0x3F96];
	s0 =	simm.s32 @p0 $0x1  }
0x13: {  	[smem:$0x3FB1] =	sst s0;
	s0 =	simm.s32 @!p1 $0x0  }
0x14: {  	s2 =	sld [smem:$0x3F95];
	s0 =	simm.s32 @p1 $0x1  }
0x15: {  	[smem:$0x3FB2] =	sst s0;
	s0 =	simm.s32 @!p2 $0x0  }
0x16: {  	s3 =	sld [smem:$0x3FDB];
	s0 =	simm.s32 @p2 $0x1  }
0x17: {  	s4 =	simm.s32 $0x1BF5;
	[smem:$0x3FB4] =	sst s0  }
0x18: {  	s0 =	sld [smem:$0x3F97];
	_ =	swait.ge [sflag:s4], $0x0  }
0x19: {  	s7 =	sld [smem:$0x3F98]  }
0x1a: {  	s8 =	sadd.s32 $0xFFFFE003, lr  }
0x1b: {  	s9 =	sadd.s32 $0xFFFFFEF7, lr;
	s5 =	simm.s32 $0xFFFFFFFF;
	p2 =	slt.u32 s8, $0xFFFFF086  }
0x1c: {  	p1 =	slt.u32 s9, $0xF7A;
	s5 =	simm.s32 @!p2 $0x0  }
0x1d: {  	s5 =	simm.s32 @p1 $0x1;
	p0 =	seq.s32 s7, s2  }
0x1e: {  	s7 =	smul.u32 @!p0 $0xF7A, s2;
	p2 =	seq.s32 @!p0 s5, $0x0  }
0x1f: {  	s9 =	smul.u32 $0xF7A, s1;
	s8 =	simm.s32 @!p0 $0x1BF5;
	p2 =	por !p2, p0  }
0x20: {  	[sflag:s8] =	ssyncset.s32 @!p0 $0xFFFFF086;
	s6 =	sadd.s32 @!p0 s3, s7;
	s7 =	simm.s32 @!p0 $0x108  }
0x21: {  	s3 =	sadd.s32 s3, s9;
	s6 =	sadd.s32 @!p0 $0x88, s6;
	s7 =	simm.s32 @p2 $0x1082  }
0x22: {  	[simem:s7], [sflag:s8] =	dma.local @!p0 [hbm:s6], $0xF7A  }
0x23: {  	s9 =	sor.u32 $0xD0000000, s2;
	s6 =	simm.s32 $0x108;
	_ =	swait.ge @!p0 [sflag:s8], $0x0  }
0x24: {  	s3 =	sadd.s32 $0x88, s3;
	s6 =	simm.s32 @!p1 $0x1082;
	[sflag:s4] =	ssyncset.s32 $0xFFFFF086  }
0x25: {  	[simem:s6], [sflag:s4] =	dma.local [hbm:s3], $0xF7A  }
0x26: {  	[smem:$0x3F98] =	sst s1;
	(tag) =	ssettag s2;
	_ =	strace s9  }
0x27: {  	s1 =	sld [smem:$0x3FA8]  }
0x28: {  	s2 =	sld [smem:$0x3FA9]  }
0x29: {  	s4 =	sld [smem:$0x3FAB]  }
0x2a: {  	p0 =	seq.s32 s5, $0x0;
	s5 =	sld [smem:$0x3FAC]  }
0x2b: {  	s6 =	sld [smem:$0x3FAD]  }
0x2c: {  	s7 =	sld [smem:$0x3FAE]  }
0x2d: {  	s3 =	simm.s32 $0x108;
	s8 =	sld [smem:$0x3FAF]  }
0x2e: {  	s3 =	simm.s32 @!p0 $0x1082;
	s9 =	sld [smem:$0x3FB0]  }
0x2f: {  	lr =	sadd.s32 s0, s3;
	s0 =	sld [smem:$0x3FA7]  }
0x30: {  	s3 =	sld [smem:$0x3FAA]  }
0x31: {  	[smem:$0x3FB3] =	sst s10  }
0x32: {  	s10 =	sld [smem:$0x3FB1];
	_ =	sdelay $0x3  }
0x33: {  	p0 =	seq.s32 s10, $0x1;
	s10 =	sld [smem:$0x3FB3];
	_ =	sdelay $0x3  }
0x34: {  	[smem:$0x3FB3] =	sst s10  }
0x35: {  	s10 =	sld [smem:$0x3FB2];
	_ =	sdelay $0x3  }
0x36: {  	p1 =	seq.s32 s10, $0x1;
	s10 =	sld [smem:$0x3FB3];
	_ =	sdelay $0x3  }
0x37: {  	[smem:$0x3FB3] =	sst s10  }
0x38: {  	s10 =	sld [smem:$0x3FB4]  }
0x39: {  	_ = 	snop;
	(pc) =	sbr.ind lr, $3  }
0x3a: {  	_ = 	snop  }
0x3b: {  	_ = 	snop  }
0x3c: {  	p2 =	seq.s32 s10, $0x1;
	s10 =	sld [smem:$0x3FB3]  }
0x3d: {  	_ =	shalt  }
0x3e: {  	_ =	shalt  }
0x3f: {  	_ =	shalt  }
0x40: {  	_ =	shalt  }
0x41: {  	_ =	shalt  }
0x42: {  	_ =	shalt  }
0x43: {  	_ =	shalt  }
0x44: {  	_ =	shalt  }
0x45: {  	_ =	shalt  }
0x46: {  	_ =	shalt  }
0x47: {  	_ =	shalt  }
0x48: {  	_ =	shalt  }
0x49: {  	_ =	shalt  }
0x4a: {  	_ =	shalt  }
0x4b: {  	_ =	shalt  }
0x4c: {  	_ =	shalt  }
0x4d: {  	_ =	shalt  }
0x4e: {  	_ =	shalt  }
0x4f: {  	_ =	shalt  }
0x50: {  	_ =	shalt  }
0x51: {  	_ =	shalt  }
0x52: {  	_ =	shalt  }
0x53: {  	_ =	shalt  }
0x54: {  	_ =	shalt  }
0x55: {  	_ =	shalt  }
0x56: {  	_ =	shalt  }
0x57: {  	_ =	shalt  }
0x58: {  	_ =	shalt  }
0x59: {  	_ =	shalt  }
0x5a: {  	_ =	shalt  }
0x5b: {  	_ =	shalt  }
0x5c: {  	_ =	shalt  }
0x5d: {  	_ =	shalt  }
0x5e: {  	_ =	shalt  }
0x5f: {  	_ =	shalt  }
0x60: {  	_ =	shalt  }
0x61: {  	_ =	shalt  }
0x62: {  	_ =	shalt  }
0x63: {  	_ =	shalt  }
0x64: {  	_ =	shalt  }
0x65: {  	_ =	shalt  }
0x66: {  	_ =	shalt  }
0x67: {  	_ =	shalt  }
0x68: {  	_ =	shalt  }
0x69: {  	_ =	shalt  }
0x6a: {  	_ =	shalt  }
0x6b: {  	_ =	shalt  }
0x6c: {  	_ =	shalt  }
0x6d: {  	_ =	shalt  }
0x6e: {  	_ =	shalt  }
0x6f: {  	_ =	shalt  }
0x70: {  	_ =	shalt  }
0x71: {  	_ =	shalt  }
0x72: {  	_ =	shalt  }
0x73: {  	_ =	shalt  }
0x74: {  	_ =	shalt  }
0x75: {  	_ =	shalt  }
0x76: {  	_ =	shalt  }
0x77: {  	_ =	shalt  }
0x78: {  	_ =	shalt  }
0x79: {  	_ =	shalt  }
0x7a: {  	_ =	shalt  }
0x7b: {  	_ =	shalt  }
0x7c: {  	_ =	shalt  }
0x7d: {  	_ =	shalt  }
0x7e: {  	_ =	shalt  }
0x7f: {  	_ =	shalt  }
0x80: {  	_ =	shalt  }
0x81: {  	_ =	shalt  }
0x82: {  	_ =	shalt  }
0x83: {  	_ =	shalt  }
0x84: {  	_ =	shalt  }
0x85: {  	_ =	shalt  }
0x86: {  	_ =	shalt  }
0x87: {  	_ =	shalt  }
.Lfunc_end0:
.L_simem_size_0:
called_computation.1_lowered:
.L_overlay_start_0:
0x88: {  	s2 =	sld [smem:$0x3FD9]  }
0x89: {  	s3 =	sld [smem:$0x3FFE];
	_ =	sdelay $0x1  }
0x8a: {  	s1 =	srdreg.scid  }
0x8b: {  	s0 =	sand.u32 $0x1, s1  }
0x8c: {  	s17 =	sshll.u32 s0, $0xA;
	s2 =	sadd.s32 s3, s2  }
0x8d: {  	s2 =	sadd.s32 s2, s17  }
0x8e: {  	[smem:$0x3FBF] =	sst s2  }
0x8f: {  	_ = 	snop  }
0x90: {  	s2 =	sld [smem:$0x3FC9]  }
0x91: {  	s18 =	sld [smem:$0x3FD0];
	(tm) =	ssettm $0x1  }
0x92: {  	s4 =	sld [smem:$0x3FFB];
	_ =	sdelay $0x3  }
0x93: {  	_ =	strace s4  }
0x94: {  	s4 =	sld [smem:$0x3FFC];
	_ =	sdelay $0x3  }
0x95: {  	_ =	strace s4  }
0x96: {  	s4 =	sld [smem:$0x3FFD];
	_ =	sdelay $0x3  }
0x97: {  	_ =	strace s4  }
0x98: {  	_ =	strace $0x8FFFFFFF  }
0x99: {  	s19 =	sld [smem:$0x3FDB];
	_ =	sdelay $0x1  }
0x9a: {  	s5 =	simm.s32 $_scs_section_size  }
0x9b: {  	s6 =	simm.s32 $_size__tile_overlayer_lowered;
	s7 =	simm.s32 $_tile_overlayer_lowered  }
0x9c: {  	s22 =	simm.s32 $0x1BFF;
	s21 =	sshll.u32 s7, $0x1;
	s4 =	sadd.s32 s5, s19  }
0x9d: {  	s8 =	simm.s32 $0x0;
	s20 =	sshll.u32 s6, $0x1;
	s6 =	sadd.s32 s21, s4  }
0x9e: {  	[timem:s8], [sflag:s22] =	dma.local [hbm:s6], s20  }
0x9f: {  	_ =	swait.ge [sflag:s22], s20  }
0xa0: {  	s5 =	ssub.s32 $0x0, s20;
	[sflag:s22] =	ssyncset.done $0x0  }
0xa1: {  	[sflag:s22] =	ssyncadd.s32 s5;
	_ =	sdelay $0x1  }
0xa2: {  	s23 =	simm.s32 $0x1B8B  }
0xa3: {  	_ =	swait.ge [sflag:s23], $0x1  }
0xa4: {  	[sflag:s23] =	ssyncset.done $0x0  }
0xa5: {  	s25 =	simm.s32 $0x1B8E;
	s24 =	sld [smem:$0x3FFE];
	[sflag:s23] =	ssyncadd.s32 $0xFFFFFFFF  }
0xa6: {  	s26 =	simm.s32 $execute0_lowered;
	[smem:$0x3FD2] =	sst s25  }
0xa7: {  	s6 =	sshll.u32 s26, $0x1;
	_ =	strace $0x80000049;
	[dreg:$0x1] =	wrdreg $0xFFFFFFFF  }
0xa8: {  	s28 =	simm.s32 $_size_execute0_lowered;
	s4 =	sadd.s32 s4, s6;
	[dreg:$0x0] =	wrdreg $0x0  }
0xa9: {  	s6 =	sshll.u32 s28, $0x1;
	[dreg:$0x2] =	wrdreg s4  }
0xaa: {  	[dreg:$0x3] =	wrdreg s6  }
0xab: {  	[dreg:$0x4] =	wrdreg $0xC0  }
0xac: {  	_ =	task [dreg:s8], $0x5FFFF  }
0xad: {  	[dreg:$0x1] =	wrdreg $0xFFFFFFFF  }
0xae: {  	[dreg:$0x0] =	wrdreg $0x60  }
0xaf: {  	[dreg:$0x2] =	wrdreg s2  }
0xb0: {  	[dreg:$0x3] =	wrdreg s24  }
0xb1: {  	[dreg:$0x4] =	wrdreg s18  }
0xb2: {  	[dreg:$0x5] =	wrdreg $0x0  }
0xb3: {  	[dreg:$0x6] =	wrdreg $0x9  }
0xb4: {  	_ =	task.clear_ibuf [dreg:s8], $0x7FFFF;
	_ =	strace $0x90000049  }
0xb5: {  	s29 =	simm.s32 $0x9;
	_ =	strace $0x8000004B  }
0xb6: {  	_ =	swait.ge [sflag:s29], $0x1  }
0xb7: {  	[sflag:s29] =	ssyncadd.s32 $0xFFFFFFFF  }
0xb8: {  	_ =	strace $0x9000004B  }
0xb9: {  	_ =	sfence  }
0xba: {  	s30 =	sld [smem:$0x0];
	_ =	sdelay $0x2  }
0xbb: {  	s31 =	sshll.u32 s1, $0xD;
	s1 =	sshrl.u32 s1, $0x2  }
0xbc: {  	s3 =	sand.u32 $0x4000, s31;
	s1 =	sadd.s32 s1, s30  }
0xbd: {  	s0 =	sor.u32 s3, s0;
	s1 =	sshll.u32 s1, $0x11  }
0xbe: {  	s0 =	sor.u32 s1, s0  }
0xbf: {  	s0 =	sadd.s32 $0x8F2B, s0  }
0xc0: {  	[sflag:s0] =	ssyncadd.remote.s32 $0x1  }
0xc1: {  	_ =	sfence.sel $0xFFFF  }
0xc2: {  	[dreg:$0x0] =	wrdreg $0xFFFFFFFF;
	(pc) =	sbr.abs _section_cstart, $3  }
0xc3: {  	[dreg:$0x1] =	wrdreg $0xFFFFFFFF  }
0xc4: {  	_ =	task.clear_ibuf [dreg:s8], $0x2FFFF;
	_ =	strace $0x9FFFFFFF  }
0xc5: {  	(tm) =	ssettm $0x7FFFFFFF  }
tec
execute0_lowered:
.L_overlay_start_1:
0x0: {  	(tag) =	ssettag $0x1  }
0x1: {  	s1 =	rddreg [dreg:$0x0]  }
0x2: {  	s0 =	rddreg [dreg:$0x1]  }
0x3: {  	s2 =	rddreg [dreg:$0x2]  }
0x4: {  	s3 =	rddreg [dreg:$0x3];
	s4 =	simm.s32 $0x0  }
0x5: {  	s11 =	stileid.u32;
	s5 =	srdreg.scid;
	s28 =	simm.s32 $0x3  }
0x6: {  	s29 =	simm.s32 $0x14000;
	s30 =	simm.s32 $0x15000;
	s6 =	smul.u32 $0x1400, s11  }
0x7: {  	s31 =	simm.s32 $0x50;
	[smem:$0x7FF] =	sst s4;
	s8 =	smul.u32 $0x14000, s11  }
0x8: {  	s5 =	sand.u32 $0x1, s5;
	s9 =	sadd.s32 $0x71600, s0;
	s11 =	smul.u32 $0x50000, s11  }
0x9: {  	_ =	strace $0x8000004A;
	s7 =	ssub.s32 $0x2, s5;
	s12 =	smul.u32 $0x140000, s5  }
0xa: {  	p0 =	seq.s32 s5, $0x1;
	s10 =	sshrl.u32 s7, $0x1;
	s15 =	sadd.s32 $0x5000, s8  }
0xb: {  	s16 =	sadd.s32 $0x7800, s8;
	s17 =	sadd.s32 $0xA000, s8;
	s18 =	sadd.s32 $0xC800, s8  }
0xc: {  	s19 =	sadd.s32 $0xF000, s8;
	s7 =	ssub.s32 s7, s10;
	s10 =	sor.u32 $0x2800, s8  }
0xd: {  	s13 =	sadd.s32 s8, s12;
	s8 =	sadd.s32 $0x11800, s8;
	s23 =	sadd.s32 s12, s15  }
0xe: {  	s24 =	sadd.s32 s12, s16;
	s25 =	sadd.s32 s12, s17;
	s13 =	sshrl.u32 s13, $0x3  }
0xf: {  	s20 =	sadd.s32 s12, s19;
	s14 =	sadd.s32 s12, s10;
	s21 =	sadd.s32 s9, s13  }
0x10: {  	s22 =	sshrl.u32 s14, $0x3;
	s13 =	sshrl.u32 s24, $0x3;
	s14 =	sadd.s32 s12, s18  }
0x11: {  	s12 =	sadd.s32 s12, s8;
	s24 =	sadd.s32 s19, s3;
	[dreg:$0x5] =	wrdreg s21  }
0x12: {  	s5 =	sadd.s32 s9, s22;
	s26 =	sadd.s32 s9, s13;
	[dreg:$0x14] =	wrdreg s24  }
0x13: {  	s13 =	sshrl.u32 s25, $0x3;
	s22 =	sshrl.u32 s12, $0x3;
	[dreg:$0x6] =	wrdreg s5  }
0x14: {  	s25 =	sshrl.u32 s11, $0x2;
	s11 =	sadd.s32 s17, s3;
	[dreg:$0x8] =	wrdreg s26  }
0x15: {  	s12 =	sadd.s32 s18, s3;
	s5 =	sshrl.u32 s23, $0x3;
	[dreg:$0x12] =	wrdreg s11  }
0x16: {  	s23 =	sadd.s32 s6, s0;
	s26 =	smax.u32 s7, $0x1;
	[dreg:$0x13] =	wrdreg s12  }
0x17: {  	s5 =	sadd.s32 s9, s5;
	[dreg:$0x16] =	wrdreg s26;
	s26 =	simm.s32 $0x16000  }
0x18: {  	[dreg:$0x7] =	wrdreg s5;
	s5 =	sadd.s32 s9, s13;
	s13 =	sshrl.u32 s20, $0x3  }
0x19: {  	s20 =	sadd.s32 s10, s3;
	[dreg:$0x9] =	wrdreg s5;
	s5 =	sshrl.u32 s14, $0x3  }
0x1a: {  	s21 =	sadd.s32 s9, s13;
	s13 =	sadd.s32 $0x3000, s0;
	[dreg:$0xf] =	wrdreg s20  }
0x1b: {  	s14 =	sadd.s32 s6, s2;
	s0 =	sadd.s32 $0x2A00, s0;
	[dreg:$0xb] =	wrdreg s21  }
0x1c: {  	s2 =	simm.s32 $0x18800;
	s5 =	sadd.s32 s9, s5;
	[dreg:$0xd] =	wrdreg s0  }
0x1d: {  	s6 =	simm.s32 $0x1B000;
	s21 =	sadd.s32 s15, s3;
	[dreg:$0xa] =	wrdreg s5  }
.Ltmp0:
0x1e: {  	s5 =	sadd.s32 s9, s22;
	[dreg:$0x10] =	wrdreg s21;
	(pc) =	sbr.rel .LBB2_1-.Ltmp0, $4  }
0x1f: {  	s15 =	simm.s32 $0x2;
	s22 =	sadd.s32 s16, s3;
	[dreg:$0xc] =	wrdreg s5  }
0x20: {  	s0 =	simm.s32 $0x0;
	s16 =	sadd.s32 s8, s3;
	[dreg:$0x11] =	wrdreg s22  }
0x21: {  	s8 =	simm.s32 $0x1D800;
	s5 =	sadd.s32 s25, s3;
	[dreg:$0x15] =	wrdreg s16  }
0x22: {  	s9 =	simm.s32 $0x1;
	s25 =	sadd.s32 $0x5D600, s23;
	[dreg:$0xe] =	wrdreg s5  }
.LBB2_7:
0x23: {  	s11 =	sadd.s32 s10, s25;
	[sflag:s28] =	ssyncadd.s32 $0xFFFFD800  }
0x24: {  	[tilespmem:s29], [sflag:$0x3] =	stream.linear.gather [hbm4b:s11+s4], $0xC80, $0x38;
	v63 =	vld [tilespmem:$0x0]  }
0x25: {  	_ =	swait.ge [sflag:s28], $0xC80  }
0x26: {  	[sflag:s28] =	ssyncset.done $0x0  }
0x27: {  	s12 =	sadd.s32 s10, s14;
	[sflag:s28] =	ssyncadd.s32 $0xFFFFF380  }
0x28: {  	[tilespmem:s30], [sflag:$0x3] =	stream.linear.gather [hbm4b:s12+s4], $0xC80, $0x38;
	v63 =	vld [tilespmem:$0x0]  }
0x29: {  	_ =	swait.ge [sflag:s28], $0xC80  }
0x2a: {  	[sflag:s28] =	ssyncset.done $0x0  }
0x2b: {  	[sflag:s28] =	ssyncadd.s32 $0xFFFFF380  }
0x2c: {  	[tilespmem:s26], [sflag:$0x1] =	stream.indirect.gather [hbm4b:s13+s31], $0x80, s29, s31, $0xb8;
	v63 =	vld [tilespmem:$0x0]  }
0x2d: {  	_ = 	snop  }
0x2e: {  	[tilespmem:s2], [sflag:$0x1] =	stream.indirect.gather [hbm4b:s13+s31], $0x80, s16, s31, $0xb8;
	v63 =	vld [tilespmem:$0x0]  }
0x2f: {  	_ = 	snop  }
0x30: {  	[tilespmem:s6], [sflag:$0x1] =	stream.indirect.gather [hbm4b:s13+s31], $0x80, s24, s31, $0xb8;
	v63 =	vld [tilespmem:$0x0]  }
0x31: {  	_ = 	snop  }
0x32: {  	[tilespmem:s8], [sflag:$0x1] =	stream.indirect.gather [hbm4b:s13+s31], $0x80, s17, s31, $0xb8;
	v63 =	vld [tilespmem:$0x0]  }
0x33: {  	_ =	swait.ge [sflag:s9], $0x2800  }
0x34: {  	[sflag:s9] =	ssyncset.done $0x0  }
0x35: {  	[sflag:s9] =	ssyncadd.s32 $0xFFFFD800  }
0x36: {  	[spmem:s3] =	stream.indirect.scatter.add.f32 [tilespmem:s26], [sflag:$0x2], $0x80, s30, s31, $0xb8;
	v63 =	vld [tilespmem:$0x0]  }
0x37: {  	_ =	swait.ge [sflag:s9], $0x2800  }
0x38: {  	[sflag:s9] =	ssyncset.done $0x0  }
0x39: {  	[sflag:s9] =	ssyncadd.s32 $0xFFFFD800  }
0x3a: {  	[spmem:s3] =	stream.indirect.scatter.add.f32 [tilespmem:s2], [sflag:$0x2], $0x80, s18, s31, $0xb8;
	v63 =	vld [tilespmem:$0x0]  }
0x3b: {  	_ =	swait.ge [sflag:s9], $0x2800  }
0x3c: {  	[sflag:s9] =	ssyncset.done $0x0  }
0x3d: {  	[sflag:s9] =	ssyncadd.s32 $0xFFFFD800  }
0x3e: {  	[spmem:s3] =	stream.indirect.scatter.add.f32 [tilespmem:s6], [sflag:$0x2], $0x80, s19, s31, $0xb8;
	v63 =	vld [tilespmem:$0x0]  }
0x3f: {  	_ =	swait.ge [sflag:s9], $0x2800  }
0x40: {  	[sflag:s9] =	ssyncset.done $0x0  }
0x41: {  	[sflag:s9] =	ssyncadd.s32 $0xFFFFD800  }
0x42: {  	[spmem:s3] =	stream.indirect.scatter.add.f32 [tilespmem:s8], [sflag:$0x2], $0x80, s20, s31, $0xb8;
	v63 =	vld [tilespmem:$0x0]  }
0x43: {  	_ =	swait.ge [sflag:s15], $0x2800  }
0x44: {  	[sflag:s15] =	ssyncset.done $0x0  }
0x45: {  	[sflag:s15] =	ssyncadd.s32 $0xFFFFD800  }
0x46: {  	_ =	swait.ge [sflag:s15], $0x2800  }
0x47: {  	[sflag:s15] =	ssyncset.done $0x0  }
0x48: {  	[sflag:s15] =	ssyncadd.s32 $0xFFFFD800  }
0x49: {  	_ =	swait.ge [sflag:s15], $0x2800  }
0x4a: {  	[sflag:s15] =	ssyncset.done $0x0  }
0x4b: {  	[sflag:s15] =	ssyncadd.s32 $0xFFFFD800  }
0x4c: {  	_ =	swait.ge [sflag:s15], $0x2800  }
0x4d: {  	[sflag:s15] =	ssyncset.done $0x0  }
0x4e: {  	[sflag:s15] =	ssyncadd.s32 $0xFFFFD800  }
0x4f: {  	[tilespmem:s26], [sflag:$0x1] =	stream.indirect.gather [hbm4b:s13+s31], $0x80, s21, s31, $0xb8;
	v63 =	vld [tilespmem:$0x0]  }
0x50: {  	_ = 	snop  }
0x51: {  	[tilespmem:s2], [sflag:$0x1] =	stream.indirect.gather [hbm4b:s13+s31], $0x80, s22, s31, $0xb8;
	v63 =	vld [tilespmem:$0x0]  }
0x52: {  	_ = 	snop  }
0x53: {  	[tilespmem:s6], [sflag:$0x1] =	stream.indirect.gather [hbm4b:s13+s31], $0x80, s23, s31, $0xb8;
	v63 =	vld [tilespmem:$0x0]  }
0x54: {  	_ = 	snop  }
0x55: {  	[tilespmem:s8], [sflag:$0x1] =	stream.indirect.gather [hbm4b:s13+s31], $0x80, s0, s31, $0xb8;
	v63 =	vld [tilespmem:$0x0]  }
0x56: {  	_ =	swait.ge [sflag:s9], $0x2800  }
0x57: {  	[sflag:s9] =	ssyncset.done $0x0  }
0x58: {  	[sflag:s9] =	ssyncadd.s32 $0xFFFFD800  }
0x59: {  	[spmem:s3] =	stream.indirect.scatter.add.f32 [tilespmem:s26], [sflag:$0x2], $0x80, s5, s31, $0xb8;
	v63 =	vld [tilespmem:$0x0]  }
0x5a: {  	_ =	swait.ge [sflag:s9], $0x2800  }
0x5b: {  	[sflag:s9] =	ssyncset.done $0x0  }
0x5c: {  	[sflag:s9] =	ssyncadd.s32 $0xFFFFD800  }
0x5d: {  	[spmem:s3] =	stream.indirect.scatter.add.f32 [tilespmem:s2], [sflag:$0x2], $0x80, s7, s31, $0xb8;
	v63 =	vld [tilespmem:$0x0]  }
0x5e: {  	_ =	swait.ge [sflag:s9], $0x2800  }
0x5f: {  	[sflag:s9] =	ssyncset.done $0x0  }
0x60: {  	s17 =	simm.s32 $0x15300;
	[sflag:s9] =	ssyncadd.s32 $0xFFFFD800  }
0x61: {  	[spmem:s3] =	stream.indirect.scatter.add.f32 [tilespmem:s6], [sflag:$0x2], $0x80, s17, s31, $0xb8;
	v63 =	vld [tilespmem:$0x0]  }
0x62: {  	_ =	swait.ge [sflag:s9], $0x2800  }
0x63: {  	[sflag:s9] =	ssyncset.done $0x0  }
0x64: {  	s18 =	simm.s32 $0x15380;
	[sflag:s9] =	ssyncadd.s32 $0xFFFFD800  }
0x65: {  	[spmem:s3] =	stream.indirect.scatter.add.f32 [tilespmem:s8], [sflag:$0x2], $0x80, s18, s31, $0xb8;
	v63 =	vld [tilespmem:$0x0]  }
0x66: {  	_ =	swait.ge [sflag:s15], $0x2800  }
0x67: {  	[sflag:s15] =	ssyncset.done $0x0  }
0x68: {  	[sflag:s15] =	ssyncadd.s32 $0xFFFFD800  }
0x69: {  	_ =	swait.ge [sflag:s15], $0x2800  }
0x6a: {  	[sflag:s15] =	ssyncset.done $0x0  }
0x6b: {  	[sflag:s15] =	ssyncadd.s32 $0xFFFFD800  }
0x6c: {  	_ =	swait.ge [sflag:s15], $0x2800  }
0x6d: {  	[sflag:s15] =	ssyncset.done $0x0  }
0x6e: {  	[sflag:s15] =	ssyncadd.s32 $0xFFFFD800  }
0x6f: {  	_ =	swait.ge [sflag:s15], $0x2800  }
0x70: {  	[sflag:s15] =	ssyncset.done $0x0  }
0x71: {  	s19 =	simm.s32 $0x14400;
	[sflag:s15] =	ssyncadd.s32 $0xFFFFD800  }
0x72: {  	[tilespmem:s26], [sflag:$0x1] =	stream.indirect.gather [hbm4b:s13+s31], $0x80, s19, s31, $0xb8;
	v63 =	vld [tilespmem:$0x0]  }
0x73: {  	s20 =	simm.s32 $0x14480  }
0x74: {  	[tilespmem:s2], [sflag:$0x1] =	stream.indirect.gather [hbm4b:s13+s31], $0x80, s20, s31, $0xb8;
	v63 =	vld [tilespmem:$0x0]  }
0x75: {  	s21 =	simm.s32 $0x14500  }
0x76: {  	[tilespmem:s6], [sflag:$0x1] =	stream.indirect.gather [hbm4b:s13+s31], $0x80, s21, s31, $0xb8;
	v63 =	vld [tilespmem:$0x0]  }
0x77: {  	s22 =	simm.s32 $0x14580  }
0x78: {  	[tilespmem:s8], [sflag:$0x1] =	stream.indirect.gather [hbm4b:s13+s31], $0x80, s22, s31, $0xb8;
	v63 =	vld [tilespmem:$0x0]  }
0x79: {  	_ =	swait.ge [sflag:s9], $0x2800  }
0x7a: {  	[sflag:s9] =	ssyncset.done $0x0  }
0x7b: {  	s23 =	simm.s32 $0x15400;
	[sflag:s9] =	ssyncadd.s32 $0xFFFFD800  }
0x7c: {  	[spmem:s3] =	stream.indirect.scatter.add.f32 [tilespmem:s26], [sflag:$0x2], $0x80, s23, s31, $0xb8;
	v63 =	vld [tilespmem:$0x0]  }
0x7d: {  	_ =	swait.ge [sflag:s9], $0x2800  }
0x7e: {  	[sflag:s9] =	ssyncset.done $0x0  }
0x7f: {  	s24 =	simm.s32 $0x15480;
	[sflag:s9] =	ssyncadd.s32 $0xFFFFD800  }
0x80: {  	[spmem:s3] =	stream.indirect.scatter.add.f32 [tilespmem:s2], [sflag:$0x2], $0x80, s24, s31, $0xb8;
	v63 =	vld [tilespmem:$0x0]  }
0x81: {  	_ =	swait.ge [sflag:s9], $0x2800  }
0x82: {  	[sflag:s9] =	ssyncset.done $0x0  }
0x83: {  	s5 =	simm.s32 $0x15500;
	[sflag:s9] =	ssyncadd.s32 $0xFFFFD800  }
0x84: {  	[spmem:s3] =	stream.indirect.scatter.add.f32 [tilespmem:s6], [sflag:$0x2], $0x80, s5, s31, $0xb8;
	v63 =	vld [tilespmem:$0x0]  }
0x85: {  	_ =	swait.ge [sflag:s9], $0x2800  }
0x86: {  	[sflag:s9] =	ssyncset.done $0x0  }
0x87: {  	s7 =	simm.s32 $0x15580;
	[sflag:s9] =	ssyncadd.s32 $0xFFFFD800  }
0x88: {  	[spmem:s3] =	stream.indirect.scatter.add.f32 [tilespmem:s8], [sflag:$0x2], $0x80, s7, s31, $0xb8;
	v63 =	vld [tilespmem:$0x0]  }
0x89: {  	_ =	swait.ge [sflag:s15], $0x2800  }
0x8a: {  	[sflag:s15] =	ssyncset.done $0x0  }
0x8b: {  	[sflag:s15] =	ssyncadd.s32 $0xFFFFD800  }
0x8c: {  	_ =	swait.ge [sflag:s15], $0x2800  }
0x8d: {  	[sflag:s15] =	ssyncset.done $0x0  }
0x8e: {  	[sflag:s15] =	ssyncadd.s32 $0xFFFFD800  }
0x8f: {  	_ =	swait.ge [sflag:s15], $0x2800  }
0x90: {  	[sflag:s15] =	ssyncset.done $0x0  }
0x91: {  	[sflag:s15] =	ssyncadd.s32 $0xFFFFD800  }
0x92: {  	_ =	swait.ge [sflag:s15], $0x2800  }
0x93: {  	[sflag:s15] =	ssyncset.done $0x0  }
0x94: {  	s10 =	simm.s32 $0x14600;
	[sflag:s15] =	ssyncadd.s32 $0xFFFFD800  }
0x95: {  	[tilespmem:s26], [sflag:$0x1] =	stream.indirect.gather [hbm4b:s13+s31], $0x80, s10, s31, $0xb8;
	v63 =	vld [tilespmem:$0x0]  }
0x96: {  	s11 =	simm.s32 $0x14680  }
0x97: {  	[tilespmem:s2], [sflag:$0x1] =	stream.indirect.gather [hbm4b:s13+s31], $0x80, s11, s31, $0xb8;
	v63 =	vld [tilespmem:$0x0]  }
0x98: {  	s12 =	simm.s32 $0x14700  }
0x99: {  	[tilespmem:s6], [sflag:$0x1] =	stream.indirect.gather [hbm4b:s13+s31], $0x80, s12, s31, $0xb8;
	v63 =	vld [tilespmem:$0x0]  }
0x9a: {  	s16 =	simm.s32 $0x14780  }
0x9b: {  	[tilespmem:s8], [sflag:$0x1] =	stream.indirect.gather [hbm4b:s13+s31], $0x80, s16, s31, $0xb8;
	v63 =	vld [tilespmem:$0x0]  }
0x9c: {  	_ =	swait.ge [sflag:s9], $0x2800  }
0x9d: {  	[sflag:s9] =	ssyncset.done $0x0  }
0x9e: {  	s17 =	simm.s32 $0x15600;
	[sflag:s9] =	ssyncadd.s32 $0xFFFFD800  }
0x9f: {  	[spmem:s3] =	stream.indirect.scatter.add.f32 [tilespmem:s26], [sflag:$0x2], $0x80, s17, s31, $0xb8;
	v63 =	vld [tilespmem:$0x0]  }
0xa0: {  	_ =	swait.ge [sflag:s9], $0x2800  }
0xa1: {  	[sflag:s9] =	ssyncset.done $0x0  }
0xa2: {  	s18 =	simm.s32 $0x15680;
	[sflag:s9] =	ssyncadd.s32 $0xFFFFD800  }
0xa3: {  	[spmem:s3] =	stream.indirect.scatter.add.f32 [tilespmem:s2], [sflag:$0x2], $0x80, s18, s31, $0xb8;
	v63 =	vld [tilespmem:$0x0]  }
0xa4: {  	_ =	swait.ge [sflag:s9], $0x2800  }
0xa5: {  	[sflag:s9] =	ssyncset.done $0x0  }
0xa6: {  	s19 =	simm.s32 $0x15700;
	[sflag:s9] =	ssyncadd.s32 $0xFFFFD800  }
0xa7: {  	[spmem:s3] =	stream.indirect.scatter.add.f32 [tilespmem:s6], [sflag:$0x2], $0x80, s19, s31, $0xb8;
	v63 =	vld [tilespmem:$0x0]  }
0xa8: {  	_ =	swait.ge [sflag:s9], $0x2800  }
0xa9: {  	[sflag:s9] =	ssyncset.done $0x0  }
0xaa: {  	s20 =	simm.s32 $0x15780;
	[sflag:s9] =	ssyncadd.s32 $0xFFFFD800  }
0xab: {  	[spmem:s3] =	stream.indirect.scatter.add.f32 [tilespmem:s8], [sflag:$0x2], $0x80, s20, s31, $0xb8;
	v63 =	vld [tilespmem:$0x0]  }
0xac: {  	_ =	swait.ge [sflag:s15], $0x2800  }
0xad: {  	[sflag:s15] =	ssyncset.done $0x0  }
0xae: {  	[sflag:s15] =	ssyncadd.s32 $0xFFFFD800  }
0xaf: {  	_ =	swait.ge [sflag:s15], $0x2800  }
0xb0: {  	[sflag:s15] =	ssyncset.done $0x0  }
0xb1: {  	[sflag:s15] =	ssyncadd.s32 $0xFFFFD800  }
0xb2: {  	_ =	swait.ge [sflag:s15], $0x2800  }
0xb3: {  	[sflag:s15] =	ssyncset.done $0x0  }
0xb4: {  	[sflag:s15] =	ssyncadd.s32 $0xFFFFD800  }
0xb5: {  	_ =	swait.ge [sflag:s15], $0x2800  }
0xb6: {  	[sflag:s15] =	ssyncset.done $0x0  }
0xb7: {  	s21 =	simm.s32 $0x14800;
	[sflag:s15] =	ssyncadd.s32 $0xFFFFD800  }
0xb8: {  	[tilespmem:s26], [sflag:$0x1] =	stream.indirect.gather [hbm4b:s13+s31], $0x80, s21, s31, $0xb8;
	v63 =	vld [tilespmem:$0x0]  }
0xb9: {  	s22 =	simm.s32 $0x14880  }
0xba: {  	[tilespmem:s2], [sflag:$0x1] =	stream.indirect.gather [hbm4b:s13+s31], $0x80, s22, s31, $0xb8;
	v63 =	vld [tilespmem:$0x0]  }
0xbb: {  	s23 =	simm.s32 $0x14900  }
0xbc: {  	[tilespmem:s6], [sflag:$0x1] =	stream.indirect.gather [hbm4b:s13+s31], $0x80, s23, s31, $0xb8;
	v63 =	vld [tilespmem:$0x0]  }
0xbd: {  	s24 =	simm.s32 $0x14980  }
0xbe: {  	[tilespmem:s8], [sflag:$0x1] =	stream.indirect.gather [hbm4b:s13+s31], $0x80, s24, s31, $0xb8;
	v63 =	vld [tilespmem:$0x0]  }
0xbf: {  	_ =	swait.ge [sflag:s9], $0x2800  }
0xc0: {  	[sflag:s9] =	ssyncset.done $0x0  }
0xc1: {  	s5 =	simm.s32 $0x15800;
	[sflag:s9] =	ssyncadd.s32 $0xFFFFD800  }
0xc2: {  	[spmem:s3] =	stream.indirect.scatter.add.f32 [tilespmem:s26], [sflag:$0x2], $0x80, s5, s31, $0xb8;
	v63 =	vld [tilespmem:$0x0]  }
0xc3: {  	_ =	swait.ge [sflag:s9], $0x2800  }
0xc4: {  	[sflag:s9] =	ssyncset.done $0x0  }
0xc5: {  	s7 =	simm.s32 $0x15880;
	[sflag:s9] =	ssyncadd.s32 $0xFFFFD800  }
0xc6: {  	[spmem:s3] =	stream.indirect.scatter.add.f32 [tilespmem:s2], [sflag:$0x2], $0x80, s7, s31, $0xb8;
	v63 =	vld [tilespmem:$0x0]  }
0xc7: {  	_ =	swait.ge [sflag:s9], $0x2800  }
0xc8: {  	[sflag:s9] =	ssyncset.done $0x0  }
0xc9: {  	s10 =	simm.s32 $0x15900;
	[sflag:s9] =	ssyncadd.s32 $0xFFFFD800  }
0xca: {  	[spmem:s3] =	stream.indirect.scatter.add.f32 [tilespmem:s6], [sflag:$0x2], $0x80, s10, s31, $0xb8;
	v63 =	vld [tilespmem:$0x0]  }
0xcb: {  	_ =	swait.ge [sflag:s9], $0x2800  }
0xcc: {  	[sflag:s9] =	ssyncset.done $0x0  }
0xcd: {  	s11 =	simm.s32 $0x15980;
	[sflag:s9] =	ssyncadd.s32 $0xFFFFD800  }
0xce: {  	[spmem:s3] =	stream.indirect.scatter.add.f32 [tilespmem:s8], [sflag:$0x2], $0x80, s11, s31, $0xb8;
	v63 =	vld [tilespmem:$0x0]  }
0xcf: {  	_ =	swait.ge [sflag:s15], $0x2800  }
0xd0: {  	[sflag:s15] =	ssyncset.done $0x0  }
0xd1: {  	[sflag:s15] =	ssyncadd.s32 $0xFFFFD800  }
0xd2: {  	_ =	swait.ge [sflag:s15], $0x2800  }
0xd3: {  	[sflag:s15] =	ssyncset.done $0x0  }
0xd4: {  	[sflag:s15] =	ssyncadd.s32 $0xFFFFD800  }
0xd5: {  	_ =	swait.ge [sflag:s15], $0x2800  }
0xd6: {  	[sflag:s15] =	ssyncset.done $0x0  }
0xd7: {  	[sflag:s15] =	ssyncadd.s32 $0xFFFFD800  }
0xd8: {  	_ =	swait.ge [sflag:s15], $0x2800  }
0xd9: {  	[sflag:s15] =	ssyncset.done $0x0  }
0xda: {  	s12 =	simm.s32 $0x14A00;
	[sflag:s15] =	ssyncadd.s32 $0xFFFFD800  }
0xdb: {  	[tilespmem:s26], [sflag:$0x1] =	stream.indirect.gather [hbm4b:s13+s31], $0x80, s12, s31, $0xb8;
	v63 =	vld [tilespmem:$0x0]  }
0xdc: {  	s16 =	simm.s32 $0x14A80  }
0xdd: {  	[tilespmem:s2], [sflag:$0x1] =	stream.indirect.gather [hbm4b:s13+s31], $0x80, s16, s31, $0xb8;
	v63 =	vld [tilespmem:$0x0]  }
0xde: {  	s17 =	simm.s32 $0x14B00  }
0xdf: {  	[tilespmem:s6], [sflag:$0x1] =	stream.indirect.gather [hbm4b:s13+s31], $0x80, s17, s31, $0xb8;
	v63 =	vld [tilespmem:$0x0]  }
0xe0: {  	s18 =	simm.s32 $0x14B80  }
0xe1: {  	[tilespmem:s8], [sflag:$0x1] =	stream.indirect.gather [hbm4b:s13+s31], $0x80, s18, s31, $0xb8;
	v63 =	vld [tilespmem:$0x0]  }
0xe2: {  	_ =	swait.ge [sflag:s9], $0x2800  }
0xe3: {  	[sflag:s9] =	ssyncset.done $0x0  }
0xe4: {  	s19 =	simm.s32 $0x15A00;
	[sflag:s9] =	ssyncadd.s32 $0xFFFFD800  }
0xe5: {  	[spmem:s3] =	stream.indirect.scatter.add.f32 [tilespmem:s26], [sflag:$0x2], $0x80, s19, s31, $0xb8;
	v63 =	vld [tilespmem:$0x0]  }
0xe6: {  	_ =	swait.ge [sflag:s9], $0x2800  }
0xe7: {  	[sflag:s9] =	ssyncset.done $0x0  }
0xe8: {  	s20 =	simm.s32 $0x15A80;
	[sflag:s9] =	ssyncadd.s32 $0xFFFFD800  }
0xe9: {  	[spmem:s3] =	stream.indirect.scatter.add.f32 [tilespmem:s2], [sflag:$0x2], $0x80, s20, s31, $0xb8;
	v63 =	vld [tilespmem:$0x0]  }
0xea: {  	_ =	swait.ge [sflag:s9], $0x2800  }
0xeb: {  	[sflag:s9] =	ssyncset.done $0x0  }
0xec: {  	s21 =	simm.s32 $0x15B00;
	[sflag:s9] =	ssyncadd.s32 $0xFFFFD800  }
0xed: {  	[spmem:s3] =	stream.indirect.scatter.add.f32 [tilespmem:s6], [sflag:$0x2], $0x80, s21, s31, $0xb8;
	v63 =	vld [tilespmem:$0x0]  }
0xee: {  	_ =	swait.ge [sflag:s9], $0x2800  }
0xef: {  	[sflag:s9] =	ssyncset.done $0x0  }
0xf0: {  	s22 =	simm.s32 $0x15B80;
	[sflag:s9] =	ssyncadd.s32 $0xFFFFD800  }
0xf1: {  	[spmem:s3] =	stream.indirect.scatter.add.f32 [tilespmem:s8], [sflag:$0x2], $0x80, s22, s31, $0xb8;
	v63 =	vld [tilespmem:$0x0]  }
0xf2: {  	_ =	swait.ge [sflag:s15], $0x2800  }
0xf3: {  	[sflag:s15] =	ssyncset.done $0x0  }
0xf4: {  	[sflag:s15] =	ssyncadd.s32 $0xFFFFD800  }
0xf5: {  	_ =	swait.ge [sflag:s15], $0x2800  }
0xf6: {  	[sflag:s15] =	ssyncset.done $0x0  }
0xf7: {  	[sflag:s15] =	ssyncadd.s32 $0xFFFFD800  }
0xf8: {  	_ =	swait.ge [sflag:s15], $0x2800  }
0xf9: {  	[sflag:s15] =	ssyncset.done $0x0  }
0xfa: {  	[sflag:s15] =	ssyncadd.s32 $0xFFFFD800  }
0xfb: {  	_ =	swait.ge [sflag:s15], $0x2800  }
0xfc: {  	[sflag:s15] =	ssyncset.done $0x0  }
0xfd: {  	s23 =	simm.s32 $0x14C00;
	[sflag:s15] =	ssyncadd.s32 $0xFFFFD800  }
0xfe: {  	[tilespmem:s26], [sflag:$0x3] =	stream.indirect.gather [hbm4b:s13+s31], $0x80, s23, s31, $0xb8;
	v63 =	vld [tilespmem:$0x0]  }
0xff: {  	_ =	swait.ge [sflag:s28], $0x2800  }
0x100: {  	[sflag:s28] =	ssyncset.done $0x0  }
0x101: {  	s24 =	simm.s32 $0x15C00;
	[sflag:s28] =	ssyncadd.s32 $0xFFFFD800  }
0x102: {  	[spmem:s3] =	stream.indirect.scatter.add.f32 [tilespmem:s26], [sflag:$0x3], $0x80, s24, s31, $0xb8;
	v63 =	vld [tilespmem:$0x0]  }
0x103: {  	_ =	swait.ge [sflag:s28], $0x2800  }
0x104: {  	[sflag:s28] =	ssyncset.done $0x0  }
0x105: {  	s0 =	rddreg [dreg:$0x17];
	[sflag:s28] =	ssyncadd.s32 $0xFFFFD800  }
.LBB2_8:
0x106: {  	[bflag:$0x0] =	sbarrier.arrive $0xFFFF  }
0x107: {  	s5 =	rddreg [dreg:$0xe]  }
0x108: {  	[tilespmem:s26], [sflag:$0x3] =	stream.linear.gather [spmem:s5], $0x2800, $0x38;
	v63 =	vld [tilespmem:$0x0]  }
0x109: {  	_ =	swait.ge [sflag:s28], $0x2800  }
0x10a: {  	[sflag:s28] =	ssyncset.done $0x0  }
0x10b: {  	s10 =	rddreg [dreg:$0x5];
	[sflag:s28] =	ssyncadd.s32 $0xFFFFD800  }
0x10c: {  	[hbm4b:s10+s4] =	stream.linear.scatter [tilespmem:s26], [sflag:$0x2], $0x2800, $0x38;
	v63 =	vld [tilespmem:$0x0]  }
0x10d: {  	s20 =	rddreg [dreg:$0xf]  }
0x10e: {  	[tilespmem:s2], [sflag:$0x3] =	stream.linear.gather [spmem:s20], $0x2800, $0x38;
	v63 =	vld [tilespmem:$0x0]  }
0x10f: {  	_ =	swait.ge [sflag:s28], $0x2800  }
0x110: {  	[sflag:s28] =	ssyncset.done $0x0  }
0x111: {  	s7 =	rddreg [dreg:$0x6];
	[sflag:s28] =	ssyncadd.s32 $0xFFFFD800  }
0x112: {  	[hbm4b:s7+s4] =	stream.linear.scatter [tilespmem:s2], [sflag:$0x2], $0x2800, $0x38;
	v63 =	vld [tilespmem:$0x0]  }
0x113: {  	s21 =	rddreg [dreg:$0x10]  }
0x114: {  	[tilespmem:s6], [sflag:$0x3] =	stream.linear.gather [spmem:s21], $0x2800, $0x38;
	v63 =	vld [tilespmem:$0x0]  }
0x115: {  	_ =	swait.ge [sflag:s28], $0x2800  }
0x116: {  	[sflag:s28] =	ssyncset.done $0x0  }
0x117: {  	s11 =	rddreg [dreg:$0x7];
	[sflag:s28] =	ssyncadd.s32 $0xFFFFD800  }
0x118: {  	[hbm4b:s11+s4] =	stream.linear.scatter [tilespmem:s6], [sflag:$0x2], $0x2800, $0x38;
	v63 =	vld [tilespmem:$0x0]  }
0x119: {  	s22 =	rddreg [dreg:$0x11]  }
0x11a: {  	[tilespmem:s8], [sflag:$0x3] =	stream.linear.gather [spmem:s22], $0x2800, $0x38;
	v63 =	vld [tilespmem:$0x0]  }
0x11b: {  	_ =	swait.ge [sflag:s28], $0x2800  }
0x11c: {  	[sflag:s28] =	ssyncset.done $0x0  }
0x11d: {  	s12 =	rddreg [dreg:$0x8];
	[sflag:s28] =	ssyncadd.s32 $0xFFFFD800  }
0x11e: {  	[hbm4b:s12+s4] =	stream.linear.scatter [tilespmem:s8], [sflag:$0x2], $0x2800, $0x38;
	v63 =	vld [tilespmem:$0x0]  }
0x11f: {  	_ =	swait.ge [sflag:s15], $0x2800  }
0x120: {  	[sflag:s15] =	ssyncset.done $0x0  }
0x121: {  	[sflag:s15] =	ssyncadd.s32 $0xFFFFD800  }
0x122: {  	_ =	swait.ge [sflag:s15], $0x2800  }
0x123: {  	[sflag:s15] =	ssyncset.done $0x0  }
0x124: {  	[sflag:s15] =	ssyncadd.s32 $0xFFFFD800  }
0x125: {  	_ =	swait.ge [sflag:s15], $0x2800  }
0x126: {  	[sflag:s15] =	ssyncset.done $0x0  }
0x127: {  	[sflag:s15] =	ssyncadd.s32 $0xFFFFD800  }
0x128: {  	_ =	swait.ge [sflag:s15], $0x2800  }
0x129: {  	[sflag:s15] =	ssyncset.done $0x0  }
0x12a: {  	s11 =	rddreg [dreg:$0x12];
	[sflag:s15] =	ssyncadd.s32 $0xFFFFD800  }
0x12b: {  	[tilespmem:s26], [sflag:$0x3] =	stream.linear.gather [spmem:s11], $0x2800, $0x38;
	v63 =	vld [tilespmem:$0x0]  }
0x12c: {  	_ =	swait.ge [sflag:s28], $0x2800  }
0x12d: {  	[sflag:s28] =	ssyncset.done $0x0  }
0x12e: {  	s16 =	rddreg [dreg:$0x9];
	[sflag:s28] =	ssyncadd.s32 $0xFFFFD800  }
0x12f: {  	[hbm4b:s16+s4] =	stream.linear.scatter [tilespmem:s26], [sflag:$0x2], $0x2800, $0x38;
	v63 =	vld [tilespmem:$0x0]  }
0x130: {  	s12 =	rddreg [dreg:$0x13]  }
0x131: {  	[tilespmem:s2], [sflag:$0x3] =	stream.linear.gather [spmem:s12], $0x2800, $0x38;
	v63 =	vld [tilespmem:$0x0]  }
0x132: {  	_ =	swait.ge [sflag:s28], $0x2800  }
0x133: {  	[sflag:s28] =	ssyncset.done $0x0  }
0x134: {  	s17 =	rddreg [dreg:$0xa];
	[sflag:s28] =	ssyncadd.s32 $0xFFFFD800  }
0x135: {  	[hbm4b:s17+s4] =	stream.linear.scatter [tilespmem:s2], [sflag:$0x2], $0x2800, $0x38;
	v63 =	vld [tilespmem:$0x0]  }
0x136: {  	s24 =	rddreg [dreg:$0x14]  }
0x137: {  	[tilespmem:s6], [sflag:$0x3] =	stream.linear.gather [spmem:s24], $0x2800, $0x38;
	v63 =	vld [tilespmem:$0x0]  }
0x138: {  	_ =	swait.ge [sflag:s28], $0x2800  }
0x139: {  	[sflag:s28] =	ssyncset.done $0x0  }
0x13a: {  	s18 =	rddreg [dreg:$0xb];
	[sflag:s28] =	ssyncadd.s32 $0xFFFFD800  }
0x13b: {  	[hbm4b:s18+s4] =	stream.linear.scatter [tilespmem:s6], [sflag:$0x2], $0x2800, $0x38;
	v63 =	vld [tilespmem:$0x0]  }
0x13c: {  	s16 =	rddreg [dreg:$0x15]  }
0x13d: {  	[tilespmem:s8], [sflag:$0x3] =	stream.linear.gather [spmem:s16], $0x2800, $0x38;
	v63 =	vld [tilespmem:$0x0]  }
0x13e: {  	_ =	swait.ge [sflag:s28], $0x2800  }
0x13f: {  	[sflag:s28] =	ssyncset.done $0x0  }
0x140: {  	s19 =	rddreg [dreg:$0xc];
	[sflag:s28] =	ssyncadd.s32 $0xFFFFD800  }
0x141: {  	[hbm4b:s19+s4] =	stream.linear.scatter [tilespmem:s8], [sflag:$0x2], $0x2800, $0x38;
	v63 =	vld [tilespmem:$0x0]  }
0x142: {  	_ =	swait.ge [sflag:s15], $0x2800  }
0x143: {  	[sflag:s15] =	ssyncset.done $0x0  }
0x144: {  	[sflag:s15] =	ssyncadd.s32 $0xFFFFD800  }
0x145: {  	_ =	swait.ge [sflag:s15], $0x2800  }
0x146: {  	[sflag:s15] =	ssyncset.done $0x0  }
0x147: {  	[sflag:s15] =	ssyncadd.s32 $0xFFFFD800  }
0x148: {  	_ =	swait.ge [sflag:s15], $0x2800  }
0x149: {  	[sflag:s15] =	ssyncset.done $0x0  }
0x14a: {  	[sflag:s15] =	ssyncadd.s32 $0xFFFFD800  }
0x14b: {  	_ =	swait.ge [sflag:s15], $0x2800  }
0x14c: {  	s0 =	sadd.s32 $0x1, s0;
	s23 =	rddreg [dreg:$0x16]  }
0x14d: {  	p1 =	sne.s32 s0, s23  }
.Ltmp1:
0x14e: {  	_ = 	snop;
	(pc) =	sbr.rel @!p1 .LBB2_9-.Ltmp1, $3  }
0x14f: {  	_ =	sdelay $0x1  }
0x150: {  	[sflag:s15] =	ssyncset.done $0x0  }
0x151: {  	[sflag:s15] =	ssyncadd.s32 $0xFFFFD800  }
.LBB2_1:
0x152: {  	[dreg:$0x17] =	wrdreg s0  }
0x153: {  	s10 =	rddreg [dreg:$0xd]  }
0x154: {  	[tilespmem:s26], [sflag:$0x3] =	stream.linear.gather [hbm4b:s10+s4], $0x2800, $0x38;
	v63 =	vld [tilespmem:$0x0]  }
0x155: {  	_ =	swait.ge [sflag:s28], $0x2800  }
0x156: {  	[sflag:s28] =	ssyncset.done $0x0  }
0x157: {  	[sflag:s28] =	ssyncadd.s32 $0xFFFFD800  }
0x158: {  	[spmem:s5] =	stream.linear.scatter [tilespmem:s26], [sflag:$0x3], $0x2800, $0x38;
	v63 =	vld [tilespmem:$0x0]  }
0x159: {  	_ =	swait.ge [sflag:s28], $0x2800  }
0x15a: {  	[sflag:s28] =	ssyncset.done $0x0  }
0x15b: {  	[sflag:s28] =	ssyncadd.s32 $0xFFFFD800  }
0x15c: {  	[spmem:s20] =	stream.linear.scatter [tilespmem:s26], [sflag:$0x3], $0x2800, $0x38;
	v63 =	vld [tilespmem:$0x0]  }
0x15d: {  	_ =	swait.ge [sflag:s28], $0x2800  }
0x15e: {  	[sflag:s28] =	ssyncset.done $0x0  }
0x15f: {  	[sflag:s28] =	ssyncadd.s32 $0xFFFFD800  }
0x160: {  	[spmem:s21] =	stream.linear.scatter [tilespmem:s26], [sflag:$0x3], $0x2800, $0x38;
	v63 =	vld [tilespmem:$0x0]  }
0x161: {  	_ =	swait.ge [sflag:s28], $0x2800  }
0x162: {  	[sflag:s28] =	ssyncset.done $0x0  }
0x163: {  	[sflag:s28] =	ssyncadd.s32 $0xFFFFD800  }
0x164: {  	[spmem:s22] =	stream.linear.scatter [tilespmem:s26], [sflag:$0x3], $0x2800, $0x38;
	v63 =	vld [tilespmem:$0x0]  }
0x165: {  	_ =	swait.ge [sflag:s28], $0x2800  }
0x166: {  	[sflag:s28] =	ssyncset.done $0x0  }
0x167: {  	[sflag:s28] =	ssyncadd.s32 $0xFFFFD800  }
0x168: {  	[spmem:s11] =	stream.linear.scatter [tilespmem:s26], [sflag:$0x3], $0x2800, $0x38;
	v63 =	vld [tilespmem:$0x0]  }
0x169: {  	_ =	swait.ge [sflag:s28], $0x2800  }
0x16a: {  	[sflag:s28] =	ssyncset.done $0x0  }
0x16b: {  	[sflag:s28] =	ssyncadd.s32 $0xFFFFD800  }
0x16c: {  	[spmem:s12] =	stream.linear.scatter [tilespmem:s26], [sflag:$0x3], $0x2800, $0x38;
	v63 =	vld [tilespmem:$0x0]  }
0x16d: {  	_ =	swait.ge [sflag:s28], $0x2800  }
0x16e: {  	[sflag:s28] =	ssyncset.done $0x0  }
0x16f: {  	[sflag:s28] =	ssyncadd.s32 $0xFFFFD800  }
0x170: {  	[spmem:s24] =	stream.linear.scatter [tilespmem:s26], [sflag:$0x3], $0x2800, $0x38;
	v63 =	vld [tilespmem:$0x0]  }
0x171: {  	_ =	swait.ge [sflag:s28], $0x2800  }
0x172: {  	[sflag:s28] =	ssyncset.done $0x0  }
0x173: {  	[sflag:s28] =	ssyncadd.s32 $0xFFFFD800  }
0x174: {  	[spmem:s16] =	stream.linear.scatter [tilespmem:s26], [sflag:$0x3], $0x2800, $0x38;
	v63 =	vld [tilespmem:$0x0]  }
.Ltmp2:
0x175: {  	_ =	swait.ge [sflag:s28], $0x2800;
	(pc) =	sbr.rel @!p0 .LBB2_2-.Ltmp2, $4  }
0x176: {  	[sflag:s28] =	ssyncset.done $0x0  }
0x177: {  	[sflag:s28] =	ssyncadd.s32 $0xFFFFD800  }
0x178: {  	[bflag:$0x0] =	sbarrier.arrive $0xFFFF  }
0x179: {  	s10 =	sadd.s32 $0x0, s25  }
0x17a: {  	[tilespmem:s29], [sflag:$0x3] =	stream.linear.gather [hbm4b:s10+s4], $0xC80, $0x38;
	v63 =	vld [tilespmem:$0x0]  }
0x17b: {  	_ =	swait.ge [sflag:s28], $0xC80  }
0x17c: {  	[sflag:s28] =	ssyncset.done $0x0  }
0x17d: {  	s0 =	sadd.s32 $0x0, s14;
	[sflag:s28] =	ssyncadd.s32 $0xFFFFF380  }
0x17e: {  	[tilespmem:s30], [sflag:$0x3] =	stream.linear.gather [hbm4b:s0+s4], $0xC80, $0x38;
	v63 =	vld [tilespmem:$0x0]  }
0x17f: {  	_ =	swait.ge [sflag:s28], $0xC80  }
0x180: {  	[sflag:s28] =	ssyncset.done $0x0  }
0x181: {  	[sflag:s28] =	ssyncadd.s32 $0xFFFFF380  }
0x182: {  	[tilespmem:s26], [sflag:$0x1] =	stream.indirect.gather [hbm4b:s13+s31], $0x80, s29, s31, $0xb8;
	v63 =	vld [tilespmem:$0x0]  }
0x183: {  	s5 =	simm.s32 $0x14080  }
0x184: {  	[tilespmem:s2], [sflag:$0x1] =	stream.indirect.gather [hbm4b:s13+s31], $0x80, s5, s31, $0xb8;
	v63 =	vld [tilespmem:$0x0]  }
0x185: {  	s7 =	simm.s32 $0x14100  }
0x186: {  	[tilespmem:s6], [sflag:$0x1] =	stream.indirect.gather [hbm4b:s13+s31], $0x80, s7, s31, $0xb8;
	v63 =	vld [tilespmem:$0x0]  }
0x187: {  	s17 =	simm.s32 $0x14180  }
0x188: {  	[tilespmem:s8], [sflag:$0x1] =	stream.indirect.gather [hbm4b:s13+s31], $0x80, s17, s31, $0xb8;
	v63 =	vld [tilespmem:$0x0]  }
0x189: {  	_ =	swait.ge [sflag:s9], $0x2800  }
0x18a: {  	[sflag:s9] =	ssyncset.done $0x0  }
0x18b: {  	[sflag:s9] =	ssyncadd.s32 $0xFFFFD800  }
0x18c: {  	[spmem:s3] =	stream.indirect.scatter.add.f32 [tilespmem:s26], [sflag:$0x2], $0x80, s30, s31, $0xb8;
	v63 =	vld [tilespmem:$0x0]  }
0x18d: {  	_ =	swait.ge [sflag:s9], $0x2800  }
0x18e: {  	[sflag:s9] =	ssyncset.done $0x0  }
0x18f: {  	s18 =	simm.s32 $0x15080;
	[sflag:s9] =	ssyncadd.s32 $0xFFFFD800  }
0x190: {  	[spmem:s3] =	stream.indirect.scatter.add.f32 [tilespmem:s2], [sflag:$0x2], $0x80, s18, s31, $0xb8;
	v63 =	vld [tilespmem:$0x0]  }
0x191: {  	_ =	swait.ge [sflag:s9], $0x2800  }
0x192: {  	[sflag:s9] =	ssyncset.done $0x0  }
0x193: {  	s19 =	simm.s32 $0x15100;
	[sflag:s9] =	ssyncadd.s32 $0xFFFFD800  }
0x194: {  	[spmem:s3] =	stream.indirect.scatter.add.f32 [tilespmem:s6], [sflag:$0x2], $0x80, s19, s31, $0xb8;
	v63 =	vld [tilespmem:$0x0]  }
0x195: {  	_ =	swait.ge [sflag:s9], $0x2800  }
0x196: {  	[sflag:s9] =	ssyncset.done $0x0  }
0x197: {  	s20 =	simm.s32 $0x15180;
	[sflag:s9] =	ssyncadd.s32 $0xFFFFD800  }
0x198: {  	[spmem:s3] =	stream.indirect.scatter.add.f32 [tilespmem:s8], [sflag:$0x2], $0x80, s20, s31, $0xb8;
	v63 =	vld [tilespmem:$0x0]  }
0x199: {  	_ =	swait.ge [sflag:s15], $0x2800  }
0x19a: {  	[sflag:s15] =	ssyncset.done $0x0  }
0x19b: {  	[sflag:s15] =	ssyncadd.s32 $0xFFFFD800  }
0x19c: {  	_ =	swait.ge [sflag:s15], $0x2800  }
0x19d: {  	[sflag:s15] =	ssyncset.done $0x0  }
0x19e: {  	[sflag:s15] =	ssyncadd.s32 $0xFFFFD800  }
0x19f: {  	_ =	swait.ge [sflag:s15], $0x2800  }
0x1a0: {  	[sflag:s15] =	ssyncset.done $0x0  }
0x1a1: {  	[sflag:s15] =	ssyncadd.s32 $0xFFFFD800  }
0x1a2: {  	_ =	swait.ge [sflag:s15], $0x2800  }
0x1a3: {  	[sflag:s15] =	ssyncset.done $0x0  }
0x1a4: {  	s21 =	simm.s32 $0x14200;
	[sflag:s15] =	ssyncadd.s32 $0xFFFFD800  }
0x1a5: {  	[tilespmem:s26], [sflag:$0x1] =	stream.indirect.gather [hbm4b:s13+s31], $0x80, s21, s31, $0xb8;
	v63 =	vld [tilespmem:$0x0]  }
0x1a6: {  	s22 =	simm.s32 $0x14280  }
0x1a7: {  	[tilespmem:s2], [sflag:$0x1] =	stream.indirect.gather [hbm4b:s13+s31], $0x80, s22, s31, $0xb8;
	v63 =	vld [tilespmem:$0x0]  }
0x1a8: {  	s23 =	simm.s32 $0x14300  }
0x1a9: {  	[tilespmem:s6], [sflag:$0x1] =	stream.indirect.gather [hbm4b:s13+s31], $0x80, s23, s31, $0xb8;
	v63 =	vld [tilespmem:$0x0]  }
0x1aa: {  	s0 =	simm.s32 $0x14380  }
0x1ab: {  	[tilespmem:s8], [sflag:$0x1] =	stream.indirect.gather [hbm4b:s13+s31], $0x80, s0, s31, $0xb8;
	v63 =	vld [tilespmem:$0x0]  }
0x1ac: {  	_ =	swait.ge [sflag:s9], $0x2800  }
0x1ad: {  	[sflag:s9] =	ssyncset.done $0x0  }
0x1ae: {  	s5 =	simm.s32 $0x15200;
	[sflag:s9] =	ssyncadd.s32 $0xFFFFD800  }
0x1af: {  	[spmem:s3] =	stream.indirect.scatter.add.f32 [tilespmem:s26], [sflag:$0x2], $0x80, s5, s31, $0xb8;
	v63 =	vld [tilespmem:$0x0]  }
0x1b0: {  	_ =	swait.ge [sflag:s9], $0x2800  }
0x1b1: {  	[sflag:s9] =	ssyncset.done $0x0  }
0x1b2: {  	s7 =	simm.s32 $0x15280;
	[sflag:s9] =	ssyncadd.s32 $0xFFFFD800  }
0x1b3: {  	[spmem:s3] =	stream.indirect.scatter.add.f32 [tilespmem:s2], [sflag:$0x2], $0x80, s7, s31, $0xb8;
	v63 =	vld [tilespmem:$0x0]  }
0x1b4: {  	_ =	swait.ge [sflag:s9], $0x2800  }
0x1b5: {  	[sflag:s9] =	ssyncset.done $0x0  }
0x1b6: {  	s11 =	simm.s32 $0x15300;
	[sflag:s9] =	ssyncadd.s32 $0xFFFFD800  }
0x1b7: {  	[spmem:s3] =	stream.indirect.scatter.add.f32 [tilespmem:s6], [sflag:$0x2], $0x80, s11, s31, $0xb8;
	v63 =	vld [tilespmem:$0x0]  }
0x1b8: {  	_ =	swait.ge [sflag:s9], $0x2800  }
0x1b9: {  	[sflag:s9] =	ssyncset.done $0x0  }
0x1ba: {  	s12 =	simm.s32 $0x15380;
	[sflag:s9] =	ssyncadd.s32 $0xFFFFD800  }
0x1bb: {  	[spmem:s3] =	stream.indirect.scatter.add.f32 [tilespmem:s8], [sflag:$0x2], $0x80, s12, s31, $0xb8;
	v63 =	vld [tilespmem:$0x0]  }
0x1bc: {  	_ =	swait.ge [sflag:s15], $0x2800  }
0x1bd: {  	[sflag:s15] =	ssyncset.done $0x0  }
0x1be: {  	[sflag:s15] =	ssyncadd.s32 $0xFFFFD800  }
0x1bf: {  	_ =	swait.ge [sflag:s15], $0x2800  }
0x1c0: {  	[sflag:s15] =	ssyncset.done $0x0  }
0x1c1: {  	[sflag:s15] =	ssyncadd.s32 $0xFFFFD800  }
0x1c2: {  	_ =	swait.ge [sflag:s15], $0x2800  }
0x1c3: {  	[sflag:s15] =	ssyncset.done $0x0  }
0x1c4: {  	[sflag:s15] =	ssyncadd.s32 $0xFFFFD800  }
0x1c5: {  	_ =	swait.ge [sflag:s15], $0x2800  }
0x1c6: {  	[sflag:s15] =	ssyncset.done $0x0  }
0x1c7: {  	s16 =	simm.s32 $0x14400;
	[sflag:s15] =	ssyncadd.s32 $0xFFFFD800  }
0x1c8: {  	[tilespmem:s26], [sflag:$0x1] =	stream.indirect.gather [hbm4b:s13+s31], $0x80, s16, s31, $0xb8;
	v63 =	vld [tilespmem:$0x0]  }
0x1c9: {  	s24 =	simm.s32 $0x14480  }
0x1ca: {  	[tilespmem:s2], [sflag:$0x1] =	stream.indirect.gather [hbm4b:s13+s31], $0x80, s24, s31, $0xb8;
	v63 =	vld [tilespmem:$0x0]  }
0x1cb: {  	s11 =	simm.s32 $0x14500  }
0x1cc: {  	[tilespmem:s6], [sflag:$0x1] =	stream.indirect.gather [hbm4b:s13+s31], $0x80, s11, s31, $0xb8;
	v63 =	vld [tilespmem:$0x0]  }
0x1cd: {  	s12 =	simm.s32 $0x14580  }
0x1ce: {  	[tilespmem:s8], [sflag:$0x1] =	stream.indirect.gather [hbm4b:s13+s31], $0x80, s12, s31, $0xb8;
	v63 =	vld [tilespmem:$0x0]  }
0x1cf: {  	_ =	swait.ge [sflag:s9], $0x2800  }
0x1d0: {  	[sflag:s9] =	ssyncset.done $0x0  }
0x1d1: {  	s16 =	simm.s32 $0x15400;
	[sflag:s9] =	ssyncadd.s32 $0xFFFFD800  }
0x1d2: {  	[spmem:s3] =	stream.indirect.scatter.add.f32 [tilespmem:s26], [sflag:$0x2], $0x80, s16, s31, $0xb8;
	v63 =	vld [tilespmem:$0x0]  }
0x1d3: {  	_ =	swait.ge [sflag:s9], $0x2800  }
0x1d4: {  	[sflag:s9] =	ssyncset.done $0x0  }
0x1d5: {  	s24 =	simm.s32 $0x15480;
	[sflag:s9] =	ssyncadd.s32 $0xFFFFD800  }
0x1d6: {  	[spmem:s3] =	stream.indirect.scatter.add.f32 [tilespmem:s2], [sflag:$0x2], $0x80, s24, s31, $0xb8;
	v63 =	vld [tilespmem:$0x0]  }
0x1d7: {  	_ =	swait.ge [sflag:s9], $0x2800  }
0x1d8: {  	[sflag:s9] =	ssyncset.done $0x0  }
0x1d9: {  	s11 =	simm.s32 $0x15500;
	[sflag:s9] =	ssyncadd.s32 $0xFFFFD800  }
0x1da: {  	[spmem:s3] =	stream.indirect.scatter.add.f32 [tilespmem:s6], [sflag:$0x2], $0x80, s11, s31, $0xb8;
	v63 =	vld [tilespmem:$0x0]  }
0x1db: {  	_ =	swait.ge [sflag:s9], $0x2800  }
0x1dc: {  	[sflag:s9] =	ssyncset.done $0x0  }
0x1dd: {  	s12 =	simm.s32 $0x15580;
	[sflag:s9] =	ssyncadd.s32 $0xFFFFD800  }
0x1de: {  	[spmem:s3] =	stream.indirect.scatter.add.f32 [tilespmem:s8], [sflag:$0x2], $0x80, s12, s31, $0xb8;
	v63 =	vld [tilespmem:$0x0]  }
0x1df: {  	_ =	swait.ge [sflag:s15], $0x2800  }
0x1e0: {  	[sflag:s15] =	ssyncset.done $0x0  }
0x1e1: {  	[sflag:s15] =	ssyncadd.s32 $0xFFFFD800  }
0x1e2: {  	_ =	swait.ge [sflag:s15], $0x2800  }
0x1e3: {  	[sflag:s15] =	ssyncset.done $0x0  }
0x1e4: {  	[sflag:s15] =	ssyncadd.s32 $0xFFFFD800  }
0x1e5: {  	_ =	swait.ge [sflag:s15], $0x2800  }
0x1e6: {  	[sflag:s15] =	ssyncset.done $0x0  }
0x1e7: {  	[sflag:s15] =	ssyncadd.s32 $0xFFFFD800  }
0x1e8: {  	_ =	swait.ge [sflag:s15], $0x2800  }
0x1e9: {  	[sflag:s15] =	ssyncset.done $0x0  }
0x1ea: {  	s16 =	simm.s32 $0x14600;
	[sflag:s15] =	ssyncadd.s32 $0xFFFFD800  }
0x1eb: {  	[tilespmem:s26], [sflag:$0x1] =	stream.indirect.gather [hbm4b:s13+s31], $0x80, s16, s31, $0xb8;
	v63 =	vld [tilespmem:$0x0]  }
0x1ec: {  	s24 =	simm.s32 $0x14680  }
0x1ed: {  	[tilespmem:s2], [sflag:$0x1] =	stream.indirect.gather [hbm4b:s13+s31], $0x80, s24, s31, $0xb8;
	v63 =	vld [tilespmem:$0x0]  }
0x1ee: {  	s11 =	simm.s32 $0x14700  }
0x1ef: {  	[tilespmem:s6], [sflag:$0x1] =	stream.indirect.gather [hbm4b:s13+s31], $0x80, s11, s31, $0xb8;
	v63 =	vld [tilespmem:$0x0]  }
0x1f0: {  	s12 =	simm.s32 $0x14780  }
0x1f1: {  	[tilespmem:s8], [sflag:$0x1] =	stream.indirect.gather [hbm4b:s13+s31], $0x80, s12, s31, $0xb8;
	v63 =	vld [tilespmem:$0x0]  }
0x1f2: {  	_ =	swait.ge [sflag:s9], $0x2800  }
0x1f3: {  	[sflag:s9] =	ssyncset.done $0x0  }
0x1f4: {  	s16 =	simm.s32 $0x15600;
	[sflag:s9] =	ssyncadd.s32 $0xFFFFD800  }
0x1f5: {  	[spmem:s3] =	stream.indirect.scatter.add.f32 [tilespmem:s26], [sflag:$0x2], $0x80, s16, s31, $0xb8;
	v63 =	vld [tilespmem:$0x0]  }
0x1f6: {  	_ =	swait.ge [sflag:s9], $0x2800  }
0x1f7: {  	[sflag:s9] =	ssyncset.done $0x0  }
0x1f8: {  	s24 =	simm.s32 $0x15680;
	[sflag:s9] =	ssyncadd.s32 $0xFFFFD800  }
0x1f9: {  	[spmem:s3] =	stream.indirect.scatter.add.f32 [tilespmem:s2], [sflag:$0x2], $0x80, s24, s31, $0xb8;
	v63 =	vld [tilespmem:$0x0]  }
0x1fa: {  	_ =	swait.ge [sflag:s9], $0x2800  }
0x1fb: {  	[sflag:s9] =	ssyncset.done $0x0  }
0x1fc: {  	s11 =	simm.s32 $0x15700;
	[sflag:s9] =	ssyncadd.s32 $0xFFFFD800  }
0x1fd: {  	[spmem:s3] =	stream.indirect.scatter.add.f32 [tilespmem:s6], [sflag:$0x2], $0x80, s11, s31, $0xb8;
	v63 =	vld [tilespmem:$0x0]  }
0x1fe: {  	_ =	swait.ge [sflag:s9], $0x2800  }
0x1ff: {  	[sflag:s9] =	ssyncset.done $0x0  }
0x200: {  	s12 =	simm.s32 $0x15780;
	[sflag:s9] =	ssyncadd.s32 $0xFFFFD800  }
0x201: {  	[spmem:s3] =	stream.indirect.scatter.add.f32 [tilespmem:s8], [sflag:$0x2], $0x80, s12, s31, $0xb8;
	v63 =	vld [tilespmem:$0x0]  }
0x202: {  	_ =	swait.ge [sflag:s15], $0x2800  }
0x203: {  	[sflag:s15] =	ssyncset.done $0x0  }
0x204: {  	[sflag:s15] =	ssyncadd.s32 $0xFFFFD800  }
0x205: {  	_ =	swait.ge [sflag:s15], $0x2800  }
0x206: {  	[sflag:s15] =	ssyncset.done $0x0  }
0x207: {  	[sflag:s15] =	ssyncadd.s32 $0xFFFFD800  }
0x208: {  	_ =	swait.ge [sflag:s15], $0x2800  }
0x209: {  	[sflag:s15] =	ssyncset.done $0x0  }
0x20a: {  	[sflag:s15] =	ssyncadd.s32 $0xFFFFD800  }
0x20b: {  	_ =	swait.ge [sflag:s15], $0x2800  }
0x20c: {  	[sflag:s15] =	ssyncset.done $0x0  }
0x20d: {  	s16 =	simm.s32 $0x14800;
	[sflag:s15] =	ssyncadd.s32 $0xFFFFD800  }
0x20e: {  	[tilespmem:s26], [sflag:$0x1] =	stream.indirect.gather [hbm4b:s13+s31], $0x80, s16, s31, $0xb8;
	v63 =	vld [tilespmem:$0x0]  }
0x20f: {  	s24 =	simm.s32 $0x14880  }
0x210: {  	[tilespmem:s2], [sflag:$0x1] =	stream.indirect.gather [hbm4b:s13+s31], $0x80, s24, s31, $0xb8;
	v63 =	vld [tilespmem:$0x0]  }
0x211: {  	s11 =	simm.s32 $0x14900  }
0x212: {  	[tilespmem:s6], [sflag:$0x1] =	stream.indirect.gather [hbm4b:s13+s31], $0x80, s11, s31, $0xb8;
	v63 =	vld [tilespmem:$0x0]  }
0x213: {  	s12 =	simm.s32 $0x14980  }
0x214: {  	[tilespmem:s8], [sflag:$0x1] =	stream.indirect.gather [hbm4b:s13+s31], $0x80, s12, s31, $0xb8;
	v63 =	vld [tilespmem:$0x0]  }
0x215: {  	_ =	swait.ge [sflag:s9], $0x2800  }
0x216: {  	[sflag:s9] =	ssyncset.done $0x0  }
0x217: {  	s16 =	simm.s32 $0x15800;
	[sflag:s9] =	ssyncadd.s32 $0xFFFFD800  }
0x218: {  	[spmem:s3] =	stream.indirect.scatter.add.f32 [tilespmem:s26], [sflag:$0x2], $0x80, s16, s31, $0xb8;
	v63 =	vld [tilespmem:$0x0]  }
0x219: {  	_ =	swait.ge [sflag:s9], $0x2800  }
0x21a: {  	[sflag:s9] =	ssyncset.done $0x0  }
0x21b: {  	s24 =	simm.s32 $0x15880;
	[sflag:s9] =	ssyncadd.s32 $0xFFFFD800  }
0x21c: {  	[spmem:s3] =	stream.indirect.scatter.add.f32 [tilespmem:s2], [sflag:$0x2], $0x80, s24, s31, $0xb8;
	v63 =	vld [tilespmem:$0x0]  }
0x21d: {  	_ =	swait.ge [sflag:s9], $0x2800  }
0x21e: {  	[sflag:s9] =	ssyncset.done $0x0  }
0x21f: {  	s11 =	simm.s32 $0x15900;
	[sflag:s9] =	ssyncadd.s32 $0xFFFFD800  }
0x220: {  	[spmem:s3] =	stream.indirect.scatter.add.f32 [tilespmem:s6], [sflag:$0x2], $0x80, s11, s31, $0xb8;
	v63 =	vld [tilespmem:$0x0]  }
0x221: {  	_ =	swait.ge [sflag:s9], $0x2800  }
0x222: {  	[sflag:s9] =	ssyncset.done $0x0  }
0x223: {  	s12 =	simm.s32 $0x15980;
	[sflag:s9] =	ssyncadd.s32 $0xFFFFD800  }
0x224: {  	[spmem:s3] =	stream.indirect.scatter.add.f32 [tilespmem:s8], [sflag:$0x2], $0x80, s12, s31, $0xb8;
	v63 =	vld [tilespmem:$0x0]  }
0x225: {  	_ =	swait.ge [sflag:s15], $0x2800  }
0x226: {  	[sflag:s15] =	ssyncset.done $0x0  }
0x227: {  	[sflag:s15] =	ssyncadd.s32 $0xFFFFD800  }
0x228: {  	_ =	swait.ge [sflag:s15], $0x2800  }
0x229: {  	[sflag:s15] =	ssyncset.done $0x0  }
0x22a: {  	[sflag:s15] =	ssyncadd.s32 $0xFFFFD800  }
0x22b: {  	_ =	swait.ge [sflag:s15], $0x2800  }
0x22c: {  	[sflag:s15] =	ssyncset.done $0x0  }
0x22d: {  	[sflag:s15] =	ssyncadd.s32 $0xFFFFD800  }
0x22e: {  	_ =	swait.ge [sflag:s15], $0x2800  }
0x22f: {  	[sflag:s15] =	ssyncset.done $0x0  }
0x230: {  	s16 =	simm.s32 $0x14A00;
	[sflag:s15] =	ssyncadd.s32 $0xFFFFD800  }
0x231: {  	[tilespmem:s26], [sflag:$0x1] =	stream.indirect.gather [hbm4b:s13+s31], $0x80, s16, s31, $0xb8;
	v63 =	vld [tilespmem:$0x0]  }
0x232: {  	s24 =	simm.s32 $0x14A80  }
0x233: {  	[tilespmem:s2], [sflag:$0x1] =	stream.indirect.gather [hbm4b:s13+s31], $0x80, s24, s31, $0xb8;
	v63 =	vld [tilespmem:$0x0]  }
0x234: {  	s11 =	simm.s32 $0x14B00  }
0x235: {  	[tilespmem:s6], [sflag:$0x1] =	stream.indirect.gather [hbm4b:s13+s31], $0x80, s11, s31, $0xb8;
	v63 =	vld [tilespmem:$0x0]  }
0x236: {  	s12 =	simm.s32 $0x14B80  }
0x237: {  	[tilespmem:s8], [sflag:$0x1] =	stream.indirect.gather [hbm4b:s13+s31], $0x80, s12, s31, $0xb8;
	v63 =	vld [tilespmem:$0x0]  }
0x238: {  	_ =	swait.ge [sflag:s9], $0x2800  }
0x239: {  	[sflag:s9] =	ssyncset.done $0x0  }
0x23a: {  	s16 =	simm.s32 $0x15A00;
	[sflag:s9] =	ssyncadd.s32 $0xFFFFD800  }
0x23b: {  	[spmem:s3] =	stream.indirect.scatter.add.f32 [tilespmem:s26], [sflag:$0x2], $0x80, s16, s31, $0xb8;
	v63 =	vld [tilespmem:$0x0]  }
0x23c: {  	_ =	swait.ge [sflag:s9], $0x2800  }
0x23d: {  	[sflag:s9] =	ssyncset.done $0x0  }
0x23e: {  	s24 =	simm.s32 $0x15A80;
	[sflag:s9] =	ssyncadd.s32 $0xFFFFD800  }
0x23f: {  	[spmem:s3] =	stream.indirect.scatter.add.f32 [tilespmem:s2], [sflag:$0x2], $0x80, s24, s31, $0xb8;
	v63 =	vld [tilespmem:$0x0]  }
0x240: {  	_ =	swait.ge [sflag:s9], $0x2800  }
0x241: {  	[sflag:s9] =	ssyncset.done $0x0  }
0x242: {  	s11 =	simm.s32 $0x15B00;
	[sflag:s9] =	ssyncadd.s32 $0xFFFFD800  }
0x243: {  	[spmem:s3] =	stream.indirect.scatter.add.f32 [tilespmem:s6], [sflag:$0x2], $0x80, s11, s31, $0xb8;
	v63 =	vld [tilespmem:$0x0]  }
0x244: {  	_ =	swait.ge [sflag:s9], $0x2800  }
0x245: {  	[sflag:s9] =	ssyncset.done $0x0  }
0x246: {  	s12 =	simm.s32 $0x15B80;
	[sflag:s9] =	ssyncadd.s32 $0xFFFFD800  }
0x247: {  	[spmem:s3] =	stream.indirect.scatter.add.f32 [tilespmem:s8], [sflag:$0x2], $0x80, s12, s31, $0xb8;
	v63 =	vld [tilespmem:$0x0]  }
0x248: {  	_ =	swait.ge [sflag:s15], $0x2800  }
0x249: {  	[sflag:s15] =	ssyncset.done $0x0  }
0x24a: {  	[sflag:s15] =	ssyncadd.s32 $0xFFFFD800  }
0x24b: {  	_ =	swait.ge [sflag:s15], $0x2800  }
0x24c: {  	[sflag:s15] =	ssyncset.done $0x0  }
0x24d: {  	[sflag:s15] =	ssyncadd.s32 $0xFFFFD800  }
0x24e: {  	_ =	swait.ge [sflag:s15], $0x2800  }
0x24f: {  	[sflag:s15] =	ssyncset.done $0x0  }
0x250: {  	[sflag:s15] =	ssyncadd.s32 $0xFFFFD800  }
0x251: {  	_ =	swait.ge [sflag:s15], $0x2800  }
0x252: {  	[sflag:s15] =	ssyncset.done $0x0  }
0x253: {  	s16 =	simm.s32 $0x14C00;
	[sflag:s15] =	ssyncadd.s32 $0xFFFFD800  }
0x254: {  	[tilespmem:s26], [sflag:$0x3] =	stream.indirect.gather [hbm4b:s13+s31], $0x80, s16, s31, $0xb8;
	v63 =	vld [tilespmem:$0x0]  }
0x255: {  	_ =	swait.ge [sflag:s28], $0x2800  }
0x256: {  	[sflag:s28] =	ssyncset.done $0x0  }
0x257: {  	s24 =	simm.s32 $0x15C00;
	[sflag:s28] =	ssyncadd.s32 $0xFFFFD800  }
0x258: {  	[spmem:s3] =	stream.indirect.scatter.add.f32 [tilespmem:s26], [sflag:$0x3], $0x80, s24, s31, $0xb8;
	v63 =	vld [tilespmem:$0x0]  }
0x259: {  	_ =	swait.ge [sflag:s28], $0x2800  }
0x25a: {  	s10 =	simm.s32 $0x200;
	s12 =	simm.s32 $0x400;
	[sflag:s28] =	ssyncset.done $0x0  }
.LBB2_6:
0x25b: {  	s16 =	sadd.s32 s10, s25  }
0x25c: {  	[sflag:s28] =	ssyncadd.s32 $0xFFFFD800;
	s24 =	smov.u32 s12;
	s11 =	sadd.s32 $0x200, s12  }
0x25d: {  	[tilespmem:s29], [sflag:$0x3] =	stream.linear.gather [hbm4b:s16+s4], $0xC80, $0x38;
	v63 =	vld [tilespmem:$0x0]  }
0x25e: {  	s16 =	simm.s32 $0x14080  }
0x25f: {  	p1 =	sne.s32 s12, $0x1200;
	_ =	swait.ge [sflag:s28], $0xC80  }
0x260: {  	s12 =	sadd.s32 s10, s14;
	[sflag:s28] =	ssyncset.done $0x0  }
0x261: {  	s10 =	smov.u32 s24;
	s24 =	simm.s32 $0x14100;
	[sflag:s28] =	ssyncadd.s32 $0xFFFFF380  }
0x262: {  	[tilespmem:s30], [sflag:$0x3] =	stream.linear.gather [hbm4b:s12+s4], $0xC80, $0x38;
	v63 =	vld [tilespmem:$0x0]  }
0x263: {  	_ =	swait.ge [sflag:s28], $0xC80  }
0x264: {  	[sflag:s28] =	ssyncset.done $0x0  }
0x265: {  	[sflag:s28] =	ssyncadd.s32 $0xFFFFF380  }
0x266: {  	[tilespmem:s26], [sflag:$0x1] =	stream.indirect.gather [hbm4b:s13+s31], $0x80, s29, s31, $0xb8;
	v63 =	vld [tilespmem:$0x0]  }
0x267: {  	_ = 	snop  }
0x268: {  	[tilespmem:s2], [sflag:$0x1] =	stream.indirect.gather [hbm4b:s13+s31], $0x80, s16, s31, $0xb8;
	v63 =	vld [tilespmem:$0x0]  }
0x269: {  	_ = 	snop  }
0x26a: {  	[tilespmem:s6], [sflag:$0x1] =	stream.indirect.gather [hbm4b:s13+s31], $0x80, s24, s31, $0xb8;
	v63 =	vld [tilespmem:$0x0]  }
0x26b: {  	_ = 	snop  }
0x26c: {  	[tilespmem:s8], [sflag:$0x1] =	stream.indirect.gather [hbm4b:s13+s31], $0x80, s17, s31, $0xb8;
	v63 =	vld [tilespmem:$0x0]  }
0x26d: {  	_ =	swait.ge [sflag:s9], $0x2800  }
0x26e: {  	[sflag:s9] =	ssyncset.done $0x0  }
0x26f: {  	[sflag:s9] =	ssyncadd.s32 $0xFFFFD800  }
0x270: {  	[spmem:s3] =	stream.indirect.scatter.add.f32 [tilespmem:s26], [sflag:$0x2], $0x80, s30, s31, $0xb8;
	v63 =	vld [tilespmem:$0x0]  }
0x271: {  	_ =	swait.ge [sflag:s9], $0x2800  }
0x272: {  	[sflag:s9] =	ssyncset.done $0x0  }
0x273: {  	[sflag:s9] =	ssyncadd.s32 $0xFFFFD800  }
0x274: {  	[spmem:s3] =	stream.indirect.scatter.add.f32 [tilespmem:s2], [sflag:$0x2], $0x80, s18, s31, $0xb8;
	v63 =	vld [tilespmem:$0x0]  }
0x275: {  	_ =	swait.ge [sflag:s9], $0x2800  }
0x276: {  	[sflag:s9] =	ssyncset.done $0x0  }
0x277: {  	[sflag:s9] =	ssyncadd.s32 $0xFFFFD800  }
0x278: {  	[spmem:s3] =	stream.indirect.scatter.add.f32 [tilespmem:s6], [sflag:$0x2], $0x80, s19, s31, $0xb8;
	v63 =	vld [tilespmem:$0x0]  }
0x279: {  	_ =	swait.ge [sflag:s9], $0x2800  }
0x27a: {  	[sflag:s9] =	ssyncset.done $0x0  }
0x27b: {  	[sflag:s9] =	ssyncadd.s32 $0xFFFFD800  }
0x27c: {  	[spmem:s3] =	stream.indirect.scatter.add.f32 [tilespmem:s8], [sflag:$0x2], $0x80, s20, s31, $0xb8;
	v63 =	vld [tilespmem:$0x0]  }
0x27d: {  	_ =	swait.ge [sflag:s15], $0x2800  }
0x27e: {  	[sflag:s15] =	ssyncset.done $0x0  }
0x27f: {  	[sflag:s15] =	ssyncadd.s32 $0xFFFFD800  }
0x280: {  	_ =	swait.ge [sflag:s15], $0x2800  }
0x281: {  	[sflag:s15] =	ssyncset.done $0x0  }
0x282: {  	[sflag:s15] =	ssyncadd.s32 $0xFFFFD800  }
0x283: {  	_ =	swait.ge [sflag:s15], $0x2800  }
0x284: {  	[sflag:s15] =	ssyncset.done $0x0  }
0x285: {  	[sflag:s15] =	ssyncadd.s32 $0xFFFFD800  }
0x286: {  	_ =	swait.ge [sflag:s15], $0x2800  }
0x287: {  	[sflag:s15] =	ssyncset.done $0x0  }
0x288: {  	[sflag:s15] =	ssyncadd.s32 $0xFFFFD800  }
0x289: {  	[tilespmem:s26], [sflag:$0x1] =	stream.indirect.gather [hbm4b:s13+s31], $0x80, s21, s31, $0xb8;
	v63 =	vld [tilespmem:$0x0]  }
0x28a: {  	_ = 	snop  }
0x28b: {  	[tilespmem:s2], [sflag:$0x1] =	stream.indirect.gather [hbm4b:s13+s31], $0x80, s22, s31, $0xb8;
	v63 =	vld [tilespmem:$0x0]  }
0x28c: {  	_ = 	snop  }
0x28d: {  	[tilespmem:s6], [sflag:$0x1] =	stream.indirect.gather [hbm4b:s13+s31], $0x80, s23, s31, $0xb8;
	v63 =	vld [tilespmem:$0x0]  }
0x28e: {  	_ = 	snop  }
0x28f: {  	[tilespmem:s8], [sflag:$0x1] =	stream.indirect.gather [hbm4b:s13+s31], $0x80, s0, s31, $0xb8;
	v63 =	vld [tilespmem:$0x0]  }
0x290: {  	_ =	swait.ge [sflag:s9], $0x2800  }
0x291: {  	[sflag:s9] =	ssyncset.done $0x0  }
0x292: {  	[sflag:s9] =	ssyncadd.s32 $0xFFFFD800  }
0x293: {  	[spmem:s3] =	stream.indirect.scatter.add.f32 [tilespmem:s26], [sflag:$0x2], $0x80, s5, s31, $0xb8;
	v63 =	vld [tilespmem:$0x0]  }
0x294: {  	_ =	swait.ge [sflag:s9], $0x2800  }
0x295: {  	[sflag:s9] =	ssyncset.done $0x0  }
0x296: {  	[sflag:s9] =	ssyncadd.s32 $0xFFFFD800  }
0x297: {  	[spmem:s3] =	stream.indirect.scatter.add.f32 [tilespmem:s2], [sflag:$0x2], $0x80, s7, s31, $0xb8;
	v63 =	vld [tilespmem:$0x0]  }
0x298: {  	_ =	swait.ge [sflag:s9], $0x2800  }
0x299: {  	[sflag:s9] =	ssyncset.done $0x0  }
0x29a: {  	s12 =	simm.s32 $0x15300;
	[sflag:s9] =	ssyncadd.s32 $0xFFFFD800  }
0x29b: {  	[spmem:s3] =	stream.indirect.scatter.add.f32 [tilespmem:s6], [sflag:$0x2], $0x80, s12, s31, $0xb8;
	v63 =	vld [tilespmem:$0x0]  }
0x29c: {  	_ =	swait.ge [sflag:s9], $0x2800  }
0x29d: {  	[sflag:s9] =	ssyncset.done $0x0  }
0x29e: {  	s12 =	simm.s32 $0x15380;
	[sflag:s9] =	ssyncadd.s32 $0xFFFFD800  }
0x29f: {  	[spmem:s3] =	stream.indirect.scatter.add.f32 [tilespmem:s8], [sflag:$0x2], $0x80, s12, s31, $0xb8;
	v63 =	vld [tilespmem:$0x0]  }
0x2a0: {  	_ =	swait.ge [sflag:s15], $0x2800  }
0x2a1: {  	[sflag:s15] =	ssyncset.done $0x0  }
0x2a2: {  	[sflag:s15] =	ssyncadd.s32 $0xFFFFD800  }
0x2a3: {  	_ =	swait.ge [sflag:s15], $0x2800  }
0x2a4: {  	[sflag:s15] =	ssyncset.done $0x0  }
0x2a5: {  	[sflag:s15] =	ssyncadd.s32 $0xFFFFD800  }
0x2a6: {  	_ =	swait.ge [sflag:s15], $0x2800  }
0x2a7: {  	[sflag:s15] =	ssyncset.done $0x0  }
0x2a8: {  	[sflag:s15] =	ssyncadd.s32 $0xFFFFD800  }
0x2a9: {  	_ =	swait.ge [sflag:s15], $0x2800  }
0x2aa: {  	[sflag:s15] =	ssyncset.done $0x0  }
0x2ab: {  	s12 =	simm.s32 $0x14400;
	[sflag:s15] =	ssyncadd.s32 $0xFFFFD800  }
0x2ac: {  	[tilespmem:s26], [sflag:$0x1] =	stream.indirect.gather [hbm4b:s13+s31], $0x80, s12, s31, $0xb8;
	v63 =	vld [tilespmem:$0x0]  }
0x2ad: {  	s12 =	simm.s32 $0x14480  }
0x2ae: {  	[tilespmem:s2], [sflag:$0x1] =	stream.indirect.gather [hbm4b:s13+s31], $0x80, s12, s31, $0xb8;
	v63 =	vld [tilespmem:$0x0]  }
0x2af: {  	s12 =	simm.s32 $0x14500  }
0x2b0: {  	[tilespmem:s6], [sflag:$0x1] =	stream.indirect.gather [hbm4b:s13+s31], $0x80, s12, s31, $0xb8;
	v63 =	vld [tilespmem:$0x0]  }
0x2b1: {  	s12 =	simm.s32 $0x14580  }
0x2b2: {  	[tilespmem:s8], [sflag:$0x1] =	stream.indirect.gather [hbm4b:s13+s31], $0x80, s12, s31, $0xb8;
	v63 =	vld [tilespmem:$0x0]  }
0x2b3: {  	_ =	swait.ge [sflag:s9], $0x2800  }
0x2b4: {  	[sflag:s9] =	ssyncset.done $0x0  }
0x2b5: {  	s12 =	simm.s32 $0x15400;
	[sflag:s9] =	ssyncadd.s32 $0xFFFFD800  }
0x2b6: {  	[spmem:s3] =	stream.indirect.scatter.add.f32 [tilespmem:s26], [sflag:$0x2], $0x80, s12, s31, $0xb8;
	v63 =	vld [tilespmem:$0x0]  }
0x2b7: {  	_ =	swait.ge [sflag:s9], $0x2800  }
0x2b8: {  	[sflag:s9] =	ssyncset.done $0x0  }
0x2b9: {  	s12 =	simm.s32 $0x15480;
	[sflag:s9] =	ssyncadd.s32 $0xFFFFD800  }
0x2ba: {  	[spmem:s3] =	stream.indirect.scatter.add.f32 [tilespmem:s2], [sflag:$0x2], $0x80, s12, s31, $0xb8;
	v63 =	vld [tilespmem:$0x0]  }
0x2bb: {  	_ =	swait.ge [sflag:s9], $0x2800  }
0x2bc: {  	[sflag:s9] =	ssyncset.done $0x0  }
0x2bd: {  	s12 =	simm.s32 $0x15500;
	[sflag:s9] =	ssyncadd.s32 $0xFFFFD800  }
0x2be: {  	[spmem:s3] =	stream.indirect.scatter.add.f32 [tilespmem:s6], [sflag:$0x2], $0x80, s12, s31, $0xb8;
	v63 =	vld [tilespmem:$0x0]  }
0x2bf: {  	_ =	swait.ge [sflag:s9], $0x2800  }
0x2c0: {  	[sflag:s9] =	ssyncset.done $0x0  }
0x2c1: {  	s12 =	simm.s32 $0x15580;
	[sflag:s9] =	ssyncadd.s32 $0xFFFFD800  }
0x2c2: {  	[spmem:s3] =	stream.indirect.scatter.add.f32 [tilespmem:s8], [sflag:$0x2], $0x80, s12, s31, $0xb8;
	v63 =	vld [tilespmem:$0x0]  }
0x2c3: {  	_ =	swait.ge [sflag:s15], $0x2800  }
0x2c4: {  	[sflag:s15] =	ssyncset.done $0x0  }
0x2c5: {  	[sflag:s15] =	ssyncadd.s32 $0xFFFFD800  }
0x2c6: {  	_ =	swait.ge [sflag:s15], $0x2800  }
0x2c7: {  	[sflag:s15] =	ssyncset.done $0x0  }
0x2c8: {  	[sflag:s15] =	ssyncadd.s32 $0xFFFFD800  }
0x2c9: {  	_ =	swait.ge [sflag:s15], $0x2800  }
0x2ca: {  	[sflag:s15] =	ssyncset.done $0x0  }
0x2cb: {  	[sflag:s15] =	ssyncadd.s32 $0xFFFFD800  }
0x2cc: {  	_ =	swait.ge [sflag:s15], $0x2800  }
0x2cd: {  	[sflag:s15] =	ssyncset.done $0x0  }
0x2ce: {  	s12 =	simm.s32 $0x14600;
	[sflag:s15] =	ssyncadd.s32 $0xFFFFD800  }
0x2cf: {  	[tilespmem:s26], [sflag:$0x1] =	stream.indirect.gather [hbm4b:s13+s31], $0x80, s12, s31, $0xb8;
	v63 =	vld [tilespmem:$0x0]  }
0x2d0: {  	s12 =	simm.s32 $0x14680  }
0x2d1: {  	[tilespmem:s2], [sflag:$0x1] =	stream.indirect.gather [hbm4b:s13+s31], $0x80, s12, s31, $0xb8;
	v63 =	vld [tilespmem:$0x0]  }
0x2d2: {  	s12 =	simm.s32 $0x14700  }
0x2d3: {  	[tilespmem:s6], [sflag:$0x1] =	stream.indirect.gather [hbm4b:s13+s31], $0x80, s12, s31, $0xb8;
	v63 =	vld [tilespmem:$0x0]  }
0x2d4: {  	s12 =	simm.s32 $0x14780  }
0x2d5: {  	[tilespmem:s8], [sflag:$0x1] =	stream.indirect.gather [hbm4b:s13+s31], $0x80, s12, s31, $0xb8;
	v63 =	vld [tilespmem:$0x0]  }
0x2d6: {  	_ =	swait.ge [sflag:s9], $0x2800  }
0x2d7: {  	[sflag:s9] =	ssyncset.done $0x0  }
0x2d8: {  	s12 =	simm.s32 $0x15600;
	[sflag:s9] =	ssyncadd.s32 $0xFFFFD800  }
0x2d9: {  	[spmem:s3] =	stream.indirect.scatter.add.f32 [tilespmem:s26], [sflag:$0x2], $0x80, s12, s31, $0xb8;
	v63 =	vld [tilespmem:$0x0]  }
0x2da: {  	_ =	swait.ge [sflag:s9], $0x2800  }
0x2db: {  	[sflag:s9] =	ssyncset.done $0x0  }
0x2dc: {  	s12 =	simm.s32 $0x15680;
	[sflag:s9] =	ssyncadd.s32 $0xFFFFD800  }
0x2dd: {  	[spmem:s3] =	stream.indirect.scatter.add.f32 [tilespmem:s2], [sflag:$0x2], $0x80, s12, s31, $0xb8;
	v63 =	vld [tilespmem:$0x0]  }
0x2de: {  	_ =	swait.ge [sflag:s9], $0x2800  }
0x2df: {  	[sflag:s9] =	ssyncset.done $0x0  }
0x2e0: {  	s12 =	simm.s32 $0x15700;
	[sflag:s9] =	ssyncadd.s32 $0xFFFFD800  }
0x2e1: {  	[spmem:s3] =	stream.indirect.scatter.add.f32 [tilespmem:s6], [sflag:$0x2], $0x80, s12, s31, $0xb8;
	v63 =	vld [tilespmem:$0x0]  }
0x2e2: {  	_ =	swait.ge [sflag:s9], $0x2800  }
0x2e3: {  	[sflag:s9] =	ssyncset.done $0x0  }
0x2e4: {  	s12 =	simm.s32 $0x15780;
	[sflag:s9] =	ssyncadd.s32 $0xFFFFD800  }
0x2e5: {  	[spmem:s3] =	stream.indirect.scatter.add.f32 [tilespmem:s8], [sflag:$0x2], $0x80, s12, s31, $0xb8;
	v63 =	vld [tilespmem:$0x0]  }
0x2e6: {  	_ =	swait.ge [sflag:s15], $0x2800  }
0x2e7: {  	[sflag:s15] =	ssyncset.done $0x0  }
0x2e8: {  	[sflag:s15] =	ssyncadd.s32 $0xFFFFD800  }
0x2e9: {  	_ =	swait.ge [sflag:s15], $0x2800  }
0x2ea: {  	[sflag:s15] =	ssyncset.done $0x0  }
0x2eb: {  	[sflag:s15] =	ssyncadd.s32 $0xFFFFD800  }
0x2ec: {  	_ =	swait.ge [sflag:s15], $0x2800  }
0x2ed: {  	[sflag:s15] =	ssyncset.done $0x0  }
0x2ee: {  	[sflag:s15] =	ssyncadd.s32 $0xFFFFD800  }
0x2ef: {  	_ =	swait.ge [sflag:s15], $0x2800  }
0x2f0: {  	[sflag:s15] =	ssyncset.done $0x0  }
0x2f1: {  	s12 =	simm.s32 $0x14800;
	[sflag:s15] =	ssyncadd.s32 $0xFFFFD800  }
0x2f2: {  	[tilespmem:s26], [sflag:$0x1] =	stream.indirect.gather [hbm4b:s13+s31], $0x80, s12, s31, $0xb8;
	v63 =	vld [tilespmem:$0x0]  }
0x2f3: {  	s12 =	simm.s32 $0x14880  }
0x2f4: {  	[tilespmem:s2], [sflag:$0x1] =	stream.indirect.gather [hbm4b:s13+s31], $0x80, s12, s31, $0xb8;
	v63 =	vld [tilespmem:$0x0]  }
0x2f5: {  	s12 =	simm.s32 $0x14900  }
0x2f6: {  	[tilespmem:s6], [sflag:$0x1] =	stream.indirect.gather [hbm4b:s13+s31], $0x80, s12, s31, $0xb8;
	v63 =	vld [tilespmem:$0x0]  }
0x2f7: {  	s12 =	simm.s32 $0x14980  }
0x2f8: {  	[tilespmem:s8], [sflag:$0x1] =	stream.indirect.gather [hbm4b:s13+s31], $0x80, s12, s31, $0xb8;
	v63 =	vld [tilespmem:$0x0]  }
0x2f9: {  	_ =	swait.ge [sflag:s9], $0x2800  }
0x2fa: {  	[sflag:s9] =	ssyncset.done $0x0  }
0x2fb: {  	s12 =	simm.s32 $0x15800;
	[sflag:s9] =	ssyncadd.s32 $0xFFFFD800  }
0x2fc: {  	[spmem:s3] =	stream.indirect.scatter.add.f32 [tilespmem:s26], [sflag:$0x2], $0x80, s12, s31, $0xb8;
	v63 =	vld [tilespmem:$0x0]  }
0x2fd: {  	_ =	swait.ge [sflag:s9], $0x2800  }
0x2fe: {  	[sflag:s9] =	ssyncset.done $0x0  }
0x2ff: {  	s12 =	simm.s32 $0x15880;
	[sflag:s9] =	ssyncadd.s32 $0xFFFFD800  }
0x300: {  	[spmem:s3] =	stream.indirect.scatter.add.f32 [tilespmem:s2], [sflag:$0x2], $0x80, s12, s31, $0xb8;
	v63 =	vld [tilespmem:$0x0]  }
0x301: {  	_ =	swait.ge [sflag:s9], $0x2800  }
0x302: {  	[sflag:s9] =	ssyncset.done $0x0  }
0x303: {  	s12 =	simm.s32 $0x15900;
	[sflag:s9] =	ssyncadd.s32 $0xFFFFD800  }
0x304: {  	[spmem:s3] =	stream.indirect.scatter.add.f32 [tilespmem:s6], [sflag:$0x2], $0x80, s12, s31, $0xb8;
	v63 =	vld [tilespmem:$0x0]  }
0x305: {  	_ =	swait.ge [sflag:s9], $0x2800  }
0x306: {  	[sflag:s9] =	ssyncset.done $0x0  }
0x307: {  	s12 =	simm.s32 $0x15980;
	[sflag:s9] =	ssyncadd.s32 $0xFFFFD800  }
0x308: {  	[spmem:s3] =	stream.indirect.scatter.add.f32 [tilespmem:s8], [sflag:$0x2], $0x80, s12, s31, $0xb8;
	v63 =	vld [tilespmem:$0x0]  }
0x309: {  	_ =	swait.ge [sflag:s15], $0x2800  }
0x30a: {  	[sflag:s15] =	ssyncset.done $0x0  }
0x30b: {  	[sflag:s15] =	ssyncadd.s32 $0xFFFFD800  }
0x30c: {  	_ =	swait.ge [sflag:s15], $0x2800  }
0x30d: {  	[sflag:s15] =	ssyncset.done $0x0  }
0x30e: {  	[sflag:s15] =	ssyncadd.s32 $0xFFFFD800  }
0x30f: {  	_ =	swait.ge [sflag:s15], $0x2800  }
0x310: {  	[sflag:s15] =	ssyncset.done $0x0  }
0x311: {  	[sflag:s15] =	ssyncadd.s32 $0xFFFFD800  }
0x312: {  	_ =	swait.ge [sflag:s15], $0x2800  }
0x313: {  	[sflag:s15] =	ssyncset.done $0x0  }
0x314: {  	s12 =	simm.s32 $0x14A00;
	[sflag:s15] =	ssyncadd.s32 $0xFFFFD800  }
0x315: {  	[tilespmem:s26], [sflag:$0x1] =	stream.indirect.gather [hbm4b:s13+s31], $0x80, s12, s31, $0xb8;
	v63 =	vld [tilespmem:$0x0]  }
0x316: {  	s12 =	simm.s32 $0x14A80  }
0x317: {  	[tilespmem:s2], [sflag:$0x1] =	stream.indirect.gather [hbm4b:s13+s31], $0x80, s12, s31, $0xb8;
	v63 =	vld [tilespmem:$0x0]  }
0x318: {  	s12 =	simm.s32 $0x14B00  }
0x319: {  	[tilespmem:s6], [sflag:$0x1] =	stream.indirect.gather [hbm4b:s13+s31], $0x80, s12, s31, $0xb8;
	v63 =	vld [tilespmem:$0x0]  }
0x31a: {  	s12 =	simm.s32 $0x14B80  }
0x31b: {  	[tilespmem:s8], [sflag:$0x1] =	stream.indirect.gather [hbm4b:s13+s31], $0x80, s12, s31, $0xb8;
	v63 =	vld [tilespmem:$0x0]  }
0x31c: {  	_ =	swait.ge [sflag:s9], $0x2800  }
0x31d: {  	[sflag:s9] =	ssyncset.done $0x0  }
0x31e: {  	s12 =	simm.s32 $0x15A00;
	[sflag:s9] =	ssyncadd.s32 $0xFFFFD800  }
0x31f: {  	[spmem:s3] =	stream.indirect.scatter.add.f32 [tilespmem:s26], [sflag:$0x2], $0x80, s12, s31, $0xb8;
	v63 =	vld [tilespmem:$0x0]  }
0x320: {  	_ =	swait.ge [sflag:s9], $0x2800  }
0x321: {  	[sflag:s9] =	ssyncset.done $0x0  }
0x322: {  	s12 =	simm.s32 $0x15A80;
	[sflag:s9] =	ssyncadd.s32 $0xFFFFD800  }
0x323: {  	[spmem:s3] =	stream.indirect.scatter.add.f32 [tilespmem:s2], [sflag:$0x2], $0x80, s12, s31, $0xb8;
	v63 =	vld [tilespmem:$0x0]  }
0x324: {  	_ =	swait.ge [sflag:s9], $0x2800  }
0x325: {  	[sflag:s9] =	ssyncset.done $0x0  }
0x326: {  	s12 =	simm.s32 $0x15B00;
	[sflag:s9] =	ssyncadd.s32 $0xFFFFD800  }
0x327: {  	[spmem:s3] =	stream.indirect.scatter.add.f32 [tilespmem:s6], [sflag:$0x2], $0x80, s12, s31, $0xb8;
	v63 =	vld [tilespmem:$0x0]  }
0x328: {  	_ =	swait.ge [sflag:s9], $0x2800  }
0x329: {  	[sflag:s9] =	ssyncset.done $0x0  }
0x32a: {  	s12 =	simm.s32 $0x15B80;
	[sflag:s9] =	ssyncadd.s32 $0xFFFFD800  }
0x32b: {  	[spmem:s3] =	stream.indirect.scatter.add.f32 [tilespmem:s8], [sflag:$0x2], $0x80, s12, s31, $0xb8;
	v63 =	vld [tilespmem:$0x0]  }
0x32c: {  	_ =	swait.ge [sflag:s15], $0x2800  }
0x32d: {  	[sflag:s15] =	ssyncset.done $0x0  }
0x32e: {  	[sflag:s15] =	ssyncadd.s32 $0xFFFFD800  }
0x32f: {  	_ =	swait.ge [sflag:s15], $0x2800  }
0x330: {  	[sflag:s15] =	ssyncset.done $0x0  }
0x331: {  	[sflag:s15] =	ssyncadd.s32 $0xFFFFD800  }
0x332: {  	_ =	swait.ge [sflag:s15], $0x2800  }
0x333: {  	[sflag:s15] =	ssyncset.done $0x0  }
0x334: {  	[sflag:s15] =	ssyncadd.s32 $0xFFFFD800  }
0x335: {  	_ =	swait.ge [sflag:s15], $0x2800  }
0x336: {  	[sflag:s15] =	ssyncset.done $0x0  }
0x337: {  	s12 =	simm.s32 $0x14C00;
	[sflag:s15] =	ssyncadd.s32 $0xFFFFD800  }
0x338: {  	[tilespmem:s26], [sflag:$0x3] =	stream.indirect.gather [hbm4b:s13+s31], $0x80, s12, s31, $0xb8;
	v63 =	vld [tilespmem:$0x0]  }
0x339: {  	_ =	swait.ge [sflag:s28], $0x2800  }
.Ltmp3:
0x33a: {  	[sflag:s28] =	ssyncset.done $0x0;
	(pc) =	sbr.rel @p1 .LBB2_6-.Ltmp3, $4  }
0x33b: {  	s12 =	simm.s32 $0x15C00;
	[sflag:s28] =	ssyncadd.s32 $0xFFFFD800  }
0x33c: {  	[spmem:s3] =	stream.indirect.scatter.add.f32 [tilespmem:s26], [sflag:$0x3], $0x80, s12, s31, $0xb8;
	v63 =	vld [tilespmem:$0x0]  }
0x33d: {  	_ =	swait.ge [sflag:s28], $0x2800  }
0x33e: {  	s12 =	smov.u32 s11;
	[sflag:s28] =	ssyncset.done $0x0  }
.Ltmp4:
0x33f: {  	_ = 	snop;
	(pc) =	sbr.rel .LBB2_7-.Ltmp4, $1  }
0x340: {  	_ =	sdelay $0x3  }
.LBB2_2:
0x341: {  	[tilespmem:s29], [sflag:$0x3] =	stream.linear.gather [hbm4b:s10+s4], $0xC80, $0x38;
	v63 =	vld [tilespmem:$0x0]  }
0x342: {  	_ =	swait.ge [sflag:s28], $0xC80  }
0x343: {  	[sflag:s28] =	ssyncset.done $0x0  }
0x344: {  	s0 =	sadd.s32 $0x0, s14;
	[sflag:s28] =	ssyncadd.s32 $0xFFFFF380  }
0x345: {  	[tilespmem:s30], [sflag:$0x3] =	stream.linear.gather [hbm4b:s0+s4], $0xC80, $0x38;
	v63 =	vld [tilespmem:$0x0]  }
0x346: {  	_ =	swait.ge [sflag:s28], $0xC80  }
0x347: {  	[sflag:s28] =	ssyncset.done $0x0  }
0x348: {  	[sflag:s28] =	ssyncadd.s32 $0xFFFFF380  }
0x349: {  	[tilespmem:s26], [sflag:$0x1] =	stream.indirect.gather [hbm4b:s1+s31], $0x80, s29, s31, $0xb8;
	v63 =	vld [tilespmem:$0x0]  }
0x34a: {  	s5 =	simm.s32 $0x14080  }
0x34b: {  	[tilespmem:s2], [sflag:$0x1] =	stream.indirect.gather [hbm4b:s1+s31], $0x80, s5, s31, $0xb8;
	v63 =	vld [tilespmem:$0x0]  }
0x34c: {  	s7 =	simm.s32 $0x14100  }
0x34d: {  	[tilespmem:s6], [sflag:$0x1] =	stream.indirect.gather [hbm4b:s1+s31], $0x80, s7, s31, $0xb8;
	v63 =	vld [tilespmem:$0x0]  }
0x34e: {  	s17 =	simm.s32 $0x14180  }
0x34f: {  	[tilespmem:s8], [sflag:$0x1] =	stream.indirect.gather [hbm4b:s1+s31], $0x80, s17, s31, $0xb8;
	v63 =	vld [tilespmem:$0x0]  }
0x350: {  	_ =	swait.ge [sflag:s9], $0x2800  }
0x351: {  	[sflag:s9] =	ssyncset.done $0x0  }
0x352: {  	[sflag:s9] =	ssyncadd.s32 $0xFFFFD800  }
0x353: {  	[spmem:s3] =	stream.indirect.scatter.add.f32 [tilespmem:s26], [sflag:$0x2], $0x80, s30, s31, $0xb8;
	v63 =	vld [tilespmem:$0x0]  }
0x354: {  	_ =	swait.ge [sflag:s9], $0x2800  }
0x355: {  	[sflag:s9] =	ssyncset.done $0x0  }
0x356: {  	s18 =	simm.s32 $0x15080;
	[sflag:s9] =	ssyncadd.s32 $0xFFFFD800  }
0x357: {  	[spmem:s3] =	stream.indirect.scatter.add.f32 [tilespmem:s2], [sflag:$0x2], $0x80, s18, s31, $0xb8;
	v63 =	vld [tilespmem:$0x0]  }
0x358: {  	_ =	swait.ge [sflag:s9], $0x2800  }
0x359: {  	[sflag:s9] =	ssyncset.done $0x0  }
0x35a: {  	s19 =	simm.s32 $0x15100;
	[sflag:s9] =	ssyncadd.s32 $0xFFFFD800  }
0x35b: {  	[spmem:s3] =	stream.indirect.scatter.add.f32 [tilespmem:s6], [sflag:$0x2], $0x80, s19, s31, $0xb8;
	v63 =	vld [tilespmem:$0x0]  }
0x35c: {  	_ =	swait.ge [sflag:s9], $0x2800  }
0x35d: {  	[sflag:s9] =	ssyncset.done $0x0  }
0x35e: {  	s20 =	simm.s32 $0x15180;
	[sflag:s9] =	ssyncadd.s32 $0xFFFFD800  }
0x35f: {  	[spmem:s3] =	stream.indirect.scatter.add.f32 [tilespmem:s8], [sflag:$0x2], $0x80, s20, s31, $0xb8;
	v63 =	vld [tilespmem:$0x0]  }
0x360: {  	_ =	swait.ge [sflag:s15], $0x2800  }
0x361: {  	[sflag:s15] =	ssyncset.done $0x0  }
0x362: {  	[sflag:s15] =	ssyncadd.s32 $0xFFFFD800  }
0x363: {  	_ =	swait.ge [sflag:s15], $0x2800  }
0x364: {  	[sflag:s15] =	ssyncset.done $0x0  }
0x365: {  	[sflag:s15] =	ssyncadd.s32 $0xFFFFD800  }
0x366: {  	_ =	swait.ge [sflag:s15], $0x2800  }
0x367: {  	[sflag:s15] =	ssyncset.done $0x0  }
0x368: {  	[sflag:s15] =	ssyncadd.s32 $0xFFFFD800  }
0x369: {  	_ =	swait.ge [sflag:s15], $0x2800  }
0x36a: {  	[sflag:s15] =	ssyncset.done $0x0  }
0x36b: {  	s21 =	simm.s32 $0x14200;
	[sflag:s15] =	ssyncadd.s32 $0xFFFFD800  }
0x36c: {  	[tilespmem:s26], [sflag:$0x1] =	stream.indirect.gather [hbm4b:s1+s31], $0x80, s21, s31, $0xb8;
	v63 =	vld [tilespmem:$0x0]  }
0x36d: {  	s22 =	simm.s32 $0x14280  }
0x36e: {  	[tilespmem:s2], [sflag:$0x1] =	stream.indirect.gather [hbm4b:s1+s31], $0x80, s22, s31, $0xb8;
	v63 =	vld [tilespmem:$0x0]  }
0x36f: {  	s23 =	simm.s32 $0x14300  }
0x370: {  	[tilespmem:s6], [sflag:$0x1] =	stream.indirect.gather [hbm4b:s1+s31], $0x80, s23, s31, $0xb8;
	v63 =	vld [tilespmem:$0x0]  }
0x371: {  	s0 =	simm.s32 $0x14380  }
0x372: {  	[tilespmem:s8], [sflag:$0x1] =	stream.indirect.gather [hbm4b:s1+s31], $0x80, s0, s31, $0xb8;
	v63 =	vld [tilespmem:$0x0]  }
0x373: {  	_ =	swait.ge [sflag:s9], $0x2800  }
0x374: {  	[sflag:s9] =	ssyncset.done $0x0  }
0x375: {  	s5 =	simm.s32 $0x15200;
	[sflag:s9] =	ssyncadd.s32 $0xFFFFD800  }
0x376: {  	[spmem:s3] =	stream.indirect.scatter.add.f32 [tilespmem:s26], [sflag:$0x2], $0x80, s5, s31, $0xb8;
	v63 =	vld [tilespmem:$0x0]  }
0x377: {  	_ =	swait.ge [sflag:s9], $0x2800  }
0x378: {  	[sflag:s9] =	ssyncset.done $0x0  }
0x379: {  	s7 =	simm.s32 $0x15280;
	[sflag:s9] =	ssyncadd.s32 $0xFFFFD800  }
0x37a: {  	[spmem:s3] =	stream.indirect.scatter.add.f32 [tilespmem:s2], [sflag:$0x2], $0x80, s7, s31, $0xb8;
	v63 =	vld [tilespmem:$0x0]  }
0x37b: {  	_ =	swait.ge [sflag:s9], $0x2800  }
0x37c: {  	[sflag:s9] =	ssyncset.done $0x0  }
0x37d: {  	s11 =	simm.s32 $0x15300;
	[sflag:s9] =	ssyncadd.s32 $0xFFFFD800  }
0x37e: {  	[spmem:s3] =	stream.indirect.scatter.add.f32 [tilespmem:s6], [sflag:$0x2], $0x80, s11, s31, $0xb8;
	v63 =	vld [tilespmem:$0x0]  }
0x37f: {  	_ =	swait.ge [sflag:s9], $0x2800  }
0x380: {  	[sflag:s9] =	ssyncset.done $0x0  }
0x381: {  	s12 =	simm.s32 $0x15380;
	[sflag:s9] =	ssyncadd.s32 $0xFFFFD800  }
0x382: {  	[spmem:s3] =	stream.indirect.scatter.add.f32 [tilespmem:s8], [sflag:$0x2], $0x80, s12, s31, $0xb8;
	v63 =	vld [tilespmem:$0x0]  }
0x383: {  	_ =	swait.ge [sflag:s15], $0x2800  }
0x384: {  	[sflag:s15] =	ssyncset.done $0x0  }
0x385: {  	[sflag:s15] =	ssyncadd.s32 $0xFFFFD800  }
0x386: {  	_ =	swait.ge [sflag:s15], $0x2800  }
0x387: {  	[sflag:s15] =	ssyncset.done $0x0  }
0x388: {  	[sflag:s15] =	ssyncadd.s32 $0xFFFFD800  }
0x389: {  	_ =	swait.ge [sflag:s15], $0x2800  }
0x38a: {  	[sflag:s15] =	ssyncset.done $0x0  }
0x38b: {  	[sflag:s15] =	ssyncadd.s32 $0xFFFFD800  }
0x38c: {  	_ =	swait.ge [sflag:s15], $0x2800  }
0x38d: {  	[sflag:s15] =	ssyncset.done $0x0  }
0x38e: {  	s16 =	simm.s32 $0x14400;
	[sflag:s15] =	ssyncadd.s32 $0xFFFFD800  }
0x38f: {  	[tilespmem:s26], [sflag:$0x1] =	stream.indirect.gather [hbm4b:s1+s31], $0x80, s16, s31, $0xb8;
	v63 =	vld [tilespmem:$0x0]  }
0x390: {  	s24 =	simm.s32 $0x14480  }
0x391: {  	[tilespmem:s2], [sflag:$0x1] =	stream.indirect.gather [hbm4b:s1+s31], $0x80, s24, s31, $0xb8;
	v63 =	vld [tilespmem:$0x0]  }
0x392: {  	s11 =	simm.s32 $0x14500  }
0x393: {  	[tilespmem:s6], [sflag:$0x1] =	stream.indirect.gather [hbm4b:s1+s31], $0x80, s11, s31, $0xb8;
	v63 =	vld [tilespmem:$0x0]  }
0x394: {  	s12 =	simm.s32 $0x14580  }
0x395: {  	[tilespmem:s8], [sflag:$0x1] =	stream.indirect.gather [hbm4b:s1+s31], $0x80, s12, s31, $0xb8;
	v63 =	vld [tilespmem:$0x0]  }
0x396: {  	_ =	swait.ge [sflag:s9], $0x2800  }
0x397: {  	[sflag:s9] =	ssyncset.done $0x0  }
0x398: {  	s16 =	simm.s32 $0x15400;
	[sflag:s9] =	ssyncadd.s32 $0xFFFFD800  }
0x399: {  	[spmem:s3] =	stream.indirect.scatter.add.f32 [tilespmem:s26], [sflag:$0x2], $0x80, s16, s31, $0xb8;
	v63 =	vld [tilespmem:$0x0]  }
0x39a: {  	_ =	swait.ge [sflag:s9], $0x2800  }
0x39b: {  	[sflag:s9] =	ssyncset.done $0x0  }
0x39c: {  	s24 =	simm.s32 $0x15480;
	[sflag:s9] =	ssyncadd.s32 $0xFFFFD800  }
0x39d: {  	[spmem:s3] =	stream.indirect.scatter.add.f32 [tilespmem:s2], [sflag:$0x2], $0x80, s24, s31, $0xb8;
	v63 =	vld [tilespmem:$0x0]  }
0x39e: {  	_ =	swait.ge [sflag:s9], $0x2800  }
0x39f: {  	[sflag:s9] =	ssyncset.done $0x0  }
0x3a0: {  	s11 =	simm.s32 $0x15500;
	[sflag:s9] =	ssyncadd.s32 $0xFFFFD800  }
0x3a1: {  	[spmem:s3] =	stream.indirect.scatter.add.f32 [tilespmem:s6], [sflag:$0x2], $0x80, s11, s31, $0xb8;
	v63 =	vld [tilespmem:$0x0]  }
0x3a2: {  	_ =	swait.ge [sflag:s9], $0x2800  }
0x3a3: {  	[sflag:s9] =	ssyncset.done $0x0  }
0x3a4: {  	s12 =	simm.s32 $0x15580;
	[sflag:s9] =	ssyncadd.s32 $0xFFFFD800  }
0x3a5: {  	[spmem:s3] =	stream.indirect.scatter.add.f32 [tilespmem:s8], [sflag:$0x2], $0x80, s12, s31, $0xb8;
	v63 =	vld [tilespmem:$0x0]  }
0x3a6: {  	_ =	swait.ge [sflag:s15], $0x2800  }
0x3a7: {  	[sflag:s15] =	ssyncset.done $0x0  }
0x3a8: {  	[sflag:s15] =	ssyncadd.s32 $0xFFFFD800  }
0x3a9: {  	_ =	swait.ge [sflag:s15], $0x2800  }
0x3aa: {  	[sflag:s15] =	ssyncset.done $0x0  }
0x3ab: {  	[sflag:s15] =	ssyncadd.s32 $0xFFFFD800  }
0x3ac: {  	_ =	swait.ge [sflag:s15], $0x2800  }
0x3ad: {  	[sflag:s15] =	ssyncset.done $0x0  }
0x3ae: {  	[sflag:s15] =	ssyncadd.s32 $0xFFFFD800  }
0x3af: {  	_ =	swait.ge [sflag:s15], $0x2800  }
0x3b0: {  	[sflag:s15] =	ssyncset.done $0x0  }
0x3b1: {  	s16 =	simm.s32 $0x14600;
	[sflag:s15] =	ssyncadd.s32 $0xFFFFD800  }
0x3b2: {  	[tilespmem:s26], [sflag:$0x1] =	stream.indirect.gather [hbm4b:s1+s31], $0x80, s16, s31, $0xb8;
	v63 =	vld [tilespmem:$0x0]  }
0x3b3: {  	s24 =	simm.s32 $0x14680  }
0x3b4: {  	[tilespmem:s2], [sflag:$0x1] =	stream.indirect.gather [hbm4b:s1+s31], $0x80, s24, s31, $0xb8;
	v63 =	vld [tilespmem:$0x0]  }
0x3b5: {  	s11 =	simm.s32 $0x14700  }
0x3b6: {  	[tilespmem:s6], [sflag:$0x1] =	stream.indirect.gather [hbm4b:s1+s31], $0x80, s11, s31, $0xb8;
	v63 =	vld [tilespmem:$0x0]  }
0x3b7: {  	s12 =	simm.s32 $0x14780  }
0x3b8: {  	[tilespmem:s8], [sflag:$0x1] =	stream.indirect.gather [hbm4b:s1+s31], $0x80, s12, s31, $0xb8;
	v63 =	vld [tilespmem:$0x0]  }
0x3b9: {  	_ =	swait.ge [sflag:s9], $0x2800  }
0x3ba: {  	[sflag:s9] =	ssyncset.done $0x0  }
0x3bb: {  	s16 =	simm.s32 $0x15600;
	[sflag:s9] =	ssyncadd.s32 $0xFFFFD800  }
0x3bc: {  	[spmem:s3] =	stream.indirect.scatter.add.f32 [tilespmem:s26], [sflag:$0x2], $0x80, s16, s31, $0xb8;
	v63 =	vld [tilespmem:$0x0]  }
0x3bd: {  	_ =	swait.ge [sflag:s9], $0x2800  }
0x3be: {  	[sflag:s9] =	ssyncset.done $0x0  }
0x3bf: {  	s24 =	simm.s32 $0x15680;
	[sflag:s9] =	ssyncadd.s32 $0xFFFFD800  }
0x3c0: {  	[spmem:s3] =	stream.indirect.scatter.add.f32 [tilespmem:s2], [sflag:$0x2], $0x80, s24, s31, $0xb8;
	v63 =	vld [tilespmem:$0x0]  }
0x3c1: {  	_ =	swait.ge [sflag:s9], $0x2800  }
0x3c2: {  	[sflag:s9] =	ssyncset.done $0x0  }
0x3c3: {  	s11 =	simm.s32 $0x15700;
	[sflag:s9] =	ssyncadd.s32 $0xFFFFD800  }
0x3c4: {  	[spmem:s3] =	stream.indirect.scatter.add.f32 [tilespmem:s6], [sflag:$0x2], $0x80, s11, s31, $0xb8;
	v63 =	vld [tilespmem:$0x0]  }
0x3c5: {  	_ =	swait.ge [sflag:s9], $0x2800  }
0x3c6: {  	[sflag:s9] =	ssyncset.done $0x0  }
0x3c7: {  	s12 =	simm.s32 $0x15780;
	[sflag:s9] =	ssyncadd.s32 $0xFFFFD800  }
0x3c8: {  	[spmem:s3] =	stream.indirect.scatter.add.f32 [tilespmem:s8], [sflag:$0x2], $0x80, s12, s31, $0xb8;
	v63 =	vld [tilespmem:$0x0]  }
0x3c9: {  	_ =	swait.ge [sflag:s15], $0x2800  }
0x3ca: {  	[sflag:s15] =	ssyncset.done $0x0  }
0x3cb: {  	[sflag:s15] =	ssyncadd.s32 $0xFFFFD800  }
0x3cc: {  	_ =	swait.ge [sflag:s15], $0x2800  }
0x3cd: {  	[sflag:s15] =	ssyncset.done $0x0  }
0x3ce: {  	[sflag:s15] =	ssyncadd.s32 $0xFFFFD800  }
0x3cf: {  	_ =	swait.ge [sflag:s15], $0x2800  }
0x3d0: {  	[sflag:s15] =	ssyncset.done $0x0  }
0x3d1: {  	[sflag:s15] =	ssyncadd.s32 $0xFFFFD800  }
0x3d2: {  	_ =	swait.ge [sflag:s15], $0x2800  }
0x3d3: {  	[sflag:s15] =	ssyncset.done $0x0  }
0x3d4: {  	s16 =	simm.s32 $0x14800;
	[sflag:s15] =	ssyncadd.s32 $0xFFFFD800  }
0x3d5: {  	[tilespmem:s26], [sflag:$0x1] =	stream.indirect.gather [hbm4b:s1+s31], $0x80, s16, s31, $0xb8;
	v63 =	vld [tilespmem:$0x0]  }
0x3d6: {  	s24 =	simm.s32 $0x14880  }
0x3d7: {  	[tilespmem:s2], [sflag:$0x1] =	stream.indirect.gather [hbm4b:s1+s31], $0x80, s24, s31, $0xb8;
	v63 =	vld [tilespmem:$0x0]  }
0x3d8: {  	s11 =	simm.s32 $0x14900  }
0x3d9: {  	[tilespmem:s6], [sflag:$0x1] =	stream.indirect.gather [hbm4b:s1+s31], $0x80, s11, s31, $0xb8;
	v63 =	vld [tilespmem:$0x0]  }
0x3da: {  	s12 =	simm.s32 $0x14980  }
0x3db: {  	[tilespmem:s8], [sflag:$0x1] =	stream.indirect.gather [hbm4b:s1+s31], $0x80, s12, s31, $0xb8;
	v63 =	vld [tilespmem:$0x0]  }
0x3dc: {  	_ =	swait.ge [sflag:s9], $0x2800  }
0x3dd: {  	[sflag:s9] =	ssyncset.done $0x0  }
0x3de: {  	s16 =	simm.s32 $0x15800;
	[sflag:s9] =	ssyncadd.s32 $0xFFFFD800  }
0x3df: {  	[spmem:s3] =	stream.indirect.scatter.add.f32 [tilespmem:s26], [sflag:$0x2], $0x80, s16, s31, $0xb8;
	v63 =	vld [tilespmem:$0x0]  }
0x3e0: {  	_ =	swait.ge [sflag:s9], $0x2800  }
0x3e1: {  	[sflag:s9] =	ssyncset.done $0x0  }
0x3e2: {  	s24 =	simm.s32 $0x15880;
	[sflag:s9] =	ssyncadd.s32 $0xFFFFD800  }
0x3e3: {  	[spmem:s3] =	stream.indirect.scatter.add.f32 [tilespmem:s2], [sflag:$0x2], $0x80, s24, s31, $0xb8;
	v63 =	vld [tilespmem:$0x0]  }
0x3e4: {  	_ =	swait.ge [sflag:s9], $0x2800  }
0x3e5: {  	[sflag:s9] =	ssyncset.done $0x0  }
0x3e6: {  	s11 =	simm.s32 $0x15900;
	[sflag:s9] =	ssyncadd.s32 $0xFFFFD800  }
0x3e7: {  	[spmem:s3] =	stream.indirect.scatter.add.f32 [tilespmem:s6], [sflag:$0x2], $0x80, s11, s31, $0xb8;
	v63 =	vld [tilespmem:$0x0]  }
0x3e8: {  	_ =	swait.ge [sflag:s9], $0x2800  }
0x3e9: {  	[sflag:s9] =	ssyncset.done $0x0  }
0x3ea: {  	s12 =	simm.s32 $0x15980;
	[sflag:s9] =	ssyncadd.s32 $0xFFFFD800  }
0x3eb: {  	[spmem:s3] =	stream.indirect.scatter.add.f32 [tilespmem:s8], [sflag:$0x2], $0x80, s12, s31, $0xb8;
	v63 =	vld [tilespmem:$0x0]  }
0x3ec: {  	_ =	swait.ge [sflag:s15], $0x2800  }
0x3ed: {  	[sflag:s15] =	ssyncset.done $0x0  }
0x3ee: {  	[sflag:s15] =	ssyncadd.s32 $0xFFFFD800  }
0x3ef: {  	_ =	swait.ge [sflag:s15], $0x2800  }
0x3f0: {  	[sflag:s15] =	ssyncset.done $0x0  }
0x3f1: {  	[sflag:s15] =	ssyncadd.s32 $0xFFFFD800  }
0x3f2: {  	_ =	swait.ge [sflag:s15], $0x2800  }
0x3f3: {  	[sflag:s15] =	ssyncset.done $0x0  }
0x3f4: {  	[sflag:s15] =	ssyncadd.s32 $0xFFFFD800  }
0x3f5: {  	_ =	swait.ge [sflag:s15], $0x2800  }
0x3f6: {  	[sflag:s15] =	ssyncset.done $0x0  }
0x3f7: {  	s16 =	simm.s32 $0x14A00;
	[sflag:s15] =	ssyncadd.s32 $0xFFFFD800  }
0x3f8: {  	[tilespmem:s26], [sflag:$0x1] =	stream.indirect.gather [hbm4b:s1+s31], $0x80, s16, s31, $0xb8;
	v63 =	vld [tilespmem:$0x0]  }
0x3f9: {  	s24 =	simm.s32 $0x14A80  }
0x3fa: {  	[tilespmem:s2], [sflag:$0x1] =	stream.indirect.gather [hbm4b:s1+s31], $0x80, s24, s31, $0xb8;
	v63 =	vld [tilespmem:$0x0]  }
0x3fb: {  	s11 =	simm.s32 $0x14B00  }
0x3fc: {  	[tilespmem:s6], [sflag:$0x1] =	stream.indirect.gather [hbm4b:s1+s31], $0x80, s11, s31, $0xb8;
	v63 =	vld [tilespmem:$0x0]  }
0x3fd: {  	s12 =	simm.s32 $0x14B80  }
0x3fe: {  	[tilespmem:s8], [sflag:$0x1] =	stream.indirect.gather [hbm4b:s1+s31], $0x80, s12, s31, $0xb8;
	v63 =	vld [tilespmem:$0x0]  }
0x3ff: {  	_ =	swait.ge [sflag:s9], $0x2800  }
0x400: {  	[sflag:s9] =	ssyncset.done $0x0  }
0x401: {  	s16 =	simm.s32 $0x15A00;
	[sflag:s9] =	ssyncadd.s32 $0xFFFFD800  }
0x402: {  	[spmem:s3] =	stream.indirect.scatter.add.f32 [tilespmem:s26], [sflag:$0x2], $0x80, s16, s31, $0xb8;
	v63 =	vld [tilespmem:$0x0]  }
0x403: {  	_ =	swait.ge [sflag:s9], $0x2800  }
0x404: {  	[sflag:s9] =	ssyncset.done $0x0  }
0x405: {  	s24 =	simm.s32 $0x15A80;
	[sflag:s9] =	ssyncadd.s32 $0xFFFFD800  }
0x406: {  	[spmem:s3] =	stream.indirect.scatter.add.f32 [tilespmem:s2], [sflag:$0x2], $0x80, s24, s31, $0xb8;
	v63 =	vld [tilespmem:$0x0]  }
0x407: {  	_ =	swait.ge [sflag:s9], $0x2800  }
0x408: {  	[sflag:s9] =	ssyncset.done $0x0  }
0x409: {  	s11 =	simm.s32 $0x15B00;
	[sflag:s9] =	ssyncadd.s32 $0xFFFFD800  }
0x40a: {  	[spmem:s3] =	stream.indirect.scatter.add.f32 [tilespmem:s6], [sflag:$0x2], $0x80, s11, s31, $0xb8;
	v63 =	vld [tilespmem:$0x0]  }
0x40b: {  	_ =	swait.ge [sflag:s9], $0x2800  }
0x40c: {  	[sflag:s9] =	ssyncset.done $0x0  }
0x40d: {  	s12 =	simm.s32 $0x15B80;
	[sflag:s9] =	ssyncadd.s32 $0xFFFFD800  }
0x40e: {  	[spmem:s3] =	stream.indirect.scatter.add.f32 [tilespmem:s8], [sflag:$0x2], $0x80, s12, s31, $0xb8;
	v63 =	vld [tilespmem:$0x0]  }
0x40f: {  	_ =	swait.ge [sflag:s15], $0x2800  }
0x410: {  	[sflag:s15] =	ssyncset.done $0x0  }
0x411: {  	[sflag:s15] =	ssyncadd.s32 $0xFFFFD800  }
0x412: {  	_ =	swait.ge [sflag:s15], $0x2800  }
0x413: {  	[sflag:s15] =	ssyncset.done $0x0  }
0x414: {  	[sflag:s15] =	ssyncadd.s32 $0xFFFFD800  }
0x415: {  	_ =	swait.ge [sflag:s15], $0x2800  }
0x416: {  	[sflag:s15] =	ssyncset.done $0x0  }
0x417: {  	[sflag:s15] =	ssyncadd.s32 $0xFFFFD800  }
0x418: {  	_ =	swait.ge [sflag:s15], $0x2800  }
0x419: {  	[sflag:s15] =	ssyncset.done $0x0  }
0x41a: {  	s16 =	simm.s32 $0x14C00;
	[sflag:s15] =	ssyncadd.s32 $0xFFFFD800  }
0x41b: {  	[tilespmem:s26], [sflag:$0x3] =	stream.indirect.gather [hbm4b:s1+s31], $0x80, s16, s31, $0xb8;
	v63 =	vld [tilespmem:$0x0]  }
0x41c: {  	_ =	swait.ge [sflag:s28], $0x2800  }
0x41d: {  	[sflag:s28] =	ssyncset.done $0x0  }
0x41e: {  	s24 =	simm.s32 $0x15C00;
	[sflag:s28] =	ssyncadd.s32 $0xFFFFD800  }
0x41f: {  	[spmem:s3] =	stream.indirect.scatter.add.f32 [tilespmem:s26], [sflag:$0x3], $0x80, s24, s31, $0xb8;
	v63 =	vld [tilespmem:$0x0]  }
0x420: {  	_ =	swait.ge [sflag:s28], $0x2800  }
0x421: {  	s10 =	simm.s32 $0x200;
	s11 =	simm.s32 $0x400;
	[sflag:s28] =	ssyncset.done $0x0  }
.LBB2_3:
0x422: {  	s24 =	sadd.s32 s10, s25  }
0x423: {  	[sflag:s28] =	ssyncadd.s32 $0xFFFFD800;
	s16 =	smov.u32 s11;
	s12 =	sadd.s32 $0x200, s11  }
0x424: {  	[tilespmem:s29], [sflag:$0x3] =	stream.linear.gather [hbm4b:s24+s4], $0xC80, $0x38;
	v63 =	vld [tilespmem:$0x0]  }
0x425: {  	s24 =	simm.s32 $0x14100  }
0x426: {  	p1 =	seq.s32 s11, $0x1200;
	_ =	swait.ge [sflag:s28], $0xC80  }
0x427: {  	s11 =	sadd.s32 s10, s14;
	[sflag:s28] =	ssyncset.done $0x0  }
0x428: {  	s10 =	smov.u32 s16;
	s16 =	simm.s32 $0x14080;
	[sflag:s28] =	ssyncadd.s32 $0xFFFFF380  }
0x429: {  	[tilespmem:s30], [sflag:$0x3] =	stream.linear.gather [hbm4b:s11+s4], $0xC80, $0x38;
	v63 =	vld [tilespmem:$0x0]  }
0x42a: {  	_ =	swait.ge [sflag:s28], $0xC80  }
0x42b: {  	[sflag:s28] =	ssyncset.done $0x0  }
0x42c: {  	[sflag:s28] =	ssyncadd.s32 $0xFFFFF380  }
0x42d: {  	[tilespmem:s26], [sflag:$0x1] =	stream.indirect.gather [hbm4b:s1+s31], $0x80, s29, s31, $0xb8;
	v63 =	vld [tilespmem:$0x0]  }
0x42e: {  	_ = 	snop  }
0x42f: {  	[tilespmem:s2], [sflag:$0x1] =	stream.indirect.gather [hbm4b:s1+s31], $0x80, s16, s31, $0xb8;
	v63 =	vld [tilespmem:$0x0]  }
0x430: {  	_ = 	snop  }
0x431: {  	[tilespmem:s6], [sflag:$0x1] =	stream.indirect.gather [hbm4b:s1+s31], $0x80, s24, s31, $0xb8;
	v63 =	vld [tilespmem:$0x0]  }
0x432: {  	_ = 	snop  }
0x433: {  	[tilespmem:s8], [sflag:$0x1] =	stream.indirect.gather [hbm4b:s1+s31], $0x80, s17, s31, $0xb8;
	v63 =	vld [tilespmem:$0x0]  }
0x434: {  	_ =	swait.ge [sflag:s9], $0x2800  }
0x435: {  	[sflag:s9] =	ssyncset.done $0x0  }
0x436: {  	[sflag:s9] =	ssyncadd.s32 $0xFFFFD800  }
0x437: {  	[spmem:s3] =	stream.indirect.scatter.add.f32 [tilespmem:s26], [sflag:$0x2], $0x80, s30, s31, $0xb8;
	v63 =	vld [tilespmem:$0x0]  }
0x438: {  	_ =	swait.ge [sflag:s9], $0x2800  }
0x439: {  	[sflag:s9] =	ssyncset.done $0x0  }
0x43a: {  	[sflag:s9] =	ssyncadd.s32 $0xFFFFD800  }
0x43b: {  	[spmem:s3] =	stream.indirect.scatter.add.f32 [tilespmem:s2], [sflag:$0x2], $0x80, s18, s31, $0xb8;
	v63 =	vld [tilespmem:$0x0]  }
0x43c: {  	_ =	swait.ge [sflag:s9], $0x2800  }
0x43d: {  	[sflag:s9] =	ssyncset.done $0x0  }
0x43e: {  	[sflag:s9] =	ssyncadd.s32 $0xFFFFD800  }
0x43f: {  	[spmem:s3] =	stream.indirect.scatter.add.f32 [tilespmem:s6], [sflag:$0x2], $0x80, s19, s31, $0xb8;
	v63 =	vld [tilespmem:$0x0]  }
0x440: {  	_ =	swait.ge [sflag:s9], $0x2800  }
0x441: {  	[sflag:s9] =	ssyncset.done $0x0  }
0x442: {  	[sflag:s9] =	ssyncadd.s32 $0xFFFFD800  }
0x443: {  	[spmem:s3] =	stream.indirect.scatter.add.f32 [tilespmem:s8], [sflag:$0x2], $0x80, s20, s31, $0xb8;
	v63 =	vld [tilespmem:$0x0]  }
0x444: {  	_ =	swait.ge [sflag:s15], $0x2800  }
0x445: {  	[sflag:s15] =	ssyncset.done $0x0  }
0x446: {  	[sflag:s15] =	ssyncadd.s32 $0xFFFFD800  }
0x447: {  	_ =	swait.ge [sflag:s15], $0x2800  }
0x448: {  	[sflag:s15] =	ssyncset.done $0x0  }
0x449: {  	[sflag:s15] =	ssyncadd.s32 $0xFFFFD800  }
0x44a: {  	_ =	swait.ge [sflag:s15], $0x2800  }
0x44b: {  	[sflag:s15] =	ssyncset.done $0x0  }
0x44c: {  	[sflag:s15] =	ssyncadd.s32 $0xFFFFD800  }
0x44d: {  	_ =	swait.ge [sflag:s15], $0x2800  }
0x44e: {  	[sflag:s15] =	ssyncset.done $0x0  }
0x44f: {  	[sflag:s15] =	ssyncadd.s32 $0xFFFFD800  }
0x450: {  	[tilespmem:s26], [sflag:$0x1] =	stream.indirect.gather [hbm4b:s1+s31], $0x80, s21, s31, $0xb8;
	v63 =	vld [tilespmem:$0x0]  }
0x451: {  	_ = 	snop  }
0x452: {  	[tilespmem:s2], [sflag:$0x1] =	stream.indirect.gather [hbm4b:s1+s31], $0x80, s22, s31, $0xb8;
	v63 =	vld [tilespmem:$0x0]  }
0x453: {  	_ = 	snop  }
0x454: {  	[tilespmem:s6], [sflag:$0x1] =	stream.indirect.gather [hbm4b:s1+s31], $0x80, s23, s31, $0xb8;
	v63 =	vld [tilespmem:$0x0]  }
0x455: {  	_ = 	snop  }
0x456: {  	[tilespmem:s8], [sflag:$0x1] =	stream.indirect.gather [hbm4b:s1+s31], $0x80, s0, s31, $0xb8;
	v63 =	vld [tilespmem:$0x0]  }
0x457: {  	_ =	swait.ge [sflag:s9], $0x2800  }
0x458: {  	[sflag:s9] =	ssyncset.done $0x0  }
0x459: {  	[sflag:s9] =	ssyncadd.s32 $0xFFFFD800  }
0x45a: {  	[spmem:s3] =	stream.indirect.scatter.add.f32 [tilespmem:s26], [sflag:$0x2], $0x80, s5, s31, $0xb8;
	v63 =	vld [tilespmem:$0x0]  }
0x45b: {  	_ =	swait.ge [sflag:s9], $0x2800  }
0x45c: {  	[sflag:s9] =	ssyncset.done $0x0  }
0x45d: {  	[sflag:s9] =	ssyncadd.s32 $0xFFFFD800  }
0x45e: {  	[spmem:s3] =	stream.indirect.scatter.add.f32 [tilespmem:s2], [sflag:$0x2], $0x80, s7, s31, $0xb8;
	v63 =	vld [tilespmem:$0x0]  }
0x45f: {  	_ =	swait.ge [sflag:s9], $0x2800  }
0x460: {  	[sflag:s9] =	ssyncset.done $0x0  }
0x461: {  	s11 =	simm.s32 $0x15300;
	[sflag:s9] =	ssyncadd.s32 $0xFFFFD800  }
0x462: {  	[spmem:s3] =	stream.indirect.scatter.add.f32 [tilespmem:s6], [sflag:$0x2], $0x80, s11, s31, $0xb8;
	v63 =	vld [tilespmem:$0x0]  }
0x463: {  	_ =	swait.ge [sflag:s9], $0x2800  }
0x464: {  	[sflag:s9] =	ssyncset.done $0x0  }
0x465: {  	s11 =	simm.s32 $0x15380;
	[sflag:s9] =	ssyncadd.s32 $0xFFFFD800  }
0x466: {  	[spmem:s3] =	stream.indirect.scatter.add.f32 [tilespmem:s8], [sflag:$0x2], $0x80, s11, s31, $0xb8;
	v63 =	vld [tilespmem:$0x0]  }
0x467: {  	_ =	swait.ge [sflag:s15], $0x2800  }
0x468: {  	[sflag:s15] =	ssyncset.done $0x0  }
0x469: {  	[sflag:s15] =	ssyncadd.s32 $0xFFFFD800  }
0x46a: {  	_ =	swait.ge [sflag:s15], $0x2800  }
0x46b: {  	[sflag:s15] =	ssyncset.done $0x0  }
0x46c: {  	[sflag:s15] =	ssyncadd.s32 $0xFFFFD800  }
0x46d: {  	_ =	swait.ge [sflag:s15], $0x2800  }
0x46e: {  	[sflag:s15] =	ssyncset.done $0x0  }
0x46f: {  	[sflag:s15] =	ssyncadd.s32 $0xFFFFD800  }
0x470: {  	_ =	swait.ge [sflag:s15], $0x2800  }
0x471: {  	[sflag:s15] =	ssyncset.done $0x0  }
0x472: {  	s11 =	simm.s32 $0x14400;
	[sflag:s15] =	ssyncadd.s32 $0xFFFFD800  }
0x473: {  	[tilespmem:s26], [sflag:$0x1] =	stream.indirect.gather [hbm4b:s1+s31], $0x80, s11, s31, $0xb8;
	v63 =	vld [tilespmem:$0x0]  }
0x474: {  	s11 =	simm.s32 $0x14480  }
0x475: {  	[tilespmem:s2], [sflag:$0x1] =	stream.indirect.gather [hbm4b:s1+s31], $0x80, s11, s31, $0xb8;
	v63 =	vld [tilespmem:$0x0]  }
0x476: {  	s11 =	simm.s32 $0x14500  }
0x477: {  	[tilespmem:s6], [sflag:$0x1] =	stream.indirect.gather [hbm4b:s1+s31], $0x80, s11, s31, $0xb8;
	v63 =	vld [tilespmem:$0x0]  }
0x478: {  	s11 =	simm.s32 $0x14580  }
0x479: {  	[tilespmem:s8], [sflag:$0x1] =	stream.indirect.gather [hbm4b:s1+s31], $0x80, s11, s31, $0xb8;
	v63 =	vld [tilespmem:$0x0]  }
0x47a: {  	_ =	swait.ge [sflag:s9], $0x2800  }
0x47b: {  	[sflag:s9] =	ssyncset.done $0x0  }
0x47c: {  	s11 =	simm.s32 $0x15400;
	[sflag:s9] =	ssyncadd.s32 $0xFFFFD800  }
0x47d: {  	[spmem:s3] =	stream.indirect.scatter.add.f32 [tilespmem:s26], [sflag:$0x2], $0x80, s11, s31, $0xb8;
	v63 =	vld [tilespmem:$0x0]  }
0x47e: {  	_ =	swait.ge [sflag:s9], $0x2800  }
0x47f: {  	[sflag:s9] =	ssyncset.done $0x0  }
0x480: {  	s11 =	simm.s32 $0x15480;
	[sflag:s9] =	ssyncadd.s32 $0xFFFFD800  }
0x481: {  	[spmem:s3] =	stream.indirect.scatter.add.f32 [tilespmem:s2], [sflag:$0x2], $0x80, s11, s31, $0xb8;
	v63 =	vld [tilespmem:$0x0]  }
0x482: {  	_ =	swait.ge [sflag:s9], $0x2800  }
0x483: {  	[sflag:s9] =	ssyncset.done $0x0  }
0x484: {  	s11 =	simm.s32 $0x15500;
	[sflag:s9] =	ssyncadd.s32 $0xFFFFD800  }
0x485: {  	[spmem:s3] =	stream.indirect.scatter.add.f32 [tilespmem:s6], [sflag:$0x2], $0x80, s11, s31, $0xb8;
	v63 =	vld [tilespmem:$0x0]  }
0x486: {  	_ =	swait.ge [sflag:s9], $0x2800  }
0x487: {  	[sflag:s9] =	ssyncset.done $0x0  }
0x488: {  	s11 =	simm.s32 $0x15580;
	[sflag:s9] =	ssyncadd.s32 $0xFFFFD800  }
0x489: {  	[spmem:s3] =	stream.indirect.scatter.add.f32 [tilespmem:s8], [sflag:$0x2], $0x80, s11, s31, $0xb8;
	v63 =	vld [tilespmem:$0x0]  }
0x48a: {  	_ =	swait.ge [sflag:s15], $0x2800  }
0x48b: {  	[sflag:s15] =	ssyncset.done $0x0  }
0x48c: {  	[sflag:s15] =	ssyncadd.s32 $0xFFFFD800  }
0x48d: {  	_ =	swait.ge [sflag:s15], $0x2800  }
0x48e: {  	[sflag:s15] =	ssyncset.done $0x0  }
0x48f: {  	[sflag:s15] =	ssyncadd.s32 $0xFFFFD800  }
0x490: {  	_ =	swait.ge [sflag:s15], $0x2800  }
0x491: {  	[sflag:s15] =	ssyncset.done $0x0  }
0x492: {  	[sflag:s15] =	ssyncadd.s32 $0xFFFFD800  }
0x493: {  	_ =	swait.ge [sflag:s15], $0x2800  }
0x494: {  	[sflag:s15] =	ssyncset.done $0x0  }
0x495: {  	s11 =	simm.s32 $0x14600;
	[sflag:s15] =	ssyncadd.s32 $0xFFFFD800  }
0x496: {  	[tilespmem:s26], [sflag:$0x1] =	stream.indirect.gather [hbm4b:s1+s31], $0x80, s11, s31, $0xb8;
	v63 =	vld [tilespmem:$0x0]  }
0x497: {  	s11 =	simm.s32 $0x14680  }
0x498: {  	[tilespmem:s2], [sflag:$0x1] =	stream.indirect.gather [hbm4b:s1+s31], $0x80, s11, s31, $0xb8;
	v63 =	vld [tilespmem:$0x0]  }
0x499: {  	s11 =	simm.s32 $0x14700  }
0x49a: {  	[tilespmem:s6], [sflag:$0x1] =	stream.indirect.gather [hbm4b:s1+s31], $0x80, s11, s31, $0xb8;
	v63 =	vld [tilespmem:$0x0]  }
0x49b: {  	s11 =	simm.s32 $0x14780  }
0x49c: {  	[tilespmem:s8], [sflag:$0x1] =	stream.indirect.gather [hbm4b:s1+s31], $0x80, s11, s31, $0xb8;
	v63 =	vld [tilespmem:$0x0]  }
0x49d: {  	_ =	swait.ge [sflag:s9], $0x2800  }
0x49e: {  	[sflag:s9] =	ssyncset.done $0x0  }
0x49f: {  	s11 =	simm.s32 $0x15600;
	[sflag:s9] =	ssyncadd.s32 $0xFFFFD800  }
0x4a0: {  	[spmem:s3] =	stream.indirect.scatter.add.f32 [tilespmem:s26], [sflag:$0x2], $0x80, s11, s31, $0xb8;
	v63 =	vld [tilespmem:$0x0]  }
0x4a1: {  	_ =	swait.ge [sflag:s9], $0x2800  }
0x4a2: {  	[sflag:s9] =	ssyncset.done $0x0  }
0x4a3: {  	s11 =	simm.s32 $0x15680;
	[sflag:s9] =	ssyncadd.s32 $0xFFFFD800  }
0x4a4: {  	[spmem:s3] =	stream.indirect.scatter.add.f32 [tilespmem:s2], [sflag:$0x2], $0x80, s11, s31, $0xb8;
	v63 =	vld [tilespmem:$0x0]  }
0x4a5: {  	_ =	swait.ge [sflag:s9], $0x2800  }
0x4a6: {  	[sflag:s9] =	ssyncset.done $0x0  }
0x4a7: {  	s11 =	simm.s32 $0x15700;
	[sflag:s9] =	ssyncadd.s32 $0xFFFFD800  }
0x4a8: {  	[spmem:s3] =	stream.indirect.scatter.add.f32 [tilespmem:s6], [sflag:$0x2], $0x80, s11, s31, $0xb8;
	v63 =	vld [tilespmem:$0x0]  }
0x4a9: {  	_ =	swait.ge [sflag:s9], $0x2800  }
0x4aa: {  	[sflag:s9] =	ssyncset.done $0x0  }
0x4ab: {  	s11 =	simm.s32 $0x15780;
	[sflag:s9] =	ssyncadd.s32 $0xFFFFD800  }
0x4ac: {  	[spmem:s3] =	stream.indirect.scatter.add.f32 [tilespmem:s8], [sflag:$0x2], $0x80, s11, s31, $0xb8;
	v63 =	vld [tilespmem:$0x0]  }
0x4ad: {  	_ =	swait.ge [sflag:s15], $0x2800  }
0x4ae: {  	[sflag:s15] =	ssyncset.done $0x0  }
0x4af: {  	[sflag:s15] =	ssyncadd.s32 $0xFFFFD800  }
0x4b0: {  	_ =	swait.ge [sflag:s15], $0x2800  }
0x4b1: {  	[sflag:s15] =	ssyncset.done $0x0  }
0x4b2: {  	[sflag:s15] =	ssyncadd.s32 $0xFFFFD800  }
0x4b3: {  	_ =	swait.ge [sflag:s15], $0x2800  }
0x4b4: {  	[sflag:s15] =	ssyncset.done $0x0  }
0x4b5: {  	[sflag:s15] =	ssyncadd.s32 $0xFFFFD800  }
0x4b6: {  	_ =	swait.ge [sflag:s15], $0x2800  }
0x4b7: {  	[sflag:s15] =	ssyncset.done $0x0  }
0x4b8: {  	s11 =	simm.s32 $0x14800;
	[sflag:s15] =	ssyncadd.s32 $0xFFFFD800  }
0x4b9: {  	[tilespmem:s26], [sflag:$0x1] =	stream.indirect.gather [hbm4b:s1+s31], $0x80, s11, s31, $0xb8;
	v63 =	vld [tilespmem:$0x0]  }
0x4ba: {  	s11 =	simm.s32 $0x14880  }
0x4bb: {  	[tilespmem:s2], [sflag:$0x1] =	stream.indirect.gather [hbm4b:s1+s31], $0x80, s11, s31, $0xb8;
	v63 =	vld [tilespmem:$0x0]  }
0x4bc: {  	s11 =	simm.s32 $0x14900  }
0x4bd: {  	[tilespmem:s6], [sflag:$0x1] =	stream.indirect.gather [hbm4b:s1+s31], $0x80, s11, s31, $0xb8;
	v63 =	vld [tilespmem:$0x0]  }
0x4be: {  	s11 =	simm.s32 $0x14980  }
0x4bf: {  	[tilespmem:s8], [sflag:$0x1] =	stream.indirect.gather [hbm4b:s1+s31], $0x80, s11, s31, $0xb8;
	v63 =	vld [tilespmem:$0x0]  }
0x4c0: {  	_ =	swait.ge [sflag:s9], $0x2800  }
0x4c1: {  	[sflag:s9] =	ssyncset.done $0x0  }
0x4c2: {  	s11 =	simm.s32 $0x15800;
	[sflag:s9] =	ssyncadd.s32 $0xFFFFD800  }
0x4c3: {  	[spmem:s3] =	stream.indirect.scatter.add.f32 [tilespmem:s26], [sflag:$0x2], $0x80, s11, s31, $0xb8;
	v63 =	vld [tilespmem:$0x0]  }
0x4c4: {  	_ =	swait.ge [sflag:s9], $0x2800  }
0x4c5: {  	[sflag:s9] =	ssyncset.done $0x0  }
0x4c6: {  	s11 =	simm.s32 $0x15880;
	[sflag:s9] =	ssyncadd.s32 $0xFFFFD800  }
0x4c7: {  	[spmem:s3] =	stream.indirect.scatter.add.f32 [tilespmem:s2], [sflag:$0x2], $0x80, s11, s31, $0xb8;
	v63 =	vld [tilespmem:$0x0]  }
0x4c8: {  	_ =	swait.ge [sflag:s9], $0x2800  }
0x4c9: {  	[sflag:s9] =	ssyncset.done $0x0  }
0x4ca: {  	s11 =	simm.s32 $0x15900;
	[sflag:s9] =	ssyncadd.s32 $0xFFFFD800  }
0x4cb: {  	[spmem:s3] =	stream.indirect.scatter.add.f32 [tilespmem:s6], [sflag:$0x2], $0x80, s11, s31, $0xb8;
	v63 =	vld [tilespmem:$0x0]  }
0x4cc: {  	_ =	swait.ge [sflag:s9], $0x2800  }
0x4cd: {  	[sflag:s9] =	ssyncset.done $0x0  }
0x4ce: {  	s11 =	simm.s32 $0x15980;
	[sflag:s9] =	ssyncadd.s32 $0xFFFFD800  }
0x4cf: {  	[spmem:s3] =	stream.indirect.scatter.add.f32 [tilespmem:s8], [sflag:$0x2], $0x80, s11, s31, $0xb8;
	v63 =	vld [tilespmem:$0x0]  }
0x4d0: {  	_ =	swait.ge [sflag:s15], $0x2800  }
0x4d1: {  	[sflag:s15] =	ssyncset.done $0x0  }
0x4d2: {  	[sflag:s15] =	ssyncadd.s32 $0xFFFFD800  }
0x4d3: {  	_ =	swait.ge [sflag:s15], $0x2800  }
0x4d4: {  	[sflag:s15] =	ssyncset.done $0x0  }
0x4d5: {  	[sflag:s15] =	ssyncadd.s32 $0xFFFFD800  }
0x4d6: {  	_ =	swait.ge [sflag:s15], $0x2800  }
0x4d7: {  	[sflag:s15] =	ssyncset.done $0x0  }
0x4d8: {  	[sflag:s15] =	ssyncadd.s32 $0xFFFFD800  }
0x4d9: {  	_ =	swait.ge [sflag:s15], $0x2800  }
0x4da: {  	[sflag:s15] =	ssyncset.done $0x0  }
0x4db: {  	s11 =	simm.s32 $0x14A00;
	[sflag:s15] =	ssyncadd.s32 $0xFFFFD800  }
0x4dc: {  	[tilespmem:s26], [sflag:$0x1] =	stream.indirect.gather [hbm4b:s1+s31], $0x80, s11, s31, $0xb8;
	v63 =	vld [tilespmem:$0x0]  }
0x4dd: {  	s11 =	simm.s32 $0x14A80  }
0x4de: {  	[tilespmem:s2], [sflag:$0x1] =	stream.indirect.gather [hbm4b:s1+s31], $0x80, s11, s31, $0xb8;
	v63 =	vld [tilespmem:$0x0]  }
0x4df: {  	s11 =	simm.s32 $0x14B00  }
0x4e0: {  	[tilespmem:s6], [sflag:$0x1] =	stream.indirect.gather [hbm4b:s1+s31], $0x80, s11, s31, $0xb8;
	v63 =	vld [tilespmem:$0x0]  }
0x4e1: {  	s11 =	simm.s32 $0x14B80  }
0x4e2: {  	[tilespmem:s8], [sflag:$0x1] =	stream.indirect.gather [hbm4b:s1+s31], $0x80, s11, s31, $0xb8;
	v63 =	vld [tilespmem:$0x0]  }
0x4e3: {  	_ =	swait.ge [sflag:s9], $0x2800  }
0x4e4: {  	[sflag:s9] =	ssyncset.done $0x0  }
0x4e5: {  	s11 =	simm.s32 $0x15A00;
	[sflag:s9] =	ssyncadd.s32 $0xFFFFD800  }
0x4e6: {  	[spmem:s3] =	stream.indirect.scatter.add.f32 [tilespmem:s26], [sflag:$0x2], $0x80, s11, s31, $0xb8;
	v63 =	vld [tilespmem:$0x0]  }
0x4e7: {  	_ =	swait.ge [sflag:s9], $0x2800  }
0x4e8: {  	[sflag:s9] =	ssyncset.done $0x0  }
0x4e9: {  	s11 =	simm.s32 $0x15A80;
	[sflag:s9] =	ssyncadd.s32 $0xFFFFD800  }
0x4ea: {  	[spmem:s3] =	stream.indirect.scatter.add.f32 [tilespmem:s2], [sflag:$0x2], $0x80, s11, s31, $0xb8;
	v63 =	vld [tilespmem:$0x0]  }
0x4eb: {  	_ =	swait.ge [sflag:s9], $0x2800  }
0x4ec: {  	[sflag:s9] =	ssyncset.done $0x0  }
0x4ed: {  	s11 =	simm.s32 $0x15B00;
	[sflag:s9] =	ssyncadd.s32 $0xFFFFD800  }
0x4ee: {  	[spmem:s3] =	stream.indirect.scatter.add.f32 [tilespmem:s6], [sflag:$0x2], $0x80, s11, s31, $0xb8;
	v63 =	vld [tilespmem:$0x0]  }
0x4ef: {  	_ =	swait.ge [sflag:s9], $0x2800  }
0x4f0: {  	[sflag:s9] =	ssyncset.done $0x0  }
0x4f1: {  	s11 =	simm.s32 $0x15B80;
	[sflag:s9] =	ssyncadd.s32 $0xFFFFD800  }
0x4f2: {  	[spmem:s3] =	stream.indirect.scatter.add.f32 [tilespmem:s8], [sflag:$0x2], $0x80, s11, s31, $0xb8;
	v63 =	vld [tilespmem:$0x0]  }
0x4f3: {  	_ =	swait.ge [sflag:s15], $0x2800  }
0x4f4: {  	[sflag:s15] =	ssyncset.done $0x0  }
0x4f5: {  	[sflag:s15] =	ssyncadd.s32 $0xFFFFD800  }
0x4f6: {  	_ =	swait.ge [sflag:s15], $0x2800  }
0x4f7: {  	[sflag:s15] =	ssyncset.done $0x0  }
0x4f8: {  	[sflag:s15] =	ssyncadd.s32 $0xFFFFD800  }
0x4f9: {  	_ =	swait.ge [sflag:s15], $0x2800  }
0x4fa: {  	[sflag:s15] =	ssyncset.done $0x0  }
0x4fb: {  	[sflag:s15] =	ssyncadd.s32 $0xFFFFD800  }
0x4fc: {  	_ =	swait.ge [sflag:s15], $0x2800  }
0x4fd: {  	[sflag:s15] =	ssyncset.done $0x0  }
0x4fe: {  	s11 =	simm.s32 $0x14C00;
	[sflag:s15] =	ssyncadd.s32 $0xFFFFD800  }
0x4ff: {  	[tilespmem:s26], [sflag:$0x3] =	stream.indirect.gather [hbm4b:s1+s31], $0x80, s11, s31, $0xb8;
	v63 =	vld [tilespmem:$0x0]  }
0x500: {  	_ =	swait.ge [sflag:s28], $0x2800  }
.Ltmp5:
0x501: {  	[sflag:s28] =	ssyncset.done $0x0;
	(pc) =	sbr.rel @!p1 .LBB2_3-.Ltmp5, $4  }
0x502: {  	s11 =	simm.s32 $0x15C00;
	[sflag:s28] =	ssyncadd.s32 $0xFFFFD800  }
0x503: {  	[spmem:s3] =	stream.indirect.scatter.add.f32 [tilespmem:s26], [sflag:$0x3], $0x80, s11, s31, $0xb8;
	v63 =	vld [tilespmem:$0x0]  }
0x504: {  	_ =	swait.ge [sflag:s28], $0x2800  }
0x505: {  	s11 =	smov.u32 s12;
	[sflag:s28] =	ssyncset.done $0x0  }
0x506: {  	s11 =	sadd.s32 s10, s25;
	[sflag:s28] =	ssyncadd.s32 $0xFFFFD800  }
0x507: {  	[tilespmem:s29], [sflag:$0x3] =	stream.linear.gather [hbm4b:s11+s4], $0xC80, $0x38;
	v63 =	vld [tilespmem:$0x0]  }
0x508: {  	_ =	swait.ge [sflag:s28], $0xC80  }
0x509: {  	[sflag:s28] =	ssyncset.done $0x0  }
0x50a: {  	s12 =	sadd.s32 s10, s14;
	[sflag:s28] =	ssyncadd.s32 $0xFFFFF380  }
0x50b: {  	[tilespmem:s30], [sflag:$0x3] =	stream.linear.gather [hbm4b:s12+s4], $0xC80, $0x38;
	v63 =	vld [tilespmem:$0x0]  }
0x50c: {  	_ =	swait.ge [sflag:s28], $0xC80  }
0x50d: {  	[sflag:s28] =	ssyncset.done $0x0  }
0x50e: {  	[sflag:s28] =	ssyncadd.s32 $0xFFFFF380  }
0x50f: {  	[tilespmem:s26], [sflag:$0x1] =	stream.indirect.gather [hbm4b:s1+s31], $0x80, s29, s31, $0xb8;
	v63 =	vld [tilespmem:$0x0]  }
0x510: {  	_ = 	snop  }
0x511: {  	[tilespmem:s2], [sflag:$0x1] =	stream.indirect.gather [hbm4b:s1+s31], $0x80, s16, s31, $0xb8;
	v63 =	vld [tilespmem:$0x0]  }
0x512: {  	_ = 	snop  }
0x513: {  	[tilespmem:s6], [sflag:$0x1] =	stream.indirect.gather [hbm4b:s1+s31], $0x80, s24, s31, $0xb8;
	v63 =	vld [tilespmem:$0x0]  }
0x514: {  	_ = 	snop  }
0x515: {  	[tilespmem:s8], [sflag:$0x1] =	stream.indirect.gather [hbm4b:s1+s31], $0x80, s17, s31, $0xb8;
	v63 =	vld [tilespmem:$0x0]  }
0x516: {  	_ =	swait.ge [sflag:s9], $0x2800  }
0x517: {  	[sflag:s9] =	ssyncset.done $0x0  }
0x518: {  	[sflag:s9] =	ssyncadd.s32 $0xFFFFD800  }
0x519: {  	[spmem:s3] =	stream.indirect.scatter.add.f32 [tilespmem:s26], [sflag:$0x2], $0x80, s30, s31, $0xb8;
	v63 =	vld [tilespmem:$0x0]  }
0x51a: {  	_ =	swait.ge [sflag:s9], $0x2800  }
0x51b: {  	[sflag:s9] =	ssyncset.done $0x0  }
0x51c: {  	[sflag:s9] =	ssyncadd.s32 $0xFFFFD800  }
0x51d: {  	[spmem:s3] =	stream.indirect.scatter.add.f32 [tilespmem:s2], [sflag:$0x2], $0x80, s18, s31, $0xb8;
	v63 =	vld [tilespmem:$0x0]  }
0x51e: {  	_ =	swait.ge [sflag:s9], $0x2800  }
0x51f: {  	[sflag:s9] =	ssyncset.done $0x0  }
0x520: {  	[sflag:s9] =	ssyncadd.s32 $0xFFFFD800  }
0x521: {  	[spmem:s3] =	stream.indirect.scatter.add.f32 [tilespmem:s6], [sflag:$0x2], $0x80, s19, s31, $0xb8;
	v63 =	vld [tilespmem:$0x0]  }
0x522: {  	_ =	swait.ge [sflag:s9], $0x2800  }
0x523: {  	[sflag:s9] =	ssyncset.done $0x0  }
0x524: {  	[sflag:s9] =	ssyncadd.s32 $0xFFFFD800  }
0x525: {  	[spmem:s3] =	stream.indirect.scatter.add.f32 [tilespmem:s8], [sflag:$0x2], $0x80, s20, s31, $0xb8;
	v63 =	vld [tilespmem:$0x0]  }
0x526: {  	_ =	swait.ge [sflag:s15], $0x2800  }
0x527: {  	[sflag:s15] =	ssyncset.done $0x0  }
0x528: {  	[sflag:s15] =	ssyncadd.s32 $0xFFFFD800  }
0x529: {  	_ =	swait.ge [sflag:s15], $0x2800  }
0x52a: {  	[sflag:s15] =	ssyncset.done $0x0  }
0x52b: {  	[sflag:s15] =	ssyncadd.s32 $0xFFFFD800  }
0x52c: {  	_ =	swait.ge [sflag:s15], $0x2800  }
0x52d: {  	[sflag:s15] =	ssyncset.done $0x0  }
0x52e: {  	[sflag:s15] =	ssyncadd.s32 $0xFFFFD800  }
0x52f: {  	_ =	swait.ge [sflag:s15], $0x2800  }
0x530: {  	[sflag:s15] =	ssyncset.done $0x0  }
0x531: {  	[sflag:s15] =	ssyncadd.s32 $0xFFFFD800  }
0x532: {  	[tilespmem:s26], [sflag:$0x1] =	stream.indirect.gather [hbm4b:s1+s31], $0x80, s21, s31, $0xb8;
	v63 =	vld [tilespmem:$0x0]  }
0x533: {  	_ = 	snop  }
0x534: {  	[tilespmem:s2], [sflag:$0x1] =	stream.indirect.gather [hbm4b:s1+s31], $0x80, s22, s31, $0xb8;
	v63 =	vld [tilespmem:$0x0]  }
0x535: {  	_ = 	snop  }
0x536: {  	[tilespmem:s6], [sflag:$0x1] =	stream.indirect.gather [hbm4b:s1+s31], $0x80, s23, s31, $0xb8;
	v63 =	vld [tilespmem:$0x0]  }
0x537: {  	_ = 	snop  }
0x538: {  	[tilespmem:s8], [sflag:$0x1] =	stream.indirect.gather [hbm4b:s1+s31], $0x80, s0, s31, $0xb8;
	v63 =	vld [tilespmem:$0x0]  }
0x539: {  	_ =	swait.ge [sflag:s9], $0x2800  }
0x53a: {  	[sflag:s9] =	ssyncset.done $0x0  }
0x53b: {  	[sflag:s9] =	ssyncadd.s32 $0xFFFFD800  }
0x53c: {  	[spmem:s3] =	stream.indirect.scatter.add.f32 [tilespmem:s26], [sflag:$0x2], $0x80, s5, s31, $0xb8;
	v63 =	vld [tilespmem:$0x0]  }
0x53d: {  	_ =	swait.ge [sflag:s9], $0x2800  }
0x53e: {  	[sflag:s9] =	ssyncset.done $0x0  }
0x53f: {  	[sflag:s9] =	ssyncadd.s32 $0xFFFFD800  }
0x540: {  	[spmem:s3] =	stream.indirect.scatter.add.f32 [tilespmem:s2], [sflag:$0x2], $0x80, s7, s31, $0xb8;
	v63 =	vld [tilespmem:$0x0]  }
0x541: {  	_ =	swait.ge [sflag:s9], $0x2800  }
0x542: {  	[sflag:s9] =	ssyncset.done $0x0  }
0x543: {  	s17 =	simm.s32 $0x15300;
	[sflag:s9] =	ssyncadd.s32 $0xFFFFD800  }
0x544: {  	[spmem:s3] =	stream.indirect.scatter.add.f32 [tilespmem:s6], [sflag:$0x2], $0x80, s17, s31, $0xb8;
	v63 =	vld [tilespmem:$0x0]  }
0x545: {  	_ =	swait.ge [sflag:s9], $0x2800  }
0x546: {  	[sflag:s9] =	ssyncset.done $0x0  }
0x547: {  	s18 =	simm.s32 $0x15380;
	[sflag:s9] =	ssyncadd.s32 $0xFFFFD800  }
0x548: {  	[spmem:s3] =	stream.indirect.scatter.add.f32 [tilespmem:s8], [sflag:$0x2], $0x80, s18, s31, $0xb8;
	v63 =	vld [tilespmem:$0x0]  }
0x549: {  	_ =	swait.ge [sflag:s15], $0x2800  }
0x54a: {  	[sflag:s15] =	ssyncset.done $0x0  }
0x54b: {  	[sflag:s15] =	ssyncadd.s32 $0xFFFFD800  }
0x54c: {  	_ =	swait.ge [sflag:s15], $0x2800  }
0x54d: {  	[sflag:s15] =	ssyncset.done $0x0  }
0x54e: {  	[sflag:s15] =	ssyncadd.s32 $0xFFFFD800  }
0x54f: {  	_ =	swait.ge [sflag:s15], $0x2800  }
0x550: {  	[sflag:s15] =	ssyncset.done $0x0  }
0x551: {  	[sflag:s15] =	ssyncadd.s32 $0xFFFFD800  }
0x552: {  	_ =	swait.ge [sflag:s15], $0x2800  }
0x553: {  	[sflag:s15] =	ssyncset.done $0x0  }
0x554: {  	s19 =	simm.s32 $0x14400;
	[sflag:s15] =	ssyncadd.s32 $0xFFFFD800  }
0x555: {  	[tilespmem:s26], [sflag:$0x1] =	stream.indirect.gather [hbm4b:s1+s31], $0x80, s19, s31, $0xb8;
	v63 =	vld [tilespmem:$0x0]  }
0x556: {  	s20 =	simm.s32 $0x14480  }
0x557: {  	[tilespmem:s2], [sflag:$0x1] =	stream.indirect.gather [hbm4b:s1+s31], $0x80, s20, s31, $0xb8;
	v63 =	vld [tilespmem:$0x0]  }
0x558: {  	s21 =	simm.s32 $0x14500  }
0x559: {  	[tilespmem:s6], [sflag:$0x1] =	stream.indirect.gather [hbm4b:s1+s31], $0x80, s21, s31, $0xb8;
	v63 =	vld [tilespmem:$0x0]  }
0x55a: {  	s22 =	simm.s32 $0x14580  }
0x55b: {  	[tilespmem:s8], [sflag:$0x1] =	stream.indirect.gather [hbm4b:s1+s31], $0x80, s22, s31, $0xb8;
	v63 =	vld [tilespmem:$0x0]  }
0x55c: {  	_ =	swait.ge [sflag:s9], $0x2800  }
0x55d: {  	[sflag:s9] =	ssyncset.done $0x0  }
0x55e: {  	s23 =	simm.s32 $0x15400;
	[sflag:s9] =	ssyncadd.s32 $0xFFFFD800  }
0x55f: {  	[spmem:s3] =	stream.indirect.scatter.add.f32 [tilespmem:s26], [sflag:$0x2], $0x80, s23, s31, $0xb8;
	v63 =	vld [tilespmem:$0x0]  }
0x560: {  	_ =	swait.ge [sflag:s9], $0x2800  }
0x561: {  	[sflag:s9] =	ssyncset.done $0x0  }
0x562: {  	s24 =	simm.s32 $0x15480;
	[sflag:s9] =	ssyncadd.s32 $0xFFFFD800  }
0x563: {  	[spmem:s3] =	stream.indirect.scatter.add.f32 [tilespmem:s2], [sflag:$0x2], $0x80, s24, s31, $0xb8;
	v63 =	vld [tilespmem:$0x0]  }
0x564: {  	_ =	swait.ge [sflag:s9], $0x2800  }
0x565: {  	[sflag:s9] =	ssyncset.done $0x0  }
0x566: {  	s5 =	simm.s32 $0x15500;
	[sflag:s9] =	ssyncadd.s32 $0xFFFFD800  }
0x567: {  	[spmem:s3] =	stream.indirect.scatter.add.f32 [tilespmem:s6], [sflag:$0x2], $0x80, s5, s31, $0xb8;
	v63 =	vld [tilespmem:$0x0]  }
0x568: {  	_ =	swait.ge [sflag:s9], $0x2800  }
0x569: {  	[sflag:s9] =	ssyncset.done $0x0  }
0x56a: {  	s7 =	simm.s32 $0x15580;
	[sflag:s9] =	ssyncadd.s32 $0xFFFFD800  }
0x56b: {  	[spmem:s3] =	stream.indirect.scatter.add.f32 [tilespmem:s8], [sflag:$0x2], $0x80, s7, s31, $0xb8;
	v63 =	vld [tilespmem:$0x0]  }
0x56c: {  	_ =	swait.ge [sflag:s15], $0x2800  }
0x56d: {  	[sflag:s15] =	ssyncset.done $0x0  }
0x56e: {  	[sflag:s15] =	ssyncadd.s32 $0xFFFFD800  }
0x56f: {  	_ =	swait.ge [sflag:s15], $0x2800  }
0x570: {  	[sflag:s15] =	ssyncset.done $0x0  }
0x571: {  	[sflag:s15] =	ssyncadd.s32 $0xFFFFD800  }
0x572: {  	_ =	swait.ge [sflag:s15], $0x2800  }
0x573: {  	[sflag:s15] =	ssyncset.done $0x0  }
0x574: {  	[sflag:s15] =	ssyncadd.s32 $0xFFFFD800  }
0x575: {  	_ =	swait.ge [sflag:s15], $0x2800  }
0x576: {  	[sflag:s15] =	ssyncset.done $0x0  }
0x577: {  	s10 =	simm.s32 $0x14600;
	[sflag:s15] =	ssyncadd.s32 $0xFFFFD800  }
0x578: {  	[tilespmem:s26], [sflag:$0x1] =	stream.indirect.gather [hbm4b:s1+s31], $0x80, s10, s31, $0xb8;
	v63 =	vld [tilespmem:$0x0]  }
0x579: {  	s11 =	simm.s32 $0x14680  }
0x57a: {  	[tilespmem:s2], [sflag:$0x1] =	stream.indirect.gather [hbm4b:s1+s31], $0x80, s11, s31, $0xb8;
	v63 =	vld [tilespmem:$0x0]  }
0x57b: {  	s12 =	simm.s32 $0x14700  }
0x57c: {  	[tilespmem:s6], [sflag:$0x1] =	stream.indirect.gather [hbm4b:s1+s31], $0x80, s12, s31, $0xb8;
	v63 =	vld [tilespmem:$0x0]  }
0x57d: {  	s16 =	simm.s32 $0x14780  }
0x57e: {  	[tilespmem:s8], [sflag:$0x1] =	stream.indirect.gather [hbm4b:s1+s31], $0x80, s16, s31, $0xb8;
	v63 =	vld [tilespmem:$0x0]  }
0x57f: {  	_ =	swait.ge [sflag:s9], $0x2800  }
0x580: {  	[sflag:s9] =	ssyncset.done $0x0  }
0x581: {  	s17 =	simm.s32 $0x15600;
	[sflag:s9] =	ssyncadd.s32 $0xFFFFD800  }
0x582: {  	[spmem:s3] =	stream.indirect.scatter.add.f32 [tilespmem:s26], [sflag:$0x2], $0x80, s17, s31, $0xb8;
	v63 =	vld [tilespmem:$0x0]  }
0x583: {  	_ =	swait.ge [sflag:s9], $0x2800  }
0x584: {  	[sflag:s9] =	ssyncset.done $0x0  }
0x585: {  	s18 =	simm.s32 $0x15680;
	[sflag:s9] =	ssyncadd.s32 $0xFFFFD800  }
0x586: {  	[spmem:s3] =	stream.indirect.scatter.add.f32 [tilespmem:s2], [sflag:$0x2], $0x80, s18, s31, $0xb8;
	v63 =	vld [tilespmem:$0x0]  }
0x587: {  	_ =	swait.ge [sflag:s9], $0x2800  }
0x588: {  	[sflag:s9] =	ssyncset.done $0x0  }
0x589: {  	s19 =	simm.s32 $0x15700;
	[sflag:s9] =	ssyncadd.s32 $0xFFFFD800  }
0x58a: {  	[spmem:s3] =	stream.indirect.scatter.add.f32 [tilespmem:s6], [sflag:$0x2], $0x80, s19, s31, $0xb8;
	v63 =	vld [tilespmem:$0x0]  }
0x58b: {  	_ =	swait.ge [sflag:s9], $0x2800  }
0x58c: {  	[sflag:s9] =	ssyncset.done $0x0  }
0x58d: {  	s20 =	simm.s32 $0x15780;
	[sflag:s9] =	ssyncadd.s32 $0xFFFFD800  }
0x58e: {  	[spmem:s3] =	stream.indirect.scatter.add.f32 [tilespmem:s8], [sflag:$0x2], $0x80, s20, s31, $0xb8;
	v63 =	vld [tilespmem:$0x0]  }
0x58f: {  	_ =	swait.ge [sflag:s15], $0x2800  }
0x590: {  	[sflag:s15] =	ssyncset.done $0x0  }
0x591: {  	[sflag:s15] =	ssyncadd.s32 $0xFFFFD800  }
0x592: {  	_ =	swait.ge [sflag:s15], $0x2800  }
0x593: {  	[sflag:s15] =	ssyncset.done $0x0  }
0x594: {  	[sflag:s15] =	ssyncadd.s32 $0xFFFFD800  }
0x595: {  	_ =	swait.ge [sflag:s15], $0x2800  }
0x596: {  	[sflag:s15] =	ssyncset.done $0x0  }
0x597: {  	[sflag:s15] =	ssyncadd.s32 $0xFFFFD800  }
0x598: {  	_ =	swait.ge [sflag:s15], $0x2800  }
0x599: {  	[sflag:s15] =	ssyncset.done $0x0  }
0x59a: {  	s21 =	simm.s32 $0x14800;
	[sflag:s15] =	ssyncadd.s32 $0xFFFFD800  }
0x59b: {  	[tilespmem:s26], [sflag:$0x1] =	stream.indirect.gather [hbm4b:s1+s31], $0x80, s21, s31, $0xb8;
	v63 =	vld [tilespmem:$0x0]  }
0x59c: {  	s22 =	simm.s32 $0x14880  }
0x59d: {  	[tilespmem:s2], [sflag:$0x1] =	stream.indirect.gather [hbm4b:s1+s31], $0x80, s22, s31, $0xb8;
	v63 =	vld [tilespmem:$0x0]  }
0x59e: {  	s23 =	simm.s32 $0x14900  }
0x59f: {  	[tilespmem:s6], [sflag:$0x1] =	stream.indirect.gather [hbm4b:s1+s31], $0x80, s23, s31, $0xb8;
	v63 =	vld [tilespmem:$0x0]  }
0x5a0: {  	s24 =	simm.s32 $0x14980  }
0x5a1: {  	[tilespmem:s8], [sflag:$0x1] =	stream.indirect.gather [hbm4b:s1+s31], $0x80, s24, s31, $0xb8;
	v63 =	vld [tilespmem:$0x0]  }
0x5a2: {  	_ =	swait.ge [sflag:s9], $0x2800  }
0x5a3: {  	[sflag:s9] =	ssyncset.done $0x0  }
0x5a4: {  	s5 =	simm.s32 $0x15800;
	[sflag:s9] =	ssyncadd.s32 $0xFFFFD800  }
0x5a5: {  	[spmem:s3] =	stream.indirect.scatter.add.f32 [tilespmem:s26], [sflag:$0x2], $0x80, s5, s31, $0xb8;
	v63 =	vld [tilespmem:$0x0]  }
0x5a6: {  	_ =	swait.ge [sflag:s9], $0x2800  }
0x5a7: {  	[sflag:s9] =	ssyncset.done $0x0  }
0x5a8: {  	s7 =	simm.s32 $0x15880;
	[sflag:s9] =	ssyncadd.s32 $0xFFFFD800  }
0x5a9: {  	[spmem:s3] =	stream.indirect.scatter.add.f32 [tilespmem:s2], [sflag:$0x2], $0x80, s7, s31, $0xb8;
	v63 =	vld [tilespmem:$0x0]  }
0x5aa: {  	_ =	swait.ge [sflag:s9], $0x2800  }
0x5ab: {  	[sflag:s9] =	ssyncset.done $0x0  }
0x5ac: {  	s10 =	simm.s32 $0x15900;
	[sflag:s9] =	ssyncadd.s32 $0xFFFFD800  }
0x5ad: {  	[spmem:s3] =	stream.indirect.scatter.add.f32 [tilespmem:s6], [sflag:$0x2], $0x80, s10, s31, $0xb8;
	v63 =	vld [tilespmem:$0x0]  }
0x5ae: {  	_ =	swait.ge [sflag:s9], $0x2800  }
0x5af: {  	[sflag:s9] =	ssyncset.done $0x0  }
0x5b0: {  	s11 =	simm.s32 $0x15980;
	[sflag:s9] =	ssyncadd.s32 $0xFFFFD800  }
0x5b1: {  	[spmem:s3] =	stream.indirect.scatter.add.f32 [tilespmem:s8], [sflag:$0x2], $0x80, s11, s31, $0xb8;
	v63 =	vld [tilespmem:$0x0]  }
0x5b2: {  	_ =	swait.ge [sflag:s15], $0x2800  }
0x5b3: {  	[sflag:s15] =	ssyncset.done $0x0  }
0x5b4: {  	[sflag:s15] =	ssyncadd.s32 $0xFFFFD800  }
0x5b5: {  	_ =	swait.ge [sflag:s15], $0x2800  }
0x5b6: {  	[sflag:s15] =	ssyncset.done $0x0  }
0x5b7: {  	[sflag:s15] =	ssyncadd.s32 $0xFFFFD800  }
0x5b8: {  	_ =	swait.ge [sflag:s15], $0x2800  }
0x5b9: {  	[sflag:s15] =	ssyncset.done $0x0  }
0x5ba: {  	[sflag:s15] =	ssyncadd.s32 $0xFFFFD800  }
0x5bb: {  	_ =	swait.ge [sflag:s15], $0x2800  }
0x5bc: {  	[sflag:s15] =	ssyncset.done $0x0  }
0x5bd: {  	s12 =	simm.s32 $0x14A00;
	[sflag:s15] =	ssyncadd.s32 $0xFFFFD800  }
0x5be: {  	[tilespmem:s26], [sflag:$0x1] =	stream.indirect.gather [hbm4b:s1+s31], $0x80, s12, s31, $0xb8;
	v63 =	vld [tilespmem:$0x0]  }
0x5bf: {  	s16 =	simm.s32 $0x14A80  }
0x5c0: {  	[tilespmem:s2], [sflag:$0x1] =	stream.indirect.gather [hbm4b:s1+s31], $0x80, s16, s31, $0xb8;
	v63 =	vld [tilespmem:$0x0]  }
0x5c1: {  	s17 =	simm.s32 $0x14B00  }
0x5c2: {  	[tilespmem:s6], [sflag:$0x1] =	stream.indirect.gather [hbm4b:s1+s31], $0x80, s17, s31, $0xb8;
	v63 =	vld [tilespmem:$0x0]  }
0x5c3: {  	s18 =	simm.s32 $0x14B80  }
0x5c4: {  	[tilespmem:s8], [sflag:$0x1] =	stream.indirect.gather [hbm4b:s1+s31], $0x80, s18, s31, $0xb8;
	v63 =	vld [tilespmem:$0x0]  }
0x5c5: {  	_ =	swait.ge [sflag:s9], $0x2800  }
0x5c6: {  	[sflag:s9] =	ssyncset.done $0x0  }
0x5c7: {  	s19 =	simm.s32 $0x15A00;
	[sflag:s9] =	ssyncadd.s32 $0xFFFFD800  }
0x5c8: {  	[spmem:s3] =	stream.indirect.scatter.add.f32 [tilespmem:s26], [sflag:$0x2], $0x80, s19, s31, $0xb8;
	v63 =	vld [tilespmem:$0x0]  }
0x5c9: {  	_ =	swait.ge [sflag:s9], $0x2800  }
0x5ca: {  	[sflag:s9] =	ssyncset.done $0x0  }
0x5cb: {  	s20 =	simm.s32 $0x15A80;
	[sflag:s9] =	ssyncadd.s32 $0xFFFFD800  }
0x5cc: {  	[spmem:s3] =	stream.indirect.scatter.add.f32 [tilespmem:s2], [sflag:$0x2], $0x80, s20, s31, $0xb8;
	v63 =	vld [tilespmem:$0x0]  }
0x5cd: {  	_ =	swait.ge [sflag:s9], $0x2800  }
0x5ce: {  	[sflag:s9] =	ssyncset.done $0x0  }
0x5cf: {  	s21 =	simm.s32 $0x15B00;
	[sflag:s9] =	ssyncadd.s32 $0xFFFFD800  }
0x5d0: {  	[spmem:s3] =	stream.indirect.scatter.add.f32 [tilespmem:s6], [sflag:$0x2], $0x80, s21, s31, $0xb8;
	v63 =	vld [tilespmem:$0x0]  }
0x5d1: {  	_ =	swait.ge [sflag:s9], $0x2800  }
0x5d2: {  	[sflag:s9] =	ssyncset.done $0x0  }
0x5d3: {  	s22 =	simm.s32 $0x15B80;
	[sflag:s9] =	ssyncadd.s32 $0xFFFFD800  }
0x5d4: {  	[spmem:s3] =	stream.indirect.scatter.add.f32 [tilespmem:s8], [sflag:$0x2], $0x80, s22, s31, $0xb8;
	v63 =	vld [tilespmem:$0x0]  }
0x5d5: {  	_ =	swait.ge [sflag:s15], $0x2800  }
0x5d6: {  	[sflag:s15] =	ssyncset.done $0x0  }
0x5d7: {  	[sflag:s15] =	ssyncadd.s32 $0xFFFFD800  }
0x5d8: {  	_ =	swait.ge [sflag:s15], $0x2800  }
0x5d9: {  	[sflag:s15] =	ssyncset.done $0x0  }
0x5da: {  	[sflag:s15] =	ssyncadd.s32 $0xFFFFD800  }
0x5db: {  	_ =	swait.ge [sflag:s15], $0x2800  }
0x5dc: {  	[sflag:s15] =	ssyncset.done $0x0  }
0x5dd: {  	[sflag:s15] =	ssyncadd.s32 $0xFFFFD800  }
0x5de: {  	_ =	swait.ge [sflag:s15], $0x2800  }
0x5df: {  	[sflag:s15] =	ssyncset.done $0x0  }
0x5e0: {  	s23 =	simm.s32 $0x14C00;
	[sflag:s15] =	ssyncadd.s32 $0xFFFFD800  }
0x5e1: {  	[tilespmem:s26], [sflag:$0x3] =	stream.indirect.gather [hbm4b:s1+s31], $0x80, s23, s31, $0xb8;
	v63 =	vld [tilespmem:$0x0]  }
0x5e2: {  	_ =	swait.ge [sflag:s28], $0x2800  }
0x5e3: {  	[sflag:s28] =	ssyncset.done $0x0  }
.Ltmp6:
0x5e4: {  	s24 =	simm.s32 $0x15C00;
	[sflag:s28] =	ssyncadd.s32 $0xFFFFD800;
	(pc) =	sbr.rel .LBB2_8-.Ltmp6, $4  }
0x5e5: {  	[spmem:s3] =	stream.indirect.scatter.add.f32 [tilespmem:s26], [sflag:$0x3], $0x80, s24, s31, $0xb8;
	v63 =	vld [tilespmem:$0x0]  }
0x5e6: {  	_ =	swait.ge [sflag:s28], $0x2800  }
0x5e7: {  	[sflag:s28] =	ssyncset.done $0x0  }
0x5e8: {  	s0 =	rddreg [dreg:$0x17];
	[sflag:s28] =	ssyncadd.s32 $0xFFFFD800  }
.LBB2_9:
0x5e9: {  	_ =	sfence.sel $0x180000  }
0x5ea: {  	[bflag:$0x0] =	sbarrier.arrive $0xFFFF  }
0x5eb: {  	_ =	strace $0x9000004A  }
0x5ec: {  	s0 =	stileid.u32;
	[bflag:$0x2] =	sbarrier.arrive $0xFFFF  }
0x5ed: {  	p0 =	sne.s32 s0, $0x0;
	s0 =	rddreg [dreg:$0x4]  }
0x5ee: {  	s0 =	sadd.s32 @!p0 $0x100000, s0  }
0x5ef: {  	[sflag:s0] =	ssyncadd.tile.s32 @!p0 $0x1;
	_ =	shalt  }
.Lfunc_end2:
_tile_overlayer_lowered:
.L_overlay_start_2:
0x5f0: {  	(tag) =	ssettag $0x2  }
0x5f1: {  	s0 =	rddreg [dreg:$0x0];
	s2 =	stileid.u32  }
0x5f2: {  	s1 =	rddreg [dreg:$0x1];
	p0 =	sne.s32 s2, $0x0  }
0x5f3: {  	s3 =	rddreg [dreg:$0x2];
	[bflag:$0x3] =	sbarrier.arrive $0xFFFF;
	s2 =	simm.s32 @!p0 $0x1C03  }
0x5f4: {  	[timem:s3], [sflag:s2] =	dma.local @!p0 [hbm:s0], s1  }
0x5f5: {  	s0 =	simm.s32 @!p0 $0x3  }
0x5f6: {  	_ =	swait.ge @!p0 [sflag:s0], s1  }
0x5f7: {  	s1 =	ssub.s32 @!p0 $0x0, s1;
	[sflag:s0] =	ssyncset.done @!p0 $0x0  }
0x5f8: {  	[sflag:s0] =	ssyncadd.s32 @!p0 s1  }
0x5f9: {  	[bflag:$0x3] =	sbarrier.arrive $0xFFFF  }
0x5fa: {  	_ =	shalt  }

</sc_bundles>
